<compile_context>
chip_gen: v7x
topology: tpu7x:2x2x1
jax: 0.10.2.dev20260603
libtpu: 0.0.44.dev20260713+nightly
codegen_flags: <defaults>
</compile_context>

<pallas_src>
import functools

import jax
import jax.numpy as jnp
from jax import lax
from jax.experimental import pallas as pl
from jax.experimental.pallas import tpu as pltpu
from jax.experimental.pallas import tpu_sc as plsc

N = 10000
E = 160000
D = 256
HALF = D // 2

NS = 16
EPT = E // NS
CH = 80
NCHUNK = EPT // CH
PH0 = 64
PH1 = NCHUNK - PH0
RPT = 624
ZB = 208
NZB = RPT // ZB
TAIL = N - NS * RPT

CH2 = 40
EPW = E // (2 * NS)
NCHUNK2 = EPW // CH2


def _sc_agg_body(table, src3, dst3, zrows, agg_out,
                 gidx, didx, buf0, buf1, buf2, agg_sh,
                 gsem0, gsem1, gsem2, ssem0, ssem1, ssem2):
    c = lax.axis_index("c")
    s = lax.axis_index("s")
    base_r = s * RPT

    @pl.loop(0, NZB)
    def _(i):
        pltpu.sync_copy(zrows, agg_sh.at[pl.ds(base_r + i * ZB, ZB)])

    @pl.when(s == 0)
    def _():
        pltpu.sync_copy(zrows.at[pl.ds(0, TAIL)],
                        agg_sh.at[pl.ds(NS * RPT, TAIL)])

    plsc.subcore_barrier()

    bufs = (buf0, buf1, buf2)
    gsems = (gsem0, gsem1, gsem2)
    ssems = (ssem0, ssem1, ssem2)

    def g_start(k, b):
        pltpu.async_copy(table.at[gidx.at[k]], bufs[b], gsems[b])

    def g_wait(k, b):
        pltpu.make_async_copy(table.at[gidx.at[k]], bufs[b], gsems[b]).wait()

    def s_start(k, b):
        pltpu.async_copy(bufs[b], agg_sh.at[didx.at[k]], ssems[b], add=True)

    def s_wait(k, b):
        pltpu.make_async_copy(bufs[b], agg_sh.at[didx.at[k]],
                              ssems[b]).wait()

    for p0, nc in ((0, PH0), (PH0, PH1)):
        pltpu.sync_copy(src3.at[s, pl.ds(p0, nc)], gidx.at[pl.ds(0, nc)])
        pltpu.sync_copy(dst3.at[s, pl.ds(p0, nc)], didx.at[pl.ds(0, nc)])

        @pl.loop(0, nc)
        def _(k):
            for j in range(CH // 16):
                sl = pl.ds(j * 16, 16)
                gidx[k, sl] = gidx[k, sl] * 2 + c

        g_start(0, 0)
        g_start(1, 1)
        g_wait(0, 0)
        s_start(0, 0)
        g_start(2, 2)

        T = (nc - 4) // 3
        assert (nc - 4) % 3 == 0

        @pl.loop(0, T)
        def _(t):
            k1 = 3 * t + 1
            for d, b in ((0, 1), (1, 2), (2, 0)):
                k = k1 + d
                g_wait(k, b)
                s_start(k, b)
                s_wait(k - 1, (b + 2) % 3)
                g_start(k + 2, (b + 2) % 3)

        ka = nc - 3
        g_wait(ka, 1)
        s_start(ka, 1)
        s_wait(ka - 1, 0)
        g_start(ka + 2, 0)
        g_wait(ka + 1, 2)
        s_start(ka + 1, 2)
        g_wait(ka + 2, 0)
        s_start(ka + 2, 0)
        s_wait(ka, 1)
        s_wait(ka + 1, 2)
        s_wait(ka + 2, 0)

    plsc.subcore_barrier()

    @pl.loop(0, NZB)
    def _(i):
        r0 = base_r + i * ZB
        pltpu.sync_copy(agg_sh.at[pl.ds(r0, ZB)], agg_out.at[c, pl.ds(r0, ZB)])

    @pl.when(s == 0)
    def _():
        pltpu.sync_copy(agg_sh.at[pl.ds(NS * RPT, TAIL)],
                        agg_out.at[c, pl.ds(NS * RPT, TAIL)])


_sc_agg = pl.kernel(
    _sc_agg_body,
    out_type=jax.ShapeDtypeStruct((2, N, HALF), jnp.float32),
    mesh=plsc.VectorSubcoreMesh(core_axis_name="c", subcore_axis_name="s"),
    scratch_types=[
        pltpu.VMEM((PH0, CH), jnp.int32),
        pltpu.VMEM((PH0, CH), jnp.int32),
        pltpu.VMEM((CH, HALF), jnp.float32),
        pltpu.VMEM((CH, HALF), jnp.float32),
        pltpu.VMEM((CH, HALF), jnp.float32),
        pltpu.VMEM_SHARED((N, HALF), jnp.float32),
        pltpu.SemaphoreType.DMA,
        pltpu.SemaphoreType.DMA,
        pltpu.SemaphoreType.DMA,
        pltpu.SemaphoreType.DMA,
        pltpu.SemaphoreType.DMA,
        pltpu.SemaphoreType.DMA,
    ],
)


def _sc_cnt_body(dst3, zrows, cnt_out, didx, ones_v, cnt_sh,
                 csem0, csem1, csem2):
    c = lax.axis_index("c")
    s = lax.axis_index("s")
    base_r = s * RPT

    pltpu.sync_copy(dst3.at[c * NS + s], didx)

    @pl.loop(0, NZB)
    def _(i):
        pltpu.sync_copy(zrows, cnt_sh.at[pl.ds(base_r + i * ZB, ZB)])

    @pl.when(s == 0)
    def _():
        pltpu.sync_copy(zrows.at[pl.ds(0, TAIL)],
                        cnt_sh.at[pl.ds(NS * RPT, TAIL)])

    @pl.loop(0, CH2)
    def _(i):
        for j in range(HALF // 16):
            ones_v[i, pl.ds(j * 16, 16)] = jnp.ones((16,), jnp.float32)

    plsc.subcore_barrier()

    def cs_start(k, b):
        pltpu.async_copy(ones_v, cnt_sh.at[didx.at[k]], csems[b], add=True)

    def cs_wait(k, b):
        pltpu.make_async_copy(ones_v, cnt_sh.at[didx.at[k]],
                              csems[b]).wait()

    csems = (csem0, csem1, csem2)
    cs_start(0, 0)
    cs_start(1, 1)
    cs_start(2, 2)

    @pl.loop(1, (NCHUNK2 - 2) // 3)
    def _(t):
        for d in range(3):
            k = 3 * t + d
            cs_wait(k - 3, d)
            cs_start(k, d)

    cs_wait(120, 0)
    cs_start(123, 0)
    cs_wait(121, 1)
    cs_start(124, 1)
    cs_wait(122, 2)
    cs_wait(123, 0)
    cs_wait(124, 1)

    plsc.subcore_barrier()

    @pl.loop(0, NZB)
    def _(i):
        r0 = base_r + i * ZB
        pltpu.sync_copy(cnt_sh.at[pl.ds(r0, ZB)], cnt_out.at[c, pl.ds(r0, ZB)])

    @pl.when(s == 0)
    def _():
        pltpu.sync_copy(cnt_sh.at[pl.ds(NS * RPT, TAIL)],
                        cnt_out.at[c, pl.ds(NS * RPT, TAIL)])


_sc_cnt = pl.kernel(
    _sc_cnt_body,
    out_type=jax.ShapeDtypeStruct((2, N, HALF), jnp.float32),
    mesh=plsc.VectorSubcoreMesh(core_axis_name="c", subcore_axis_name="s"),
    scratch_types=[
        pltpu.VMEM((NCHUNK2, CH2), jnp.int32),
        pltpu.VMEM((CH2, HALF), jnp.float32),
        pltpu.VMEM_SHARED((N, HALF), jnp.float32),
        pltpu.SemaphoreType.DMA,
        pltpu.SemaphoreType.DMA,
        pltpu.SemaphoreType.DMA,
    ],
)


def _tc_matmul_body(x_ref, w_ref, o_ref):
    o_ref[...] = lax.dot_general(
        x_ref[...], w_ref[...], (((1,), (0,)), ((), ())),
        preferred_element_type=jnp.float32,
        precision=lax.Precision.HIGHEST)


def _tc_layer_body(relu, agg_ref, cnt_ref, r_ref, wl_ref, b_ref, o_ref):
    cnt = cnt_ref[0, :, 0:1] + cnt_ref[1, :, 0:1]
    inv = 1.0 / jnp.maximum(cnt, 1.0)
    mean = jnp.concatenate([agg_ref[0], agg_ref[1]], axis=1) * inv
    acc = lax.dot_general(
        mean, wl_ref[...], (((1,), (0,)), ((), ())),
        preferred_element_type=jnp.float32,
        precision=lax.Precision.HIGHEST)
    acc = acc + r_ref[...] + b_ref[...]
    if relu:
        acc = jnp.maximum(acc, 0.0)
    o_ref[...] = acc


RB = 2000

_tc_matmul = pl.pallas_call(
    _tc_matmul_body,
    grid=(N // RB,),
    in_specs=[
        pl.BlockSpec((RB, D), lambda i: (i, 0)),
        pl.BlockSpec((D, D), lambda i: (0, 0)),
    ],
    out_specs=pl.BlockSpec((RB, D), lambda i: (i, 0)),
    out_shape=jax.ShapeDtypeStruct((N, D), jnp.float32),
)


def _make_tc_layer(relu):
    return pl.pallas_call(
        functools.partial(_tc_layer_body, relu),
        grid=(N // RB,),
        in_specs=[
            pl.BlockSpec((2, RB, HALF), lambda i: (0, i, 0)),
            pl.BlockSpec((2, RB, HALF), lambda i: (0, i, 0)),
            pl.BlockSpec((RB, D), lambda i: (i, 0)),
            pl.BlockSpec((D, D), lambda i: (0, 0)),
            pl.BlockSpec((1, D), lambda i: (0, 0)),
        ],
        out_specs=pl.BlockSpec((RB, D), lambda i: (i, 0)),
        out_shape=jax.ShapeDtypeStruct((N, D), jnp.float32),
    )


_tc_layer_relu = _make_tc_layer(relu=True)
_tc_layer_plain = _make_tc_layer(relu=False)


@jax.jit
def kernel(x, edge_index, W_l1, b1, W_r1, W_l2, b2, W_r2):
    src = edge_index[0].astype(jnp.int32)
    dst = edge_index[1].astype(jnp.int32)

    src3 = src.reshape(NS, NCHUNK, CH)
    dst3 = dst.reshape(NS, NCHUNK, CH)
    dst3c = dst.reshape(2 * NS, NCHUNK2, CH2)
    zrows = jnp.zeros((ZB, HALF), jnp.float32)

    r1 = _tc_matmul(x, W_r1)
    agg1 = _sc_agg(x.reshape(2 * N, HALF), src3, dst3, zrows)
    cnt = _sc_cnt(dst3c, zrows)
    h = _tc_layer_relu(agg1, cnt, r1, W_l1, b1.reshape(1, D))
    r2 = _tc_matmul(h, W_r2)
    agg2 = _sc_agg(h.reshape(2 * N, HALF), src3, dst3, zrows)
    return _tc_layer_plain(agg2, cnt, r2, W_l2, b2.reshape(1, D))

# --- scband reference (transcript-rebuilt; emitter-appended) ---
"""Pipeline reference for scband-graph-sage-90975997264154 (READ-ONLY COPY).

The authoritative reference and input builder live on the scoring server;
editing this copy changes nothing except your own understanding.
"""

import jax, jax.numpy as jnp
import numpy as np

N = 10000
E = 160000
D_IN = 256
HID = 256
D_OUT = 256


def _sage_conv(x, edge_index, W_l, b_l, W_r):
    # PyG SAGEConv with mean aggregation:
    #   out = lin_l(mean_{j in N(i)} x_j) + lin_r(x_i)
    src = edge_index[0]
    dst = edge_index[1]
    msgs = jnp.take(x, src, axis=0)
    agg = jax.ops.segment_sum(msgs, dst, num_segments=x.shape[0])
    cnt = jax.ops.segment_sum(jnp.ones((edge_index.shape[1],), x.dtype), dst, num_segments=x.shape[0])
    mean = agg / jnp.clip(cnt, 1.0)[:, None]
    return mean @ W_l + b_l + x @ W_r


def setup_inputs(seed: int = 0) -> dict:
    key = jax.random.key(seed)
    ks = jax.random.split(key, 8)
    x = jax.random.normal(ks[0], (N, D_IN), dtype=jnp.float32)
    edge_index = jax.random.randint(ks[1], (2, E), 0, N)
    s1 = 1.0 / np.sqrt(D_IN)
    s2 = 1.0 / np.sqrt(HID)
    W_l1 = jax.random.uniform(ks[2], (D_IN, HID), jnp.float32, -s1, s1)
    b1 = jnp.zeros((HID,), jnp.float32)
    W_r1 = jax.random.uniform(ks[3], (D_IN, HID), jnp.float32, -s1, s1)
    W_l2 = jax.random.uniform(ks[4], (HID, D_OUT), jnp.float32, -s2, s2)
    b2 = jnp.zeros((D_OUT,), jnp.float32)
    W_r2 = jax.random.uniform(ks[5], (HID, D_OUT), jnp.float32, -s2, s2)
    return {"x": x, "edge_index": edge_index, "W_l1": W_l1, "b1": b1, "W_r1": W_r1, "W_l2": W_l2, "b2": b2, "W_r2": W_r2}


def reference(x, edge_index, W_l1, b1, W_r1, W_l2, b2, W_r2):
    h = _sage_conv(x, edge_index, W_l1, b1, W_r1)
    h = jax.nn.relu(h)
    # dropout is identity in eval mode (training=False)
    h = _sage_conv(h, edge_index, W_l2, b2, W_r2)
    return h

if __name__ == "__main__":
    import jax
    _d = setup_inputs()
    print(jax.jit(kernel)(*tuple(_d.values())))

</pallas_src>

<mosaic_0001>
#map = affine_map<(d0, d1) -> (0, 0, 0)>
#map1 = affine_map<(d0, d1) -> (0, 0)>
module attributes {stable_mosaic.version = 14 : i64} {
  func.func @_sc_cnt_body(%arg0: i32, %arg1: i32, %arg2: memref<32x125x40xi32, #tpu.memory_space<hbm>>, %arg3: memref<208x128xf32, #tpu.memory_space<hbm>>, %arg4: memref<2x10000x128xf32, #tpu.memory_space<hbm>>, %arg5: memref<125x40xi32, #tpu.memory_space<vmem>>, %arg6: memref<40x128xf32, #tpu.memory_space<vmem>>, %arg7: memref<10000x128xf32, #tpu.memory_space<vmem_shared>>, %arg8: memref<!tpu.dma_semaphore, #tpu.memory_space<semaphore_mem>>, %arg9: memref<!tpu.dma_semaphore, #tpu.memory_space<semaphore_mem>>, %arg10: memref<!tpu.dma_semaphore, #tpu.memory_space<semaphore_mem>>) attributes {dimension_semantics = [#tpu.dimension_semantics<core_parallel>, #tpu.dimension_semantics<subcore_parallel>], iteration_bounds = array<i64: 2, 16>, scalar_prefetch = 0 : i64, scratch_operands = 6 : i64, tpu.core_type = #tpu.core_type<sc_vector_subcore>, window_params = [{transform_indices = #map}, {transform_indices = #map1}, {transform_indices = #map}]} {
    %mul3A = arith.constant 624 : i32
    %mul3A_0 = arith.muli %arg1, %mul3A : i32
    %mul3A_1 = arith.constant 16 : i32
    %mul3A_2 = arith.muli %arg0, %mul3A_1 : i32
    %add3A = arith.addi %mul3A_2, %arg1 : i32
    "tpu.region"() ({
      %run_scoped3A = tpu.sem_alloc : memref<!tpu.dma_semaphore, #tpu.memory_space<semaphore_mem>>
      %dma_start3A_98 = arith.constant 0 : i32
      %dma_start3A_99 = arith.constant 0 : i32
      %dma_start3A_100 = tpu.memref_slice %arg2[%add3A, %dma_start3A_98, %dma_start3A_99] : memref<32x125x40xi32, #tpu.memory_space<hbm>> -> memref<1x125x40xi32, #tpu.memory_space<hbm>>
      %dma_start3A_101 = tpu.memref_squeeze %dma_start3A_100 : memref<1x125x40xi32, #tpu.memory_space<hbm>> -> memref<125x40xi32, #tpu.memory_space<hbm>>
      %dma_start3A_102 = arith.constant 0 : i32
      %dma_start3A_103 = arith.constant 0 : i32
      %dma_start3A_104 = tpu.memref_slice %arg2[%add3A, %dma_start3A_102, %dma_start3A_103] : memref<32x125x40xi32, #tpu.memory_space<hbm>> -> memref<1x125x40xi32, #tpu.memory_space<hbm>>
      %dma_start3A_105 = tpu.memref_squeeze %dma_start3A_104 : memref<1x125x40xi32, #tpu.memory_space<hbm>> -> memref<125x40xi32, #tpu.memory_space<hbm>>
      tpu.enqueue_dma source(%dma_start3A_105 : memref<125x40xi32, #tpu.memory_space<hbm>>) target(%arg5 : memref<125x40xi32, #tpu.memory_space<vmem>>) target_semaphore(%run_scoped3A : memref<!tpu.dma_semaphore, #tpu.memory_space<semaphore_mem>>)
      %dma_wait3A_106 = arith.constant 0 : i32
      %dma_wait3A_107 = arith.constant 0 : i32
      %dma_wait3A_108 = tpu.memref_slice %arg2[%add3A, %dma_wait3A_106, %dma_wait3A_107] : memref<32x125x40xi32, #tpu.memory_space<hbm>> -> memref<1x125x40xi32, #tpu.memory_space<hbm>>
      %dma_wait3A_109 = tpu.memref_squeeze %dma_wait3A_108 : memref<1x125x40xi32, #tpu.memory_space<hbm>> -> memref<125x40xi32, #tpu.memory_space<hbm>>
      %dma_wait3A_110 = arith.constant 0 : i32
      %dma_wait3A_111 = arith.constant 0 : i32
      %dma_wait3A_112 = tpu.memref_slice %arg2[%add3A, %dma_wait3A_110, %dma_wait3A_111] : memref<32x125x40xi32, #tpu.memory_space<hbm>> -> memref<1x125x40xi32, #tpu.memory_space<hbm>>
      %dma_wait3A_113 = tpu.memref_squeeze %dma_wait3A_112 : memref<1x125x40xi32, #tpu.memory_space<hbm>> -> memref<125x40xi32, #tpu.memory_space<hbm>>
      tpu.wait_dma2 semaphore(%run_scoped3A : memref<!tpu.dma_semaphore, #tpu.memory_space<semaphore_mem>>) src(%dma_wait3A_113 : memref<125x40xi32, #tpu.memory_space<hbm>>) dst(%arg5 : memref<125x40xi32, #tpu.memory_space<vmem>>)
      tpu.yield
    }) : () -> ()
    %scan3A = arith.constant 0 : i32
    %scan3A_3 = arith.constant 3 : i32
    %scan3A_4 = arith.addi %scan3A, %scan3A_3 : i32
    %scan3A_5 = arith.constant 1 : i32
    scf.for %scan3A_98 = %scan3A to %scan3A_4 step %scan3A_5  : i32 {
      %mul3A_99 = arith.constant 1 : i32
      %mul3A_100 = arith.muli %scan3A_98, %mul3A_99 : i32
      %add3A_101 = arith.constant 0 : i32
      %add3A_102 = arith.addi %add3A_101, %mul3A_100 : i32
      %mul3A_103 = arith.constant 208 : i32
      %mul3A_104 = arith.muli %add3A_102, %mul3A_103 : i32
      %add3A_105 = arith.addi %mul3A_0, %mul3A_104 : i32
      "tpu.region"() ({
        %run_scoped3A = tpu.sem_alloc : memref<!tpu.dma_semaphore, #tpu.memory_space<semaphore_mem>>
        %dma_start3A_106 = arith.constant 0 : i32
        %dma_start3A_107 = tpu.memref_slice %arg7[%add3A_105, %dma_start3A_106] : memref<10000x128xf32, #tpu.memory_space<vmem_shared>> -> memref<208x128xf32, #tpu.memory_space<vmem_shared>>
        tpu.enqueue_dma source(%arg3 : memref<208x128xf32, #tpu.memory_space<hbm>>) target(%dma_start3A_107 : memref<208x128xf32, #tpu.memory_space<vmem_shared>>) target_semaphore(%run_scoped3A : memref<!tpu.dma_semaphore, #tpu.memory_space<semaphore_mem>>)
        %dma_wait3A_108 = arith.constant 0 : i32
        %dma_wait3A_109 = tpu.memref_slice %arg7[%add3A_105, %dma_wait3A_108] : memref<10000x128xf32, #tpu.memory_space<vmem_shared>> -> memref<208x128xf32, #tpu.memory_space<vmem_shared>>
        tpu.wait_dma2 semaphore(%run_scoped3A : memref<!tpu.dma_semaphore, #tpu.memory_space<semaphore_mem>>) src(%arg3 : memref<208x128xf32, #tpu.memory_space<hbm>>) dst(%dma_wait3A_109 : memref<208x128xf32, #tpu.memory_space<vmem_shared>>)
        tpu.yield
      }) : () -> ()
    }
    %scan3A_6 = arith.constant 3 : i32
    %eq3A = arith.constant 0 : i32
    %eq3A_7 = arith.cmpi eq, %arg1, %eq3A : i32
    %convert_element_type3A = arith.extui %eq3A_7 : i1 to i32
    %cond3A = arith.constant 0 : i32
    %cond3A_8 = arith.cmpi ne, %convert_element_type3A, %cond3A : i32
    scf.if %cond3A_8 {
      "tpu.region"() ({
        %run_scoped3A = tpu.sem_alloc : memref<!tpu.dma_semaphore, #tpu.memory_space<semaphore_mem>>
        %dma_start3A_98 = arith.constant 9984 : i32
        %dma_start3A_99 = arith.constant 0 : i32
        %dma_start3A_100 = tpu.memref_slice %arg7[%dma_start3A_98, %dma_start3A_99] : memref<10000x128xf32, #tpu.memory_space<vmem_shared>> -> memref<16x128xf32, #tpu.memory_space<vmem_shared>>
        %dma_start3A_101 = arith.constant 0 : i32
        %dma_start3A_102 = arith.constant 0 : i32
        %dma_start3A_103 = tpu.memref_slice %arg3[%dma_start3A_101, %dma_start3A_102] : memref<208x128xf32, #tpu.memory_space<hbm>> -> memref<16x128xf32, #tpu.memory_space<hbm>>
        tpu.enqueue_dma source(%dma_start3A_103 : memref<16x128xf32, #tpu.memory_space<hbm>>) target(%dma_start3A_100 : memref<16x128xf32, #tpu.memory_space<vmem_shared>>) target_semaphore(%run_scoped3A : memref<!tpu.dma_semaphore, #tpu.memory_space<semaphore_mem>>)
        %dma_wait3A_104 = arith.constant 9984 : i32
        %dma_wait3A_105 = arith.constant 0 : i32
        %dma_wait3A_106 = tpu.memref_slice %arg7[%dma_wait3A_104, %dma_wait3A_105] : memref<10000x128xf32, #tpu.memory_space<vmem_shared>> -> memref<16x128xf32, #tpu.memory_space<vmem_shared>>
        %dma_wait3A_107 = arith.constant 0 : i32
        %dma_wait3A_108 = arith.constant 0 : i32
        %dma_wait3A_109 = tpu.memref_slice %arg3[%dma_wait3A_107, %dma_wait3A_108] : memref<208x128xf32, #tpu.memory_space<hbm>> -> memref<16x128xf32, #tpu.memory_space<hbm>>
        tpu.wait_dma2 semaphore(%run_scoped3A : memref<!tpu.dma_semaphore, #tpu.memory_space<semaphore_mem>>) src(%dma_wait3A_109 : memref<16x128xf32, #tpu.memory_space<hbm>>) dst(%dma_wait3A_106 : memref<16x128xf32, #tpu.memory_space<vmem_shared>>)
        tpu.yield
      }) : () -> ()
    } else {
    }
    %scan3A_9 = arith.constant 0 : i32
    %scan3A_10 = arith.constant 40 : i32
    %scan3A_11 = arith.addi %scan3A_9, %scan3A_10 : i32
    %scan3A_12 = arith.constant 1 : i32
    scf.for %scan3A_98 = %scan3A_9 to %scan3A_11 step %scan3A_12  : i32 {
      %mul3A_99 = arith.constant 1 : i32
      %mul3A_100 = arith.muli %scan3A_98, %mul3A_99 : i32
      %add3A_101 = arith.constant 0 : i32
      %add3A_102 = arith.addi %add3A_101, %mul3A_100 : i32
      %broadcast_in_dim3A = arith.constant 1.000000e+00 : f32
      %broadcast_in_dim3A_103 = vector.broadcast %broadcast_in_dim3A : f32 to vector<16xf32>
      %swap3A = arith.index_cast %add3A_102 : i32 to index
      %swap3A_104 = arith.constant 0 : index
      %swap3A_105 = tpu.vector_load %arg6[%swap3A, %swap3A_104] {strides = array<i32>} : memref<40x128xf32, #tpu.memory_space<vmem>>, vector<1x16xf32>,
      %swap3A_106 = vector.shape_cast %swap3A_105 : vector<1x16xf32> to vector<16xf32>
      %swap3A_107 = vector.shape_cast %broadcast_in_dim3A_103 : vector<16xf32> to vector<1x16xf32>
      tpu.vector_store %arg6[%swap3A, %swap3A_104], %swap3A_107 {strides = array<i32>} : memref<40x128xf32, #tpu.memory_space<vmem>>, vector<1x16xf32>,
      %broadcast_in_dim3A_108 = arith.constant 1.000000e+00 : f32
      %broadcast_in_dim3A_109 = vector.broadcast %broadcast_in_dim3A_108 : f32 to vector<16xf32>
      %swap3A_110 = arith.index_cast %add3A_102 : i32 to index
      %swap3A_111 = arith.constant 16 : index
      %swap3A_112 = tpu.vector_load %arg6[%swap3A_110, %swap3A_111] {strides = array<i32>} : memref<40x128xf32, #tpu.memory_space<vmem>>, vector<1x16xf32>,
      %swap3A_113 = vector.shape_cast %swap3A_112 : vector<1x16xf32> to vector<16xf32>
      %swap3A_114 = vector.shape_cast %broadcast_in_dim3A_109 : vector<16xf32> to vector<1x16xf32>
      tpu.vector_store %arg6[%swap3A_110, %swap3A_111], %swap3A_114 {strides = array<i32>} : memref<40x128xf32, #tpu.memory_space<vmem>>, vector<1x16xf32>,
      %broadcast_in_dim3A_115 = arith.constant 1.000000e+00 : f32
      %broadcast_in_dim3A_116 = vector.broadcast %broadcast_in_dim3A_115 : f32 to vector<16xf32>
      %swap3A_117 = arith.index_cast %add3A_102 : i32 to index
      %swap3A_118 = arith.constant 32 : index
      %swap3A_119 = tpu.vector_load %arg6[%swap3A_117, %swap3A_118] {strides = array<i32>} : memref<40x128xf32, #tpu.memory_space<vmem>>, vector<1x16xf32>,
      %swap3A_120 = vector.shape_cast %swap3A_119 : vector<1x16xf32> to vector<16xf32>
      %swap3A_121 = vector.shape_cast %broadcast_in_dim3A_116 : vector<16xf32> to vector<1x16xf32>
      tpu.vector_store %arg6[%swap3A_117, %swap3A_118], %swap3A_121 {strides = array<i32>} : memref<40x128xf32, #tpu.memory_space<vmem>>, vector<1x16xf32>,
      %broadcast_in_dim3A_122 = arith.constant 1.000000e+00 : f32
      %broadcast_in_dim3A_123 = vector.broadcast %broadcast_in_dim3A_122 : f32 to vector<16xf32>
      %swap3A_124 = arith.index_cast %add3A_102 : i32 to index
      %swap3A_125 = arith.constant 48 : index
      %swap3A_126 = tpu.vector_load %arg6[%swap3A_124, %swap3A_125] {strides = array<i32>} : memref<40x128xf32, #tpu.memory_space<vmem>>, vector<1x16xf32>,
      %swap3A_127 = vector.shape_cast %swap3A_126 : vector<1x16xf32> to vector<16xf32>
      %swap3A_128 = vector.shape_cast %broadcast_in_dim3A_123 : vector<16xf32> to vector<1x16xf32>
      tpu.vector_store %arg6[%swap3A_124, %swap3A_125], %swap3A_128 {strides = array<i32>} : memref<40x128xf32, #tpu.memory_space<vmem>>, vector<1x16xf32>,
      %broadcast_in_dim3A_129 = arith.constant 1.000000e+00 : f32
      %broadcast_in_dim3A_130 = vector.broadcast %broadcast_in_dim3A_129 : f32 to vector<16xf32>
      %swap3A_131 = arith.index_cast %add3A_102 : i32 to index
      %swap3A_132 = arith.constant 64 : index
      %swap3A_133 = tpu.vector_load %arg6[%swap3A_131, %swap3A_132] {strides = array<i32>} : memref<40x128xf32, #tpu.memory_space<vmem>>, vector<1x16xf32>,
      %swap3A_134 = vector.shape_cast %swap3A_133 : vector<1x16xf32> to vector<16xf32>
      %swap3A_135 = vector.shape_cast %broadcast_in_dim3A_130 : vector<16xf32> to vector<1x16xf32>
      tpu.vector_store %arg6[%swap3A_131, %swap3A_132], %swap3A_135 {strides = array<i32>} : memref<40x128xf32, #tpu.memory_space<vmem>>, vector<1x16xf32>,
      %broadcast_in_dim3A_136 = arith.constant 1.000000e+00 : f32
      %broadcast_in_dim3A_137 = vector.broadcast %broadcast_in_dim3A_136 : f32 to vector<16xf32>
      %swap3A_138 = arith.index_cast %add3A_102 : i32 to index
      %swap3A_139 = arith.constant 80 : index
      %swap3A_140 = tpu.vector_load %arg6[%swap3A_138, %swap3A_139] {strides = array<i32>} : memref<40x128xf32, #tpu.memory_space<vmem>>, vector<1x16xf32>,
      %swap3A_141 = vector.shape_cast %swap3A_140 : vector<1x16xf32> to vector<16xf32>
      %swap3A_142 = vector.shape_cast %broadcast_in_dim3A_137 : vector<16xf32> to vector<1x16xf32>
      tpu.vector_store %arg6[%swap3A_138, %swap3A_139], %swap3A_142 {strides = array<i32>} : memref<40x128xf32, #tpu.memory_space<vmem>>, vector<1x16xf32>,
      %broadcast_in_dim3A_143 = arith.constant 1.000000e+00 : f32
      %broadcast_in_dim3A_144 = vector.broadcast %broadcast_in_dim3A_143 : f32 to vector<16xf32>
      %swap3A_145 = arith.index_cast %add3A_102 : i32 to index
      %swap3A_146 = arith.constant 96 : index
      %swap3A_147 = tpu.vector_load %arg6[%swap3A_145, %swap3A_146] {strides = array<i32>} : memref<40x128xf32, #tpu.memory_space<vmem>>, vector<1x16xf32>,
      %swap3A_148 = vector.shape_cast %swap3A_147 : vector<1x16xf32> to vector<16xf32>
      %swap3A_149 = vector.shape_cast %broadcast_in_dim3A_144 : vector<16xf32> to vector<1x16xf32>
      tpu.vector_store %arg6[%swap3A_145, %swap3A_146], %swap3A_149 {strides = array<i32>} : memref<40x128xf32, #tpu.memory_space<vmem>>, vector<1x16xf32>,
      %broadcast_in_dim3A_150 = arith.constant 1.000000e+00 : f32
      %broadcast_in_dim3A_151 = vector.broadcast %broadcast_in_dim3A_150 : f32 to vector<16xf32>
      %swap3A_152 = arith.index_cast %add3A_102 : i32 to index
      %swap3A_153 = arith.constant 112 : index
      %swap3A_154 = tpu.vector_load %arg6[%swap3A_152, %swap3A_153] {strides = array<i32>} : memref<40x128xf32, #tpu.memory_space<vmem>>, vector<1x16xf32>,
      %swap3A_155 = vector.shape_cast %swap3A_154 : vector<1x16xf32> to vector<16xf32>
      %swap3A_156 = vector.shape_cast %broadcast_in_dim3A_151 : vector<16xf32> to vector<1x16xf32>
      tpu.vector_store %arg6[%swap3A_152, %swap3A_153], %swap3A_156 {strides = array<i32>} : memref<40x128xf32, #tpu.memory_space<vmem>>, vector<1x16xf32>,
    }
    %scan3A_13 = arith.constant 40 : i32
    %barrier3A = arith.constant 0 : index
    tpu.barrier barrier_id(%barrier3A)
    %dma_start3A = arith.constant 0 : i32
    %dma_start3A_14 = arith.constant 0 : i32
    %dma_start3A_15 = tpu.memref_slice %arg5[%dma_start3A, %dma_start3A_14] : memref<125x40xi32, #tpu.memory_space<vmem>> -> memref<1x40xi32, #tpu.memory_space<vmem>>
    %dma_start3A_16 = tpu.memref_squeeze %dma_start3A_15 : memref<1x40xi32, #tpu.memory_space<vmem>> -> memref<40xi32, #tpu.memory_space<vmem>>
    %dma_start3A_17 = arith.constant 0 : i32
    %dma_start3A_18 = arith.constant 0 : i32
    %dma_start3A_19 = tpu.memref_slice %arg7[%dma_start3A_17, %dma_start3A_18] : memref<10000x128xf32, #tpu.memory_space<vmem_shared>> -> memref<10000x128xf32, #tpu.memory_space<vmem_shared>>
    tpu.enqueue_indirect_dma source(%arg6 : memref<40x128xf32, #tpu.memory_space<vmem>>) target(%dma_start3A_19 : memref<10000x128xf32, #tpu.memory_space<vmem_shared>>) offsets(%dma_start3A_16 : memref<40xi32, #tpu.memory_space<vmem>>) semaphore(%arg8 : memref<!tpu.dma_semaphore, #tpu.memory_space<semaphore_mem>>) {add = true}
    %dma_start3A_20 = arith.constant 1 : i32
    %dma_start3A_21 = arith.constant 0 : i32
    %dma_start3A_22 = tpu.memref_slice %arg5[%dma_start3A_20, %dma_start3A_21] : memref<125x40xi32, #tpu.memory_space<vmem>> -> memref<1x40xi32, #tpu.memory_space<vmem>>
    %dma_start3A_23 = tpu.memref_squeeze %dma_start3A_22 : memref<1x40xi32, #tpu.memory_space<vmem>> -> memref<40xi32, #tpu.memory_space<vmem>>
    %dma_start3A_24 = arith.constant 0 : i32
    %dma_start3A_25 = arith.constant 0 : i32
    %dma_start3A_26 = tpu.memref_slice %arg7[%dma_start3A_24, %dma_start3A_25] : memref<10000x128xf32, #tpu.memory_space<vmem_shared>> -> memref<10000x128xf32, #tpu.memory_space<vmem_shared>>
    tpu.enqueue_indirect_dma source(%arg6 : memref<40x128xf32, #tpu.memory_space<vmem>>) target(%dma_start3A_26 : memref<10000x128xf32, #tpu.memory_space<vmem_shared>>) offsets(%dma_start3A_23 : memref<40xi32, #tpu.memory_space<vmem>>) semaphore(%arg9 : memref<!tpu.dma_semaphore, #tpu.memory_space<semaphore_mem>>) {add = true}
    %dma_start3A_27 = arith.constant 2 : i32
    %dma_start3A_28 = arith.constant 0 : i32
    %dma_start3A_29 = tpu.memref_slice %arg5[%dma_start3A_27, %dma_start3A_28] : memref<125x40xi32, #tpu.memory_space<vmem>> -> memref<1x40xi32, #tpu.memory_space<vmem>>
    %dma_start3A_30 = tpu.memref_squeeze %dma_start3A_29 : memref<1x40xi32, #tpu.memory_space<vmem>> -> memref<40xi32, #tpu.memory_space<vmem>>
    %dma_start3A_31 = arith.constant 0 : i32
    %dma_start3A_32 = arith.constant 0 : i32
    %dma_start3A_33 = tpu.memref_slice %arg7[%dma_start3A_31, %dma_start3A_32] : memref<10000x128xf32, #tpu.memory_space<vmem_shared>> -> memref<10000x128xf32, #tpu.memory_space<vmem_shared>>
    tpu.enqueue_indirect_dma source(%arg6 : memref<40x128xf32, #tpu.memory_space<vmem>>) target(%dma_start3A_33 : memref<10000x128xf32, #tpu.memory_space<vmem_shared>>) offsets(%dma_start3A_30 : memref<40xi32, #tpu.memory_space<vmem>>) semaphore(%arg10 : memref<!tpu.dma_semaphore, #tpu.memory_space<semaphore_mem>>) {add = true}
    %scan3A_34 = arith.constant 0 : i32
    %scan3A_35 = arith.constant 40 : i32
    %scan3A_36 = arith.addi %scan3A_34, %scan3A_35 : i32
    %scan3A_37 = arith.constant 1 : i32
    scf.for %scan3A_98 = %scan3A_34 to %scan3A_36 step %scan3A_37  : i32 {
      %mul3A_99 = arith.constant 1 : i32
      %mul3A_100 = arith.muli %scan3A_98, %mul3A_99 : i32
      %add3A_101 = arith.constant 1 : i32
      %add3A_102 = arith.addi %add3A_101, %mul3A_100 : i32
      %mul3A_103 = arith.constant 3 : i32
      %mul3A_104 = arith.muli %mul3A_103, %add3A_102 : i32
      %add3A_105 = arith.constant 0 : i32
      %add3A_106 = arith.addi %mul3A_104, %add3A_105 : i32
      %sub3A = arith.constant 3 : i32
      %sub3A_107 = arith.subi %add3A_106, %sub3A : i32
      %dma_wait3A_108 = arith.constant 0 : i32
      %dma_wait3A_109 = tpu.memref_slice %arg5[%sub3A_107, %dma_wait3A_108] : memref<125x40xi32, #tpu.memory_space<vmem>> -> memref<1x40xi32, #tpu.memory_space<vmem>>
      %dma_wait3A_110 = tpu.memref_squeeze %dma_wait3A_109 : memref<1x40xi32, #tpu.memory_space<vmem>> -> memref<40xi32, #tpu.memory_space<vmem>>
      %dma_wait3A_111 = arith.constant 0 : i32
      %dma_wait3A_112 = arith.constant 0 : i32
      %dma_wait3A_113 = tpu.memref_slice %arg7[%dma_wait3A_111, %dma_wait3A_112] : memref<10000x128xf32, #tpu.memory_space<vmem_shared>> -> memref<10000x128xf32, #tpu.memory_space<vmem_shared>>
      tpu.wait_indirect_dma semaphore(%arg8 : memref<!tpu.dma_semaphore, #tpu.memory_space<semaphore_mem>>) src(%arg6 : memref<40x128xf32, #tpu.memory_space<vmem>>) dst(%dma_wait3A_113 : memref<10000x128xf32, #tpu.memory_space<vmem_shared>>)
      %dma_start3A_114 = arith.constant 0 : i32
      %dma_start3A_115 = tpu.memref_slice %arg5[%add3A_106, %dma_start3A_114] : memref<125x40xi32, #tpu.memory_space<vmem>> -> memref<1x40xi32, #tpu.memory_space<vmem>>
      %dma_start3A_116 = tpu.memref_squeeze %dma_start3A_115 : memref<1x40xi32, #tpu.memory_space<vmem>> -> memref<40xi32, #tpu.memory_space<vmem>>
      %dma_start3A_117 = arith.constant 0 : i32
      %dma_start3A_118 = arith.constant 0 : i32
      %dma_start3A_119 = tpu.memref_slice %arg7[%dma_start3A_117, %dma_start3A_118] : memref<10000x128xf32, #tpu.memory_space<vmem_shared>> -> memref<10000x128xf32, #tpu.memory_space<vmem_shared>>
      tpu.enqueue_indirect_dma source(%arg6 : memref<40x128xf32, #tpu.memory_space<vmem>>) target(%dma_start3A_119 : memref<10000x128xf32, #tpu.memory_space<vmem_shared>>) offsets(%dma_start3A_116 : memref<40xi32, #tpu.memory_space<vmem>>) semaphore(%arg8 : memref<!tpu.dma_semaphore, #tpu.memory_space<semaphore_mem>>) {add = true}
      %mul3A_120 = arith.constant 3 : i32
      %mul3A_121 = arith.muli %mul3A_120, %add3A_102 : i32
      %add3A_122 = arith.constant 1 : i32
      %add3A_123 = arith.addi %mul3A_121, %add3A_122 : i32
      %sub3A_124 = arith.constant 3 : i32
      %sub3A_125 = arith.subi %add3A_123, %sub3A_124 : i32
      %dma_wait3A_126 = arith.constant 0 : i32
      %dma_wait3A_127 = tpu.memref_slice %arg5[%sub3A_125, %dma_wait3A_126] : memref<125x40xi32, #tpu.memory_space<vmem>> -> memref<1x40xi32, #tpu.memory_space<vmem>>
      %dma_wait3A_128 = tpu.memref_squeeze %dma_wait3A_127 : memref<1x40xi32, #tpu.memory_space<vmem>> -> memref<40xi32, #tpu.memory_space<vmem>>
      %dma_wait3A_129 = arith.constant 0 : i32
      %dma_wait3A_130 = arith.constant 0 : i32
      %dma_wait3A_131 = tpu.memref_slice %arg7[%dma_wait3A_129, %dma_wait3A_130] : memref<10000x128xf32, #tpu.memory_space<vmem_shared>> -> memref<10000x128xf32, #tpu.memory_space<vmem_shared>>
      tpu.wait_indirect_dma semaphore(%arg9 : memref<!tpu.dma_semaphore, #tpu.memory_space<semaphore_mem>>) src(%arg6 : memref<40x128xf32, #tpu.memory_space<vmem>>) dst(%dma_wait3A_131 : memref<10000x128xf32, #tpu.memory_space<vmem_shared>>)
      %dma_start3A_132 = arith.constant 0 : i32
      %dma_start3A_133 = tpu.memref_slice %arg5[%add3A_123, %dma_start3A_132] : memref<125x40xi32, #tpu.memory_space<vmem>> -> memref<1x40xi32, #tpu.memory_space<vmem>>
      %dma_start3A_134 = tpu.memref_squeeze %dma_start3A_133 : memref<1x40xi32, #tpu.memory_space<vmem>> -> memref<40xi32, #tpu.memory_space<vmem>>
      %dma_start3A_135 = arith.constant 0 : i32
      %dma_start3A_136 = arith.constant 0 : i32
      %dma_start3A_137 = tpu.memref_slice %arg7[%dma_start3A_135, %dma_start3A_136] : memref<10000x128xf32, #tpu.memory_space<vmem_shared>> -> memref<10000x128xf32, #tpu.memory_space<vmem_shared>>
      tpu.enqueue_indirect_dma source(%arg6 : memref<40x128xf32, #tpu.memory_space<vmem>>) target(%dma_start3A_137 : memref<10000x128xf32, #tpu.memory_space<vmem_shared>>) offsets(%dma_start3A_134 : memref<40xi32, #tpu.memory_space<vmem>>) semaphore(%arg9 : memref<!tpu.dma_semaphore, #tpu.memory_space<semaphore_mem>>) {add = true}
      %mul3A_138 = arith.constant 3 : i32
      %mul3A_139 = arith.muli %mul3A_138, %add3A_102 : i32
      %add3A_140 = arith.constant 2 : i32
      %add3A_141 = arith.addi %mul3A_139, %add3A_140 : i32
      %sub3A_142 = arith.constant 3 : i32
      %sub3A_143 = arith.subi %add3A_141, %sub3A_142 : i32
      %dma_wait3A_144 = arith.constant 0 : i32
      %dma_wait3A_145 = tpu.memref_slice %arg5[%sub3A_143, %dma_wait3A_144] : memref<125x40xi32, #tpu.memory_space<vmem>> -> memref<1x40xi32, #tpu.memory_space<vmem>>
      %dma_wait3A_146 = tpu.memref_squeeze %dma_wait3A_145 : memref<1x40xi32, #tpu.memory_space<vmem>> -> memref<40xi32, #tpu.memory_space<vmem>>
      %dma_wait3A_147 = arith.constant 0 : i32
      %dma_wait3A_148 = arith.constant 0 : i32
      %dma_wait3A_149 = tpu.memref_slice %arg7[%dma_wait3A_147, %dma_wait3A_148] : memref<10000x128xf32, #tpu.memory_space<vmem_shared>> -> memref<10000x128xf32, #tpu.memory_space<vmem_shared>>
      tpu.wait_indirect_dma semaphore(%arg10 : memref<!tpu.dma_semaphore, #tpu.memory_space<semaphore_mem>>) src(%arg6 : memref<40x128xf32, #tpu.memory_space<vmem>>) dst(%dma_wait3A_149 : memref<10000x128xf32, #tpu.memory_space<vmem_shared>>)
      %dma_start3A_150 = arith.constant 0 : i32
      %dma_start3A_151 = tpu.memref_slice %arg5[%add3A_141, %dma_start3A_150] : memref<125x40xi32, #tpu.memory_space<vmem>> -> memref<1x40xi32, #tpu.memory_space<vmem>>
      %dma_start3A_152 = tpu.memref_squeeze %dma_start3A_151 : memref<1x40xi32, #tpu.memory_space<vmem>> -> memref<40xi32, #tpu.memory_space<vmem>>
      %dma_start3A_153 = arith.constant 0 : i32
      %dma_start3A_154 = arith.constant 0 : i32
      %dma_start3A_155 = tpu.memref_slice %arg7[%dma_start3A_153, %dma_start3A_154] : memref<10000x128xf32, #tpu.memory_space<vmem_shared>> -> memref<10000x128xf32, #tpu.memory_space<vmem_shared>>
      tpu.enqueue_indirect_dma source(%arg6 : memref<40x128xf32, #tpu.memory_space<vmem>>) target(%dma_start3A_155 : memref<10000x128xf32, #tpu.memory_space<vmem_shared>>) offsets(%dma_start3A_152 : memref<40xi32, #tpu.memory_space<vmem>>) semaphore(%arg10 : memref<!tpu.dma_semaphore, #tpu.memory_space<semaphore_mem>>) {add = true}
    }
    %scan3A_38 = arith.constant 40 : i32
    %dma_wait3A = arith.constant 120 : i32
    %dma_wait3A_39 = arith.constant 0 : i32
    %dma_wait3A_40 = tpu.memref_slice %arg5[%dma_wait3A, %dma_wait3A_39] : memref<125x40xi32, #tpu.memory_space<vmem>> -> memref<1x40xi32, #tpu.memory_space<vmem>>
    %dma_wait3A_41 = tpu.memref_squeeze %dma_wait3A_40 : memref<1x40xi32, #tpu.memory_space<vmem>> -> memref<40xi32, #tpu.memory_space<vmem>>
    %dma_wait3A_42 = arith.constant 0 : i32
    %dma_wait3A_43 = arith.constant 0 : i32
    %dma_wait3A_44 = tpu.memref_slice %arg7[%dma_wait3A_42, %dma_wait3A_43] : memref<10000x128xf32, #tpu.memory_space<vmem_shared>> -> memref<10000x128xf32, #tpu.memory_space<vmem_shared>>
    tpu.wait_indirect_dma semaphore(%arg8 : memref<!tpu.dma_semaphore, #tpu.memory_space<semaphore_mem>>) src(%arg6 : memref<40x128xf32, #tpu.memory_space<vmem>>) dst(%dma_wait3A_44 : memref<10000x128xf32, #tpu.memory_space<vmem_shared>>)
    %dma_start3A_45 = arith.constant 123 : i32
    %dma_start3A_46 = arith.constant 0 : i32
    %dma_start3A_47 = tpu.memref_slice %arg5[%dma_start3A_45, %dma_start3A_46] : memref<125x40xi32, #tpu.memory_space<vmem>> -> memref<1x40xi32, #tpu.memory_space<vmem>>
    %dma_start3A_48 = tpu.memref_squeeze %dma_start3A_47 : memref<1x40xi32, #tpu.memory_space<vmem>> -> memref<40xi32, #tpu.memory_space<vmem>>
    %dma_start3A_49 = arith.constant 0 : i32
    %dma_start3A_50 = arith.constant 0 : i32
    %dma_start3A_51 = tpu.memref_slice %arg7[%dma_start3A_49, %dma_start3A_50] : memref<10000x128xf32, #tpu.memory_space<vmem_shared>> -> memref<10000x128xf32, #tpu.memory_space<vmem_shared>>
    tpu.enqueue_indirect_dma source(%arg6 : memref<40x128xf32, #tpu.memory_space<vmem>>) target(%dma_start3A_51 : memref<10000x128xf32, #tpu.memory_space<vmem_shared>>) offsets(%dma_start3A_48 : memref<40xi32, #tpu.memory_space<vmem>>) semaphore(%arg8 : memref<!tpu.dma_semaphore, #tpu.memory_space<semaphore_mem>>) {add = true}
    %dma_wait3A_52 = arith.constant 121 : i32
    %dma_wait3A_53 = arith.constant 0 : i32
    %dma_wait3A_54 = tpu.memref_slice %arg5[%dma_wait3A_52, %dma_wait3A_53] : memref<125x40xi32, #tpu.memory_space<vmem>> -> memref<1x40xi32, #tpu.memory_space<vmem>>
    %dma_wait3A_55 = tpu.memref_squeeze %dma_wait3A_54 : memref<1x40xi32, #tpu.memory_space<vmem>> -> memref<40xi32, #tpu.memory_space<vmem>>
    %dma_wait3A_56 = arith.constant 0 : i32
    %dma_wait3A_57 = arith.constant 0 : i32
    %dma_wait3A_58 = tpu.memref_slice %arg7[%dma_wait3A_56, %dma_wait3A_57] : memref<10000x128xf32, #tpu.memory_space<vmem_shared>> -> memref<10000x128xf32, #tpu.memory_space<vmem_shared>>
    tpu.wait_indirect_dma semaphore(%arg9 : memref<!tpu.dma_semaphore, #tpu.memory_space<semaphore_mem>>) src(%arg6 : memref<40x128xf32, #tpu.memory_space<vmem>>) dst(%dma_wait3A_58 : memref<10000x128xf32, #tpu.memory_space<vmem_shared>>)
    %dma_start3A_59 = arith.constant 124 : i32
    %dma_start3A_60 = arith.constant 0 : i32
    %dma_start3A_61 = tpu.memref_slice %arg5[%dma_start3A_59, %dma_start3A_60] : memref<125x40xi32, #tpu.memory_space<vmem>> -> memref<1x40xi32, #tpu.memory_space<vmem>>
    %dma_start3A_62 = tpu.memref_squeeze %dma_start3A_61 : memref<1x40xi32, #tpu.memory_space<vmem>> -> memref<40xi32, #tpu.memory_space<vmem>>
    %dma_start3A_63 = arith.constant 0 : i32
    %dma_start3A_64 = arith.constant 0 : i32
    %dma_start3A_65 = tpu.memref_slice %arg7[%dma_start3A_63, %dma_start3A_64] : memref<10000x128xf32, #tpu.memory_space<vmem_shared>> -> memref<10000x128xf32, #tpu.memory_space<vmem_shared>>
    tpu.enqueue_indirect_dma source(%arg6 : memref<40x128xf32, #tpu.memory_space<vmem>>) target(%dma_start3A_65 : memref<10000x128xf32, #tpu.memory_space<vmem_shared>>) offsets(%dma_start3A_62 : memref<40xi32, #tpu.memory_space<vmem>>) semaphore(%arg9 : memref<!tpu.dma_semaphore, #tpu.memory_space<semaphore_mem>>) {add = true}
    %dma_wait3A_66 = arith.constant 122 : i32
    %dma_wait3A_67 = arith.constant 0 : i32
    %dma_wait3A_68 = tpu.memref_slice %arg5[%dma_wait3A_66, %dma_wait3A_67] : memref<125x40xi32, #tpu.memory_space<vmem>> -> memref<1x40xi32, #tpu.memory_space<vmem>>
    %dma_wait3A_69 = tpu.memref_squeeze %dma_wait3A_68 : memref<1x40xi32, #tpu.memory_space<vmem>> -> memref<40xi32, #tpu.memory_space<vmem>>
    %dma_wait3A_70 = arith.constant 0 : i32
    %dma_wait3A_71 = arith.constant 0 : i32
    %dma_wait3A_72 = tpu.memref_slice %arg7[%dma_wait3A_70, %dma_wait3A_71] : memref<10000x128xf32, #tpu.memory_space<vmem_shared>> -> memref<10000x128xf32, #tpu.memory_space<vmem_shared>>
    tpu.wait_indirect_dma semaphore(%arg10 : memref<!tpu.dma_semaphore, #tpu.memory_space<semaphore_mem>>) src(%arg6 : memref<40x128xf32, #tpu.memory_space<vmem>>) dst(%dma_wait3A_72 : memref<10000x128xf32, #tpu.memory_space<vmem_shared>>)
    %dma_wait3A_73 = arith.constant 123 : i32
    %dma_wait3A_74 = arith.constant 0 : i32
    %dma_wait3A_75 = tpu.memref_slice %arg5[%dma_wait3A_73, %dma_wait3A_74] : memref<125x40xi32, #tpu.memory_space<vmem>> -> memref<1x40xi32, #tpu.memory_space<vmem>>
    %dma_wait3A_76 = tpu.memref_squeeze %dma_wait3A_75 : memref<1x40xi32, #tpu.memory_space<vmem>> -> memref<40xi32, #tpu.memory_space<vmem>>
    %dma_wait3A_77 = arith.constant 0 : i32
    %dma_wait3A_78 = arith.constant 0 : i32
    %dma_wait3A_79 = tpu.memref_slice %arg7[%dma_wait3A_77, %dma_wait3A_78] : memref<10000x128xf32, #tpu.memory_space<vmem_shared>> -> memref<10000x128xf32, #tpu.memory_space<vmem_shared>>
    tpu.wait_indirect_dma semaphore(%arg8 : memref<!tpu.dma_semaphore, #tpu.memory_space<semaphore_mem>>) src(%arg6 : memref<40x128xf32, #tpu.memory_space<vmem>>) dst(%dma_wait3A_79 : memref<10000x128xf32, #tpu.memory_space<vmem_shared>>)
    %dma_wait3A_80 = arith.constant 124 : i32
    %dma_wait3A_81 = arith.constant 0 : i32
    %dma_wait3A_82 = tpu.memref_slice %arg5[%dma_wait3A_80, %dma_wait3A_81] : memref<125x40xi32, #tpu.memory_space<vmem>> -> memref<1x40xi32, #tpu.memory_space<vmem>>
    %dma_wait3A_83 = tpu.memref_squeeze %dma_wait3A_82 : memref<1x40xi32, #tpu.memory_space<vmem>> -> memref<40xi32, #tpu.memory_space<vmem>>
    %dma_wait3A_84 = arith.constant 0 : i32
    %dma_wait3A_85 = arith.constant 0 : i32
    %dma_wait3A_86 = tpu.memref_slice %arg7[%dma_wait3A_84, %dma_wait3A_85] : memref<10000x128xf32, #tpu.memory_space<vmem_shared>> -> memref<10000x128xf32, #tpu.memory_space<vmem_shared>>
    tpu.wait_indirect_dma semaphore(%arg9 : memref<!tpu.dma_semaphore, #tpu.memory_space<semaphore_mem>>) src(%arg6 : memref<40x128xf32, #tpu.memory_space<vmem>>) dst(%dma_wait3A_86 : memref<10000x128xf32, #tpu.memory_space<vmem_shared>>)
    %barrier3A_87 = arith.constant 0 : index
    tpu.barrier barrier_id(%barrier3A_87)
    %scan3A_88 = arith.constant 0 : i32
    %scan3A_89 = arith.constant 3 : i32
    %scan3A_90 = arith.addi %scan3A_88, %scan3A_89 : i32
    %scan3A_91 = arith.constant 1 : i32
    scf.for %scan3A_98 = %scan3A_88 to %scan3A_90 step %scan3A_91  : i32 {
      %mul3A_99 = arith.constant 1 : i32
      %mul3A_100 = arith.muli %scan3A_98, %mul3A_99 : i32
      %add3A_101 = arith.constant 0 : i32
      %add3A_102 = arith.addi %add3A_101, %mul3A_100 : i32
      %mul3A_103 = arith.constant 208 : i32
      %mul3A_104 = arith.muli %add3A_102, %mul3A_103 : i32
      %add3A_105 = arith.addi %mul3A_0, %mul3A_104 : i32
      "tpu.region"() ({
        %run_scoped3A = tpu.sem_alloc : memref<!tpu.dma_semaphore, #tpu.memory_space<semaphore_mem>>
        %dma_start3A_106 = arith.constant 0 : i32
        %dma_start3A_107 = tpu.memref_slice %arg4[%arg0, %add3A_105, %dma_start3A_106] : memref<2x10000x128xf32, #tpu.memory_space<hbm>> -> memref<1x208x128xf32, #tpu.memory_space<hbm>>
        %dma_start3A_108 = tpu.memref_squeeze %dma_start3A_107 : memref<1x208x128xf32, #tpu.memory_space<hbm>> -> memref<208x128xf32, #tpu.memory_space<hbm>>
        %dma_start3A_109 = arith.constant 0 : i32
        %dma_start3A_110 = tpu.memref_slice %arg7[%add3A_105, %dma_start3A_109] : memref<10000x128xf32, #tpu.memory_space<vmem_shared>> -> memref<208x128xf32, #tpu.memory_space<vmem_shared>>
        tpu.enqueue_dma source(%dma_start3A_110 : memref<208x128xf32, #tpu.memory_space<vmem_shared>>) target(%dma_start3A_108 : memref<208x128xf32, #tpu.memory_space<hbm>>) target_semaphore(%run_scoped3A : memref<!tpu.dma_semaphore, #tpu.memory_space<semaphore_mem>>)
        %dma_wait3A_111 = arith.constant 0 : i32
        %dma_wait3A_112 = tpu.memref_slice %arg4[%arg0, %add3A_105, %dma_wait3A_111] : memref<2x10000x128xf32, #tpu.memory_space<hbm>> -> memref<1x208x128xf32, #tpu.memory_space<hbm>>
        %dma_wait3A_113 = tpu.memref_squeeze %dma_wait3A_112 : memref<1x208x128xf32, #tpu.memory_space<hbm>> -> memref<208x128xf32, #tpu.memory_space<hbm>>
        %dma_wait3A_114 = arith.constant 0 : i32
        %dma_wait3A_115 = tpu.memref_slice %arg7[%add3A_105, %dma_wait3A_114] : memref<10000x128xf32, #tpu.memory_space<vmem_shared>> -> memref<208x128xf32, #tpu.memory_space<vmem_shared>>
        tpu.wait_dma2 semaphore(%run_scoped3A : memref<!tpu.dma_semaphore, #tpu.memory_space<semaphore_mem>>) src(%dma_wait3A_115 : memref<208x128xf32, #tpu.memory_space<vmem_shared>>) dst(%dma_wait3A_113 : memref<208x128xf32, #tpu.memory_space<hbm>>)
        tpu.yield
      }) : () -> ()
    }
    %scan3A_92 = arith.constant 3 : i32
    %eq3A_93 = arith.constant 0 : i32
    %eq3A_94 = arith.cmpi eq, %arg1, %eq3A_93 : i32
    %convert_element_type3A_95 = arith.extui %eq3A_94 : i1 to i32
    %cond3A_96 = arith.constant 0 : i32
    %cond3A_97 = arith.cmpi ne, %convert_element_type3A_95, %cond3A_96 : i32
    scf.if %cond3A_97 {
      "tpu.region"() ({
        %run_scoped3A = tpu.sem_alloc : memref<!tpu.dma_semaphore, #tpu.memory_space<semaphore_mem>>
        %dma_start3A_98 = arith.constant 9984 : i32
        %dma_start3A_99 = arith.constant 0 : i32
        %dma_start3A_100 = tpu.memref_slice %arg4[%arg0, %dma_start3A_98, %dma_start3A_99] : memref<2x10000x128xf32, #tpu.memory_space<hbm>> -> memref<1x16x128xf32, #tpu.memory_space<hbm>>
        %dma_start3A_101 = tpu.memref_squeeze %dma_start3A_100 : memref<1x16x128xf32, #tpu.memory_space<hbm>> -> memref<16x128xf32, #tpu.memory_space<hbm>>
        %dma_start3A_102 = arith.constant 9984 : i32
        %dma_start3A_103 = arith.constant 0 : i32
        %dma_start3A_104 = tpu.memref_slice %arg7[%dma_start3A_102, %dma_start3A_103] : memref<10000x128xf32, #tpu.memory_space<vmem_shared>> -> memref<16x128xf32, #tpu.memory_space<vmem_shared>>
        tpu.enqueue_dma source(%dma_start3A_104 : memref<16x128xf32, #tpu.memory_space<vmem_shared>>) target(%dma_start3A_101 : memref<16x128xf32, #tpu.memory_space<hbm>>) target_semaphore(%run_scoped3A : memref<!tpu.dma_semaphore, #tpu.memory_space<semaphore_mem>>)
        %dma_wait3A_105 = arith.constant 9984 : i32
        %dma_wait3A_106 = arith.constant 0 : i32
        %dma_wait3A_107 = tpu.memref_slice %arg4[%arg0, %dma_wait3A_105, %dma_wait3A_106] : memref<2x10000x128xf32, #tpu.memory_space<hbm>> -> memref<1x16x128xf32, #tpu.memory_space<hbm>>
        %dma_wait3A_108 = tpu.memref_squeeze %dma_wait3A_107 : memref<1x16x128xf32, #tpu.memory_space<hbm>> -> memref<16x128xf32, #tpu.memory_space<hbm>>
        %dma_wait3A_109 = arith.constant 9984 : i32
        %dma_wait3A_110 = arith.constant 0 : i32
        %dma_wait3A_111 = tpu.memref_slice %arg7[%dma_wait3A_109, %dma_wait3A_110] : memref<10000x128xf32, #tpu.memory_space<vmem_shared>> -> memref<16x128xf32, #tpu.memory_space<vmem_shared>>
        tpu.wait_dma2 semaphore(%run_scoped3A : memref<!tpu.dma_semaphore, #tpu.memory_space<semaphore_mem>>) src(%dma_wait3A_111 : memref<16x128xf32, #tpu.memory_space<vmem_shared>>) dst(%dma_wait3A_108 : memref<16x128xf32, #tpu.memory_space<hbm>>)
        tpu.yield
      }) : () -> ()
    } else {
    }
    return
  }
}

#map = affine_map<(d0, d1) -> (0, 0)>
#map1 = affine_map<(d0, d1) -> (0, 0, 0)>
module attributes {stable_mosaic.version = 14 : i64} {
  func.func @_sc_agg_body(%arg0: i32, %arg1: i32, %arg2: memref<20000x128xf32, #tpu.memory_space<hbm>>, %arg3: memref<16x125x80xi32, #tpu.memory_space<hbm>>, %arg4: memref<16x125x80xi32, #tpu.memory_space<hbm>>, %arg5: memref<208x128xf32, #tpu.memory_space<hbm>>, %arg6: memref<2x10000x128xf32, #tpu.memory_space<hbm>>, %arg7: memref<64x80xi32, #tpu.memory_space<vmem>>, %arg8: memref<64x80xi32, #tpu.memory_space<vmem>>, %arg9: memref<80x128xf32, #tpu.memory_space<vmem>>, %arg10: memref<80x128xf32, #tpu.memory_space<vmem>>, %arg11: memref<80x128xf32, #tpu.memory_space<vmem>>, %arg12: memref<10000x128xf32, #tpu.memory_space<vmem_shared>>, %arg13: memref<!tpu.dma_semaphore, #tpu.memory_space<semaphore_mem>>, %arg14: memref<!tpu.dma_semaphore, #tpu.memory_space<semaphore_mem>>, %arg15: memref<!tpu.dma_semaphore, #tpu.memory_space<semaphore_mem>>, %arg16: memref<!tpu.dma_semaphore, #tpu.memory_space<semaphore_mem>>, %arg17: memref<!tpu.dma_semaphore, #tpu.memory_space<semaphore_mem>>, %arg18: memref<!tpu.dma_semaphore, #tpu.memory_space<semaphore_mem>>) attributes {dimension_semantics = [#tpu.dimension_semantics<core_parallel>, #tpu.dimension_semantics<subcore_parallel>], iteration_bounds = array<i64: 2, 16>, scalar_prefetch = 0 : i64, scratch_operands = 12 : i64, tpu.core_type = #tpu.core_type<sc_vector_subcore>, window_params = [{transform_indices = #map}, {transform_indices = #map1}, {transform_indices = #map1}, {transform_indices = #map}, {transform_indices = #map1}]} {
    %mul3A = arith.constant 624 : i32
    %mul3A_0 = arith.muli %arg1, %mul3A : i32
    %scan3A = arith.constant 0 : i32
    %scan3A_1 = arith.constant 3 : i32
    %scan3A_2 = arith.addi %scan3A, %scan3A_1 : i32
    %scan3A_3 = arith.constant 1 : i32
    scf.for %scan3A_260 = %scan3A to %scan3A_2 step %scan3A_3  : i32 {
      %mul3A_261 = arith.constant 1 : i32
      %mul3A_262 = arith.muli %scan3A_260, %mul3A_261 : i32
      %add3A = arith.constant 0 : i32
      %add3A_263 = arith.addi %add3A, %mul3A_262 : i32
      %mul3A_264 = arith.constant 208 : i32
      %mul3A_265 = arith.muli %add3A_263, %mul3A_264 : i32
      %add3A_266 = arith.addi %mul3A_0, %mul3A_265 : i32
      "tpu.region"() ({
        %run_scoped3A = tpu.sem_alloc : memref<!tpu.dma_semaphore, #tpu.memory_space<semaphore_mem>>
        %dma_start3A_267 = arith.constant 0 : i32
        %dma_start3A_268 = tpu.memref_slice %arg12[%add3A_266, %dma_start3A_267] : memref<10000x128xf32, #tpu.memory_space<vmem_shared>> -> memref<208x128xf32, #tpu.memory_space<vmem_shared>>
        tpu.enqueue_dma source(%arg5 : memref<208x128xf32, #tpu.memory_space<hbm>>) target(%dma_start3A_268 : memref<208x128xf32, #tpu.memory_space<vmem_shared>>) target_semaphore(%run_scoped3A : memref<!tpu.dma_semaphore, #tpu.memory_space<semaphore_mem>>)
        %dma_wait3A_269 = arith.constant 0 : i32
        %dma_wait3A_270 = tpu.memref_slice %arg12[%add3A_266, %dma_wait3A_269] : memref<10000x128xf32, #tpu.memory_space<vmem_shared>> -> memref<208x128xf32, #tpu.memory_space<vmem_shared>>
        tpu.wait_dma2 semaphore(%run_scoped3A : memref<!tpu.dma_semaphore, #tpu.memory_space<semaphore_mem>>) src(%arg5 : memref<208x128xf32, #tpu.memory_space<hbm>>) dst(%dma_wait3A_270 : memref<208x128xf32, #tpu.memory_space<vmem_shared>>)
        tpu.yield
      }) : () -> ()
    }
    %scan3A_4 = arith.constant 3 : i32
    %eq3A = arith.constant 0 : i32
    %eq3A_5 = arith.cmpi eq, %arg1, %eq3A : i32
    %convert_element_type3A = arith.extui %eq3A_5 : i1 to i32
    %cond3A = arith.constant 0 : i32
    %cond3A_6 = arith.cmpi ne, %convert_element_type3A, %cond3A : i32
    scf.if %cond3A_6 {
      "tpu.region"() ({
        %run_scoped3A = tpu.sem_alloc : memref<!tpu.dma_semaphore, #tpu.memory_space<semaphore_mem>>
        %dma_start3A_260 = arith.constant 9984 : i32
        %dma_start3A_261 = arith.constant 0 : i32
        %dma_start3A_262 = tpu.memref_slice %arg12[%dma_start3A_260, %dma_start3A_261] : memref<10000x128xf32, #tpu.memory_space<vmem_shared>> -> memref<16x128xf32, #tpu.memory_space<vmem_shared>>
        %dma_start3A_263 = arith.constant 0 : i32
        %dma_start3A_264 = arith.constant 0 : i32
        %dma_start3A_265 = tpu.memref_slice %arg5[%dma_start3A_263, %dma_start3A_264] : memref<208x128xf32, #tpu.memory_space<hbm>> -> memref<16x128xf32, #tpu.memory_space<hbm>>
        tpu.enqueue_dma source(%dma_start3A_265 : memref<16x128xf32, #tpu.memory_space<hbm>>) target(%dma_start3A_262 : memref<16x128xf32, #tpu.memory_space<vmem_shared>>) target_semaphore(%run_scoped3A : memref<!tpu.dma_semaphore, #tpu.memory_space<semaphore_mem>>)
        %dma_wait3A_266 = arith.constant 9984 : i32
        %dma_wait3A_267 = arith.constant 0 : i32
        %dma_wait3A_268 = tpu.memref_slice %arg12[%dma_wait3A_266, %dma_wait3A_267] : memref<10000x128xf32, #tpu.memory_space<vmem_shared>> -> memref<16x128xf32, #tpu.memory_space<vmem_shared>>
        %dma_wait3A_269 = arith.constant 0 : i32
        %dma_wait3A_270 = arith.constant 0 : i32
        %dma_wait3A_271 = tpu.memref_slice %arg5[%dma_wait3A_269, %dma_wait3A_270] : memref<208x128xf32, #tpu.memory_space<hbm>> -> memref<16x128xf32, #tpu.memory_space<hbm>>
        tpu.wait_dma2 semaphore(%run_scoped3A : memref<!tpu.dma_semaphore, #tpu.memory_space<semaphore_mem>>) src(%dma_wait3A_271 : memref<16x128xf32, #tpu.memory_space<hbm>>) dst(%dma_wait3A_268 : memref<16x128xf32, #tpu.memory_space<vmem_shared>>)
        tpu.yield
      }) : () -> ()
    } else {
    }
    %barrier3A = arith.constant 0 : index
    tpu.barrier barrier_id(%barrier3A)
    "tpu.region"() ({
      %run_scoped3A = tpu.sem_alloc : memref<!tpu.dma_semaphore, #tpu.memory_space<semaphore_mem>>
      %dma_start3A_260 = arith.constant 0 : i32
      %dma_start3A_261 = arith.constant 0 : i32
      %dma_start3A_262 = tpu.memref_slice %arg7[%dma_start3A_260, %dma_start3A_261] : memref<64x80xi32, #tpu.memory_space<vmem>> -> memref<64x80xi32, #tpu.memory_space<vmem>>
      %dma_start3A_263 = arith.constant 0 : i32
      %dma_start3A_264 = arith.constant 0 : i32
      %dma_start3A_265 = tpu.memref_slice %arg3[%arg1, %dma_start3A_263, %dma_start3A_264] : memref<16x125x80xi32, #tpu.memory_space<hbm>> -> memref<1x64x80xi32, #tpu.memory_space<hbm>>
      %dma_start3A_266 = tpu.memref_squeeze %dma_start3A_265 : memref<1x64x80xi32, #tpu.memory_space<hbm>> -> memref<64x80xi32, #tpu.memory_space<hbm>>
      %dma_start3A_267 = arith.constant 0 : i32
      %dma_start3A_268 = arith.constant 0 : i32
      %dma_start3A_269 = tpu.memref_slice %arg7[%dma_start3A_267, %dma_start3A_268] : memref<64x80xi32, #tpu.memory_space<vmem>> -> memref<64x80xi32, #tpu.memory_space<vmem>>
      %dma_start3A_270 = arith.constant 0 : i32
      %dma_start3A_271 = arith.constant 0 : i32
      %dma_start3A_272 = tpu.memref_slice %arg3[%arg1, %dma_start3A_270, %dma_start3A_271] : memref<16x125x80xi32, #tpu.memory_space<hbm>> -> memref<1x64x80xi32, #tpu.memory_space<hbm>>
      %dma_start3A_273 = tpu.memref_squeeze %dma_start3A_272 : memref<1x64x80xi32, #tpu.memory_space<hbm>> -> memref<64x80xi32, #tpu.memory_space<hbm>>
      tpu.enqueue_dma source(%dma_start3A_273 : memref<64x80xi32, #tpu.memory_space<hbm>>) target(%dma_start3A_269 : memref<64x80xi32, #tpu.memory_space<vmem>>) target_semaphore(%run_scoped3A : memref<!tpu.dma_semaphore, #tpu.memory_space<semaphore_mem>>)
      %dma_wait3A_274 = arith.constant 0 : i32
      %dma_wait3A_275 = arith.constant 0 : i32
      %dma_wait3A_276 = tpu.memref_slice %arg7[%dma_wait3A_274, %dma_wait3A_275] : memref<64x80xi32, #tpu.memory_space<vmem>> -> memref<64x80xi32, #tpu.memory_space<vmem>>
      %dma_wait3A_277 = arith.constant 0 : i32
      %dma_wait3A_278 = arith.constant 0 : i32
      %dma_wait3A_279 = tpu.memref_slice %arg3[%arg1, %dma_wait3A_277, %dma_wait3A_278] : memref<16x125x80xi32, #tpu.memory_space<hbm>> -> memref<1x64x80xi32, #tpu.memory_space<hbm>>
      %dma_wait3A_280 = tpu.memref_squeeze %dma_wait3A_279 : memref<1x64x80xi32, #tpu.memory_space<hbm>> -> memref<64x80xi32, #tpu.memory_space<hbm>>
      %dma_wait3A_281 = arith.constant 0 : i32
      %dma_wait3A_282 = arith.constant 0 : i32
      %dma_wait3A_283 = tpu.memref_slice %arg7[%dma_wait3A_281, %dma_wait3A_282] : memref<64x80xi32, #tpu.memory_space<vmem>> -> memref<64x80xi32, #tpu.memory_space<vmem>>
      %dma_wait3A_284 = arith.constant 0 : i32
      %dma_wait3A_285 = arith.constant 0 : i32
      %dma_wait3A_286 = tpu.memref_slice %arg3[%arg1, %dma_wait3A_284, %dma_wait3A_285] : memref<16x125x80xi32, #tpu.memory_space<hbm>> -> memref<1x64x80xi32, #tpu.memory_space<hbm>>
      %dma_wait3A_287 = tpu.memref_squeeze %dma_wait3A_286 : memref<1x64x80xi32, #tpu.memory_space<hbm>> -> memref<64x80xi32, #tpu.memory_space<hbm>>
      tpu.wait_dma2 semaphore(%run_scoped3A : memref<!tpu.dma_semaphore, #tpu.memory_space<semaphore_mem>>) src(%dma_wait3A_287 : memref<64x80xi32, #tpu.memory_space<hbm>>) dst(%dma_wait3A_283 : memref<64x80xi32, #tpu.memory_space<vmem>>)
      tpu.yield
    }) : () -> ()
    "tpu.region"() ({
      %run_scoped3A = tpu.sem_alloc : memref<!tpu.dma_semaphore, #tpu.memory_space<semaphore_mem>>
      %dma_start3A_260 = arith.constant 0 : i32
      %dma_start3A_261 = arith.constant 0 : i32
      %dma_start3A_262 = tpu.memref_slice %arg8[%dma_start3A_260, %dma_start3A_261] : memref<64x80xi32, #tpu.memory_space<vmem>> -> memref<64x80xi32, #tpu.memory_space<vmem>>
      %dma_start3A_263 = arith.constant 0 : i32
      %dma_start3A_264 = arith.constant 0 : i32
      %dma_start3A_265 = tpu.memref_slice %arg4[%arg1, %dma_start3A_263, %dma_start3A_264] : memref<16x125x80xi32, #tpu.memory_space<hbm>> -> memref<1x64x80xi32, #tpu.memory_space<hbm>>
      %dma_start3A_266 = tpu.memref_squeeze %dma_start3A_265 : memref<1x64x80xi32, #tpu.memory_space<hbm>> -> memref<64x80xi32, #tpu.memory_space<hbm>>
      %dma_start3A_267 = arith.constant 0 : i32
      %dma_start3A_268 = arith.constant 0 : i32
      %dma_start3A_269 = tpu.memref_slice %arg8[%dma_start3A_267, %dma_start3A_268] : memref<64x80xi32, #tpu.memory_space<vmem>> -> memref<64x80xi32, #tpu.memory_space<vmem>>
      %dma_start3A_270 = arith.constant 0 : i32
      %dma_start3A_271 = arith.constant 0 : i32
      %dma_start3A_272 = tpu.memref_slice %arg4[%arg1, %dma_start3A_270, %dma_start3A_271] : memref<16x125x80xi32, #tpu.memory_space<hbm>> -> memref<1x64x80xi32, #tpu.memory_space<hbm>>
      %dma_start3A_273 = tpu.memref_squeeze %dma_start3A_272 : memref<1x64x80xi32, #tpu.memory_space<hbm>> -> memref<64x80xi32, #tpu.memory_space<hbm>>
      tpu.enqueue_dma source(%dma_start3A_273 : memref<64x80xi32, #tpu.memory_space<hbm>>) target(%dma_start3A_269 : memref<64x80xi32, #tpu.memory_space<vmem>>) target_semaphore(%run_scoped3A : memref<!tpu.dma_semaphore, #tpu.memory_space<semaphore_mem>>)
      %dma_wait3A_274 = arith.constant 0 : i32
      %dma_wait3A_275 = arith.constant 0 : i32
      %dma_wait3A_276 = tpu.memref_slice %arg8[%dma_wait3A_274, %dma_wait3A_275] : memref<64x80xi32, #tpu.memory_space<vmem>> -> memref<64x80xi32, #tpu.memory_space<vmem>>
      %dma_wait3A_277 = arith.constant 0 : i32
      %dma_wait3A_278 = arith.constant 0 : i32
      %dma_wait3A_279 = tpu.memref_slice %arg4[%arg1, %dma_wait3A_277, %dma_wait3A_278] : memref<16x125x80xi32, #tpu.memory_space<hbm>> -> memref<1x64x80xi32, #tpu.memory_space<hbm>>
      %dma_wait3A_280 = tpu.memref_squeeze %dma_wait3A_279 : memref<1x64x80xi32, #tpu.memory_space<hbm>> -> memref<64x80xi32, #tpu.memory_space<hbm>>
      %dma_wait3A_281 = arith.constant 0 : i32
      %dma_wait3A_282 = arith.constant 0 : i32
      %dma_wait3A_283 = tpu.memref_slice %arg8[%dma_wait3A_281, %dma_wait3A_282] : memref<64x80xi32, #tpu.memory_space<vmem>> -> memref<64x80xi32, #tpu.memory_space<vmem>>
      %dma_wait3A_284 = arith.constant 0 : i32
      %dma_wait3A_285 = arith.constant 0 : i32
      %dma_wait3A_286 = tpu.memref_slice %arg4[%arg1, %dma_wait3A_284, %dma_wait3A_285] : memref<16x125x80xi32, #tpu.memory_space<hbm>> -> memref<1x64x80xi32, #tpu.memory_space<hbm>>
      %dma_wait3A_287 = tpu.memref_squeeze %dma_wait3A_286 : memref<1x64x80xi32, #tpu.memory_space<hbm>> -> memref<64x80xi32, #tpu.memory_space<hbm>>
      tpu.wait_dma2 semaphore(%run_scoped3A : memref<!tpu.dma_semaphore, #tpu.memory_space<semaphore_mem>>) src(%dma_wait3A_287 : memref<64x80xi32, #tpu.memory_space<hbm>>) dst(%dma_wait3A_283 : memref<64x80xi32, #tpu.memory_space<vmem>>)
      tpu.yield
    }) : () -> ()
    %scan3A_7 = arith.constant 0 : i32
    %scan3A_8 = arith.constant 64 : i32
    %scan3A_9 = arith.addi %scan3A_7, %scan3A_8 : i32
    %scan3A_10 = arith.constant 1 : i32
    scf.for %scan3A_260 = %scan3A_7 to %scan3A_9 step %scan3A_10  : i32 {
      %mul3A_261 = arith.constant 1 : i32
      %mul3A_262 = arith.muli %scan3A_260, %mul3A_261 : i32
      %add3A = arith.constant 0 : i32
      %add3A_263 = arith.addi %add3A, %mul3A_262 : i32
      %get3A = arith.index_cast %add3A_263 : i32 to index
      %get3A_264 = arith.constant 0 : index
      %get3A_265 = tpu.vector_load %arg7[%get3A, %get3A_264] {strides = array<i32>} : memref<64x80xi32, #tpu.memory_space<vmem>>, vector<1x16xi32>,
      %get3A_266 = vector.shape_cast %get3A_265 : vector<1x16xi32> to vector<16xi32>
      %mul3A_267 = arith.constant 2 : i32
      %mul3A_268 = vector.broadcast %mul3A_267 : i32 to vector<16xi32>
      %mul3A_269 = arith.muli %get3A_266, %mul3A_268 : vector<16xi32>
      %add3A_270 = vector.broadcast %arg0 : i32 to vector<16xi32>
      %add3A_271 = arith.addi %mul3A_269, %add3A_270 : vector<16xi32>
      %swap3A = arith.index_cast %add3A_263 : i32 to index
      %swap3A_272 = arith.constant 0 : index
      %swap3A_273 = tpu.vector_load %arg7[%swap3A, %swap3A_272] {strides = array<i32>} : memref<64x80xi32, #tpu.memory_space<vmem>>, vector<1x16xi32>,
      %swap3A_274 = vector.shape_cast %swap3A_273 : vector<1x16xi32> to vector<16xi32>
      %swap3A_275 = vector.shape_cast %add3A_271 : vector<16xi32> to vector<1x16xi32>
      tpu.vector_store %arg7[%swap3A, %swap3A_272], %swap3A_275 {strides = array<i32>} : memref<64x80xi32, #tpu.memory_space<vmem>>, vector<1x16xi32>,
      %get3A_276 = arith.index_cast %add3A_263 : i32 to index
      %get3A_277 = arith.constant 16 : index
      %get3A_278 = tpu.vector_load %arg7[%get3A_276, %get3A_277] {strides = array<i32>} : memref<64x80xi32, #tpu.memory_space<vmem>>, vector<1x16xi32>,
      %get3A_279 = vector.shape_cast %get3A_278 : vector<1x16xi32> to vector<16xi32>
      %mul3A_280 = arith.constant 2 : i32
      %mul3A_281 = vector.broadcast %mul3A_280 : i32 to vector<16xi32>
      %mul3A_282 = arith.muli %get3A_279, %mul3A_281 : vector<16xi32>
      %add3A_283 = vector.broadcast %arg0 : i32 to vector<16xi32>
      %add3A_284 = arith.addi %mul3A_282, %add3A_283 : vector<16xi32>
      %swap3A_285 = arith.index_cast %add3A_263 : i32 to index
      %swap3A_286 = arith.constant 16 : index
      %swap3A_287 = tpu.vector_load %arg7[%swap3A_285, %swap3A_286] {strides = array<i32>} : memref<64x80xi32, #tpu.memory_space<vmem>>, vector<1x16xi32>,
      %swap3A_288 = vector.shape_cast %swap3A_287 : vector<1x16xi32> to vector<16xi32>
      %swap3A_289 = vector.shape_cast %add3A_284 : vector<16xi32> to vector<1x16xi32>
      tpu.vector_store %arg7[%swap3A_285, %swap3A_286], %swap3A_289 {strides = array<i32>} : memref<64x80xi32, #tpu.memory_space<vmem>>, vector<1x16xi32>,
      %get3A_290 = arith.index_cast %add3A_263 : i32 to index
      %get3A_291 = arith.constant 32 : index
      %get3A_292 = tpu.vector_load %arg7[%get3A_290, %get3A_291] {strides = array<i32>} : memref<64x80xi32, #tpu.memory_space<vmem>>, vector<1x16xi32>,
      %get3A_293 = vector.shape_cast %get3A_292 : vector<1x16xi32> to vector<16xi32>
      %mul3A_294 = arith.constant 2 : i32
      %mul3A_295 = vector.broadcast %mul3A_294 : i32 to vector<16xi32>
      %mul3A_296 = arith.muli %get3A_293, %mul3A_295 : vector<16xi32>
      %add3A_297 = vector.broadcast %arg0 : i32 to vector<16xi32>
      %add3A_298 = arith.addi %mul3A_296, %add3A_297 : vector<16xi32>
      %swap3A_299 = arith.index_cast %add3A_263 : i32 to index
      %swap3A_300 = arith.constant 32 : index
      %swap3A_301 = tpu.vector_load %arg7[%swap3A_299, %swap3A_300] {strides = array<i32>} : memref<64x80xi32, #tpu.memory_space<vmem>>, vector<1x16xi32>,
      %swap3A_302 = vector.shape_cast %swap3A_301 : vector<1x16xi32> to vector<16xi32>
      %swap3A_303 = vector.shape_cast %add3A_298 : vector<16xi32> to vector<1x16xi32>
      tpu.vector_store %arg7[%swap3A_299, %swap3A_300], %swap3A_303 {strides = array<i32>} : memref<64x80xi32, #tpu.memory_space<vmem>>, vector<1x16xi32>,
      %get3A_304 = arith.index_cast %add3A_263 : i32 to index
      %get3A_305 = arith.constant 48 : index
      %get3A_306 = tpu.vector_load %arg7[%get3A_304, %get3A_305] {strides = array<i32>} : memref<64x80xi32, #tpu.memory_space<vmem>>, vector<1x16xi32>,
      %get3A_307 = vector.shape_cast %get3A_306 : vector<1x16xi32> to vector<16xi32>
      %mul3A_308 = arith.constant 2 : i32
      %mul3A_309 = vector.broadcast %mul3A_308 : i32 to vector<16xi32>
      %mul3A_310 = arith.muli %get3A_307, %mul3A_309 : vector<16xi32>
      %add3A_311 = vector.broadcast %arg0 : i32 to vector<16xi32>
      %add3A_312 = arith.addi %mul3A_310, %add3A_311 : vector<16xi32>
      %swap3A_313 = arith.index_cast %add3A_263 : i32 to index
      %swap3A_314 = arith.constant 48 : index
      %swap3A_315 = tpu.vector_load %arg7[%swap3A_313, %swap3A_314] {strides = array<i32>} : memref<64x80xi32, #tpu.memory_space<vmem>>, vector<1x16xi32>,
      %swap3A_316 = vector.shape_cast %swap3A_315 : vector<1x16xi32> to vector<16xi32>
      %swap3A_317 = vector.shape_cast %add3A_312 : vector<16xi32> to vector<1x16xi32>
      tpu.vector_store %arg7[%swap3A_313, %swap3A_314], %swap3A_317 {strides = array<i32>} : memref<64x80xi32, #tpu.memory_space<vmem>>, vector<1x16xi32>,
      %get3A_318 = arith.index_cast %add3A_263 : i32 to index
      %get3A_319 = arith.constant 64 : index
      %get3A_320 = tpu.vector_load %arg7[%get3A_318, %get3A_319] {strides = array<i32>} : memref<64x80xi32, #tpu.memory_space<vmem>>, vector<1x16xi32>,
      %get3A_321 = vector.shape_cast %get3A_320 : vector<1x16xi32> to vector<16xi32>
      %mul3A_322 = arith.constant 2 : i32
      %mul3A_323 = vector.broadcast %mul3A_322 : i32 to vector<16xi32>
      %mul3A_324 = arith.muli %get3A_321, %mul3A_323 : vector<16xi32>
      %add3A_325 = vector.broadcast %arg0 : i32 to vector<16xi32>
      %add3A_326 = arith.addi %mul3A_324, %add3A_325 : vector<16xi32>
      %swap3A_327 = arith.index_cast %add3A_263 : i32 to index
      %swap3A_328 = arith.constant 64 : index
      %swap3A_329 = tpu.vector_load %arg7[%swap3A_327, %swap3A_328] {strides = array<i32>} : memref<64x80xi32, #tpu.memory_space<vmem>>, vector<1x16xi32>,
      %swap3A_330 = vector.shape_cast %swap3A_329 : vector<1x16xi32> to vector<16xi32>
      %swap3A_331 = vector.shape_cast %add3A_326 : vector<16xi32> to vector<1x16xi32>
      tpu.vector_store %arg7[%swap3A_327, %swap3A_328], %swap3A_331 {strides = array<i32>} : memref<64x80xi32, #tpu.memory_space<vmem>>, vector<1x16xi32>,
    }
    %scan3A_11 = arith.constant 64 : i32
    %dma_start3A = arith.constant 0 : i32
    %dma_start3A_12 = arith.constant 0 : i32
    %dma_start3A_13 = tpu.memref_slice %arg7[%dma_start3A, %dma_start3A_12] : memref<64x80xi32, #tpu.memory_space<vmem>> -> memref<1x80xi32, #tpu.memory_space<vmem>>
    %dma_start3A_14 = tpu.memref_squeeze %dma_start3A_13 : memref<1x80xi32, #tpu.memory_space<vmem>> -> memref<80xi32, #tpu.memory_space<vmem>>
    %dma_start3A_15 = arith.constant 0 : i32
    %dma_start3A_16 = arith.constant 0 : i32
    %dma_start3A_17 = tpu.memref_slice %arg2[%dma_start3A_15, %dma_start3A_16] : memref<20000x128xf32, #tpu.memory_space<hbm>> -> memref<20000x128xf32, #tpu.memory_space<hbm>>
    tpu.enqueue_indirect_dma source(%dma_start3A_17 : memref<20000x128xf32, #tpu.memory_space<hbm>>) target(%arg9 : memref<80x128xf32, #tpu.memory_space<vmem>>) offsets(%dma_start3A_14 : memref<80xi32, #tpu.memory_space<vmem>>) semaphore(%arg13 : memref<!tpu.dma_semaphore, #tpu.memory_space<semaphore_mem>>)
    %dma_start3A_18 = arith.constant 1 : i32
    %dma_start3A_19 = arith.constant 0 : i32
    %dma_start3A_20 = tpu.memref_slice %arg7[%dma_start3A_18, %dma_start3A_19] : memref<64x80xi32, #tpu.memory_space<vmem>> -> memref<1x80xi32, #tpu.memory_space<vmem>>
    %dma_start3A_21 = tpu.memref_squeeze %dma_start3A_20 : memref<1x80xi32, #tpu.memory_space<vmem>> -> memref<80xi32, #tpu.memory_space<vmem>>
    %dma_start3A_22 = arith.constant 0 : i32
    %dma_start3A_23 = arith.constant 0 : i32
    %dma_start3A_24 = tpu.memref_slice %arg2[%dma_start3A_22, %dma_start3A_23] : memref<20000x128xf32, #tpu.memory_space<hbm>> -> memref<20000x128xf32, #tpu.memory_space<hbm>>
    tpu.enqueue_indirect_dma source(%dma_start3A_24 : memref<20000x128xf32, #tpu.memory_space<hbm>>) target(%arg10 : memref<80x128xf32, #tpu.memory_space<vmem>>) offsets(%dma_start3A_21 : memref<80xi32, #tpu.memory_space<vmem>>) semaphore(%arg14 : memref<!tpu.dma_semaphore, #tpu.memory_space<semaphore_mem>>)
    %dma_wait3A = arith.constant 0 : i32
    %dma_wait3A_25 = arith.constant 0 : i32
    %dma_wait3A_26 = tpu.memref_slice %arg7[%dma_wait3A, %dma_wait3A_25] : memref<64x80xi32, #tpu.memory_space<vmem>> -> memref<1x80xi32, #tpu.memory_space<vmem>>
    %dma_wait3A_27 = tpu.memref_squeeze %dma_wait3A_26 : memref<1x80xi32, #tpu.memory_space<vmem>> -> memref<80xi32, #tpu.memory_space<vmem>>
    %dma_wait3A_28 = arith.constant 0 : i32
    %dma_wait3A_29 = arith.constant 0 : i32
    %dma_wait3A_30 = tpu.memref_slice %arg2[%dma_wait3A_28, %dma_wait3A_29] : memref<20000x128xf32, #tpu.memory_space<hbm>> -> memref<20000x128xf32, #tpu.memory_space<hbm>>
    tpu.wait_indirect_dma semaphore(%arg13 : memref<!tpu.dma_semaphore, #tpu.memory_space<semaphore_mem>>) src(%dma_wait3A_30 : memref<20000x128xf32, #tpu.memory_space<hbm>>) dst(%arg9 : memref<80x128xf32, #tpu.memory_space<vmem>>)
    %dma_start3A_31 = arith.constant 0 : i32
    %dma_start3A_32 = arith.constant 0 : i32
    %dma_start3A_33 = tpu.memref_slice %arg8[%dma_start3A_31, %dma_start3A_32] : memref<64x80xi32, #tpu.memory_space<vmem>> -> memref<1x80xi32, #tpu.memory_space<vmem>>
    %dma_start3A_34 = tpu.memref_squeeze %dma_start3A_33 : memref<1x80xi32, #tpu.memory_space<vmem>> -> memref<80xi32, #tpu.memory_space<vmem>>
    %dma_start3A_35 = arith.constant 0 : i32
    %dma_start3A_36 = arith.constant 0 : i32
    %dma_start3A_37 = tpu.memref_slice %arg12[%dma_start3A_35, %dma_start3A_36] : memref<10000x128xf32, #tpu.memory_space<vmem_shared>> -> memref<10000x128xf32, #tpu.memory_space<vmem_shared>>
    tpu.enqueue_indirect_dma source(%arg9 : memref<80x128xf32, #tpu.memory_space<vmem>>) target(%dma_start3A_37 : memref<10000x128xf32, #tpu.memory_space<vmem_shared>>) offsets(%dma_start3A_34 : memref<80xi32, #tpu.memory_space<vmem>>) semaphore(%arg16 : memref<!tpu.dma_semaphore, #tpu.memory_space<semaphore_mem>>) {add = true}
    %dma_start3A_38 = arith.constant 2 : i32
    %dma_start3A_39 = arith.constant 0 : i32
    %dma_start3A_40 = tpu.memref_slice %arg7[%dma_start3A_38, %dma_start3A_39] : memref<64x80xi32, #tpu.memory_space<vmem>> -> memref<1x80xi32, #tpu.memory_space<vmem>>
    %dma_start3A_41 = tpu.memref_squeeze %dma_start3A_40 : memref<1x80xi32, #tpu.memory_space<vmem>> -> memref<80xi32, #tpu.memory_space<vmem>>
    %dma_start3A_42 = arith.constant 0 : i32
    %dma_start3A_43 = arith.constant 0 : i32
    %dma_start3A_44 = tpu.memref_slice %arg2[%dma_start3A_42, %dma_start3A_43] : memref<20000x128xf32, #tpu.memory_space<hbm>> -> memref<20000x128xf32, #tpu.memory_space<hbm>>
    tpu.enqueue_indirect_dma source(%dma_start3A_44 : memref<20000x128xf32, #tpu.memory_space<hbm>>) target(%arg11 : memref<80x128xf32, #tpu.memory_space<vmem>>) offsets(%dma_start3A_41 : memref<80xi32, #tpu.memory_space<vmem>>) semaphore(%arg15 : memref<!tpu.dma_semaphore, #tpu.memory_space<semaphore_mem>>)
    %scan3A_45 = arith.constant 0 : i32
    %scan3A_46 = arith.constant 20 : i32
    %scan3A_47 = arith.addi %scan3A_45, %scan3A_46 : i32
    %scan3A_48 = arith.constant 1 : i32
    scf.for %scan3A_260 = %scan3A_45 to %scan3A_47 step %scan3A_48  : i32 {
      %mul3A_261 = arith.constant 1 : i32
      %mul3A_262 = arith.muli %scan3A_260, %mul3A_261 : i32
      %add3A = arith.constant 0 : i32
      %add3A_263 = arith.addi %add3A, %mul3A_262 : i32
      %mul3A_264 = arith.constant 3 : i32
      %mul3A_265 = arith.muli %mul3A_264, %add3A_263 : i32
      %add3A_266 = arith.constant 1 : i32
      %add3A_267 = arith.addi %mul3A_265, %add3A_266 : i32
      %add3A_268 = arith.constant 0 : i32
      %add3A_269 = arith.addi %add3A_267, %add3A_268 : i32
      %dma_wait3A_270 = arith.constant 0 : i32
      %dma_wait3A_271 = tpu.memref_slice %arg7[%add3A_269, %dma_wait3A_270] : memref<64x80xi32, #tpu.memory_space<vmem>> -> memref<1x80xi32, #tpu.memory_space<vmem>>
      %dma_wait3A_272 = tpu.memref_squeeze %dma_wait3A_271 : memref<1x80xi32, #tpu.memory_space<vmem>> -> memref<80xi32, #tpu.memory_space<vmem>>
      %dma_wait3A_273 = arith.constant 0 : i32
      %dma_wait3A_274 = arith.constant 0 : i32
      %dma_wait3A_275 = tpu.memref_slice %arg2[%dma_wait3A_273, %dma_wait3A_274] : memref<20000x128xf32, #tpu.memory_space<hbm>> -> memref<20000x128xf32, #tpu.memory_space<hbm>>
      tpu.wait_indirect_dma semaphore(%arg14 : memref<!tpu.dma_semaphore, #tpu.memory_space<semaphore_mem>>) src(%dma_wait3A_275 : memref<20000x128xf32, #tpu.memory_space<hbm>>) dst(%arg10 : memref<80x128xf32, #tpu.memory_space<vmem>>)
      %dma_start3A_276 = arith.constant 0 : i32
      %dma_start3A_277 = tpu.memref_slice %arg8[%add3A_269, %dma_start3A_276] : memref<64x80xi32, #tpu.memory_space<vmem>> -> memref<1x80xi32, #tpu.memory_space<vmem>>
      %dma_start3A_278 = tpu.memref_squeeze %dma_start3A_277 : memref<1x80xi32, #tpu.memory_space<vmem>> -> memref<80xi32, #tpu.memory_space<vmem>>
      %dma_start3A_279 = arith.constant 0 : i32
      %dma_start3A_280 = arith.constant 0 : i32
      %dma_start3A_281 = tpu.memref_slice %arg12[%dma_start3A_279, %dma_start3A_280] : memref<10000x128xf32, #tpu.memory_space<vmem_shared>> -> memref<10000x128xf32, #tpu.memory_space<vmem_shared>>
      tpu.enqueue_indirect_dma source(%arg10 : memref<80x128xf32, #tpu.memory_space<vmem>>) target(%dma_start3A_281 : memref<10000x128xf32, #tpu.memory_space<vmem_shared>>) offsets(%dma_start3A_278 : memref<80xi32, #tpu.memory_space<vmem>>) semaphore(%arg17 : memref<!tpu.dma_semaphore, #tpu.memory_space<semaphore_mem>>) {add = true}
      %sub3A = arith.constant 1 : i32
      %sub3A_282 = arith.subi %add3A_269, %sub3A : i32
      %dma_wait3A_283 = arith.constant 0 : i32
      %dma_wait3A_284 = tpu.memref_slice %arg8[%sub3A_282, %dma_wait3A_283] : memref<64x80xi32, #tpu.memory_space<vmem>> -> memref<1x80xi32, #tpu.memory_space<vmem>>
      %dma_wait3A_285 = tpu.memref_squeeze %dma_wait3A_284 : memref<1x80xi32, #tpu.memory_space<vmem>> -> memref<80xi32, #tpu.memory_space<vmem>>
      %dma_wait3A_286 = arith.constant 0 : i32
      %dma_wait3A_287 = arith.constant 0 : i32
      %dma_wait3A_288 = tpu.memref_slice %arg12[%dma_wait3A_286, %dma_wait3A_287] : memref<10000x128xf32, #tpu.memory_space<vmem_shared>> -> memref<10000x128xf32, #tpu.memory_space<vmem_shared>>
      tpu.wait_indirect_dma semaphore(%arg16 : memref<!tpu.dma_semaphore, #tpu.memory_space<semaphore_mem>>) src(%arg9 : memref<80x128xf32, #tpu.memory_space<vmem>>) dst(%dma_wait3A_288 : memref<10000x128xf32, #tpu.memory_space<vmem_shared>>)
      %add3A_289 = arith.constant 2 : i32
      %add3A_290 = arith.addi %add3A_269, %add3A_289 : i32
      %dma_start3A_291 = arith.constant 0 : i32
      %dma_start3A_292 = tpu.memref_slice %arg7[%add3A_290, %dma_start3A_291] : memref<64x80xi32, #tpu.memory_space<vmem>> -> memref<1x80xi32, #tpu.memory_space<vmem>>
      %dma_start3A_293 = tpu.memref_squeeze %dma_start3A_292 : memref<1x80xi32, #tpu.memory_space<vmem>> -> memref<80xi32, #tpu.memory_space<vmem>>
      %dma_start3A_294 = arith.constant 0 : i32
      %dma_start3A_295 = arith.constant 0 : i32
      %dma_start3A_296 = tpu.memref_slice %arg2[%dma_start3A_294, %dma_start3A_295] : memref<20000x128xf32, #tpu.memory_space<hbm>> -> memref<20000x128xf32, #tpu.memory_space<hbm>>
      tpu.enqueue_indirect_dma source(%dma_start3A_296 : memref<20000x128xf32, #tpu.memory_space<hbm>>) target(%arg9 : memref<80x128xf32, #tpu.memory_space<vmem>>) offsets(%dma_start3A_293 : memref<80xi32, #tpu.memory_space<vmem>>) semaphore(%arg13 : memref<!tpu.dma_semaphore, #tpu.memory_space<semaphore_mem>>)
      %add3A_297 = arith.constant 1 : i32
      %add3A_298 = arith.addi %add3A_267, %add3A_297 : i32
      %dma_wait3A_299 = arith.constant 0 : i32
      %dma_wait3A_300 = tpu.memref_slice %arg7[%add3A_298, %dma_wait3A_299] : memref<64x80xi32, #tpu.memory_space<vmem>> -> memref<1x80xi32, #tpu.memory_space<vmem>>
      %dma_wait3A_301 = tpu.memref_squeeze %dma_wait3A_300 : memref<1x80xi32, #tpu.memory_space<vmem>> -> memref<80xi32, #tpu.memory_space<vmem>>
      %dma_wait3A_302 = arith.constant 0 : i32
      %dma_wait3A_303 = arith.constant 0 : i32
      %dma_wait3A_304 = tpu.memref_slice %arg2[%dma_wait3A_302, %dma_wait3A_303] : memref<20000x128xf32, #tpu.memory_space<hbm>> -> memref<20000x128xf32, #tpu.memory_space<hbm>>
      tpu.wait_indirect_dma semaphore(%arg15 : memref<!tpu.dma_semaphore, #tpu.memory_space<semaphore_mem>>) src(%dma_wait3A_304 : memref<20000x128xf32, #tpu.memory_space<hbm>>) dst(%arg11 : memref<80x128xf32, #tpu.memory_space<vmem>>)
      %dma_start3A_305 = arith.constant 0 : i32
      %dma_start3A_306 = tpu.memref_slice %arg8[%add3A_298, %dma_start3A_305] : memref<64x80xi32, #tpu.memory_space<vmem>> -> memref<1x80xi32, #tpu.memory_space<vmem>>
      %dma_start3A_307 = tpu.memref_squeeze %dma_start3A_306 : memref<1x80xi32, #tpu.memory_space<vmem>> -> memref<80xi32, #tpu.memory_space<vmem>>
      %dma_start3A_308 = arith.constant 0 : i32
      %dma_start3A_309 = arith.constant 0 : i32
      %dma_start3A_310 = tpu.memref_slice %arg12[%dma_start3A_308, %dma_start3A_309] : memref<10000x128xf32, #tpu.memory_space<vmem_shared>> -> memref<10000x128xf32, #tpu.memory_space<vmem_shared>>
      tpu.enqueue_indirect_dma source(%arg11 : memref<80x128xf32, #tpu.memory_space<vmem>>) target(%dma_start3A_310 : memref<10000x128xf32, #tpu.memory_space<vmem_shared>>) offsets(%dma_start3A_307 : memref<80xi32, #tpu.memory_space<vmem>>) semaphore(%arg18 : memref<!tpu.dma_semaphore, #tpu.memory_space<semaphore_mem>>) {add = true}
      %sub3A_311 = arith.constant 1 : i32
      %sub3A_312 = arith.subi %add3A_298, %sub3A_311 : i32
      %dma_wait3A_313 = arith.constant 0 : i32
      %dma_wait3A_314 = tpu.memref_slice %arg8[%sub3A_312, %dma_wait3A_313] : memref<64x80xi32, #tpu.memory_space<vmem>> -> memref<1x80xi32, #tpu.memory_space<vmem>>
      %dma_wait3A_315 = tpu.memref_squeeze %dma_wait3A_314 : memref<1x80xi32, #tpu.memory_space<vmem>> -> memref<80xi32, #tpu.memory_space<vmem>>
      %dma_wait3A_316 = arith.constant 0 : i32
      %dma_wait3A_317 = arith.constant 0 : i32
      %dma_wait3A_318 = tpu.memref_slice %arg12[%dma_wait3A_316, %dma_wait3A_317] : memref<10000x128xf32, #tpu.memory_space<vmem_shared>> -> memref<10000x128xf32, #tpu.memory_space<vmem_shared>>
      tpu.wait_indirect_dma semaphore(%arg17 : memref<!tpu.dma_semaphore, #tpu.memory_space<semaphore_mem>>) src(%arg10 : memref<80x128xf32, #tpu.memory_space<vmem>>) dst(%dma_wait3A_318 : memref<10000x128xf32, #tpu.memory_space<vmem_shared>>)
      %add3A_319 = arith.constant 2 : i32
      %add3A_320 = arith.addi %add3A_298, %add3A_319 : i32
      %dma_start3A_321 = arith.constant 0 : i32
      %dma_start3A_322 = tpu.memref_slice %arg7[%add3A_320, %dma_start3A_321] : memref<64x80xi32, #tpu.memory_space<vmem>> -> memref<1x80xi32, #tpu.memory_space<vmem>>
      %dma_start3A_323 = tpu.memref_squeeze %dma_start3A_322 : memref<1x80xi32, #tpu.memory_space<vmem>> -> memref<80xi32, #tpu.memory_space<vmem>>
      %dma_start3A_324 = arith.constant 0 : i32
      %dma_start3A_325 = arith.constant 0 : i32
      %dma_start3A_326 = tpu.memref_slice %arg2[%dma_start3A_324, %dma_start3A_325] : memref<20000x128xf32, #tpu.memory_space<hbm>> -> memref<20000x128xf32, #tpu.memory_space<hbm>>
      tpu.enqueue_indirect_dma source(%dma_start3A_326 : memref<20000x128xf32, #tpu.memory_space<hbm>>) target(%arg10 : memref<80x128xf32, #tpu.memory_space<vmem>>) offsets(%dma_start3A_323 : memref<80xi32, #tpu.memory_space<vmem>>) semaphore(%arg14 : memref<!tpu.dma_semaphore, #tpu.memory_space<semaphore_mem>>)
      %add3A_327 = arith.constant 2 : i32
      %add3A_328 = arith.addi %add3A_267, %add3A_327 : i32
      %dma_wait3A_329 = arith.constant 0 : i32
      %dma_wait3A_330 = tpu.memref_slice %arg7[%add3A_328, %dma_wait3A_329] : memref<64x80xi32, #tpu.memory_space<vmem>> -> memref<1x80xi32, #tpu.memory_space<vmem>>
      %dma_wait3A_331 = tpu.memref_squeeze %dma_wait3A_330 : memref<1x80xi32, #tpu.memory_space<vmem>> -> memref<80xi32, #tpu.memory_space<vmem>>
      %dma_wait3A_332 = arith.constant 0 : i32
      %dma_wait3A_333 = arith.constant 0 : i32
      %dma_wait3A_334 = tpu.memref_slice %arg2[%dma_wait3A_332, %dma_wait3A_333] : memref<20000x128xf32, #tpu.memory_space<hbm>> -> memref<20000x128xf32, #tpu.memory_space<hbm>>
      tpu.wait_indirect_dma semaphore(%arg13 : memref<!tpu.dma_semaphore, #tpu.memory_space<semaphore_mem>>) src(%dma_wait3A_334 : memref<20000x128xf32, #tpu.memory_space<hbm>>) dst(%arg9 : memref<80x128xf32, #tpu.memory_space<vmem>>)
      %dma_start3A_335 = arith.constant 0 : i32
      %dma_start3A_336 = tpu.memref_slice %arg8[%add3A_328, %dma_start3A_335] : memref<64x80xi32, #tpu.memory_space<vmem>> -> memref<1x80xi32, #tpu.memory_space<vmem>>
      %dma_start3A_337 = tpu.memref_squeeze %dma_start3A_336 : memref<1x80xi32, #tpu.memory_space<vmem>> -> memref<80xi32, #tpu.memory_space<vmem>>
      %dma_start3A_338 = arith.constant 0 : i32
      %dma_start3A_339 = arith.constant 0 : i32
      %dma_start3A_340 = tpu.memref_slice %arg12[%dma_start3A_338, %dma_start3A_339] : memref<10000x128xf32, #tpu.memory_space<vmem_shared>> -> memref<10000x128xf32, #tpu.memory_space<vmem_shared>>
      tpu.enqueue_indirect_dma source(%arg9 : memref<80x128xf32, #tpu.memory_space<vmem>>) target(%dma_start3A_340 : memref<10000x128xf32, #tpu.memory_space<vmem_shared>>) offsets(%dma_start3A_337 : memref<80xi32, #tpu.memory_space<vmem>>) semaphore(%arg16 : memref<!tpu.dma_semaphore, #tpu.memory_space<semaphore_mem>>) {add = true}
      %sub3A_341 = arith.constant 1 : i32
      %sub3A_342 = arith.subi %add3A_328, %sub3A_341 : i32
      %dma_wait3A_343 = arith.constant 0 : i32
      %dma_wait3A_344 = tpu.memref_slice %arg8[%sub3A_342, %dma_wait3A_343] : memref<64x80xi32, #tpu.memory_space<vmem>> -> memref<1x80xi32, #tpu.memory_space<vmem>>
      %dma_wait3A_345 = tpu.memref_squeeze %dma_wait3A_344 : memref<1x80xi32, #tpu.memory_space<vmem>> -> memref<80xi32, #tpu.memory_space<vmem>>
      %dma_wait3A_346 = arith.constant 0 : i32
      %dma_wait3A_347 = arith.constant 0 : i32
      %dma_wait3A_348 = tpu.memref_slice %arg12[%dma_wait3A_346, %dma_wait3A_347] : memref<10000x128xf32, #tpu.memory_space<vmem_shared>> -> memref<10000x128xf32, #tpu.memory_space<vmem_shared>>
      tpu.wait_indirect_dma semaphore(%arg18 : memref<!tpu.dma_semaphore, #tpu.memory_space<semaphore_mem>>) src(%arg11 : memref<80x128xf32, #tpu.memory_space<vmem>>) dst(%dma_wait3A_348 : memref<10000x128xf32, #tpu.memory_space<vmem_shared>>)
      %add3A_349 = arith.constant 2 : i32
      %add3A_350 = arith.addi %add3A_328, %add3A_349 : i32
      %dma_start3A_351 = arith.constant 0 : i32
      %dma_start3A_352 = tpu.memref_slice %arg7[%add3A_350, %dma_start3A_351] : memref<64x80xi32, #tpu.memory_space<vmem>> -> memref<1x80xi32, #tpu.memory_space<vmem>>
      %dma_start3A_353 = tpu.memref_squeeze %dma_start3A_352 : memref<1x80xi32, #tpu.memory_space<vmem>> -> memref<80xi32, #tpu.memory_space<vmem>>
      %dma_start3A_354 = arith.constant 0 : i32
      %dma_start3A_355 = arith.constant 0 : i32
      %dma_start3A_356 = tpu.memref_slice %arg2[%dma_start3A_354, %dma_start3A_355] : memref<20000x128xf32, #tpu.memory_space<hbm>> -> memref<20000x128xf32, #tpu.memory_space<hbm>>
      tpu.enqueue_indirect_dma source(%dma_start3A_356 : memref<20000x128xf32, #tpu.memory_space<hbm>>) target(%arg11 : memref<80x128xf32, #tpu.memory_space<vmem>>) offsets(%dma_start3A_353 : memref<80xi32, #tpu.memory_space<vmem>>) semaphore(%arg15 : memref<!tpu.dma_semaphore, #tpu.memory_space<semaphore_mem>>)
    }
    %scan3A_49 = arith.constant 20 : i32
    %dma_wait3A_50 = arith.constant 61 : i32
    %dma_wait3A_51 = arith.constant 0 : i32
    %dma_wait3A_52 = tpu.memref_slice %arg7[%dma_wait3A_50, %dma_wait3A_51] : memref<64x80xi32, #tpu.memory_space<vmem>> -> memref<1x80xi32, #tpu.memory_space<vmem>>
    %dma_wait3A_53 = tpu.memref_squeeze %dma_wait3A_52 : memref<1x80xi32, #tpu.memory_space<vmem>> -> memref<80xi32, #tpu.memory_space<vmem>>
    %dma_wait3A_54 = arith.constant 0 : i32
    %dma_wait3A_55 = arith.constant 0 : i32
    %dma_wait3A_56 = tpu.memref_slice %arg2[%dma_wait3A_54, %dma_wait3A_55] : memref<20000x128xf32, #tpu.memory_space<hbm>> -> memref<20000x128xf32, #tpu.memory_space<hbm>>
    tpu.wait_indirect_dma semaphore(%arg14 : memref<!tpu.dma_semaphore, #tpu.memory_space<semaphore_mem>>) src(%dma_wait3A_56 : memref<20000x128xf32, #tpu.memory_space<hbm>>) dst(%arg10 : memref<80x128xf32, #tpu.memory_space<vmem>>)
    %dma_start3A_57 = arith.constant 61 : i32
    %dma_start3A_58 = arith.constant 0 : i32
    %dma_start3A_59 = tpu.memref_slice %arg8[%dma_start3A_57, %dma_start3A_58] : memref<64x80xi32, #tpu.memory_space<vmem>> -> memref<1x80xi32, #tpu.memory_space<vmem>>
    %dma_start3A_60 = tpu.memref_squeeze %dma_start3A_59 : memref<1x80xi32, #tpu.memory_space<vmem>> -> memref<80xi32, #tpu.memory_space<vmem>>
    %dma_start3A_61 = arith.constant 0 : i32
    %dma_start3A_62 = arith.constant 0 : i32
    %dma_start3A_63 = tpu.memref_slice %arg12[%dma_start3A_61, %dma_start3A_62] : memref<10000x128xf32, #tpu.memory_space<vmem_shared>> -> memref<10000x128xf32, #tpu.memory_space<vmem_shared>>
    tpu.enqueue_indirect_dma source(%arg10 : memref<80x128xf32, #tpu.memory_space<vmem>>) target(%dma_start3A_63 : memref<10000x128xf32, #tpu.memory_space<vmem_shared>>) offsets(%dma_start3A_60 : memref<80xi32, #tpu.memory_space<vmem>>) semaphore(%arg17 : memref<!tpu.dma_semaphore, #tpu.memory_space<semaphore_mem>>) {add = true}
    %dma_wait3A_64 = arith.constant 60 : i32
    %dma_wait3A_65 = arith.constant 0 : i32
    %dma_wait3A_66 = tpu.memref_slice %arg8[%dma_wait3A_64, %dma_wait3A_65] : memref<64x80xi32, #tpu.memory_space<vmem>> -> memref<1x80xi32, #tpu.memory_space<vmem>>
    %dma_wait3A_67 = tpu.memref_squeeze %dma_wait3A_66 : memref<1x80xi32, #tpu.memory_space<vmem>> -> memref<80xi32, #tpu.memory_space<vmem>>
    %dma_wait3A_68 = arith.constant 0 : i32
    %dma_wait3A_69 = arith.constant 0 : i32
    %dma_wait3A_70 = tpu.memref_slice %arg12[%dma_wait3A_68, %dma_wait3A_69] : memref<10000x128xf32, #tpu.memory_space<vmem_shared>> -> memref<10000x128xf32, #tpu.memory_space<vmem_shared>>
    tpu.wait_indirect_dma semaphore(%arg16 : memref<!tpu.dma_semaphore, #tpu.memory_space<semaphore_mem>>) src(%arg9 : memref<80x128xf32, #tpu.memory_space<vmem>>) dst(%dma_wait3A_70 : memref<10000x128xf32, #tpu.memory_space<vmem_shared>>)
    %dma_start3A_71 = arith.constant 63 : i32
    %dma_start3A_72 = arith.constant 0 : i32
    %dma_start3A_73 = tpu.memref_slice %arg7[%dma_start3A_71, %dma_start3A_72] : memref<64x80xi32, #tpu.memory_space<vmem>> -> memref<1x80xi32, #tpu.memory_space<vmem>>
    %dma_start3A_74 = tpu.memref_squeeze %dma_start3A_73 : memref<1x80xi32, #tpu.memory_space<vmem>> -> memref<80xi32, #tpu.memory_space<vmem>>
    %dma_start3A_75 = arith.constant 0 : i32
    %dma_start3A_76 = arith.constant 0 : i32
    %dma_start3A_77 = tpu.memref_slice %arg2[%dma_start3A_75, %dma_start3A_76] : memref<20000x128xf32, #tpu.memory_space<hbm>> -> memref<20000x128xf32, #tpu.memory_space<hbm>>
    tpu.enqueue_indirect_dma source(%dma_start3A_77 : memref<20000x128xf32, #tpu.memory_space<hbm>>) target(%arg9 : memref<80x128xf32, #tpu.memory_space<vmem>>) offsets(%dma_start3A_74 : memref<80xi32, #tpu.memory_space<vmem>>) semaphore(%arg13 : memref<!tpu.dma_semaphore, #tpu.memory_space<semaphore_mem>>)
    %dma_wait3A_78 = arith.constant 62 : i32
    %dma_wait3A_79 = arith.constant 0 : i32
    %dma_wait3A_80 = tpu.memref_slice %arg7[%dma_wait3A_78, %dma_wait3A_79] : memref<64x80xi32, #tpu.memory_space<vmem>> -> memref<1x80xi32, #tpu.memory_space<vmem>>
    %dma_wait3A_81 = tpu.memref_squeeze %dma_wait3A_80 : memref<1x80xi32, #tpu.memory_space<vmem>> -> memref<80xi32, #tpu.memory_space<vmem>>
    %dma_wait3A_82 = arith.constant 0 : i32
    %dma_wait3A_83 = arith.constant 0 : i32
    %dma_wait3A_84 = tpu.memref_slice %arg2[%dma_wait3A_82, %dma_wait3A_83] : memref<20000x128xf32, #tpu.memory_space<hbm>> -> memref<20000x128xf32, #tpu.memory_space<hbm>>
    tpu.wait_indirect_dma semaphore(%arg15 : memref<!tpu.dma_semaphore, #tpu.memory_space<semaphore_mem>>) src(%dma_wait3A_84 : memref<20000x128xf32, #tpu.memory_space<hbm>>) dst(%arg11 : memref<80x128xf32, #tpu.memory_space<vmem>>)
    %dma_start3A_85 = arith.constant 62 : i32
    %dma_start3A_86 = arith.constant 0 : i32
    %dma_start3A_87 = tpu.memref_slice %arg8[%dma_start3A_85, %dma_start3A_86] : memref<64x80xi32, #tpu.memory_space<vmem>> -> memref<1x80xi32, #tpu.memory_space<vmem>>
    %dma_start3A_88 = tpu.memref_squeeze %dma_start3A_87 : memref<1x80xi32, #tpu.memory_space<vmem>> -> memref<80xi32, #tpu.memory_space<vmem>>
    %dma_start3A_89 = arith.constant 0 : i32
    %dma_start3A_90 = arith.constant 0 : i32
    %dma_start3A_91 = tpu.memref_slice %arg12[%dma_start3A_89, %dma_start3A_90] : memref<10000x128xf32, #tpu.memory_space<vmem_shared>> -> memref<10000x128xf32, #tpu.memory_space<vmem_shared>>
    tpu.enqueue_indirect_dma source(%arg11 : memref<80x128xf32, #tpu.memory_space<vmem>>) target(%dma_start3A_91 : memref<10000x128xf32, #tpu.memory_space<vmem_shared>>) offsets(%dma_start3A_88 : memref<80xi32, #tpu.memory_space<vmem>>) semaphore(%arg18 : memref<!tpu.dma_semaphore, #tpu.memory_space<semaphore_mem>>) {add = true}
    %dma_wait3A_92 = arith.constant 63 : i32
    %dma_wait3A_93 = arith.constant 0 : i32
    %dma_wait3A_94 = tpu.memref_slice %arg7[%dma_wait3A_92, %dma_wait3A_93] : memref<64x80xi32, #tpu.memory_space<vmem>> -> memref<1x80xi32, #tpu.memory_space<vmem>>
    %dma_wait3A_95 = tpu.memref_squeeze %dma_wait3A_94 : memref<1x80xi32, #tpu.memory_space<vmem>> -> memref<80xi32, #tpu.memory_space<vmem>>
    %dma_wait3A_96 = arith.constant 0 : i32
    %dma_wait3A_97 = arith.constant 0 : i32
    %dma_wait3A_98 = tpu.memref_slice %arg2[%dma_wait3A_96, %dma_wait3A_97] : memref<20000x128xf32, #tpu.memory_space<hbm>> -> memref<20000x128xf32, #tpu.memory_space<hbm>>
    tpu.wait_indirect_dma semaphore(%arg13 : memref<!tpu.dma_semaphore, #tpu.memory_space<semaphore_mem>>) src(%dma_wait3A_98 : memref<20000x128xf32, #tpu.memory_space<hbm>>) dst(%arg9 : memref<80x128xf32, #tpu.memory_space<vmem>>)
    %dma_start3A_99 = arith.constant 63 : i32
    %dma_start3A_100 = arith.constant 0 : i32
    %dma_start3A_101 = tpu.memref_slice %arg8[%dma_start3A_99, %dma_start3A_100] : memref<64x80xi32, #tpu.memory_space<vmem>> -> memref<1x80xi32, #tpu.memory_space<vmem>>
    %dma_start3A_102 = tpu.memref_squeeze %dma_start3A_101 : memref<1x80xi32, #tpu.memory_space<vmem>> -> memref<80xi32, #tpu.memory_space<vmem>>
    %dma_start3A_103 = arith.constant 0 : i32
    %dma_start3A_104 = arith.constant 0 : i32
    %dma_start3A_105 = tpu.memref_slice %arg12[%dma_start3A_103, %dma_start3A_104] : memref<10000x128xf32, #tpu.memory_space<vmem_shared>> -> memref<10000x128xf32, #tpu.memory_space<vmem_shared>>
    tpu.enqueue_indirect_dma source(%arg9 : memref<80x128xf32, #tpu.memory_space<vmem>>) target(%dma_start3A_105 : memref<10000x128xf32, #tpu.memory_space<vmem_shared>>) offsets(%dma_start3A_102 : memref<80xi32, #tpu.memory_space<vmem>>) semaphore(%arg16 : memref<!tpu.dma_semaphore, #tpu.memory_space<semaphore_mem>>) {add = true}
    %dma_wait3A_106 = arith.constant 61 : i32
    %dma_wait3A_107 = arith.constant 0 : i32
    %dma_wait3A_108 = tpu.memref_slice %arg8[%dma_wait3A_106, %dma_wait3A_107] : memref<64x80xi32, #tpu.memory_space<vmem>> -> memref<1x80xi32, #tpu.memory_space<vmem>>
    %dma_wait3A_109 = tpu.memref_squeeze %dma_wait3A_108 : memref<1x80xi32, #tpu.memory_space<vmem>> -> memref<80xi32, #tpu.memory_space<vmem>>
    %dma_wait3A_110 = arith.constant 0 : i32
    %dma_wait3A_111 = arith.constant 0 : i32
    %dma_wait3A_112 = tpu.memref_slice %arg12[%dma_wait3A_110, %dma_wait3A_111] : memref<10000x128xf32, #tpu.memory_space<vmem_shared>> -> memref<10000x128xf32, #tpu.memory_space<vmem_shared>>
    tpu.wait_indirect_dma semaphore(%arg17 : memref<!tpu.dma_semaphore, #tpu.memory_space<semaphore_mem>>) src(%arg10 : memref<80x128xf32, #tpu.memory_space<vmem>>) dst(%dma_wait3A_112 : memref<10000x128xf32, #tpu.memory_space<vmem_shared>>)
    %dma_wait3A_113 = arith.constant 62 : i32
    %dma_wait3A_114 = arith.constant 0 : i32
    %dma_wait3A_115 = tpu.memref_slice %arg8[%dma_wait3A_113, %dma_wait3A_114] : memref<64x80xi32, #tpu.memory_space<vmem>> -> memref<1x80xi32, #tpu.memory_space<vmem>>
    %dma_wait3A_116 = tpu.memref_squeeze %dma_wait3A_115 : memref<1x80xi32, #tpu.memory_space<vmem>> -> memref<80xi32, #tpu.memory_space<vmem>>
    %dma_wait3A_117 = arith.constant 0 : i32
    %dma_wait3A_118 = arith.constant 0 : i32
    %dma_wait3A_119 = tpu.memref_slice %arg12[%dma_wait3A_117, %dma_wait3A_118] : memref<10000x128xf32, #tpu.memory_space<vmem_shared>> -> memref<10000x128xf32, #tpu.memory_space<vmem_shared>>
    tpu.wait_indirect_dma semaphore(%arg18 : memref<!tpu.dma_semaphore, #tpu.memory_space<semaphore_mem>>) src(%arg11 : memref<80x128xf32, #tpu.memory_space<vmem>>) dst(%dma_wait3A_119 : memref<10000x128xf32, #tpu.memory_space<vmem_shared>>)
    %dma_wait3A_120 = arith.constant 63 : i32
    %dma_wait3A_121 = arith.constant 0 : i32
    %dma_wait3A_122 = tpu.memref_slice %arg8[%dma_wait3A_120, %dma_wait3A_121] : memref<64x80xi32, #tpu.memory_space<vmem>> -> memref<1x80xi32, #tpu.memory_space<vmem>>
    %dma_wait3A_123 = tpu.memref_squeeze %dma_wait3A_122 : memref<1x80xi32, #tpu.memory_space<vmem>> -> memref<80xi32, #tpu.memory_space<vmem>>
    %dma_wait3A_124 = arith.constant 0 : i32
    %dma_wait3A_125 = arith.constant 0 : i32
    %dma_wait3A_126 = tpu.memref_slice %arg12[%dma_wait3A_124, %dma_wait3A_125] : memref<10000x128xf32, #tpu.memory_space<vmem_shared>> -> memref<10000x128xf32, #tpu.memory_space<vmem_shared>>
    tpu.wait_indirect_dma semaphore(%arg16 : memref<!tpu.dma_semaphore, #tpu.memory_space<semaphore_mem>>) src(%arg9 : memref<80x128xf32, #tpu.memory_space<vmem>>) dst(%dma_wait3A_126 : memref<10000x128xf32, #tpu.memory_space<vmem_shared>>)
    "tpu.region"() ({
      %run_scoped3A = tpu.sem_alloc : memref<!tpu.dma_semaphore, #tpu.memory_space<semaphore_mem>>
      %dma_start3A_260 = arith.constant 0 : i32
      %dma_start3A_261 = arith.constant 0 : i32
      %dma_start3A_262 = tpu.memref_slice %arg7[%dma_start3A_260, %dma_start3A_261] : memref<64x80xi32, #tpu.memory_space<vmem>> -> memref<61x80xi32, #tpu.memory_space<vmem>>
      %dma_start3A_263 = arith.constant 64 : i32
      %dma_start3A_264 = arith.constant 0 : i32
      %dma_start3A_265 = tpu.memref_slice %arg3[%arg1, %dma_start3A_263, %dma_start3A_264] : memref<16x125x80xi32, #tpu.memory_space<hbm>> -> memref<1x61x80xi32, #tpu.memory_space<hbm>>
      %dma_start3A_266 = tpu.memref_squeeze %dma_start3A_265 : memref<1x61x80xi32, #tpu.memory_space<hbm>> -> memref<61x80xi32, #tpu.memory_space<hbm>>
      %dma_start3A_267 = arith.constant 0 : i32
      %dma_start3A_268 = arith.constant 0 : i32
      %dma_start3A_269 = tpu.memref_slice %arg7[%dma_start3A_267, %dma_start3A_268] : memref<64x80xi32, #tpu.memory_space<vmem>> -> memref<61x80xi32, #tpu.memory_space<vmem>>
      %dma_start3A_270 = arith.constant 64 : i32
      %dma_start3A_271 = arith.constant 0 : i32
      %dma_start3A_272 = tpu.memref_slice %arg3[%arg1, %dma_start3A_270, %dma_start3A_271] : memref<16x125x80xi32, #tpu.memory_space<hbm>> -> memref<1x61x80xi32, #tpu.memory_space<hbm>>
      %dma_start3A_273 = tpu.memref_squeeze %dma_start3A_272 : memref<1x61x80xi32, #tpu.memory_space<hbm>> -> memref<61x80xi32, #tpu.memory_space<hbm>>
      tpu.enqueue_dma source(%dma_start3A_273 : memref<61x80xi32, #tpu.memory_space<hbm>>) target(%dma_start3A_269 : memref<61x80xi32, #tpu.memory_space<vmem>>) target_semaphore(%run_scoped3A : memref<!tpu.dma_semaphore, #tpu.memory_space<semaphore_mem>>)
      %dma_wait3A_274 = arith.constant 0 : i32
      %dma_wait3A_275 = arith.constant 0 : i32
      %dma_wait3A_276 = tpu.memref_slice %arg7[%dma_wait3A_274, %dma_wait3A_275] : memref<64x80xi32, #tpu.memory_space<vmem>> -> memref<61x80xi32, #tpu.memory_space<vmem>>
      %dma_wait3A_277 = arith.constant 64 : i32
      %dma_wait3A_278 = arith.constant 0 : i32
      %dma_wait3A_279 = tpu.memref_slice %arg3[%arg1, %dma_wait3A_277, %dma_wait3A_278] : memref<16x125x80xi32, #tpu.memory_space<hbm>> -> memref<1x61x80xi32, #tpu.memory_space<hbm>>
      %dma_wait3A_280 = tpu.memref_squeeze %dma_wait3A_279 : memref<1x61x80xi32, #tpu.memory_space<hbm>> -> memref<61x80xi32, #tpu.memory_space<hbm>>
      %dma_wait3A_281 = arith.constant 0 : i32
      %dma_wait3A_282 = arith.constant 0 : i32
      %dma_wait3A_283 = tpu.memref_slice %arg7[%dma_wait3A_281, %dma_wait3A_282] : memref<64x80xi32, #tpu.memory_space<vmem>> -> memref<61x80xi32, #tpu.memory_space<vmem>>
      %dma_wait3A_284 = arith.constant 64 : i32
      %dma_wait3A_285 = arith.constant 0 : i32
      %dma_wait3A_286 = tpu.memref_slice %arg3[%arg1, %dma_wait3A_284, %dma_wait3A_285] : memref<16x125x80xi32, #tpu.memory_space<hbm>> -> memref<1x61x80xi32, #tpu.memory_space<hbm>>
      %dma_wait3A_287 = tpu.memref_squeeze %dma_wait3A_286 : memref<1x61x80xi32, #tpu.memory_space<hbm>> -> memref<61x80xi32, #tpu.memory_space<hbm>>
      tpu.wait_dma2 semaphore(%run_scoped3A : memref<!tpu.dma_semaphore, #tpu.memory_space<semaphore_mem>>) src(%dma_wait3A_287 : memref<61x80xi32, #tpu.memory_space<hbm>>) dst(%dma_wait3A_283 : memref<61x80xi32, #tpu.memory_space<vmem>>)
      tpu.yield
    }) : () -> ()
    "tpu.region"() ({
      %run_scoped3A = tpu.sem_alloc : memref<!tpu.dma_semaphore, #tpu.memory_space<semaphore_mem>>
      %dma_start3A_260 = arith.constant 0 : i32
      %dma_start3A_261 = arith.constant 0 : i32
      %dma_start3A_262 = tpu.memref_slice %arg8[%dma_start3A_260, %dma_start3A_261] : memref<64x80xi32, #tpu.memory_space<vmem>> -> memref<61x80xi32, #tpu.memory_space<vmem>>
      %dma_start3A_263 = arith.constant 64 : i32
      %dma_start3A_264 = arith.constant 0 : i32
      %dma_start3A_265 = tpu.memref_slice %arg4[%arg1, %dma_start3A_263, %dma_start3A_264] : memref<16x125x80xi32, #tpu.memory_space<hbm>> -> memref<1x61x80xi32, #tpu.memory_space<hbm>>
      %dma_start3A_266 = tpu.memref_squeeze %dma_start3A_265 : memref<1x61x80xi32, #tpu.memory_space<hbm>> -> memref<61x80xi32, #tpu.memory_space<hbm>>
      %dma_start3A_267 = arith.constant 0 : i32
      %dma_start3A_268 = arith.constant 0 : i32
      %dma_start3A_269 = tpu.memref_slice %arg8[%dma_start3A_267, %dma_start3A_268] : memref<64x80xi32, #tpu.memory_space<vmem>> -> memref<61x80xi32, #tpu.memory_space<vmem>>
      %dma_start3A_270 = arith.constant 64 : i32
      %dma_start3A_271 = arith.constant 0 : i32
      %dma_start3A_272 = tpu.memref_slice %arg4[%arg1, %dma_start3A_270, %dma_start3A_271] : memref<16x125x80xi32, #tpu.memory_space<hbm>> -> memref<1x61x80xi32, #tpu.memory_space<hbm>>
      %dma_start3A_273 = tpu.memref_squeeze %dma_start3A_272 : memref<1x61x80xi32, #tpu.memory_space<hbm>> -> memref<61x80xi32, #tpu.memory_space<hbm>>
      tpu.enqueue_dma source(%dma_start3A_273 : memref<61x80xi32, #tpu.memory_space<hbm>>) target(%dma_start3A_269 : memref<61x80xi32, #tpu.memory_space<vmem>>) target_semaphore(%run_scoped3A : memref<!tpu.dma_semaphore, #tpu.memory_space<semaphore_mem>>)
      %dma_wait3A_274 = arith.constant 0 : i32
      %dma_wait3A_275 = arith.constant 0 : i32
      %dma_wait3A_276 = tpu.memref_slice %arg8[%dma_wait3A_274, %dma_wait3A_275] : memref<64x80xi32, #tpu.memory_space<vmem>> -> memref<61x80xi32, #tpu.memory_space<vmem>>
      %dma_wait3A_277 = arith.constant 64 : i32
      %dma_wait3A_278 = arith.constant 0 : i32
      %dma_wait3A_279 = tpu.memref_slice %arg4[%arg1, %dma_wait3A_277, %dma_wait3A_278] : memref<16x125x80xi32, #tpu.memory_space<hbm>> -> memref<1x61x80xi32, #tpu.memory_space<hbm>>
      %dma_wait3A_280 = tpu.memref_squeeze %dma_wait3A_279 : memref<1x61x80xi32, #tpu.memory_space<hbm>> -> memref<61x80xi32, #tpu.memory_space<hbm>>
      %dma_wait3A_281 = arith.constant 0 : i32
      %dma_wait3A_282 = arith.constant 0 : i32
      %dma_wait3A_283 = tpu.memref_slice %arg8[%dma_wait3A_281, %dma_wait3A_282] : memref<64x80xi32, #tpu.memory_space<vmem>> -> memref<61x80xi32, #tpu.memory_space<vmem>>
      %dma_wait3A_284 = arith.constant 64 : i32
      %dma_wait3A_285 = arith.constant 0 : i32
      %dma_wait3A_286 = tpu.memref_slice %arg4[%arg1, %dma_wait3A_284, %dma_wait3A_285] : memref<16x125x80xi32, #tpu.memory_space<hbm>> -> memref<1x61x80xi32, #tpu.memory_space<hbm>>
      %dma_wait3A_287 = tpu.memref_squeeze %dma_wait3A_286 : memref<1x61x80xi32, #tpu.memory_space<hbm>> -> memref<61x80xi32, #tpu.memory_space<hbm>>
      tpu.wait_dma2 semaphore(%run_scoped3A : memref<!tpu.dma_semaphore, #tpu.memory_space<semaphore_mem>>) src(%dma_wait3A_287 : memref<61x80xi32, #tpu.memory_space<hbm>>) dst(%dma_wait3A_283 : memref<61x80xi32, #tpu.memory_space<vmem>>)
      tpu.yield
    }) : () -> ()
    %scan3A_127 = arith.constant 0 : i32
    %scan3A_128 = arith.constant 61 : i32
    %scan3A_129 = arith.addi %scan3A_127, %scan3A_128 : i32
    %scan3A_130 = arith.constant 1 : i32
    scf.for %scan3A_260 = %scan3A_127 to %scan3A_129 step %scan3A_130  : i32 {
      %mul3A_261 = arith.constant 1 : i32
      %mul3A_262 = arith.muli %scan3A_260, %mul3A_261 : i32
      %add3A = arith.constant 0 : i32
      %add3A_263 = arith.addi %add3A, %mul3A_262 : i32
      %get3A = arith.index_cast %add3A_263 : i32 to index
      %get3A_264 = arith.constant 0 : index
      %get3A_265 = tpu.vector_load %arg7[%get3A, %get3A_264] {strides = array<i32>} : memref<64x80xi32, #tpu.memory_space<vmem>>, vector<1x16xi32>,
      %get3A_266 = vector.shape_cast %get3A_265 : vector<1x16xi32> to vector<16xi32>
      %mul3A_267 = arith.constant 2 : i32
      %mul3A_268 = vector.broadcast %mul3A_267 : i32 to vector<16xi32>
      %mul3A_269 = arith.muli %get3A_266, %mul3A_268 : vector<16xi32>
      %add3A_270 = vector.broadcast %arg0 : i32 to vector<16xi32>
      %add3A_271 = arith.addi %mul3A_269, %add3A_270 : vector<16xi32>
      %swap3A = arith.index_cast %add3A_263 : i32 to index
      %swap3A_272 = arith.constant 0 : index
      %swap3A_273 = tpu.vector_load %arg7[%swap3A, %swap3A_272] {strides = array<i32>} : memref<64x80xi32, #tpu.memory_space<vmem>>, vector<1x16xi32>,
      %swap3A_274 = vector.shape_cast %swap3A_273 : vector<1x16xi32> to vector<16xi32>
      %swap3A_275 = vector.shape_cast %add3A_271 : vector<16xi32> to vector<1x16xi32>
      tpu.vector_store %arg7[%swap3A, %swap3A_272], %swap3A_275 {strides = array<i32>} : memref<64x80xi32, #tpu.memory_space<vmem>>, vector<1x16xi32>,
      %get3A_276 = arith.index_cast %add3A_263 : i32 to index
      %get3A_277 = arith.constant 16 : index
      %get3A_278 = tpu.vector_load %arg7[%get3A_276, %get3A_277] {strides = array<i32>} : memref<64x80xi32, #tpu.memory_space<vmem>>, vector<1x16xi32>,
      %get3A_279 = vector.shape_cast %get3A_278 : vector<1x16xi32> to vector<16xi32>
      %mul3A_280 = arith.constant 2 : i32
      %mul3A_281 = vector.broadcast %mul3A_280 : i32 to vector<16xi32>
      %mul3A_282 = arith.muli %get3A_279, %mul3A_281 : vector<16xi32>
      %add3A_283 = vector.broadcast %arg0 : i32 to vector<16xi32>
      %add3A_284 = arith.addi %mul3A_282, %add3A_283 : vector<16xi32>
      %swap3A_285 = arith.index_cast %add3A_263 : i32 to index
      %swap3A_286 = arith.constant 16 : index
      %swap3A_287 = tpu.vector_load %arg7[%swap3A_285, %swap3A_286] {strides = array<i32>} : memref<64x80xi32, #tpu.memory_space<vmem>>, vector<1x16xi32>,
      %swap3A_288 = vector.shape_cast %swap3A_287 : vector<1x16xi32> to vector<16xi32>
      %swap3A_289 = vector.shape_cast %add3A_284 : vector<16xi32> to vector<1x16xi32>
      tpu.vector_store %arg7[%swap3A_285, %swap3A_286], %swap3A_289 {strides = array<i32>} : memref<64x80xi32, #tpu.memory_space<vmem>>, vector<1x16xi32>,
      %get3A_290 = arith.index_cast %add3A_263 : i32 to index
      %get3A_291 = arith.constant 32 : index
      %get3A_292 = tpu.vector_load %arg7[%get3A_290, %get3A_291] {strides = array<i32>} : memref<64x80xi32, #tpu.memory_space<vmem>>, vector<1x16xi32>,
      %get3A_293 = vector.shape_cast %get3A_292 : vector<1x16xi32> to vector<16xi32>
      %mul3A_294 = arith.constant 2 : i32
      %mul3A_295 = vector.broadcast %mul3A_294 : i32 to vector<16xi32>
      %mul3A_296 = arith.muli %get3A_293, %mul3A_295 : vector<16xi32>
      %add3A_297 = vector.broadcast %arg0 : i32 to vector<16xi32>
      %add3A_298 = arith.addi %mul3A_296, %add3A_297 : vector<16xi32>
      %swap3A_299 = arith.index_cast %add3A_263 : i32 to index
      %swap3A_300 = arith.constant 32 : index
      %swap3A_301 = tpu.vector_load %arg7[%swap3A_299, %swap3A_300] {strides = array<i32>} : memref<64x80xi32, #tpu.memory_space<vmem>>, vector<1x16xi32>,
      %swap3A_302 = vector.shape_cast %swap3A_301 : vector<1x16xi32> to vector<16xi32>
      %swap3A_303 = vector.shape_cast %add3A_298 : vector<16xi32> to vector<1x16xi32>
      tpu.vector_store %arg7[%swap3A_299, %swap3A_300], %swap3A_303 {strides = array<i32>} : memref<64x80xi32, #tpu.memory_space<vmem>>, vector<1x16xi32>,
      %get3A_304 = arith.index_cast %add3A_263 : i32 to index
      %get3A_305 = arith.constant 48 : index
      %get3A_306 = tpu.vector_load %arg7[%get3A_304, %get3A_305] {strides = array<i32>} : memref<64x80xi32, #tpu.memory_space<vmem>>, vector<1x16xi32>,
      %get3A_307 = vector.shape_cast %get3A_306 : vector<1x16xi32> to vector<16xi32>
      %mul3A_308 = arith.constant 2 : i32
      %mul3A_309 = vector.broadcast %mul3A_308 : i32 to vector<16xi32>
      %mul3A_310 = arith.muli %get3A_307, %mul3A_309 : vector<16xi32>
      %add3A_311 = vector.broadcast %arg0 : i32 to vector<16xi32>
      %add3A_312 = arith.addi %mul3A_310, %add3A_311 : vector<16xi32>
      %swap3A_313 = arith.index_cast %add3A_263 : i32 to index
      %swap3A_314 = arith.constant 48 : index
      %swap3A_315 = tpu.vector_load %arg7[%swap3A_313, %swap3A_314] {strides = array<i32>} : memref<64x80xi32, #tpu.memory_space<vmem>>, vector<1x16xi32>,
      %swap3A_316 = vector.shape_cast %swap3A_315 : vector<1x16xi32> to vector<16xi32>
      %swap3A_317 = vector.shape_cast %add3A_312 : vector<16xi32> to vector<1x16xi32>
      tpu.vector_store %arg7[%swap3A_313, %swap3A_314], %swap3A_317 {strides = array<i32>} : memref<64x80xi32, #tpu.memory_space<vmem>>, vector<1x16xi32>,
      %get3A_318 = arith.index_cast %add3A_263 : i32 to index
      %get3A_319 = arith.constant 64 : index
      %get3A_320 = tpu.vector_load %arg7[%get3A_318, %get3A_319] {strides = array<i32>} : memref<64x80xi32, #tpu.memory_space<vmem>>, vector<1x16xi32>,
      %get3A_321 = vector.shape_cast %get3A_320 : vector<1x16xi32> to vector<16xi32>
      %mul3A_322 = arith.constant 2 : i32
      %mul3A_323 = vector.broadcast %mul3A_322 : i32 to vector<16xi32>
      %mul3A_324 = arith.muli %get3A_321, %mul3A_323 : vector<16xi32>
      %add3A_325 = vector.broadcast %arg0 : i32 to vector<16xi32>
      %add3A_326 = arith.addi %mul3A_324, %add3A_325 : vector<16xi32>
      %swap3A_327 = arith.index_cast %add3A_263 : i32 to index
      %swap3A_328 = arith.constant 64 : index
      %swap3A_329 = tpu.vector_load %arg7[%swap3A_327, %swap3A_328] {strides = array<i32>} : memref<64x80xi32, #tpu.memory_space<vmem>>, vector<1x16xi32>,
      %swap3A_330 = vector.shape_cast %swap3A_329 : vector<1x16xi32> to vector<16xi32>
      %swap3A_331 = vector.shape_cast %add3A_326 : vector<16xi32> to vector<1x16xi32>
      tpu.vector_store %arg7[%swap3A_327, %swap3A_328], %swap3A_331 {strides = array<i32>} : memref<64x80xi32, #tpu.memory_space<vmem>>, vector<1x16xi32>,
    }
    %scan3A_131 = arith.constant 61 : i32
    %dma_start3A_132 = arith.constant 0 : i32
    %dma_start3A_133 = arith.constant 0 : i32
    %dma_start3A_134 = tpu.memref_slice %arg7[%dma_start3A_132, %dma_start3A_133] : memref<64x80xi32, #tpu.memory_space<vmem>> -> memref<1x80xi32, #tpu.memory_space<vmem>>
    %dma_start3A_135 = tpu.memref_squeeze %dma_start3A_134 : memref<1x80xi32, #tpu.memory_space<vmem>> -> memref<80xi32, #tpu.memory_space<vmem>>
    %dma_start3A_136 = arith.constant 0 : i32
    %dma_start3A_137 = arith.constant 0 : i32
    %dma_start3A_138 = tpu.memref_slice %arg2[%dma_start3A_136, %dma_start3A_137] : memref<20000x128xf32, #tpu.memory_space<hbm>> -> memref<20000x128xf32, #tpu.memory_space<hbm>>
    tpu.enqueue_indirect_dma source(%dma_start3A_138 : memref<20000x128xf32, #tpu.memory_space<hbm>>) target(%arg9 : memref<80x128xf32, #tpu.memory_space<vmem>>) offsets(%dma_start3A_135 : memref<80xi32, #tpu.memory_space<vmem>>) semaphore(%arg13 : memref<!tpu.dma_semaphore, #tpu.memory_space<semaphore_mem>>)
    %dma_start3A_139 = arith.constant 1 : i32
    %dma_start3A_140 = arith.constant 0 : i32
    %dma_start3A_141 = tpu.memref_slice %arg7[%dma_start3A_139, %dma_start3A_140] : memref<64x80xi32, #tpu.memory_space<vmem>> -> memref<1x80xi32, #tpu.memory_space<vmem>>
    %dma_start3A_142 = tpu.memref_squeeze %dma_start3A_141 : memref<1x80xi32, #tpu.memory_space<vmem>> -> memref<80xi32, #tpu.memory_space<vmem>>
    %dma_start3A_143 = arith.constant 0 : i32
    %dma_start3A_144 = arith.constant 0 : i32
    %dma_start3A_145 = tpu.memref_slice %arg2[%dma_start3A_143, %dma_start3A_144] : memref<20000x128xf32, #tpu.memory_space<hbm>> -> memref<20000x128xf32, #tpu.memory_space<hbm>>
    tpu.enqueue_indirect_dma source(%dma_start3A_145 : memref<20000x128xf32, #tpu.memory_space<hbm>>) target(%arg10 : memref<80x128xf32, #tpu.memory_space<vmem>>) offsets(%dma_start3A_142 : memref<80xi32, #tpu.memory_space<vmem>>) semaphore(%arg14 : memref<!tpu.dma_semaphore, #tpu.memory_space<semaphore_mem>>)
    %dma_wait3A_146 = arith.constant 0 : i32
    %dma_wait3A_147 = arith.constant 0 : i32
    %dma_wait3A_148 = tpu.memref_slice %arg7[%dma_wait3A_146, %dma_wait3A_147] : memref<64x80xi32, #tpu.memory_space<vmem>> -> memref<1x80xi32, #tpu.memory_space<vmem>>
    %dma_wait3A_149 = tpu.memref_squeeze %dma_wait3A_148 : memref<1x80xi32, #tpu.memory_space<vmem>> -> memref<80xi32, #tpu.memory_space<vmem>>
    %dma_wait3A_150 = arith.constant 0 : i32
    %dma_wait3A_151 = arith.constant 0 : i32
    %dma_wait3A_152 = tpu.memref_slice %arg2[%dma_wait3A_150, %dma_wait3A_151] : memref<20000x128xf32, #tpu.memory_space<hbm>> -> memref<20000x128xf32, #tpu.memory_space<hbm>>
    tpu.wait_indirect_dma semaphore(%arg13 : memref<!tpu.dma_semaphore, #tpu.memory_space<semaphore_mem>>) src(%dma_wait3A_152 : memref<20000x128xf32, #tpu.memory_space<hbm>>) dst(%arg9 : memref<80x128xf32, #tpu.memory_space<vmem>>)
    %dma_start3A_153 = arith.constant 0 : i32
    %dma_start3A_154 = arith.constant 0 : i32
    %dma_start3A_155 = tpu.memref_slice %arg8[%dma_start3A_153, %dma_start3A_154] : memref<64x80xi32, #tpu.memory_space<vmem>> -> memref<1x80xi32, #tpu.memory_space<vmem>>
    %dma_start3A_156 = tpu.memref_squeeze %dma_start3A_155 : memref<1x80xi32, #tpu.memory_space<vmem>> -> memref<80xi32, #tpu.memory_space<vmem>>
    %dma_start3A_157 = arith.constant 0 : i32
    %dma_start3A_158 = arith.constant 0 : i32
    %dma_start3A_159 = tpu.memref_slice %arg12[%dma_start3A_157, %dma_start3A_158] : memref<10000x128xf32, #tpu.memory_space<vmem_shared>> -> memref<10000x128xf32, #tpu.memory_space<vmem_shared>>
    tpu.enqueue_indirect_dma source(%arg9 : memref<80x128xf32, #tpu.memory_space<vmem>>) target(%dma_start3A_159 : memref<10000x128xf32, #tpu.memory_space<vmem_shared>>) offsets(%dma_start3A_156 : memref<80xi32, #tpu.memory_space<vmem>>) semaphore(%arg16 : memref<!tpu.dma_semaphore, #tpu.memory_space<semaphore_mem>>) {add = true}
    %dma_start3A_160 = arith.constant 2 : i32
    %dma_start3A_161 = arith.constant 0 : i32
    %dma_start3A_162 = tpu.memref_slice %arg7[%dma_start3A_160, %dma_start3A_161] : memref<64x80xi32, #tpu.memory_space<vmem>> -> memref<1x80xi32, #tpu.memory_space<vmem>>
    %dma_start3A_163 = tpu.memref_squeeze %dma_start3A_162 : memref<1x80xi32, #tpu.memory_space<vmem>> -> memref<80xi32, #tpu.memory_space<vmem>>
    %dma_start3A_164 = arith.constant 0 : i32
    %dma_start3A_165 = arith.constant 0 : i32
    %dma_start3A_166 = tpu.memref_slice %arg2[%dma_start3A_164, %dma_start3A_165] : memref<20000x128xf32, #tpu.memory_space<hbm>> -> memref<20000x128xf32, #tpu.memory_space<hbm>>
    tpu.enqueue_indirect_dma source(%dma_start3A_166 : memref<20000x128xf32, #tpu.memory_space<hbm>>) target(%arg11 : memref<80x128xf32, #tpu.memory_space<vmem>>) offsets(%dma_start3A_163 : memref<80xi32, #tpu.memory_space<vmem>>) semaphore(%arg15 : memref<!tpu.dma_semaphore, #tpu.memory_space<semaphore_mem>>)
    %scan3A_167 = arith.constant 0 : i32
    %scan3A_168 = arith.constant 19 : i32
    %scan3A_169 = arith.addi %scan3A_167, %scan3A_168 : i32
    %scan3A_170 = arith.constant 1 : i32
    scf.for %scan3A_260 = %scan3A_167 to %scan3A_169 step %scan3A_170  : i32 {
      %mul3A_261 = arith.constant 1 : i32
      %mul3A_262 = arith.muli %scan3A_260, %mul3A_261 : i32
      %add3A = arith.constant 0 : i32
      %add3A_263 = arith.addi %add3A, %mul3A_262 : i32
      %mul3A_264 = arith.constant 3 : i32
      %mul3A_265 = arith.muli %mul3A_264, %add3A_263 : i32
      %add3A_266 = arith.constant 1 : i32
      %add3A_267 = arith.addi %mul3A_265, %add3A_266 : i32
      %add3A_268 = arith.constant 0 : i32
      %add3A_269 = arith.addi %add3A_267, %add3A_268 : i32
      %dma_wait3A_270 = arith.constant 0 : i32
      %dma_wait3A_271 = tpu.memref_slice %arg7[%add3A_269, %dma_wait3A_270] : memref<64x80xi32, #tpu.memory_space<vmem>> -> memref<1x80xi32, #tpu.memory_space<vmem>>
      %dma_wait3A_272 = tpu.memref_squeeze %dma_wait3A_271 : memref<1x80xi32, #tpu.memory_space<vmem>> -> memref<80xi32, #tpu.memory_space<vmem>>
      %dma_wait3A_273 = arith.constant 0 : i32
      %dma_wait3A_274 = arith.constant 0 : i32
      %dma_wait3A_275 = tpu.memref_slice %arg2[%dma_wait3A_273, %dma_wait3A_274] : memref<20000x128xf32, #tpu.memory_space<hbm>> -> memref<20000x128xf32, #tpu.memory_space<hbm>>
      tpu.wait_indirect_dma semaphore(%arg14 : memref<!tpu.dma_semaphore, #tpu.memory_space<semaphore_mem>>) src(%dma_wait3A_275 : memref<20000x128xf32, #tpu.memory_space<hbm>>) dst(%arg10 : memref<80x128xf32, #tpu.memory_space<vmem>>)
      %dma_start3A_276 = arith.constant 0 : i32
      %dma_start3A_277 = tpu.memref_slice %arg8[%add3A_269, %dma_start3A_276] : memref<64x80xi32, #tpu.memory_space<vmem>> -> memref<1x80xi32, #tpu.memory_space<vmem>>
      %dma_start3A_278 = tpu.memref_squeeze %dma_start3A_277 : memref<1x80xi32, #tpu.memory_space<vmem>> -> memref<80xi32, #tpu.memory_space<vmem>>
      %dma_start3A_279 = arith.constant 0 : i32
      %dma_start3A_280 = arith.constant 0 : i32
      %dma_start3A_281 = tpu.memref_slice %arg12[%dma_start3A_279, %dma_start3A_280] : memref<10000x128xf32, #tpu.memory_space<vmem_shared>> -> memref<10000x128xf32, #tpu.memory_space<vmem_shared>>
      tpu.enqueue_indirect_dma source(%arg10 : memref<80x128xf32, #tpu.memory_space<vmem>>) target(%dma_start3A_281 : memref<10000x128xf32, #tpu.memory_space<vmem_shared>>) offsets(%dma_start3A_278 : memref<80xi32, #tpu.memory_space<vmem>>) semaphore(%arg17 : memref<!tpu.dma_semaphore, #tpu.memory_space<semaphore_mem>>) {add = true}
      %sub3A = arith.constant 1 : i32
      %sub3A_282 = arith.subi %add3A_269, %sub3A : i32
      %dma_wait3A_283 = arith.constant 0 : i32
      %dma_wait3A_284 = tpu.memref_slice %arg8[%sub3A_282, %dma_wait3A_283] : memref<64x80xi32, #tpu.memory_space<vmem>> -> memref<1x80xi32, #tpu.memory_space<vmem>>
      %dma_wait3A_285 = tpu.memref_squeeze %dma_wait3A_284 : memref<1x80xi32, #tpu.memory_space<vmem>> -> memref<80xi32, #tpu.memory_space<vmem>>
      %dma_wait3A_286 = arith.constant 0 : i32
      %dma_wait3A_287 = arith.constant 0 : i32
      %dma_wait3A_288 = tpu.memref_slice %arg12[%dma_wait3A_286, %dma_wait3A_287] : memref<10000x128xf32, #tpu.memory_space<vmem_shared>> -> memref<10000x128xf32, #tpu.memory_space<vmem_shared>>
      tpu.wait_indirect_dma semaphore(%arg16 : memref<!tpu.dma_semaphore, #tpu.memory_space<semaphore_mem>>) src(%arg9 : memref<80x128xf32, #tpu.memory_space<vmem>>) dst(%dma_wait3A_288 : memref<10000x128xf32, #tpu.memory_space<vmem_shared>>)
      %add3A_289 = arith.constant 2 : i32
      %add3A_290 = arith.addi %add3A_269, %add3A_289 : i32
      %dma_start3A_291 = arith.constant 0 : i32
      %dma_start3A_292 = tpu.memref_slice %arg7[%add3A_290, %dma_start3A_291] : memref<64x80xi32, #tpu.memory_space<vmem>> -> memref<1x80xi32, #tpu.memory_space<vmem>>
      %dma_start3A_293 = tpu.memref_squeeze %dma_start3A_292 : memref<1x80xi32, #tpu.memory_space<vmem>> -> memref<80xi32, #tpu.memory_space<vmem>>
      %dma_start3A_294 = arith.constant 0 : i32
      %dma_start3A_295 = arith.constant 0 : i32
      %dma_start3A_296 = tpu.memref_slice %arg2[%dma_start3A_294, %dma_start3A_295] : memref<20000x128xf32, #tpu.memory_space<hbm>> -> memref<20000x128xf32, #tpu.memory_space<hbm>>
      tpu.enqueue_indirect_dma source(%dma_start3A_296 : memref<20000x128xf32, #tpu.memory_space<hbm>>) target(%arg9 : memref<80x128xf32, #tpu.memory_space<vmem>>) offsets(%dma_start3A_293 : memref<80xi32, #tpu.memory_space<vmem>>) semaphore(%arg13 : memref<!tpu.dma_semaphore, #tpu.memory_space<semaphore_mem>>)
      %add3A_297 = arith.constant 1 : i32
      %add3A_298 = arith.addi %add3A_267, %add3A_297 : i32
      %dma_wait3A_299 = arith.constant 0 : i32
      %dma_wait3A_300 = tpu.memref_slice %arg7[%add3A_298, %dma_wait3A_299] : memref<64x80xi32, #tpu.memory_space<vmem>> -> memref<1x80xi32, #tpu.memory_space<vmem>>
      %dma_wait3A_301 = tpu.memref_squeeze %dma_wait3A_300 : memref<1x80xi32, #tpu.memory_space<vmem>> -> memref<80xi32, #tpu.memory_space<vmem>>
      %dma_wait3A_302 = arith.constant 0 : i32
      %dma_wait3A_303 = arith.constant 0 : i32
      %dma_wait3A_304 = tpu.memref_slice %arg2[%dma_wait3A_302, %dma_wait3A_303] : memref<20000x128xf32, #tpu.memory_space<hbm>> -> memref<20000x128xf32, #tpu.memory_space<hbm>>
      tpu.wait_indirect_dma semaphore(%arg15 : memref<!tpu.dma_semaphore, #tpu.memory_space<semaphore_mem>>) src(%dma_wait3A_304 : memref<20000x128xf32, #tpu.memory_space<hbm>>) dst(%arg11 : memref<80x128xf32, #tpu.memory_space<vmem>>)
      %dma_start3A_305 = arith.constant 0 : i32
      %dma_start3A_306 = tpu.memref_slice %arg8[%add3A_298, %dma_start3A_305] : memref<64x80xi32, #tpu.memory_space<vmem>> -> memref<1x80xi32, #tpu.memory_space<vmem>>
      %dma_start3A_307 = tpu.memref_squeeze %dma_start3A_306 : memref<1x80xi32, #tpu.memory_space<vmem>> -> memref<80xi32, #tpu.memory_space<vmem>>
      %dma_start3A_308 = arith.constant 0 : i32
      %dma_start3A_309 = arith.constant 0 : i32
      %dma_start3A_310 = tpu.memref_slice %arg12[%dma_start3A_308, %dma_start3A_309] : memref<10000x128xf32, #tpu.memory_space<vmem_shared>> -> memref<10000x128xf32, #tpu.memory_space<vmem_shared>>
      tpu.enqueue_indirect_dma source(%arg11 : memref<80x128xf32, #tpu.memory_space<vmem>>) target(%dma_start3A_310 : memref<10000x128xf32, #tpu.memory_space<vmem_shared>>) offsets(%dma_start3A_307 : memref<80xi32, #tpu.memory_space<vmem>>) semaphore(%arg18 : memref<!tpu.dma_semaphore, #tpu.memory_space<semaphore_mem>>) {add = true}
      %sub3A_311 = arith.constant 1 : i32
      %sub3A_312 = arith.subi %add3A_298, %sub3A_311 : i32
      %dma_wait3A_313 = arith.constant 0 : i32
      %dma_wait3A_314 = tpu.memref_slice %arg8[%sub3A_312, %dma_wait3A_313] : memref<64x80xi32, #tpu.memory_space<vmem>> -> memref<1x80xi32, #tpu.memory_space<vmem>>
      %dma_wait3A_315 = tpu.memref_squeeze %dma_wait3A_314 : memref<1x80xi32, #tpu.memory_space<vmem>> -> memref<80xi32, #tpu.memory_space<vmem>>
      %dma_wait3A_316 = arith.constant 0 : i32
      %dma_wait3A_317 = arith.constant 0 : i32
      %dma_wait3A_318 = tpu.memref_slice %arg12[%dma_wait3A_316, %dma_wait3A_317] : memref<10000x128xf32, #tpu.memory_space<vmem_shared>> -> memref<10000x128xf32, #tpu.memory_space<vmem_shared>>
      tpu.wait_indirect_dma semaphore(%arg17 : memref<!tpu.dma_semaphore, #tpu.memory_space<semaphore_mem>>) src(%arg10 : memref<80x128xf32, #tpu.memory_space<vmem>>) dst(%dma_wait3A_318 : memref<10000x128xf32, #tpu.memory_space<vmem_shared>>)
      %add3A_319 = arith.constant 2 : i32
      %add3A_320 = arith.addi %add3A_298, %add3A_319 : i32
      %dma_start3A_321 = arith.constant 0 : i32
      %dma_start3A_322 = tpu.memref_slice %arg7[%add3A_320, %dma_start3A_321] : memref<64x80xi32, #tpu.memory_space<vmem>> -> memref<1x80xi32, #tpu.memory_space<vmem>>
      %dma_start3A_323 = tpu.memref_squeeze %dma_start3A_322 : memref<1x80xi32, #tpu.memory_space<vmem>> -> memref<80xi32, #tpu.memory_space<vmem>>
      %dma_start3A_324 = arith.constant 0 : i32
      %dma_start3A_325 = arith.constant 0 : i32
      %dma_start3A_326 = tpu.memref_slice %arg2[%dma_start3A_324, %dma_start3A_325] : memref<20000x128xf32, #tpu.memory_space<hbm>> -> memref<20000x128xf32, #tpu.memory_space<hbm>>
      tpu.enqueue_indirect_dma source(%dma_start3A_326 : memref<20000x128xf32, #tpu.memory_space<hbm>>) target(%arg10 : memref<80x128xf32, #tpu.memory_space<vmem>>) offsets(%dma_start3A_323 : memref<80xi32, #tpu.memory_space<vmem>>) semaphore(%arg14 : memref<!tpu.dma_semaphore, #tpu.memory_space<semaphore_mem>>)
      %add3A_327 = arith.constant 2 : i32
      %add3A_328 = arith.addi %add3A_267, %add3A_327 : i32
      %dma_wait3A_329 = arith.constant 0 : i32
      %dma_wait3A_330 = tpu.memref_slice %arg7[%add3A_328, %dma_wait3A_329] : memref<64x80xi32, #tpu.memory_space<vmem>> -> memref<1x80xi32, #tpu.memory_space<vmem>>
      %dma_wait3A_331 = tpu.memref_squeeze %dma_wait3A_330 : memref<1x80xi32, #tpu.memory_space<vmem>> -> memref<80xi32, #tpu.memory_space<vmem>>
      %dma_wait3A_332 = arith.constant 0 : i32
      %dma_wait3A_333 = arith.constant 0 : i32
      %dma_wait3A_334 = tpu.memref_slice %arg2[%dma_wait3A_332, %dma_wait3A_333] : memref<20000x128xf32, #tpu.memory_space<hbm>> -> memref<20000x128xf32, #tpu.memory_space<hbm>>
      tpu.wait_indirect_dma semaphore(%arg13 : memref<!tpu.dma_semaphore, #tpu.memory_space<semaphore_mem>>) src(%dma_wait3A_334 : memref<20000x128xf32, #tpu.memory_space<hbm>>) dst(%arg9 : memref<80x128xf32, #tpu.memory_space<vmem>>)
      %dma_start3A_335 = arith.constant 0 : i32
      %dma_start3A_336 = tpu.memref_slice %arg8[%add3A_328, %dma_start3A_335] : memref<64x80xi32, #tpu.memory_space<vmem>> -> memref<1x80xi32, #tpu.memory_space<vmem>>
      %dma_start3A_337 = tpu.memref_squeeze %dma_start3A_336 : memref<1x80xi32, #tpu.memory_space<vmem>> -> memref<80xi32, #tpu.memory_space<vmem>>
      %dma_start3A_338 = arith.constant 0 : i32
      %dma_start3A_339 = arith.constant 0 : i32
      %dma_start3A_340 = tpu.memref_slice %arg12[%dma_start3A_338, %dma_start3A_339] : memref<10000x128xf32, #tpu.memory_space<vmem_shared>> -> memref<10000x128xf32, #tpu.memory_space<vmem_shared>>
      tpu.enqueue_indirect_dma source(%arg9 : memref<80x128xf32, #tpu.memory_space<vmem>>) target(%dma_start3A_340 : memref<10000x128xf32, #tpu.memory_space<vmem_shared>>) offsets(%dma_start3A_337 : memref<80xi32, #tpu.memory_space<vmem>>) semaphore(%arg16 : memref<!tpu.dma_semaphore, #tpu.memory_space<semaphore_mem>>) {add = true}
      %sub3A_341 = arith.constant 1 : i32
      %sub3A_342 = arith.subi %add3A_328, %sub3A_341 : i32
      %dma_wait3A_343 = arith.constant 0 : i32
      %dma_wait3A_344 = tpu.memref_slice %arg8[%sub3A_342, %dma_wait3A_343] : memref<64x80xi32, #tpu.memory_space<vmem>> -> memref<1x80xi32, #tpu.memory_space<vmem>>
      %dma_wait3A_345 = tpu.memref_squeeze %dma_wait3A_344 : memref<1x80xi32, #tpu.memory_space<vmem>> -> memref<80xi32, #tpu.memory_space<vmem>>
      %dma_wait3A_346 = arith.constant 0 : i32
      %dma_wait3A_347 = arith.constant 0 : i32
      %dma_wait3A_348 = tpu.memref_slice %arg12[%dma_wait3A_346, %dma_wait3A_347] : memref<10000x128xf32, #tpu.memory_space<vmem_shared>> -> memref<10000x128xf32, #tpu.memory_space<vmem_shared>>
      tpu.wait_indirect_dma semaphore(%arg18 : memref<!tpu.dma_semaphore, #tpu.memory_space<semaphore_mem>>) src(%arg11 : memref<80x128xf32, #tpu.memory_space<vmem>>) dst(%dma_wait3A_348 : memref<10000x128xf32, #tpu.memory_space<vmem_shared>>)
      %add3A_349 = arith.constant 2 : i32
      %add3A_350 = arith.addi %add3A_328, %add3A_349 : i32
      %dma_start3A_351 = arith.constant 0 : i32
      %dma_start3A_352 = tpu.memref_slice %arg7[%add3A_350, %dma_start3A_351] : memref<64x80xi32, #tpu.memory_space<vmem>> -> memref<1x80xi32, #tpu.memory_space<vmem>>
      %dma_start3A_353 = tpu.memref_squeeze %dma_start3A_352 : memref<1x80xi32, #tpu.memory_space<vmem>> -> memref<80xi32, #tpu.memory_space<vmem>>
      %dma_start3A_354 = arith.constant 0 : i32
      %dma_start3A_355 = arith.constant 0 : i32
      %dma_start3A_356 = tpu.memref_slice %arg2[%dma_start3A_354, %dma_start3A_355] : memref<20000x128xf32, #tpu.memory_space<hbm>> -> memref<20000x128xf32, #tpu.memory_space<hbm>>
      tpu.enqueue_indirect_dma source(%dma_start3A_356 : memref<20000x128xf32, #tpu.memory_space<hbm>>) target(%arg11 : memref<80x128xf32, #tpu.memory_space<vmem>>) offsets(%dma_start3A_353 : memref<80xi32, #tpu.memory_space<vmem>>) semaphore(%arg15 : memref<!tpu.dma_semaphore, #tpu.memory_space<semaphore_mem>>)
    }
    %scan3A_171 = arith.constant 19 : i32
    %dma_wait3A_172 = arith.constant 58 : i32
    %dma_wait3A_173 = arith.constant 0 : i32
    %dma_wait3A_174 = tpu.memref_slice %arg7[%dma_wait3A_172, %dma_wait3A_173] : memref<64x80xi32, #tpu.memory_space<vmem>> -> memref<1x80xi32, #tpu.memory_space<vmem>>
    %dma_wait3A_175 = tpu.memref_squeeze %dma_wait3A_174 : memref<1x80xi32, #tpu.memory_space<vmem>> -> memref<80xi32, #tpu.memory_space<vmem>>
    %dma_wait3A_176 = arith.constant 0 : i32
    %dma_wait3A_177 = arith.constant 0 : i32
    %dma_wait3A_178 = tpu.memref_slice %arg2[%dma_wait3A_176, %dma_wait3A_177] : memref<20000x128xf32, #tpu.memory_space<hbm>> -> memref<20000x128xf32, #tpu.memory_space<hbm>>
    tpu.wait_indirect_dma semaphore(%arg14 : memref<!tpu.dma_semaphore, #tpu.memory_space<semaphore_mem>>) src(%dma_wait3A_178 : memref<20000x128xf32, #tpu.memory_space<hbm>>) dst(%arg10 : memref<80x128xf32, #tpu.memory_space<vmem>>)
    %dma_start3A_179 = arith.constant 58 : i32
    %dma_start3A_180 = arith.constant 0 : i32
    %dma_start3A_181 = tpu.memref_slice %arg8[%dma_start3A_179, %dma_start3A_180] : memref<64x80xi32, #tpu.memory_space<vmem>> -> memref<1x80xi32, #tpu.memory_space<vmem>>
    %dma_start3A_182 = tpu.memref_squeeze %dma_start3A_181 : memref<1x80xi32, #tpu.memory_space<vmem>> -> memref<80xi32, #tpu.memory_space<vmem>>
    %dma_start3A_183 = arith.constant 0 : i32
    %dma_start3A_184 = arith.constant 0 : i32
    %dma_start3A_185 = tpu.memref_slice %arg12[%dma_start3A_183, %dma_start3A_184] : memref<10000x128xf32, #tpu.memory_space<vmem_shared>> -> memref<10000x128xf32, #tpu.memory_space<vmem_shared>>
    tpu.enqueue_indirect_dma source(%arg10 : memref<80x128xf32, #tpu.memory_space<vmem>>) target(%dma_start3A_185 : memref<10000x128xf32, #tpu.memory_space<vmem_shared>>) offsets(%dma_start3A_182 : memref<80xi32, #tpu.memory_space<vmem>>) semaphore(%arg17 : memref<!tpu.dma_semaphore, #tpu.memory_space<semaphore_mem>>) {add = true}
    %dma_wait3A_186 = arith.constant 57 : i32
    %dma_wait3A_187 = arith.constant 0 : i32
    %dma_wait3A_188 = tpu.memref_slice %arg8[%dma_wait3A_186, %dma_wait3A_187] : memref<64x80xi32, #tpu.memory_space<vmem>> -> memref<1x80xi32, #tpu.memory_space<vmem>>
    %dma_wait3A_189 = tpu.memref_squeeze %dma_wait3A_188 : memref<1x80xi32, #tpu.memory_space<vmem>> -> memref<80xi32, #tpu.memory_space<vmem>>
    %dma_wait3A_190 = arith.constant 0 : i32
    %dma_wait3A_191 = arith.constant 0 : i32
    %dma_wait3A_192 = tpu.memref_slice %arg12[%dma_wait3A_190, %dma_wait3A_191] : memref<10000x128xf32, #tpu.memory_space<vmem_shared>> -> memref<10000x128xf32, #tpu.memory_space<vmem_shared>>
    tpu.wait_indirect_dma semaphore(%arg16 : memref<!tpu.dma_semaphore, #tpu.memory_space<semaphore_mem>>) src(%arg9 : memref<80x128xf32, #tpu.memory_space<vmem>>) dst(%dma_wait3A_192 : memref<10000x128xf32, #tpu.memory_space<vmem_shared>>)
    %dma_start3A_193 = arith.constant 60 : i32
    %dma_start3A_194 = arith.constant 0 : i32
    %dma_start3A_195 = tpu.memref_slice %arg7[%dma_start3A_193, %dma_start3A_194] : memref<64x80xi32, #tpu.memory_space<vmem>> -> memref<1x80xi32, #tpu.memory_space<vmem>>
    %dma_start3A_196 = tpu.memref_squeeze %dma_start3A_195 : memref<1x80xi32, #tpu.memory_space<vmem>> -> memref<80xi32, #tpu.memory_space<vmem>>
    %dma_start3A_197 = arith.constant 0 : i32
    %dma_start3A_198 = arith.constant 0 : i32
    %dma_start3A_199 = tpu.memref_slice %arg2[%dma_start3A_197, %dma_start3A_198] : memref<20000x128xf32, #tpu.memory_space<hbm>> -> memref<20000x128xf32, #tpu.memory_space<hbm>>
    tpu.enqueue_indirect_dma source(%dma_start3A_199 : memref<20000x128xf32, #tpu.memory_space<hbm>>) target(%arg9 : memref<80x128xf32, #tpu.memory_space<vmem>>) offsets(%dma_start3A_196 : memref<80xi32, #tpu.memory_space<vmem>>) semaphore(%arg13 : memref<!tpu.dma_semaphore, #tpu.memory_space<semaphore_mem>>)
    %dma_wait3A_200 = arith.constant 59 : i32
    %dma_wait3A_201 = arith.constant 0 : i32
    %dma_wait3A_202 = tpu.memref_slice %arg7[%dma_wait3A_200, %dma_wait3A_201] : memref<64x80xi32, #tpu.memory_space<vmem>> -> memref<1x80xi32, #tpu.memory_space<vmem>>
    %dma_wait3A_203 = tpu.memref_squeeze %dma_wait3A_202 : memref<1x80xi32, #tpu.memory_space<vmem>> -> memref<80xi32, #tpu.memory_space<vmem>>
    %dma_wait3A_204 = arith.constant 0 : i32
    %dma_wait3A_205 = arith.constant 0 : i32
    %dma_wait3A_206 = tpu.memref_slice %arg2[%dma_wait3A_204, %dma_wait3A_205] : memref<20000x128xf32, #tpu.memory_space<hbm>> -> memref<20000x128xf32, #tpu.memory_space<hbm>>
    tpu.wait_indirect_dma semaphore(%arg15 : memref<!tpu.dma_semaphore, #tpu.memory_space<semaphore_mem>>) src(%dma_wait3A_206 : memref<20000x128xf32, #tpu.memory_space<hbm>>) dst(%arg11 : memref<80x128xf32, #tpu.memory_space<vmem>>)
    %dma_start3A_207 = arith.constant 59 : i32
    %dma_start3A_208 = arith.constant 0 : i32
    %dma_start3A_209 = tpu.memref_slice %arg8[%dma_start3A_207, %dma_start3A_208] : memref<64x80xi32, #tpu.memory_space<vmem>> -> memref<1x80xi32, #tpu.memory_space<vmem>>
    %dma_start3A_210 = tpu.memref_squeeze %dma_start3A_209 : memref<1x80xi32, #tpu.memory_space<vmem>> -> memref<80xi32, #tpu.memory_space<vmem>>
    %dma_start3A_211 = arith.constant 0 : i32
    %dma_start3A_212 = arith.constant 0 : i32
    %dma_start3A_213 = tpu.memref_slice %arg12[%dma_start3A_211, %dma_start3A_212] : memref<10000x128xf32, #tpu.memory_space<vmem_shared>> -> memref<10000x128xf32, #tpu.memory_space<vmem_shared>>
    tpu.enqueue_indirect_dma source(%arg11 : memref<80x128xf32, #tpu.memory_space<vmem>>) target(%dma_start3A_213 : memref<10000x128xf32, #tpu.memory_space<vmem_shared>>) offsets(%dma_start3A_210 : memref<80xi32, #tpu.memory_space<vmem>>) semaphore(%arg18 : memref<!tpu.dma_semaphore, #tpu.memory_space<semaphore_mem>>) {add = true}
    %dma_wait3A_214 = arith.constant 60 : i32
    %dma_wait3A_215 = arith.constant 0 : i32
    %dma_wait3A_216 = tpu.memref_slice %arg7[%dma_wait3A_214, %dma_wait3A_215] : memref<64x80xi32, #tpu.memory_space<vmem>> -> memref<1x80xi32, #tpu.memory_space<vmem>>
    %dma_wait3A_217 = tpu.memref_squeeze %dma_wait3A_216 : memref<1x80xi32, #tpu.memory_space<vmem>> -> memref<80xi32, #tpu.memory_space<vmem>>
    %dma_wait3A_218 = arith.constant 0 : i32
    %dma_wait3A_219 = arith.constant 0 : i32
    %dma_wait3A_220 = tpu.memref_slice %arg2[%dma_wait3A_218, %dma_wait3A_219] : memref<20000x128xf32, #tpu.memory_space<hbm>> -> memref<20000x128xf32, #tpu.memory_space<hbm>>
    tpu.wait_indirect_dma semaphore(%arg13 : memref<!tpu.dma_semaphore, #tpu.memory_space<semaphore_mem>>) src(%dma_wait3A_220 : memref<20000x128xf32, #tpu.memory_space<hbm>>) dst(%arg9 : memref<80x128xf32, #tpu.memory_space<vmem>>)
    %dma_start3A_221 = arith.constant 60 : i32
    %dma_start3A_222 = arith.constant 0 : i32
    %dma_start3A_223 = tpu.memref_slice %arg8[%dma_start3A_221, %dma_start3A_222] : memref<64x80xi32, #tpu.memory_space<vmem>> -> memref<1x80xi32, #tpu.memory_space<vmem>>
    %dma_start3A_224 = tpu.memref_squeeze %dma_start3A_223 : memref<1x80xi32, #tpu.memory_space<vmem>> -> memref<80xi32, #tpu.memory_space<vmem>>
    %dma_start3A_225 = arith.constant 0 : i32
    %dma_start3A_226 = arith.constant 0 : i32
    %dma_start3A_227 = tpu.memref_slice %arg12[%dma_start3A_225, %dma_start3A_226] : memref<10000x128xf32, #tpu.memory_space<vmem_shared>> -> memref<10000x128xf32, #tpu.memory_space<vmem_shared>>
    tpu.enqueue_indirect_dma source(%arg9 : memref<80x128xf32, #tpu.memory_space<vmem>>) target(%dma_start3A_227 : memref<10000x128xf32, #tpu.memory_space<vmem_shared>>) offsets(%dma_start3A_224 : memref<80xi32, #tpu.memory_space<vmem>>) semaphore(%arg16 : memref<!tpu.dma_semaphore, #tpu.memory_space<semaphore_mem>>) {add = true}
    %dma_wait3A_228 = arith.constant 58 : i32
    %dma_wait3A_229 = arith.constant 0 : i32
    %dma_wait3A_230 = tpu.memref_slice %arg8[%dma_wait3A_228, %dma_wait3A_229] : memref<64x80xi32, #tpu.memory_space<vmem>> -> memref<1x80xi32, #tpu.memory_space<vmem>>
    %dma_wait3A_231 = tpu.memref_squeeze %dma_wait3A_230 : memref<1x80xi32, #tpu.memory_space<vmem>> -> memref<80xi32, #tpu.memory_space<vmem>>
    %dma_wait3A_232 = arith.constant 0 : i32
    %dma_wait3A_233 = arith.constant 0 : i32
    %dma_wait3A_234 = tpu.memref_slice %arg12[%dma_wait3A_232, %dma_wait3A_233] : memref<10000x128xf32, #tpu.memory_space<vmem_shared>> -> memref<10000x128xf32, #tpu.memory_space<vmem_shared>>
    tpu.wait_indirect_dma semaphore(%arg17 : memref<!tpu.dma_semaphore, #tpu.memory_space<semaphore_mem>>) src(%arg10 : memref<80x128xf32, #tpu.memory_space<vmem>>) dst(%dma_wait3A_234 : memref<10000x128xf32, #tpu.memory_space<vmem_shared>>)
    %dma_wait3A_235 = arith.constant 59 : i32
    %dma_wait3A_236 = arith.constant 0 : i32
    %dma_wait3A_237 = tpu.memref_slice %arg8[%dma_wait3A_235, %dma_wait3A_236] : memref<64x80xi32, #tpu.memory_space<vmem>> -> memref<1x80xi32, #tpu.memory_space<vmem>>
    %dma_wait3A_238 = tpu.memref_squeeze %dma_wait3A_237 : memref<1x80xi32, #tpu.memory_space<vmem>> -> memref<80xi32, #tpu.memory_space<vmem>>
    %dma_wait3A_239 = arith.constant 0 : i32
    %dma_wait3A_240 = arith.constant 0 : i32
    %dma_wait3A_241 = tpu.memref_slice %arg12[%dma_wait3A_239, %dma_wait3A_240] : memref<10000x128xf32, #tpu.memory_space<vmem_shared>> -> memref<10000x128xf32, #tpu.memory_space<vmem_shared>>
    tpu.wait_indirect_dma semaphore(%arg18 : memref<!tpu.dma_semaphore, #tpu.memory_space<semaphore_mem>>) src(%arg11 : memref<80x128xf32, #tpu.memory_space<vmem>>) dst(%dma_wait3A_241 : memref<10000x128xf32, #tpu.memory_space<vmem_shared>>)
    %dma_wait3A_242 = arith.constant 60 : i32
    %dma_wait3A_243 = arith.constant 0 : i32
    %dma_wait3A_244 = tpu.memref_slice %arg8[%dma_wait3A_242, %dma_wait3A_243] : memref<64x80xi32, #tpu.memory_space<vmem>> -> memref<1x80xi32, #tpu.memory_space<vmem>>
    %dma_wait3A_245 = tpu.memref_squeeze %dma_wait3A_244 : memref<1x80xi32, #tpu.memory_space<vmem>> -> memref<80xi32, #tpu.memory_space<vmem>>
    %dma_wait3A_246 = arith.constant 0 : i32
    %dma_wait3A_247 = arith.constant 0 : i32
    %dma_wait3A_248 = tpu.memref_slice %arg12[%dma_wait3A_246, %dma_wait3A_247] : memref<10000x128xf32, #tpu.memory_space<vmem_shared>> -> memref<10000x128xf32, #tpu.memory_space<vmem_shared>>
    tpu.wait_indirect_dma semaphore(%arg16 : memref<!tpu.dma_semaphore, #tpu.memory_space<semaphore_mem>>) src(%arg9 : memref<80x128xf32, #tpu.memory_space<vmem>>) dst(%dma_wait3A_248 : memref<10000x128xf32, #tpu.memory_space<vmem_shared>>)
    %barrier3A_249 = arith.constant 0 : index
    tpu.barrier barrier_id(%barrier3A_249)
    %scan3A_250 = arith.constant 0 : i32
    %scan3A_251 = arith.constant 3 : i32
    %scan3A_252 = arith.addi %scan3A_250, %scan3A_251 : i32
    %scan3A_253 = arith.constant 1 : i32
    scf.for %scan3A_260 = %scan3A_250 to %scan3A_252 step %scan3A_253  : i32 {
      %mul3A_261 = arith.constant 1 : i32
      %mul3A_262 = arith.muli %scan3A_260, %mul3A_261 : i32
      %add3A = arith.constant 0 : i32
      %add3A_263 = arith.addi %add3A, %mul3A_262 : i32
      %mul3A_264 = arith.constant 208 : i32
      %mul3A_265 = arith.muli %add3A_263, %mul3A_264 : i32
      %add3A_266 = arith.addi %mul3A_0, %mul3A_265 : i32
      "tpu.region"() ({
        %run_scoped3A = tpu.sem_alloc : memref<!tpu.dma_semaphore, #tpu.memory_space<semaphore_mem>>
        %dma_start3A_267 = arith.constant 0 : i32
        %dma_start3A_268 = tpu.memref_slice %arg6[%arg0, %add3A_266, %dma_start3A_267] : memref<2x10000x128xf32, #tpu.memory_space<hbm>> -> memref<1x208x128xf32, #tpu.memory_space<hbm>>
        %dma_start3A_269 = tpu.memref_squeeze %dma_start3A_268 : memref<1x208x128xf32, #tpu.memory_space<hbm>> -> memref<208x128xf32, #tpu.memory_space<hbm>>
        %dma_start3A_270 = arith.constant 0 : i32
        %dma_start3A_271 = tpu.memref_slice %arg12[%add3A_266, %dma_start3A_270] : memref<10000x128xf32, #tpu.memory_space<vmem_shared>> -> memref<208x128xf32, #tpu.memory_space<vmem_shared>>
        tpu.enqueue_dma source(%dma_start3A_271 : memref<208x128xf32, #tpu.memory_space<vmem_shared>>) target(%dma_start3A_269 : memref<208x128xf32, #tpu.memory_space<hbm>>) target_semaphore(%run_scoped3A : memref<!tpu.dma_semaphore, #tpu.memory_space<semaphore_mem>>)
        %dma_wait3A_272 = arith.constant 0 : i32
        %dma_wait3A_273 = tpu.memref_slice %arg6[%arg0, %add3A_266, %dma_wait3A_272] : memref<2x10000x128xf32, #tpu.memory_space<hbm>> -> memref<1x208x128xf32, #tpu.memory_space<hbm>>
        %dma_wait3A_274 = tpu.memref_squeeze %dma_wait3A_273 : memref<1x208x128xf32, #tpu.memory_space<hbm>> -> memref<208x128xf32, #tpu.memory_space<hbm>>
        %dma_wait3A_275 = arith.constant 0 : i32
        %dma_wait3A_276 = tpu.memref_slice %arg12[%add3A_266, %dma_wait3A_275] : memref<10000x128xf32, #tpu.memory_space<vmem_shared>> -> memref<208x128xf32, #tpu.memory_space<vmem_shared>>
        tpu.wait_dma2 semaphore(%run_scoped3A : memref<!tpu.dma_semaphore, #tpu.memory_space<semaphore_mem>>) src(%dma_wait3A_276 : memref<208x128xf32, #tpu.memory_space<vmem_shared>>) dst(%dma_wait3A_274 : memref<208x128xf32, #tpu.memory_space<hbm>>)
        tpu.yield
      }) : () -> ()
    }
    %scan3A_254 = arith.constant 3 : i32
    %eq3A_255 = arith.constant 0 : i32
    %eq3A_256 = arith.cmpi eq, %arg1, %eq3A_255 : i32
    %convert_element_type3A_257 = arith.extui %eq3A_256 : i1 to i32
    %cond3A_258 = arith.constant 0 : i32
    %cond3A_259 = arith.cmpi ne, %convert_element_type3A_257, %cond3A_258 : i32
    scf.if %cond3A_259 {
      "tpu.region"() ({
        %run_scoped3A = tpu.sem_alloc : memref<!tpu.dma_semaphore, #tpu.memory_space<semaphore_mem>>
        %dma_start3A_260 = arith.constant 9984 : i32
        %dma_start3A_261 = arith.constant 0 : i32
        %dma_start3A_262 = tpu.memref_slice %arg6[%arg0, %dma_start3A_260, %dma_start3A_261] : memref<2x10000x128xf32, #tpu.memory_space<hbm>> -> memref<1x16x128xf32, #tpu.memory_space<hbm>>
        %dma_start3A_263 = tpu.memref_squeeze %dma_start3A_262 : memref<1x16x128xf32, #tpu.memory_space<hbm>> -> memref<16x128xf32, #tpu.memory_space<hbm>>
        %dma_start3A_264 = arith.constant 9984 : i32
        %dma_start3A_265 = arith.constant 0 : i32
        %dma_start3A_266 = tpu.memref_slice %arg12[%dma_start3A_264, %dma_start3A_265] : memref<10000x128xf32, #tpu.memory_space<vmem_shared>> -> memref<16x128xf32, #tpu.memory_space<vmem_shared>>
        tpu.enqueue_dma source(%dma_start3A_266 : memref<16x128xf32, #tpu.memory_space<vmem_shared>>) target(%dma_start3A_263 : memref<16x128xf32, #tpu.memory_space<hbm>>) target_semaphore(%run_scoped3A : memref<!tpu.dma_semaphore, #tpu.memory_space<semaphore_mem>>)
        %dma_wait3A_267 = arith.constant 9984 : i32
        %dma_wait3A_268 = arith.constant 0 : i32
        %dma_wait3A_269 = tpu.memref_slice %arg6[%arg0, %dma_wait3A_267, %dma_wait3A_268] : memref<2x10000x128xf32, #tpu.memory_space<hbm>> -> memref<1x16x128xf32, #tpu.memory_space<hbm>>
        %dma_wait3A_270 = tpu.memref_squeeze %dma_wait3A_269 : memref<1x16x128xf32, #tpu.memory_space<hbm>> -> memref<16x128xf32, #tpu.memory_space<hbm>>
        %dma_wait3A_271 = arith.constant 9984 : i32
        %dma_wait3A_272 = arith.constant 0 : i32
        %dma_wait3A_273 = tpu.memref_slice %arg12[%dma_wait3A_271, %dma_wait3A_272] : memref<10000x128xf32, #tpu.memory_space<vmem_shared>> -> memref<16x128xf32, #tpu.memory_space<vmem_shared>>
        tpu.wait_dma2 semaphore(%run_scoped3A : memref<!tpu.dma_semaphore, #tpu.memory_space<semaphore_mem>>) src(%dma_wait3A_273 : memref<16x128xf32, #tpu.memory_space<vmem_shared>>) dst(%dma_wait3A_270 : memref<16x128xf32, #tpu.memory_space<hbm>>)
        tpu.yield
      }) : () -> ()
    } else {
    }
    return
  }
}

#map = affine_map<(d0, d1) -> (0, 0)>
#map1 = affine_map<(d0, d1) -> (0, 0, 0)>
module attributes {stable_mosaic.version = 14 : i64} {
  func.func @_sc_agg_body(%arg0: i32, %arg1: i32, %arg2: memref<20000x128xf32, #tpu.memory_space<hbm>>, %arg3: memref<16x125x80xi32, #tpu.memory_space<hbm>>, %arg4: memref<16x125x80xi32, #tpu.memory_space<hbm>>, %arg5: memref<208x128xf32, #tpu.memory_space<hbm>>, %arg6: memref<2x10000x128xf32, #tpu.memory_space<hbm>>, %arg7: memref<64x80xi32, #tpu.memory_space<vmem>>, %arg8: memref<64x80xi32, #tpu.memory_space<vmem>>, %arg9: memref<80x128xf32, #tpu.memory_space<vmem>>, %arg10: memref<80x128xf32, #tpu.memory_space<vmem>>, %arg11: memref<80x128xf32, #tpu.memory_space<vmem>>, %arg12: memref<10000x128xf32, #tpu.memory_space<vmem_shared>>, %arg13: memref<!tpu.dma_semaphore, #tpu.memory_space<semaphore_mem>>, %arg14: memref<!tpu.dma_semaphore, #tpu.memory_space<semaphore_mem>>, %arg15: memref<!tpu.dma_semaphore, #tpu.memory_space<semaphore_mem>>, %arg16: memref<!tpu.dma_semaphore, #tpu.memory_space<semaphore_mem>>, %arg17: memref<!tpu.dma_semaphore, #tpu.memory_space<semaphore_mem>>, %arg18: memref<!tpu.dma_semaphore, #tpu.memory_space<semaphore_mem>>) attributes {dimension_semantics = [#tpu.dimension_semantics<core_parallel>, #tpu.dimension_semantics<subcore_parallel>], iteration_bounds = array<i64: 2, 16>, scalar_prefetch = 0 : i64, scratch_operands = 12 : i64, tpu.core_type = #tpu.core_type<sc_vector_subcore>, window_params = [{transform_indices = #map}, {transform_indices = #map1}, {transform_indices = #map1}, {transform_indices = #map}, {transform_indices = #map1}]} {
    %mul3A = arith.constant 624 : i32
    %mul3A_0 = arith.muli %arg1, %mul3A : i32
    %scan3A = arith.constant 0 : i32
    %scan3A_1 = arith.constant 3 : i32
    %scan3A_2 = arith.addi %scan3A, %scan3A_1 : i32
    %scan3A_3 = arith.constant 1 : i32
    scf.for %scan3A_260 = %scan3A to %scan3A_2 step %scan3A_3  : i32 {
      %mul3A_261 = arith.constant 1 : i32
      %mul3A_262 = arith.muli %scan3A_260, %mul3A_261 : i32
      %add3A = arith.constant 0 : i32
      %add3A_263 = arith.addi %add3A, %mul3A_262 : i32
      %mul3A_264 = arith.constant 208 : i32
      %mul3A_265 = arith.muli %add3A_263, %mul3A_264 : i32
      %add3A_266 = arith.addi %mul3A_0, %mul3A_265 : i32
      "tpu.region"() ({
        %run_scoped3A = tpu.sem_alloc : memref<!tpu.dma_semaphore, #tpu.memory_space<semaphore_mem>>
        %dma_start3A_267 = arith.constant 0 : i32
        %dma_start3A_268 = tpu.memref_slice %arg12[%add3A_266, %dma_start3A_267] : memref<10000x128xf32, #tpu.memory_space<vmem_shared>> -> memref<208x128xf32, #tpu.memory_space<vmem_shared>>
        tpu.enqueue_dma source(%arg5 : memref<208x128xf32, #tpu.memory_space<hbm>>) target(%dma_start3A_268 : memref<208x128xf32, #tpu.memory_space<vmem_shared>>) target_semaphore(%run_scoped3A : memref<!tpu.dma_semaphore, #tpu.memory_space<semaphore_mem>>)
        %dma_wait3A_269 = arith.constant 0 : i32
        %dma_wait3A_270 = tpu.memref_slice %arg12[%add3A_266, %dma_wait3A_269] : memref<10000x128xf32, #tpu.memory_space<vmem_shared>> -> memref<208x128xf32, #tpu.memory_space<vmem_shared>>
        tpu.wait_dma2 semaphore(%run_scoped3A : memref<!tpu.dma_semaphore, #tpu.memory_space<semaphore_mem>>) src(%arg5 : memref<208x128xf32, #tpu.memory_space<hbm>>) dst(%dma_wait3A_270 : memref<208x128xf32, #tpu.memory_space<vmem_shared>>)
        tpu.yield
      }) : () -> ()
    }
    %scan3A_4 = arith.constant 3 : i32
    %eq3A = arith.constant 0 : i32
    %eq3A_5 = arith.cmpi eq, %arg1, %eq3A : i32
    %convert_element_type3A = arith.extui %eq3A_5 : i1 to i32
    %cond3A = arith.constant 0 : i32
    %cond3A_6 = arith.cmpi ne, %convert_element_type3A, %cond3A : i32
    scf.if %cond3A_6 {
      "tpu.region"() ({
        %run_scoped3A = tpu.sem_alloc : memref<!tpu.dma_semaphore, #tpu.memory_space<semaphore_mem>>
        %dma_start3A_260 = arith.constant 9984 : i32
        %dma_start3A_261 = arith.constant 0 : i32
        %dma_start3A_262 = tpu.memref_slice %arg12[%dma_start3A_260, %dma_start3A_261] : memref<10000x128xf32, #tpu.memory_space<vmem_shared>> -> memref<16x128xf32, #tpu.memory_space<vmem_shared>>
        %dma_start3A_263 = arith.constant 0 : i32
        %dma_start3A_264 = arith.constant 0 : i32
        %dma_start3A_265 = tpu.memref_slice %arg5[%dma_start3A_263, %dma_start3A_264] : memref<208x128xf32, #tpu.memory_space<hbm>> -> memref<16x128xf32, #tpu.memory_space<hbm>>
        tpu.enqueue_dma source(%dma_start3A_265 : memref<16x128xf32, #tpu.memory_space<hbm>>) target(%dma_start3A_262 : memref<16x128xf32, #tpu.memory_space<vmem_shared>>) target_semaphore(%run_scoped3A : memref<!tpu.dma_semaphore, #tpu.memory_space<semaphore_mem>>)
        %dma_wait3A_266 = arith.constant 9984 : i32
        %dma_wait3A_267 = arith.constant 0 : i32
        %dma_wait3A_268 = tpu.memref_slice %arg12[%dma_wait3A_266, %dma_wait3A_267] : memref<10000x128xf32, #tpu.memory_space<vmem_shared>> -> memref<16x128xf32, #tpu.memory_space<vmem_shared>>
        %dma_wait3A_269 = arith.constant 0 : i32
        %dma_wait3A_270 = arith.constant 0 : i32
        %dma_wait3A_271 = tpu.memref_slice %arg5[%dma_wait3A_269, %dma_wait3A_270] : memref<208x128xf32, #tpu.memory_space<hbm>> -> memref<16x128xf32, #tpu.memory_space<hbm>>
        tpu.wait_dma2 semaphore(%run_scoped3A : memref<!tpu.dma_semaphore, #tpu.memory_space<semaphore_mem>>) src(%dma_wait3A_271 : memref<16x128xf32, #tpu.memory_space<hbm>>) dst(%dma_wait3A_268 : memref<16x128xf32, #tpu.memory_space<vmem_shared>>)
        tpu.yield
      }) : () -> ()
    } else {
    }
    %barrier3A = arith.constant 0 : index
    tpu.barrier barrier_id(%barrier3A)
    "tpu.region"() ({
      %run_scoped3A = tpu.sem_alloc : memref<!tpu.dma_semaphore, #tpu.memory_space<semaphore_mem>>
      %dma_start3A_260 = arith.constant 0 : i32
      %dma_start3A_261 = arith.constant 0 : i32
      %dma_start3A_262 = tpu.memref_slice %arg7[%dma_start3A_260, %dma_start3A_261] : memref<64x80xi32, #tpu.memory_space<vmem>> -> memref<64x80xi32, #tpu.memory_space<vmem>>
      %dma_start3A_263 = arith.constant 0 : i32
      %dma_start3A_264 = arith.constant 0 : i32
      %dma_start3A_265 = tpu.memref_slice %arg3[%arg1, %dma_start3A_263, %dma_start3A_264] : memref<16x125x80xi32, #tpu.memory_space<hbm>> -> memref<1x64x80xi32, #tpu.memory_space<hbm>>
      %dma_start3A_266 = tpu.memref_squeeze %dma_start3A_265 : memref<1x64x80xi32, #tpu.memory_space<hbm>> -> memref<64x80xi32, #tpu.memory_space<hbm>>
      %dma_start3A_267 = arith.constant 0 : i32
      %dma_start3A_268 = arith.constant 0 : i32
      %dma_start3A_269 = tpu.memref_slice %arg7[%dma_start3A_267, %dma_start3A_268] : memref<64x80xi32, #tpu.memory_space<vmem>> -> memref<64x80xi32, #tpu.memory_space<vmem>>
      %dma_start3A_270 = arith.constant 0 : i32
      %dma_start3A_271 = arith.constant 0 : i32
      %dma_start3A_272 = tpu.memref_slice %arg3[%arg1, %dma_start3A_270, %dma_start3A_271] : memref<16x125x80xi32, #tpu.memory_space<hbm>> -> memref<1x64x80xi32, #tpu.memory_space<hbm>>
      %dma_start3A_273 = tpu.memref_squeeze %dma_start3A_272 : memref<1x64x80xi32, #tpu.memory_space<hbm>> -> memref<64x80xi32, #tpu.memory_space<hbm>>
      tpu.enqueue_dma source(%dma_start3A_273 : memref<64x80xi32, #tpu.memory_space<hbm>>) target(%dma_start3A_269 : memref<64x80xi32, #tpu.memory_space<vmem>>) target_semaphore(%run_scoped3A : memref<!tpu.dma_semaphore, #tpu.memory_space<semaphore_mem>>)
      %dma_wait3A_274 = arith.constant 0 : i32
      %dma_wait3A_275 = arith.constant 0 : i32
      %dma_wait3A_276 = tpu.memref_slice %arg7[%dma_wait3A_274, %dma_wait3A_275] : memref<64x80xi32, #tpu.memory_space<vmem>> -> memref<64x80xi32, #tpu.memory_space<vmem>>
      %dma_wait3A_277 = arith.constant 0 : i32
      %dma_wait3A_278 = arith.constant 0 : i32
      %dma_wait3A_279 = tpu.memref_slice %arg3[%arg1, %dma_wait3A_277, %dma_wait3A_278] : memref<16x125x80xi32, #tpu.memory_space<hbm>> -> memref<1x64x80xi32, #tpu.memory_space<hbm>>
      %dma_wait3A_280 = tpu.memref_squeeze %dma_wait3A_279 : memref<1x64x80xi32, #tpu.memory_space<hbm>> -> memref<64x80xi32, #tpu.memory_space<hbm>>
      %dma_wait3A_281 = arith.constant 0 : i32
      %dma_wait3A_282 = arith.constant 0 : i32
      %dma_wait3A_283 = tpu.memref_slice %arg7[%dma_wait3A_281, %dma_wait3A_282] : memref<64x80xi32, #tpu.memory_space<vmem>> -> memref<64x80xi32, #tpu.memory_space<vmem>>
      %dma_wait3A_284 = arith.constant 0 : i32
      %dma_wait3A_285 = arith.constant 0 : i32
      %dma_wait3A_286 = tpu.memref_slice %arg3[%arg1, %dma_wait3A_284, %dma_wait3A_285] : memref<16x125x80xi32, #tpu.memory_space<hbm>> -> memref<1x64x80xi32, #tpu.memory_space<hbm>>
      %dma_wait3A_287 = tpu.memref_squeeze %dma_wait3A_286 : memref<1x64x80xi32, #tpu.memory_space<hbm>> -> memref<64x80xi32, #tpu.memory_space<hbm>>
      tpu.wait_dma2 semaphore(%run_scoped3A : memref<!tpu.dma_semaphore, #tpu.memory_space<semaphore_mem>>) src(%dma_wait3A_287 : memref<64x80xi32, #tpu.memory_space<hbm>>) dst(%dma_wait3A_283 : memref<64x80xi32, #tpu.memory_space<vmem>>)
      tpu.yield
    }) : () -> ()
    "tpu.region"() ({
      %run_scoped3A = tpu.sem_alloc : memref<!tpu.dma_semaphore, #tpu.memory_space<semaphore_mem>>
      %dma_start3A_260 = arith.constant 0 : i32
      %dma_start3A_261 = arith.constant 0 : i32
      %dma_start3A_262 = tpu.memref_slice %arg8[%dma_start3A_260, %dma_start3A_261] : memref<64x80xi32, #tpu.memory_space<vmem>> -> memref<64x80xi32, #tpu.memory_space<vmem>>
      %dma_start3A_263 = arith.constant 0 : i32
      %dma_start3A_264 = arith.constant 0 : i32
      %dma_start3A_265 = tpu.memref_slice %arg4[%arg1, %dma_start3A_263, %dma_start3A_264] : memref<16x125x80xi32, #tpu.memory_space<hbm>> -> memref<1x64x80xi32, #tpu.memory_space<hbm>>
      %dma_start3A_266 = tpu.memref_squeeze %dma_start3A_265 : memref<1x64x80xi32, #tpu.memory_space<hbm>> -> memref<64x80xi32, #tpu.memory_space<hbm>>
      %dma_start3A_267 = arith.constant 0 : i32
      %dma_start3A_268 = arith.constant 0 : i32
      %dma_start3A_269 = tpu.memref_slice %arg8[%dma_start3A_267, %dma_start3A_268] : memref<64x80xi32, #tpu.memory_space<vmem>> -> memref<64x80xi32, #tpu.memory_space<vmem>>
      %dma_start3A_270 = arith.constant 0 : i32
      %dma_start3A_271 = arith.constant 0 : i32
      %dma_start3A_272 = tpu.memref_slice %arg4[%arg1, %dma_start3A_270, %dma_start3A_271] : memref<16x125x80xi32, #tpu.memory_space<hbm>> -> memref<1x64x80xi32, #tpu.memory_space<hbm>>
      %dma_start3A_273 = tpu.memref_squeeze %dma_start3A_272 : memref<1x64x80xi32, #tpu.memory_space<hbm>> -> memref<64x80xi32, #tpu.memory_space<hbm>>
      tpu.enqueue_dma source(%dma_start3A_273 : memref<64x80xi32, #tpu.memory_space<hbm>>) target(%dma_start3A_269 : memref<64x80xi32, #tpu.memory_space<vmem>>) target_semaphore(%run_scoped3A : memref<!tpu.dma_semaphore, #tpu.memory_space<semaphore_mem>>)
      %dma_wait3A_274 = arith.constant 0 : i32
      %dma_wait3A_275 = arith.constant 0 : i32
      %dma_wait3A_276 = tpu.memref_slice %arg8[%dma_wait3A_274, %dma_wait3A_275] : memref<64x80xi32, #tpu.memory_space<vmem>> -> memref<64x80xi32, #tpu.memory_space<vmem>>
      %dma_wait3A_277 = arith.constant 0 : i32
      %dma_wait3A_278 = arith.constant 0 : i32
      %dma_wait3A_279 = tpu.memref_slice %arg4[%arg1, %dma_wait3A_277, %dma_wait3A_278] : memref<16x125x80xi32, #tpu.memory_space<hbm>> -> memref<1x64x80xi32, #tpu.memory_space<hbm>>
      %dma_wait3A_280 = tpu.memref_squeeze %dma_wait3A_279 : memref<1x64x80xi32, #tpu.memory_space<hbm>> -> memref<64x80xi32, #tpu.memory_space<hbm>>
      %dma_wait3A_281 = arith.constant 0 : i32
      %dma_wait3A_282 = arith.constant 0 : i32
      %dma_wait3A_283 = tpu.memref_slice %arg8[%dma_wait3A_281, %dma_wait3A_282] : memref<64x80xi32, #tpu.memory_space<vmem>> -> memref<64x80xi32, #tpu.memory_space<vmem>>
      %dma_wait3A_284 = arith.constant 0 : i32
      %dma_wait3A_285 = arith.constant 0 : i32
      %dma_wait3A_286 = tpu.memref_slice %arg4[%arg1, %dma_wait3A_284, %dma_wait3A_285] : memref<16x125x80xi32, #tpu.memory_space<hbm>> -> memref<1x64x80xi32, #tpu.memory_space<hbm>>
      %dma_wait3A_287 = tpu.memref_squeeze %dma_wait3A_286 : memref<1x64x80xi32, #tpu.memory_space<hbm>> -> memref<64x80xi32, #tpu.memory_space<hbm>>
      tpu.wait_dma2 semaphore(%run_scoped3A : memref<!tpu.dma_semaphore, #tpu.memory_space<semaphore_mem>>) src(%dma_wait3A_287 : memref<64x80xi32, #tpu.memory_space<hbm>>) dst(%dma_wait3A_283 : memref<64x80xi32, #tpu.memory_space<vmem>>)
      tpu.yield
    }) : () -> ()
    %scan3A_7 = arith.constant 0 : i32
    %scan3A_8 = arith.constant 64 : i32
    %scan3A_9 = arith.addi %scan3A_7, %scan3A_8 : i32
    %scan3A_10 = arith.constant 1 : i32
    scf.for %scan3A_260 = %scan3A_7 to %scan3A_9 step %scan3A_10  : i32 {
      %mul3A_261 = arith.constant 1 : i32
      %mul3A_262 = arith.muli %scan3A_260, %mul3A_261 : i32
      %add3A = arith.constant 0 : i32
      %add3A_263 = arith.addi %add3A, %mul3A_262 : i32
      %get3A = arith.index_cast %add3A_263 : i32 to index
      %get3A_264 = arith.constant 0 : index
      %get3A_265 = tpu.vector_load %arg7[%get3A, %get3A_264] {strides = array<i32>} : memref<64x80xi32, #tpu.memory_space<vmem>>, vector<1x16xi32>,
      %get3A_266 = vector.shape_cast %get3A_265 : vector<1x16xi32> to vector<16xi32>
      %mul3A_267 = arith.constant 2 : i32
      %mul3A_268 = vector.broadcast %mul3A_267 : i32 to vector<16xi32>
      %mul3A_269 = arith.muli %get3A_266, %mul3A_268 : vector<16xi32>
      %add3A_270 = vector.broadcast %arg0 : i32 to vector<16xi32>
      %add3A_271 = arith.addi %mul3A_269, %add3A_270 : vector<16xi32>
      %swap3A = arith.index_cast %add3A_263 : i32 to index
      %swap3A_272 = arith.constant 0 : index
      %swap3A_273 = tpu.vector_load %arg7[%swap3A, %swap3A_272] {strides = array<i32>} : memref<64x80xi32, #tpu.memory_space<vmem>>, vector<1x16xi32>,
      %swap3A_274 = vector.shape_cast %swap3A_273 : vector<1x16xi32> to vector<16xi32>
      %swap3A_275 = vector.shape_cast %add3A_271 : vector<16xi32> to vector<1x16xi32>
      tpu.vector_store %arg7[%swap3A, %swap3A_272], %swap3A_275 {strides = array<i32>} : memref<64x80xi32, #tpu.memory_space<vmem>>, vector<1x16xi32>,
      %get3A_276 = arith.index_cast %add3A_263 : i32 to index
      %get3A_277 = arith.constant 16 : index
      %get3A_278 = tpu.vector_load %arg7[%get3A_276, %get3A_277] {strides = array<i32>} : memref<64x80xi32, #tpu.memory_space<vmem>>, vector<1x16xi32>,
      %get3A_279 = vector.shape_cast %get3A_278 : vector<1x16xi32> to vector<16xi32>
      %mul3A_280 = arith.constant 2 : i32
      %mul3A_281 = vector.broadcast %mul3A_280 : i32 to vector<16xi32>
      %mul3A_282 = arith.muli %get3A_279, %mul3A_281 : vector<16xi32>
      %add3A_283 = vector.broadcast %arg0 : i32 to vector<16xi32>
      %add3A_284 = arith.addi %mul3A_282, %add3A_283 : vector<16xi32>
      %swap3A_285 = arith.index_cast %add3A_263 : i32 to index
      %swap3A_286 = arith.constant 16 : index
      %swap3A_287 = tpu.vector_load %arg7[%swap3A_285, %swap3A_286] {strides = array<i32>} : memref<64x80xi32, #tpu.memory_space<vmem>>, vector<1x16xi32>,
      %swap3A_288 = vector.shape_cast %swap3A_287 : vector<1x16xi32> to vector<16xi32>
      %swap3A_289 = vector.shape_cast %add3A_284 : vector<16xi32> to vector<1x16xi32>
      tpu.vector_store %arg7[%swap3A_285, %swap3A_286], %swap3A_289 {strides = array<i32>} : memref<64x80xi32, #tpu.memory_space<vmem>>, vector<1x16xi32>,
      %get3A_290 = arith.index_cast %add3A_263 : i32 to index
      %get3A_291 = arith.constant 32 : index
      %get3A_292 = tpu.vector_load %arg7[%get3A_290, %get3A_291] {strides = array<i32>} : memref<64x80xi32, #tpu.memory_space<vmem>>, vector<1x16xi32>,
      %get3A_293 = vector.shape_cast %get3A_292 : vector<1x16xi32> to vector<16xi32>
      %mul3A_294 = arith.constant 2 : i32
      %mul3A_295 = vector.broadcast %mul3A_294 : i32 to vector<16xi32>
      %mul3A_296 = arith.muli %get3A_293, %mul3A_295 : vector<16xi32>
      %add3A_297 = vector.broadcast %arg0 : i32 to vector<16xi32>
      %add3A_298 = arith.addi %mul3A_296, %add3A_297 : vector<16xi32>
      %swap3A_299 = arith.index_cast %add3A_263 : i32 to index
      %swap3A_300 = arith.constant 32 : index
      %swap3A_301 = tpu.vector_load %arg7[%swap3A_299, %swap3A_300] {strides = array<i32>} : memref<64x80xi32, #tpu.memory_space<vmem>>, vector<1x16xi32>,
      %swap3A_302 = vector.shape_cast %swap3A_301 : vector<1x16xi32> to vector<16xi32>
      %swap3A_303 = vector.shape_cast %add3A_298 : vector<16xi32> to vector<1x16xi32>
      tpu.vector_store %arg7[%swap3A_299, %swap3A_300], %swap3A_303 {strides = array<i32>} : memref<64x80xi32, #tpu.memory_space<vmem>>, vector<1x16xi32>,
      %get3A_304 = arith.index_cast %add3A_263 : i32 to index
      %get3A_305 = arith.constant 48 : index
      %get3A_306 = tpu.vector_load %arg7[%get3A_304, %get3A_305] {strides = array<i32>} : memref<64x80xi32, #tpu.memory_space<vmem>>, vector<1x16xi32>,
      %get3A_307 = vector.shape_cast %get3A_306 : vector<1x16xi32> to vector<16xi32>
      %mul3A_308 = arith.constant 2 : i32
      %mul3A_309 = vector.broadcast %mul3A_308 : i32 to vector<16xi32>
      %mul3A_310 = arith.muli %get3A_307, %mul3A_309 : vector<16xi32>
      %add3A_311 = vector.broadcast %arg0 : i32 to vector<16xi32>
      %add3A_312 = arith.addi %mul3A_310, %add3A_311 : vector<16xi32>
      %swap3A_313 = arith.index_cast %add3A_263 : i32 to index
      %swap3A_314 = arith.constant 48 : index
      %swap3A_315 = tpu.vector_load %arg7[%swap3A_313, %swap3A_314] {strides = array<i32>} : memref<64x80xi32, #tpu.memory_space<vmem>>, vector<1x16xi32>,
      %swap3A_316 = vector.shape_cast %swap3A_315 : vector<1x16xi32> to vector<16xi32>
      %swap3A_317 = vector.shape_cast %add3A_312 : vector<16xi32> to vector<1x16xi32>
      tpu.vector_store %arg7[%swap3A_313, %swap3A_314], %swap3A_317 {strides = array<i32>} : memref<64x80xi32, #tpu.memory_space<vmem>>, vector<1x16xi32>,
      %get3A_318 = arith.index_cast %add3A_263 : i32 to index
      %get3A_319 = arith.constant 64 : index
      %get3A_320 = tpu.vector_load %arg7[%get3A_318, %get3A_319] {strides = array<i32>} : memref<64x80xi32, #tpu.memory_space<vmem>>, vector<1x16xi32>,
      %get3A_321 = vector.shape_cast %get3A_320 : vector<1x16xi32> to vector<16xi32>
      %mul3A_322 = arith.constant 2 : i32
      %mul3A_323 = vector.broadcast %mul3A_322 : i32 to vector<16xi32>
      %mul3A_324 = arith.muli %get3A_321, %mul3A_323 : vector<16xi32>
      %add3A_325 = vector.broadcast %arg0 : i32 to vector<16xi32>
      %add3A_326 = arith.addi %mul3A_324, %add3A_325 : vector<16xi32>
      %swap3A_327 = arith.index_cast %add3A_263 : i32 to index
      %swap3A_328 = arith.constant 64 : index
      %swap3A_329 = tpu.vector_load %arg7[%swap3A_327, %swap3A_328] {strides = array<i32>} : memref<64x80xi32, #tpu.memory_space<vmem>>, vector<1x16xi32>,
      %swap3A_330 = vector.shape_cast %swap3A_329 : vector<1x16xi32> to vector<16xi32>
      %swap3A_331 = vector.shape_cast %add3A_326 : vector<16xi32> to vector<1x16xi32>
      tpu.vector_store %arg7[%swap3A_327, %swap3A_328], %swap3A_331 {strides = array<i32>} : memref<64x80xi32, #tpu.memory_space<vmem>>, vector<1x16xi32>,
    }
    %scan3A_11 = arith.constant 64 : i32
    %dma_start3A = arith.constant 0 : i32
    %dma_start3A_12 = arith.constant 0 : i32
    %dma_start3A_13 = tpu.memref_slice %arg7[%dma_start3A, %dma_start3A_12] : memref<64x80xi32, #tpu.memory_space<vmem>> -> memref<1x80xi32, #tpu.memory_space<vmem>>
    %dma_start3A_14 = tpu.memref_squeeze %dma_start3A_13 : memref<1x80xi32, #tpu.memory_space<vmem>> -> memref<80xi32, #tpu.memory_space<vmem>>
    %dma_start3A_15 = arith.constant 0 : i32
    %dma_start3A_16 = arith.constant 0 : i32
    %dma_start3A_17 = tpu.memref_slice %arg2[%dma_start3A_15, %dma_start3A_16] : memref<20000x128xf32, #tpu.memory_space<hbm>> -> memref<20000x128xf32, #tpu.memory_space<hbm>>
    tpu.enqueue_indirect_dma source(%dma_start3A_17 : memref<20000x128xf32, #tpu.memory_space<hbm>>) target(%arg9 : memref<80x128xf32, #tpu.memory_space<vmem>>) offsets(%dma_start3A_14 : memref<80xi32, #tpu.memory_space<vmem>>) semaphore(%arg13 : memref<!tpu.dma_semaphore, #tpu.memory_space<semaphore_mem>>)
    %dma_start3A_18 = arith.constant 1 : i32
    %dma_start3A_19 = arith.constant 0 : i32
    %dma_start3A_20 = tpu.memref_slice %arg7[%dma_start3A_18, %dma_start3A_19] : memref<64x80xi32, #tpu.memory_space<vmem>> -> memref<1x80xi32, #tpu.memory_space<vmem>>
    %dma_start3A_21 = tpu.memref_squeeze %dma_start3A_20 : memref<1x80xi32, #tpu.memory_space<vmem>> -> memref<80xi32, #tpu.memory_space<vmem>>
    %dma_start3A_22 = arith.constant 0 : i32
    %dma_start3A_23 = arith.constant 0 : i32
    %dma_start3A_24 = tpu.memref_slice %arg2[%dma_start3A_22, %dma_start3A_23] : memref<20000x128xf32, #tpu.memory_space<hbm>> -> memref<20000x128xf32, #tpu.memory_space<hbm>>
    tpu.enqueue_indirect_dma source(%dma_start3A_24 : memref<20000x128xf32, #tpu.memory_space<hbm>>) target(%arg10 : memref<80x128xf32, #tpu.memory_space<vmem>>) offsets(%dma_start3A_21 : memref<80xi32, #tpu.memory_space<vmem>>) semaphore(%arg14 : memref<!tpu.dma_semaphore, #tpu.memory_space<semaphore_mem>>)
    %dma_wait3A = arith.constant 0 : i32
    %dma_wait3A_25 = arith.constant 0 : i32
    %dma_wait3A_26 = tpu.memref_slice %arg7[%dma_wait3A, %dma_wait3A_25] : memref<64x80xi32, #tpu.memory_space<vmem>> -> memref<1x80xi32, #tpu.memory_space<vmem>>
    %dma_wait3A_27 = tpu.memref_squeeze %dma_wait3A_26 : memref<1x80xi32, #tpu.memory_space<vmem>> -> memref<80xi32, #tpu.memory_space<vmem>>
    %dma_wait3A_28 = arith.constant 0 : i32
    %dma_wait3A_29 = arith.constant 0 : i32
    %dma_wait3A_30 = tpu.memref_slice %arg2[%dma_wait3A_28, %dma_wait3A_29] : memref<20000x128xf32, #tpu.memory_space<hbm>> -> memref<20000x128xf32, #tpu.memory_space<hbm>>
    tpu.wait_indirect_dma semaphore(%arg13 : memref<!tpu.dma_semaphore, #tpu.memory_space<semaphore_mem>>) src(%dma_wait3A_30 : memref<20000x128xf32, #tpu.memory_space<hbm>>) dst(%arg9 : memref<80x128xf32, #tpu.memory_space<vmem>>)
    %dma_start3A_31 = arith.constant 0 : i32
    %dma_start3A_32 = arith.constant 0 : i32
    %dma_start3A_33 = tpu.memref_slice %arg8[%dma_start3A_31, %dma_start3A_32] : memref<64x80xi32, #tpu.memory_space<vmem>> -> memref<1x80xi32, #tpu.memory_space<vmem>>
    %dma_start3A_34 = tpu.memref_squeeze %dma_start3A_33 : memref<1x80xi32, #tpu.memory_space<vmem>> -> memref<80xi32, #tpu.memory_space<vmem>>
    %dma_start3A_35 = arith.constant 0 : i32
    %dma_start3A_36 = arith.constant 0 : i32
    %dma_start3A_37 = tpu.memref_slice %arg12[%dma_start3A_35, %dma_start3A_36] : memref<10000x128xf32, #tpu.memory_space<vmem_shared>> -> memref<10000x128xf32, #tpu.memory_space<vmem_shared>>
    tpu.enqueue_indirect_dma source(%arg9 : memref<80x128xf32, #tpu.memory_space<vmem>>) target(%dma_start3A_37 : memref<10000x128xf32, #tpu.memory_space<vmem_shared>>) offsets(%dma_start3A_34 : memref<80xi32, #tpu.memory_space<vmem>>) semaphore(%arg16 : memref<!tpu.dma_semaphore, #tpu.memory_space<semaphore_mem>>) {add = true}
    %dma_start3A_38 = arith.constant 2 : i32
    %dma_start3A_39 = arith.constant 0 : i32
    %dma_start3A_40 = tpu.memref_slice %arg7[%dma_start3A_38, %dma_start3A_39] : memref<64x80xi32, #tpu.memory_space<vmem>> -> memref<1x80xi32, #tpu.memory_space<vmem>>
    %dma_start3A_41 = tpu.memref_squeeze %dma_start3A_40 : memref<1x80xi32, #tpu.memory_space<vmem>> -> memref<80xi32, #tpu.memory_space<vmem>>
    %dma_start3A_42 = arith.constant 0 : i32
    %dma_start3A_43 = arith.constant 0 : i32
    %dma_start3A_44 = tpu.memref_slice %arg2[%dma_start3A_42, %dma_start3A_43] : memref<20000x128xf32, #tpu.memory_space<hbm>> -> memref<20000x128xf32, #tpu.memory_space<hbm>>
    tpu.enqueue_indirect_dma source(%dma_start3A_44 : memref<20000x128xf32, #tpu.memory_space<hbm>>) target(%arg11 : memref<80x128xf32, #tpu.memory_space<vmem>>) offsets(%dma_start3A_41 : memref<80xi32, #tpu.memory_space<vmem>>) semaphore(%arg15 : memref<!tpu.dma_semaphore, #tpu.memory_space<semaphore_mem>>)
    %scan3A_45 = arith.constant 0 : i32
    %scan3A_46 = arith.constant 20 : i32
    %scan3A_47 = arith.addi %scan3A_45, %scan3A_46 : i32
    %scan3A_48 = arith.constant 1 : i32
    scf.for %scan3A_260 = %scan3A_45 to %scan3A_47 step %scan3A_48  : i32 {
      %mul3A_261 = arith.constant 1 : i32
      %mul3A_262 = arith.muli %scan3A_260, %mul3A_261 : i32
      %add3A = arith.constant 0 : i32
      %add3A_263 = arith.addi %add3A, %mul3A_262 : i32
      %mul3A_264 = arith.constant 3 : i32
      %mul3A_265 = arith.muli %mul3A_264, %add3A_263 : i32
      %add3A_266 = arith.constant 1 : i32
      %add3A_267 = arith.addi %mul3A_265, %add3A_266 : i32
      %add3A_268 = arith.constant 0 : i32
      %add3A_269 = arith.addi %add3A_267, %add3A_268 : i32
      %dma_wait3A_270 = arith.constant 0 : i32
      %dma_wait3A_271 = tpu.memref_slice %arg7[%add3A_269, %dma_wait3A_270] : memref<64x80xi32, #tpu.memory_space<vmem>> -> memref<1x80xi32, #tpu.memory_space<vmem>>
      %dma_wait3A_272 = tpu.memref_squeeze %dma_wait3A_271 : memref<1x80xi32, #tpu.memory_space<vmem>> -> memref<80xi32, #tpu.memory_space<vmem>>
      %dma_wait3A_273 = arith.constant 0 : i32
      %dma_wait3A_274 = arith.constant 0 : i32
      %dma_wait3A_275 = tpu.memref_slice %arg2[%dma_wait3A_273, %dma_wait3A_274] : memref<20000x128xf32, #tpu.memory_space<hbm>> -> memref<20000x128xf32, #tpu.memory_space<hbm>>
      tpu.wait_indirect_dma semaphore(%arg14 : memref<!tpu.dma_semaphore, #tpu.memory_space<semaphore_mem>>) src(%dma_wait3A_275 : memref<20000x128xf32, #tpu.memory_space<hbm>>) dst(%arg10 : memref<80x128xf32, #tpu.memory_space<vmem>>)
      %dma_start3A_276 = arith.constant 0 : i32
      %dma_start3A_277 = tpu.memref_slice %arg8[%add3A_269, %dma_start3A_276] : memref<64x80xi32, #tpu.memory_space<vmem>> -> memref<1x80xi32, #tpu.memory_space<vmem>>
      %dma_start3A_278 = tpu.memref_squeeze %dma_start3A_277 : memref<1x80xi32, #tpu.memory_space<vmem>> -> memref<80xi32, #tpu.memory_space<vmem>>
      %dma_start3A_279 = arith.constant 0 : i32
      %dma_start3A_280 = arith.constant 0 : i32
      %dma_start3A_281 = tpu.memref_slice %arg12[%dma_start3A_279, %dma_start3A_280] : memref<10000x128xf32, #tpu.memory_space<vmem_shared>> -> memref<10000x128xf32, #tpu.memory_space<vmem_shared>>
      tpu.enqueue_indirect_dma source(%arg10 : memref<80x128xf32, #tpu.memory_space<vmem>>) target(%dma_start3A_281 : memref<10000x128xf32, #tpu.memory_space<vmem_shared>>) offsets(%dma_start3A_278 : memref<80xi32, #tpu.memory_space<vmem>>) semaphore(%arg17 : memref<!tpu.dma_semaphore, #tpu.memory_space<semaphore_mem>>) {add = true}
      %sub3A = arith.constant 1 : i32
      %sub3A_282 = arith.subi %add3A_269, %sub3A : i32
      %dma_wait3A_283 = arith.constant 0 : i32
      %dma_wait3A_284 = tpu.memref_slice %arg8[%sub3A_282, %dma_wait3A_283] : memref<64x80xi32, #tpu.memory_space<vmem>> -> memref<1x80xi32, #tpu.memory_space<vmem>>
      %dma_wait3A_285 = tpu.memref_squeeze %dma_wait3A_284 : memref<1x80xi32, #tpu.memory_space<vmem>> -> memref<80xi32, #tpu.memory_space<vmem>>
      %dma_wait3A_286 = arith.constant 0 : i32
      %dma_wait3A_287 = arith.constant 0 : i32
      %dma_wait3A_288 = tpu.memref_slice %arg12[%dma_wait3A_286, %dma_wait3A_287] : memref<10000x128xf32, #tpu.memory_space<vmem_shared>> -> memref<10000x128xf32, #tpu.memory_space<vmem_shared>>
      tpu.wait_indirect_dma semaphore(%arg16 : memref<!tpu.dma_semaphore, #tpu.memory_space<semaphore_mem>>) src(%arg9 : memref<80x128xf32, #tpu.memory_space<vmem>>) dst(%dma_wait3A_288 : memref<10000x128xf32, #tpu.memory_space<vmem_shared>>)
      %add3A_289 = arith.constant 2 : i32
      %add3A_290 = arith.addi %add3A_269, %add3A_289 : i32
      %dma_start3A_291 = arith.constant 0 : i32
      %dma_start3A_292 = tpu.memref_slice %arg7[%add3A_290, %dma_start3A_291] : memref<64x80xi32, #tpu.memory_space<vmem>> -> memref<1x80xi32, #tpu.memory_space<vmem>>
      %dma_start3A_293 = tpu.memref_squeeze %dma_start3A_292 : memref<1x80xi32, #tpu.memory_space<vmem>> -> memref<80xi32, #tpu.memory_space<vmem>>
      %dma_start3A_294 = arith.constant 0 : i32
      %dma_start3A_295 = arith.constant 0 : i32
      %dma_start3A_296 = tpu.memref_slice %arg2[%dma_start3A_294, %dma_start3A_295] : memref<20000x128xf32, #tpu.memory_space<hbm>> -> memref<20000x128xf32, #tpu.memory_space<hbm>>
      tpu.enqueue_indirect_dma source(%dma_start3A_296 : memref<20000x128xf32, #tpu.memory_space<hbm>>) target(%arg9 : memref<80x128xf32, #tpu.memory_space<vmem>>) offsets(%dma_start3A_293 : memref<80xi32, #tpu.memory_space<vmem>>) semaphore(%arg13 : memref<!tpu.dma_semaphore, #tpu.memory_space<semaphore_mem>>)
      %add3A_297 = arith.constant 1 : i32
      %add3A_298 = arith.addi %add3A_267, %add3A_297 : i32
      %dma_wait3A_299 = arith.constant 0 : i32
      %dma_wait3A_300 = tpu.memref_slice %arg7[%add3A_298, %dma_wait3A_299] : memref<64x80xi32, #tpu.memory_space<vmem>> -> memref<1x80xi32, #tpu.memory_space<vmem>>
      %dma_wait3A_301 = tpu.memref_squeeze %dma_wait3A_300 : memref<1x80xi32, #tpu.memory_space<vmem>> -> memref<80xi32, #tpu.memory_space<vmem>>
      %dma_wait3A_302 = arith.constant 0 : i32
      %dma_wait3A_303 = arith.constant 0 : i32
      %dma_wait3A_304 = tpu.memref_slice %arg2[%dma_wait3A_302, %dma_wait3A_303] : memref<20000x128xf32, #tpu.memory_space<hbm>> -> memref<20000x128xf32, #tpu.memory_space<hbm>>
      tpu.wait_indirect_dma semaphore(%arg15 : memref<!tpu.dma_semaphore, #tpu.memory_space<semaphore_mem>>) src(%dma_wait3A_304 : memref<20000x128xf32, #tpu.memory_space<hbm>>) dst(%arg11 : memref<80x128xf32, #tpu.memory_space<vmem>>)
      %dma_start3A_305 = arith.constant 0 : i32
      %dma_start3A_306 = tpu.memref_slice %arg8[%add3A_298, %dma_start3A_305] : memref<64x80xi32, #tpu.memory_space<vmem>> -> memref<1x80xi32, #tpu.memory_space<vmem>>
      %dma_start3A_307 = tpu.memref_squeeze %dma_start3A_306 : memref<1x80xi32, #tpu.memory_space<vmem>> -> memref<80xi32, #tpu.memory_space<vmem>>
      %dma_start3A_308 = arith.constant 0 : i32
      %dma_start3A_309 = arith.constant 0 : i32
      %dma_start3A_310 = tpu.memref_slice %arg12[%dma_start3A_308, %dma_start3A_309] : memref<10000x128xf32, #tpu.memory_space<vmem_shared>> -> memref<10000x128xf32, #tpu.memory_space<vmem_shared>>
      tpu.enqueue_indirect_dma source(%arg11 : memref<80x128xf32, #tpu.memory_space<vmem>>) target(%dma_start3A_310 : memref<10000x128xf32, #tpu.memory_space<vmem_shared>>) offsets(%dma_start3A_307 : memref<80xi32, #tpu.memory_space<vmem>>) semaphore(%arg18 : memref<!tpu.dma_semaphore, #tpu.memory_space<semaphore_mem>>) {add = true}
      %sub3A_311 = arith.constant 1 : i32
      %sub3A_312 = arith.subi %add3A_298, %sub3A_311 : i32
      %dma_wait3A_313 = arith.constant 0 : i32
      %dma_wait3A_314 = tpu.memref_slice %arg8[%sub3A_312, %dma_wait3A_313] : memref<64x80xi32, #tpu.memory_space<vmem>> -> memref<1x80xi32, #tpu.memory_space<vmem>>
      %dma_wait3A_315 = tpu.memref_squeeze %dma_wait3A_314 : memref<1x80xi32, #tpu.memory_space<vmem>> -> memref<80xi32, #tpu.memory_space<vmem>>
      %dma_wait3A_316 = arith.constant 0 : i32
      %dma_wait3A_317 = arith.constant 0 : i32
      %dma_wait3A_318 = tpu.memref_slice %arg12[%dma_wait3A_316, %dma_wait3A_317] : memref<10000x128xf32, #tpu.memory_space<vmem_shared>> -> memref<10000x128xf32, #tpu.memory_space<vmem_shared>>
      tpu.wait_indirect_dma semaphore(%arg17 : memref<!tpu.dma_semaphore, #tpu.memory_space<semaphore_mem>>) src(%arg10 : memref<80x128xf32, #tpu.memory_space<vmem>>) dst(%dma_wait3A_318 : memref<10000x128xf32, #tpu.memory_space<vmem_shared>>)
      %add3A_319 = arith.constant 2 : i32
      %add3A_320 = arith.addi %add3A_298, %add3A_319 : i32
      %dma_start3A_321 = arith.constant 0 : i32
      %dma_start3A_322 = tpu.memref_slice %arg7[%add3A_320, %dma_start3A_321] : memref<64x80xi32, #tpu.memory_space<vmem>> -> memref<1x80xi32, #tpu.memory_space<vmem>>
      %dma_start3A_323 = tpu.memref_squeeze %dma_start3A_322 : memref<1x80xi32, #tpu.memory_space<vmem>> -> memref<80xi32, #tpu.memory_space<vmem>>
      %dma_start3A_324 = arith.constant 0 : i32
      %dma_start3A_325 = arith.constant 0 : i32
      %dma_start3A_326 = tpu.memref_slice %arg2[%dma_start3A_324, %dma_start3A_325] : memref<20000x128xf32, #tpu.memory_space<hbm>> -> memref<20000x128xf32, #tpu.memory_space<hbm>>
      tpu.enqueue_indirect_dma source(%dma_start3A_326 : memref<20000x128xf32, #tpu.memory_space<hbm>>) target(%arg10 : memref<80x128xf32, #tpu.memory_space<vmem>>) offsets(%dma_start3A_323 : memref<80xi32, #tpu.memory_space<vmem>>) semaphore(%arg14 : memref<!tpu.dma_semaphore, #tpu.memory_space<semaphore_mem>>)
      %add3A_327 = arith.constant 2 : i32
      %add3A_328 = arith.addi %add3A_267, %add3A_327 : i32
      %dma_wait3A_329 = arith.constant 0 : i32
      %dma_wait3A_330 = tpu.memref_slice %arg7[%add3A_328, %dma_wait3A_329] : memref<64x80xi32, #tpu.memory_space<vmem>> -> memref<1x80xi32, #tpu.memory_space<vmem>>
      %dma_wait3A_331 = tpu.memref_squeeze %dma_wait3A_330 : memref<1x80xi32, #tpu.memory_space<vmem>> -> memref<80xi32, #tpu.memory_space<vmem>>
      %dma_wait3A_332 = arith.constant 0 : i32
      %dma_wait3A_333 = arith.constant 0 : i32
      %dma_wait3A_334 = tpu.memref_slice %arg2[%dma_wait3A_332, %dma_wait3A_333] : memref<20000x128xf32, #tpu.memory_space<hbm>> -> memref<20000x128xf32, #tpu.memory_space<hbm>>
      tpu.wait_indirect_dma semaphore(%arg13 : memref<!tpu.dma_semaphore, #tpu.memory_space<semaphore_mem>>) src(%dma_wait3A_334 : memref<20000x128xf32, #tpu.memory_space<hbm>>) dst(%arg9 : memref<80x128xf32, #tpu.memory_space<vmem>>)
      %dma_start3A_335 = arith.constant 0 : i32
      %dma_start3A_336 = tpu.memref_slice %arg8[%add3A_328, %dma_start3A_335] : memref<64x80xi32, #tpu.memory_space<vmem>> -> memref<1x80xi32, #tpu.memory_space<vmem>>
      %dma_start3A_337 = tpu.memref_squeeze %dma_start3A_336 : memref<1x80xi32, #tpu.memory_space<vmem>> -> memref<80xi32, #tpu.memory_space<vmem>>
      %dma_start3A_338 = arith.constant 0 : i32
      %dma_start3A_339 = arith.constant 0 : i32
      %dma_start3A_340 = tpu.memref_slice %arg12[%dma_start3A_338, %dma_start3A_339] : memref<10000x128xf32, #tpu.memory_space<vmem_shared>> -> memref<10000x128xf32, #tpu.memory_space<vmem_shared>>
      tpu.enqueue_indirect_dma source(%arg9 : memref<80x128xf32, #tpu.memory_space<vmem>>) target(%dma_start3A_340 : memref<10000x128xf32, #tpu.memory_space<vmem_shared>>) offsets(%dma_start3A_337 : memref<80xi32, #tpu.memory_space<vmem>>) semaphore(%arg16 : memref<!tpu.dma_semaphore, #tpu.memory_space<semaphore_mem>>) {add = true}
      %sub3A_341 = arith.constant 1 : i32
      %sub3A_342 = arith.subi %add3A_328, %sub3A_341 : i32
      %dma_wait3A_343 = arith.constant 0 : i32
      %dma_wait3A_344 = tpu.memref_slice %arg8[%sub3A_342, %dma_wait3A_343] : memref<64x80xi32, #tpu.memory_space<vmem>> -> memref<1x80xi32, #tpu.memory_space<vmem>>
      %dma_wait3A_345 = tpu.memref_squeeze %dma_wait3A_344 : memref<1x80xi32, #tpu.memory_space<vmem>> -> memref<80xi32, #tpu.memory_space<vmem>>
      %dma_wait3A_346 = arith.constant 0 : i32
      %dma_wait3A_347 = arith.constant 0 : i32
      %dma_wait3A_348 = tpu.memref_slice %arg12[%dma_wait3A_346, %dma_wait3A_347] : memref<10000x128xf32, #tpu.memory_space<vmem_shared>> -> memref<10000x128xf32, #tpu.memory_space<vmem_shared>>
      tpu.wait_indirect_dma semaphore(%arg18 : memref<!tpu.dma_semaphore, #tpu.memory_space<semaphore_mem>>) src(%arg11 : memref<80x128xf32, #tpu.memory_space<vmem>>) dst(%dma_wait3A_348 : memref<10000x128xf32, #tpu.memory_space<vmem_shared>>)
      %add3A_349 = arith.constant 2 : i32
      %add3A_350 = arith.addi %add3A_328, %add3A_349 : i32
      %dma_start3A_351 = arith.constant 0 : i32
      %dma_start3A_352 = tpu.memref_slice %arg7[%add3A_350, %dma_start3A_351] : memref<64x80xi32, #tpu.memory_space<vmem>> -> memref<1x80xi32, #tpu.memory_space<vmem>>
      %dma_start3A_353 = tpu.memref_squeeze %dma_start3A_352 : memref<1x80xi32, #tpu.memory_space<vmem>> -> memref<80xi32, #tpu.memory_space<vmem>>
      %dma_start3A_354 = arith.constant 0 : i32
      %dma_start3A_355 = arith.constant 0 : i32
      %dma_start3A_356 = tpu.memref_slice %arg2[%dma_start3A_354, %dma_start3A_355] : memref<20000x128xf32, #tpu.memory_space<hbm>> -> memref<20000x128xf32, #tpu.memory_space<hbm>>
      tpu.enqueue_indirect_dma source(%dma_start3A_356 : memref<20000x128xf32, #tpu.memory_space<hbm>>) target(%arg11 : memref<80x128xf32, #tpu.memory_space<vmem>>) offsets(%dma_start3A_353 : memref<80xi32, #tpu.memory_space<vmem>>) semaphore(%arg15 : memref<!tpu.dma_semaphore, #tpu.memory_space<semaphore_mem>>)
    }
    %scan3A_49 = arith.constant 20 : i32
    %dma_wait3A_50 = arith.constant 61 : i32
    %dma_wait3A_51 = arith.constant 0 : i32
    %dma_wait3A_52 = tpu.memref_slice %arg7[%dma_wait3A_50, %dma_wait3A_51] : memref<64x80xi32, #tpu.memory_space<vmem>> -> memref<1x80xi32, #tpu.memory_space<vmem>>
    %dma_wait3A_53 = tpu.memref_squeeze %dma_wait3A_52 : memref<1x80xi32, #tpu.memory_space<vmem>> -> memref<80xi32, #tpu.memory_space<vmem>>
    %dma_wait3A_54 = arith.constant 0 : i32
    %dma_wait3A_55 = arith.constant 0 : i32
    %dma_wait3A_56 = tpu.memref_slice %arg2[%dma_wait3A_54, %dma_wait3A_55] : memref<20000x128xf32, #tpu.memory_space<hbm>> -> memref<20000x128xf32, #tpu.memory_space<hbm>>
    tpu.wait_indirect_dma semaphore(%arg14 : memref<!tpu.dma_semaphore, #tpu.memory_space<semaphore_mem>>) src(%dma_wait3A_56 : memref<20000x128xf32, #tpu.memory_space<hbm>>) dst(%arg10 : memref<80x128xf32, #tpu.memory_space<vmem>>)
    %dma_start3A_57 = arith.constant 61 : i32
    %dma_start3A_58 = arith.constant 0 : i32
    %dma_start3A_59 = tpu.memref_slice %arg8[%dma_start3A_57, %dma_start3A_58] : memref<64x80xi32, #tpu.memory_space<vmem>> -> memref<1x80xi32, #tpu.memory_space<vmem>>
    %dma_start3A_60 = tpu.memref_squeeze %dma_start3A_59 : memref<1x80xi32, #tpu.memory_space<vmem>> -> memref<80xi32, #tpu.memory_space<vmem>>
    %dma_start3A_61 = arith.constant 0 : i32
    %dma_start3A_62 = arith.constant 0 : i32
    %dma_start3A_63 = tpu.memref_slice %arg12[%dma_start3A_61, %dma_start3A_62] : memref<10000x128xf32, #tpu.memory_space<vmem_shared>> -> memref<10000x128xf32, #tpu.memory_space<vmem_shared>>
    tpu.enqueue_indirect_dma source(%arg10 : memref<80x128xf32, #tpu.memory_space<vmem>>) target(%dma_start3A_63 : memref<10000x128xf32, #tpu.memory_space<vmem_shared>>) offsets(%dma_start3A_60 : memref<80xi32, #tpu.memory_space<vmem>>) semaphore(%arg17 : memref<!tpu.dma_semaphore, #tpu.memory_space<semaphore_mem>>) {add = true}
    %dma_wait3A_64 = arith.constant 60 : i32
    %dma_wait3A_65 = arith.constant 0 : i32
    %dma_wait3A_66 = tpu.memref_slice %arg8[%dma_wait3A_64, %dma_wait3A_65] : memref<64x80xi32, #tpu.memory_space<vmem>> -> memref<1x80xi32, #tpu.memory_space<vmem>>
    %dma_wait3A_67 = tpu.memref_squeeze %dma_wait3A_66 : memref<1x80xi32, #tpu.memory_space<vmem>> -> memref<80xi32, #tpu.memory_space<vmem>>
    %dma_wait3A_68 = arith.constant 0 : i32
    %dma_wait3A_69 = arith.constant 0 : i32
    %dma_wait3A_70 = tpu.memref_slice %arg12[%dma_wait3A_68, %dma_wait3A_69] : memref<10000x128xf32, #tpu.memory_space<vmem_shared>> -> memref<10000x128xf32, #tpu.memory_space<vmem_shared>>
    tpu.wait_indirect_dma semaphore(%arg16 : memref<!tpu.dma_semaphore, #tpu.memory_space<semaphore_mem>>) src(%arg9 : memref<80x128xf32, #tpu.memory_space<vmem>>) dst(%dma_wait3A_70 : memref<10000x128xf32, #tpu.memory_space<vmem_shared>>)
    %dma_start3A_71 = arith.constant 63 : i32
    %dma_start3A_72 = arith.constant 0 : i32
    %dma_start3A_73 = tpu.memref_slice %arg7[%dma_start3A_71, %dma_start3A_72] : memref<64x80xi32, #tpu.memory_space<vmem>> -> memref<1x80xi32, #tpu.memory_space<vmem>>
    %dma_start3A_74 = tpu.memref_squeeze %dma_start3A_73 : memref<1x80xi32, #tpu.memory_space<vmem>> -> memref<80xi32, #tpu.memory_space<vmem>>
    %dma_start3A_75 = arith.constant 0 : i32
    %dma_start3A_76 = arith.constant 0 : i32
    %dma_start3A_77 = tpu.memref_slice %arg2[%dma_start3A_75, %dma_start3A_76] : memref<20000x128xf32, #tpu.memory_space<hbm>> -> memref<20000x128xf32, #tpu.memory_space<hbm>>
    tpu.enqueue_indirect_dma source(%dma_start3A_77 : memref<20000x128xf32, #tpu.memory_space<hbm>>) target(%arg9 : memref<80x128xf32, #tpu.memory_space<vmem>>) offsets(%dma_start3A_74 : memref<80xi32, #tpu.memory_space<vmem>>) semaphore(%arg13 : memref<!tpu.dma_semaphore, #tpu.memory_space<semaphore_mem>>)
    %dma_wait3A_78 = arith.constant 62 : i32
    %dma_wait3A_79 = arith.constant 0 : i32
    %dma_wait3A_80 = tpu.memref_slice %arg7[%dma_wait3A_78, %dma_wait3A_79] : memref<64x80xi32, #tpu.memory_space<vmem>> -> memref<1x80xi32, #tpu.memory_space<vmem>>
    %dma_wait3A_81 = tpu.memref_squeeze %dma_wait3A_80 : memref<1x80xi32, #tpu.memory_space<vmem>> -> memref<80xi32, #tpu.memory_space<vmem>>
    %dma_wait3A_82 = arith.constant 0 : i32
    %dma_wait3A_83 = arith.constant 0 : i32
    %dma_wait3A_84 = tpu.memref_slice %arg2[%dma_wait3A_82, %dma_wait3A_83] : memref<20000x128xf32, #tpu.memory_space<hbm>> -> memref<20000x128xf32, #tpu.memory_space<hbm>>
    tpu.wait_indirect_dma semaphore(%arg15 : memref<!tpu.dma_semaphore, #tpu.memory_space<semaphore_mem>>) src(%dma_wait3A_84 : memref<20000x128xf32, #tpu.memory_space<hbm>>) dst(%arg11 : memref<80x128xf32, #tpu.memory_space<vmem>>)
    %dma_start3A_85 = arith.constant 62 : i32
    %dma_start3A_86 = arith.constant 0 : i32
    %dma_start3A_87 = tpu.memref_slice %arg8[%dma_start3A_85, %dma_start3A_86] : memref<64x80xi32, #tpu.memory_space<vmem>> -> memref<1x80xi32, #tpu.memory_space<vmem>>
    %dma_start3A_88 = tpu.memref_squeeze %dma_start3A_87 : memref<1x80xi32, #tpu.memory_space<vmem>> -> memref<80xi32, #tpu.memory_space<vmem>>
    %dma_start3A_89 = arith.constant 0 : i32
    %dma_start3A_90 = arith.constant 0 : i32
    %dma_start3A_91 = tpu.memref_slice %arg12[%dma_start3A_89, %dma_start3A_90] : memref<10000x128xf32, #tpu.memory_space<vmem_shared>> -> memref<10000x128xf32, #tpu.memory_space<vmem_shared>>
    tpu.enqueue_indirect_dma source(%arg11 : memref<80x128xf32, #tpu.memory_space<vmem>>) target(%dma_start3A_91 : memref<10000x128xf32, #tpu.memory_space<vmem_shared>>) offsets(%dma_start3A_88 : memref<80xi32, #tpu.memory_space<vmem>>) semaphore(%arg18 : memref<!tpu.dma_semaphore, #tpu.memory_space<semaphore_mem>>) {add = true}
    %dma_wait3A_92 = arith.constant 63 : i32
    %dma_wait3A_93 = arith.constant 0 : i32
    %dma_wait3A_94 = tpu.memref_slice %arg7[%dma_wait3A_92, %dma_wait3A_93] : memref<64x80xi32, #tpu.memory_space<vmem>> -> memref<1x80xi32, #tpu.memory_space<vmem>>
    %dma_wait3A_95 = tpu.memref_squeeze %dma_wait3A_94 : memref<1x80xi32, #tpu.memory_space<vmem>> -> memref<80xi32, #tpu.memory_space<vmem>>
    %dma_wait3A_96 = arith.constant 0 : i32
    %dma_wait3A_97 = arith.constant 0 : i32
    %dma_wait3A_98 = tpu.memref_slice %arg2[%dma_wait3A_96, %dma_wait3A_97] : memref<20000x128xf32, #tpu.memory_space<hbm>> -> memref<20000x128xf32, #tpu.memory_space<hbm>>
    tpu.wait_indirect_dma semaphore(%arg13 : memref<!tpu.dma_semaphore, #tpu.memory_space<semaphore_mem>>) src(%dma_wait3A_98 : memref<20000x128xf32, #tpu.memory_space<hbm>>) dst(%arg9 : memref<80x128xf32, #tpu.memory_space<vmem>>)
    %dma_start3A_99 = arith.constant 63 : i32
    %dma_start3A_100 = arith.constant 0 : i32
    %dma_start3A_101 = tpu.memref_slice %arg8[%dma_start3A_99, %dma_start3A_100] : memref<64x80xi32, #tpu.memory_space<vmem>> -> memref<1x80xi32, #tpu.memory_space<vmem>>
    %dma_start3A_102 = tpu.memref_squeeze %dma_start3A_101 : memref<1x80xi32, #tpu.memory_space<vmem>> -> memref<80xi32, #tpu.memory_space<vmem>>
    %dma_start3A_103 = arith.constant 0 : i32
    %dma_start3A_104 = arith.constant 0 : i32
    %dma_start3A_105 = tpu.memref_slice %arg12[%dma_start3A_103, %dma_start3A_104] : memref<10000x128xf32, #tpu.memory_space<vmem_shared>> -> memref<10000x128xf32, #tpu.memory_space<vmem_shared>>
    tpu.enqueue_indirect_dma source(%arg9 : memref<80x128xf32, #tpu.memory_space<vmem>>) target(%dma_start3A_105 : memref<10000x128xf32, #tpu.memory_space<vmem_shared>>) offsets(%dma_start3A_102 : memref<80xi32, #tpu.memory_space<vmem>>) semaphore(%arg16 : memref<!tpu.dma_semaphore, #tpu.memory_space<semaphore_mem>>) {add = true}
    %dma_wait3A_106 = arith.constant 61 : i32
    %dma_wait3A_107 = arith.constant 0 : i32
    %dma_wait3A_108 = tpu.memref_slice %arg8[%dma_wait3A_106, %dma_wait3A_107] : memref<64x80xi32, #tpu.memory_space<vmem>> -> memref<1x80xi32, #tpu.memory_space<vmem>>
    %dma_wait3A_109 = tpu.memref_squeeze %dma_wait3A_108 : memref<1x80xi32, #tpu.memory_space<vmem>> -> memref<80xi32, #tpu.memory_space<vmem>>
    %dma_wait3A_110 = arith.constant 0 : i32
    %dma_wait3A_111 = arith.constant 0 : i32
    %dma_wait3A_112 = tpu.memref_slice %arg12[%dma_wait3A_110, %dma_wait3A_111] : memref<10000x128xf32, #tpu.memory_space<vmem_shared>> -> memref<10000x128xf32, #tpu.memory_space<vmem_shared>>
    tpu.wait_indirect_dma semaphore(%arg17 : memref<!tpu.dma_semaphore, #tpu.memory_space<semaphore_mem>>) src(%arg10 : memref<80x128xf32, #tpu.memory_space<vmem>>) dst(%dma_wait3A_112 : memref<10000x128xf32, #tpu.memory_space<vmem_shared>>)
    %dma_wait3A_113 = arith.constant 62 : i32
    %dma_wait3A_114 = arith.constant 0 : i32
    %dma_wait3A_115 = tpu.memref_slice %arg8[%dma_wait3A_113, %dma_wait3A_114] : memref<64x80xi32, #tpu.memory_space<vmem>> -> memref<1x80xi32, #tpu.memory_space<vmem>>
    %dma_wait3A_116 = tpu.memref_squeeze %dma_wait3A_115 : memref<1x80xi32, #tpu.memory_space<vmem>> -> memref<80xi32, #tpu.memory_space<vmem>>
    %dma_wait3A_117 = arith.constant 0 : i32
    %dma_wait3A_118 = arith.constant 0 : i32
    %dma_wait3A_119 = tpu.memref_slice %arg12[%dma_wait3A_117, %dma_wait3A_118] : memref<10000x128xf32, #tpu.memory_space<vmem_shared>> -> memref<10000x128xf32, #tpu.memory_space<vmem_shared>>
    tpu.wait_indirect_dma semaphore(%arg18 : memref<!tpu.dma_semaphore, #tpu.memory_space<semaphore_mem>>) src(%arg11 : memref<80x128xf32, #tpu.memory_space<vmem>>) dst(%dma_wait3A_119 : memref<10000x128xf32, #tpu.memory_space<vmem_shared>>)
    %dma_wait3A_120 = arith.constant 63 : i32
    %dma_wait3A_121 = arith.constant 0 : i32
    %dma_wait3A_122 = tpu.memref_slice %arg8[%dma_wait3A_120, %dma_wait3A_121] : memref<64x80xi32, #tpu.memory_space<vmem>> -> memref<1x80xi32, #tpu.memory_space<vmem>>
    %dma_wait3A_123 = tpu.memref_squeeze %dma_wait3A_122 : memref<1x80xi32, #tpu.memory_space<vmem>> -> memref<80xi32, #tpu.memory_space<vmem>>
    %dma_wait3A_124 = arith.constant 0 : i32
    %dma_wait3A_125 = arith.constant 0 : i32
    %dma_wait3A_126 = tpu.memref_slice %arg12[%dma_wait3A_124, %dma_wait3A_125] : memref<10000x128xf32, #tpu.memory_space<vmem_shared>> -> memref<10000x128xf32, #tpu.memory_space<vmem_shared>>
    tpu.wait_indirect_dma semaphore(%arg16 : memref<!tpu.dma_semaphore, #tpu.memory_space<semaphore_mem>>) src(%arg9 : memref<80x128xf32, #tpu.memory_space<vmem>>) dst(%dma_wait3A_126 : memref<10000x128xf32, #tpu.memory_space<vmem_shared>>)
    "tpu.region"() ({
      %run_scoped3A = tpu.sem_alloc : memref<!tpu.dma_semaphore, #tpu.memory_space<semaphore_mem>>
      %dma_start3A_260 = arith.constant 0 : i32
      %dma_start3A_261 = arith.constant 0 : i32
      %dma_start3A_262 = tpu.memref_slice %arg7[%dma_start3A_260, %dma_start3A_261] : memref<64x80xi32, #tpu.memory_space<vmem>> -> memref<61x80xi32, #tpu.memory_space<vmem>>
      %dma_start3A_263 = arith.constant 64 : i32
      %dma_start3A_264 = arith.constant 0 : i32
      %dma_start3A_265 = tpu.memref_slice %arg3[%arg1, %dma_start3A_263, %dma_start3A_264] : memref<16x125x80xi32, #tpu.memory_space<hbm>> -> memref<1x61x80xi32, #tpu.memory_space<hbm>>
      %dma_start3A_266 = tpu.memref_squeeze %dma_start3A_265 : memref<1x61x80xi32, #tpu.memory_space<hbm>> -> memref<61x80xi32, #tpu.memory_space<hbm>>
      %dma_start3A_267 = arith.constant 0 : i32
      %dma_start3A_268 = arith.constant 0 : i32
      %dma_start3A_269 = tpu.memref_slice %arg7[%dma_start3A_267, %dma_start3A_268] : memref<64x80xi32, #tpu.memory_space<vmem>> -> memref<61x80xi32, #tpu.memory_space<vmem>>
      %dma_start3A_270 = arith.constant 64 : i32
      %dma_start3A_271 = arith.constant 0 : i32
      %dma_start3A_272 = tpu.memref_slice %arg3[%arg1, %dma_start3A_270, %dma_start3A_271] : memref<16x125x80xi32, #tpu.memory_space<hbm>> -> memref<1x61x80xi32, #tpu.memory_space<hbm>>
      %dma_start3A_273 = tpu.memref_squeeze %dma_start3A_272 : memref<1x61x80xi32, #tpu.memory_space<hbm>> -> memref<61x80xi32, #tpu.memory_space<hbm>>
      tpu.enqueue_dma source(%dma_start3A_273 : memref<61x80xi32, #tpu.memory_space<hbm>>) target(%dma_start3A_269 : memref<61x80xi32, #tpu.memory_space<vmem>>) target_semaphore(%run_scoped3A : memref<!tpu.dma_semaphore, #tpu.memory_space<semaphore_mem>>)
      %dma_wait3A_274 = arith.constant 0 : i32
      %dma_wait3A_275 = arith.constant 0 : i32
      %dma_wait3A_276 = tpu.memref_slice %arg7[%dma_wait3A_274, %dma_wait3A_275] : memref<64x80xi32, #tpu.memory_space<vmem>> -> memref<61x80xi32, #tpu.memory_space<vmem>>
      %dma_wait3A_277 = arith.constant 64 : i32
      %dma_wait3A_278 = arith.constant 0 : i32
      %dma_wait3A_279 = tpu.memref_slice %arg3[%arg1, %dma_wait3A_277, %dma_wait3A_278] : memref<16x125x80xi32, #tpu.memory_space<hbm>> -> memref<1x61x80xi32, #tpu.memory_space<hbm>>
      %dma_wait3A_280 = tpu.memref_squeeze %dma_wait3A_279 : memref<1x61x80xi32, #tpu.memory_space<hbm>> -> memref<61x80xi32, #tpu.memory_space<hbm>>
      %dma_wait3A_281 = arith.constant 0 : i32
      %dma_wait3A_282 = arith.constant 0 : i32
      %dma_wait3A_283 = tpu.memref_slice %arg7[%dma_wait3A_281, %dma_wait3A_282] : memref<64x80xi32, #tpu.memory_space<vmem>> -> memref<61x80xi32, #tpu.memory_space<vmem>>
      %dma_wait3A_284 = arith.constant 64 : i32
      %dma_wait3A_285 = arith.constant 0 : i32
      %dma_wait3A_286 = tpu.memref_slice %arg3[%arg1, %dma_wait3A_284, %dma_wait3A_285] : memref<16x125x80xi32, #tpu.memory_space<hbm>> -> memref<1x61x80xi32, #tpu.memory_space<hbm>>
      %dma_wait3A_287 = tpu.memref_squeeze %dma_wait3A_286 : memref<1x61x80xi32, #tpu.memory_space<hbm>> -> memref<61x80xi32, #tpu.memory_space<hbm>>
      tpu.wait_dma2 semaphore(%run_scoped3A : memref<!tpu.dma_semaphore, #tpu.memory_space<semaphore_mem>>) src(%dma_wait3A_287 : memref<61x80xi32, #tpu.memory_space<hbm>>) dst(%dma_wait3A_283 : memref<61x80xi32, #tpu.memory_space<vmem>>)
      tpu.yield
    }) : () -> ()
    "tpu.region"() ({
      %run_scoped3A = tpu.sem_alloc : memref<!tpu.dma_semaphore, #tpu.memory_space<semaphore_mem>>
      %dma_start3A_260 = arith.constant 0 : i32
      %dma_start3A_261 = arith.constant 0 : i32
      %dma_start3A_262 = tpu.memref_slice %arg8[%dma_start3A_260, %dma_start3A_261] : memref<64x80xi32, #tpu.memory_space<vmem>> -> memref<61x80xi32, #tpu.memory_space<vmem>>
      %dma_start3A_263 = arith.constant 64 : i32
      %dma_start3A_264 = arith.constant 0 : i32
      %dma_start3A_265 = tpu.memref_slice %arg4[%arg1, %dma_start3A_263, %dma_start3A_264] : memref<16x125x80xi32, #tpu.memory_space<hbm>> -> memref<1x61x80xi32, #tpu.memory_space<hbm>>
      %dma_start3A_266 = tpu.memref_squeeze %dma_start3A_265 : memref<1x61x80xi32, #tpu.memory_space<hbm>> -> memref<61x80xi32, #tpu.memory_space<hbm>>
      %dma_start3A_267 = arith.constant 0 : i32
      %dma_start3A_268 = arith.constant 0 : i32
      %dma_start3A_269 = tpu.memref_slice %arg8[%dma_start3A_267, %dma_start3A_268] : memref<64x80xi32, #tpu.memory_space<vmem>> -> memref<61x80xi32, #tpu.memory_space<vmem>>
      %dma_start3A_270 = arith.constant 64 : i32
      %dma_start3A_271 = arith.constant 0 : i32
      %dma_start3A_272 = tpu.memref_slice %arg4[%arg1, %dma_start3A_270, %dma_start3A_271] : memref<16x125x80xi32, #tpu.memory_space<hbm>> -> memref<1x61x80xi32, #tpu.memory_space<hbm>>
      %dma_start3A_273 = tpu.memref_squeeze %dma_start3A_272 : memref<1x61x80xi32, #tpu.memory_space<hbm>> -> memref<61x80xi32, #tpu.memory_space<hbm>>
      tpu.enqueue_dma source(%dma_start3A_273 : memref<61x80xi32, #tpu.memory_space<hbm>>) target(%dma_start3A_269 : memref<61x80xi32, #tpu.memory_space<vmem>>) target_semaphore(%run_scoped3A : memref<!tpu.dma_semaphore, #tpu.memory_space<semaphore_mem>>)
      %dma_wait3A_274 = arith.constant 0 : i32
      %dma_wait3A_275 = arith.constant 0 : i32
      %dma_wait3A_276 = tpu.memref_slice %arg8[%dma_wait3A_274, %dma_wait3A_275] : memref<64x80xi32, #tpu.memory_space<vmem>> -> memref<61x80xi32, #tpu.memory_space<vmem>>
      %dma_wait3A_277 = arith.constant 64 : i32
      %dma_wait3A_278 = arith.constant 0 : i32
      %dma_wait3A_279 = tpu.memref_slice %arg4[%arg1, %dma_wait3A_277, %dma_wait3A_278] : memref<16x125x80xi32, #tpu.memory_space<hbm>> -> memref<1x61x80xi32, #tpu.memory_space<hbm>>
      %dma_wait3A_280 = tpu.memref_squeeze %dma_wait3A_279 : memref<1x61x80xi32, #tpu.memory_space<hbm>> -> memref<61x80xi32, #tpu.memory_space<hbm>>
      %dma_wait3A_281 = arith.constant 0 : i32
      %dma_wait3A_282 = arith.constant 0 : i32
      %dma_wait3A_283 = tpu.memref_slice %arg8[%dma_wait3A_281, %dma_wait3A_282] : memref<64x80xi32, #tpu.memory_space<vmem>> -> memref<61x80xi32, #tpu.memory_space<vmem>>
      %dma_wait3A_284 = arith.constant 64 : i32
      %dma_wait3A_285 = arith.constant 0 : i32
      %dma_wait3A_286 = tpu.memref_slice %arg4[%arg1, %dma_wait3A_284, %dma_wait3A_285] : memref<16x125x80xi32, #tpu.memory_space<hbm>> -> memref<1x61x80xi32, #tpu.memory_space<hbm>>
      %dma_wait3A_287 = tpu.memref_squeeze %dma_wait3A_286 : memref<1x61x80xi32, #tpu.memory_space<hbm>> -> memref<61x80xi32, #tpu.memory_space<hbm>>
      tpu.wait_dma2 semaphore(%run_scoped3A : memref<!tpu.dma_semaphore, #tpu.memory_space<semaphore_mem>>) src(%dma_wait3A_287 : memref<61x80xi32, #tpu.memory_space<hbm>>) dst(%dma_wait3A_283 : memref<61x80xi32, #tpu.memory_space<vmem>>)
      tpu.yield
    }) : () -> ()
    %scan3A_127 = arith.constant 0 : i32
    %scan3A_128 = arith.constant 61 : i32
    %scan3A_129 = arith.addi %scan3A_127, %scan3A_128 : i32
    %scan3A_130 = arith.constant 1 : i32
    scf.for %scan3A_260 = %scan3A_127 to %scan3A_129 step %scan3A_130  : i32 {
      %mul3A_261 = arith.constant 1 : i32
      %mul3A_262 = arith.muli %scan3A_260, %mul3A_261 : i32
      %add3A = arith.constant 0 : i32
      %add3A_263 = arith.addi %add3A, %mul3A_262 : i32
      %get3A = arith.index_cast %add3A_263 : i32 to index
      %get3A_264 = arith.constant 0 : index
      %get3A_265 = tpu.vector_load %arg7[%get3A, %get3A_264] {strides = array<i32>} : memref<64x80xi32, #tpu.memory_space<vmem>>, vector<1x16xi32>,
      %get3A_266 = vector.shape_cast %get3A_265 : vector<1x16xi32> to vector<16xi32>
      %mul3A_267 = arith.constant 2 : i32
      %mul3A_268 = vector.broadcast %mul3A_267 : i32 to vector<16xi32>
      %mul3A_269 = arith.muli %get3A_266, %mul3A_268 : vector<16xi32>
      %add3A_270 = vector.broadcast %arg0 : i32 to vector<16xi32>
      %add3A_271 = arith.addi %mul3A_269, %add3A_270 : vector<16xi32>
      %swap3A = arith.index_cast %add3A_263 : i32 to index
      %swap3A_272 = arith.constant 0 : index
      %swap3A_273 = tpu.vector_load %arg7[%swap3A, %swap3A_272] {strides = array<i32>} : memref<64x80xi32, #tpu.memory_space<vmem>>, vector<1x16xi32>,
      %swap3A_274 = vector.shape_cast %swap3A_273 : vector<1x16xi32> to vector<16xi32>
      %swap3A_275 = vector.shape_cast %add3A_271 : vector<16xi32> to vector<1x16xi32>
      tpu.vector_store %arg7[%swap3A, %swap3A_272], %swap3A_275 {strides = array<i32>} : memref<64x80xi32, #tpu.memory_space<vmem>>, vector<1x16xi32>,
      %get3A_276 = arith.index_cast %add3A_263 : i32 to index
      %get3A_277 = arith.constant 16 : index
      %get3A_278 = tpu.vector_load %arg7[%get3A_276, %get3A_277] {strides = array<i32>} : memref<64x80xi32, #tpu.memory_space<vmem>>, vector<1x16xi32>,
      %get3A_279 = vector.shape_cast %get3A_278 : vector<1x16xi32> to vector<16xi32>
      %mul3A_280 = arith.constant 2 : i32
      %mul3A_281 = vector.broadcast %mul3A_280 : i32 to vector<16xi32>
      %mul3A_282 = arith.muli %get3A_279, %mul3A_281 : vector<16xi32>
      %add3A_283 = vector.broadcast %arg0 : i32 to vector<16xi32>
      %add3A_284 = arith.addi %mul3A_282, %add3A_283 : vector<16xi32>
      %swap3A_285 = arith.index_cast %add3A_263 : i32 to index
      %swap3A_286 = arith.constant 16 : index
      %swap3A_287 = tpu.vector_load %arg7[%swap3A_285, %swap3A_286] {strides = array<i32>} : memref<64x80xi32, #tpu.memory_space<vmem>>, vector<1x16xi32>,
      %swap3A_288 = vector.shape_cast %swap3A_287 : vector<1x16xi32> to vector<16xi32>
      %swap3A_289 = vector.shape_cast %add3A_284 : vector<16xi32> to vector<1x16xi32>
      tpu.vector_store %arg7[%swap3A_285, %swap3A_286], %swap3A_289 {strides = array<i32>} : memref<64x80xi32, #tpu.memory_space<vmem>>, vector<1x16xi32>,
      %get3A_290 = arith.index_cast %add3A_263 : i32 to index
      %get3A_291 = arith.constant 32 : index
      %get3A_292 = tpu.vector_load %arg7[%get3A_290, %get3A_291] {strides = array<i32>} : memref<64x80xi32, #tpu.memory_space<vmem>>, vector<1x16xi32>,
      %get3A_293 = vector.shape_cast %get3A_292 : vector<1x16xi32> to vector<16xi32>
      %mul3A_294 = arith.constant 2 : i32
      %mul3A_295 = vector.broadcast %mul3A_294 : i32 to vector<16xi32>
      %mul3A_296 = arith.muli %get3A_293, %mul3A_295 : vector<16xi32>
      %add3A_297 = vector.broadcast %arg0 : i32 to vector<16xi32>
      %add3A_298 = arith.addi %mul3A_296, %add3A_297 : vector<16xi32>
      %swap3A_299 = arith.index_cast %add3A_263 : i32 to index
      %swap3A_300 = arith.constant 32 : index
      %swap3A_301 = tpu.vector_load %arg7[%swap3A_299, %swap3A_300] {strides = array<i32>} : memref<64x80xi32, #tpu.memory_space<vmem>>, vector<1x16xi32>,
      %swap3A_302 = vector.shape_cast %swap3A_301 : vector<1x16xi32> to vector<16xi32>
      %swap3A_303 = vector.shape_cast %add3A_298 : vector<16xi32> to vector<1x16xi32>
      tpu.vector_store %arg7[%swap3A_299, %swap3A_300], %swap3A_303 {strides = array<i32>} : memref<64x80xi32, #tpu.memory_space<vmem>>, vector<1x16xi32>,
      %get3A_304 = arith.index_cast %add3A_263 : i32 to index
      %get3A_305 = arith.constant 48 : index
      %get3A_306 = tpu.vector_load %arg7[%get3A_304, %get3A_305] {strides = array<i32>} : memref<64x80xi32, #tpu.memory_space<vmem>>, vector<1x16xi32>,
      %get3A_307 = vector.shape_cast %get3A_306 : vector<1x16xi32> to vector<16xi32>
      %mul3A_308 = arith.constant 2 : i32
      %mul3A_309 = vector.broadcast %mul3A_308 : i32 to vector<16xi32>
      %mul3A_310 = arith.muli %get3A_307, %mul3A_309 : vector<16xi32>
      %add3A_311 = vector.broadcast %arg0 : i32 to vector<16xi32>
      %add3A_312 = arith.addi %mul3A_310, %add3A_311 : vector<16xi32>
      %swap3A_313 = arith.index_cast %add3A_263 : i32 to index
      %swap3A_314 = arith.constant 48 : index
      %swap3A_315 = tpu.vector_load %arg7[%swap3A_313, %swap3A_314] {strides = array<i32>} : memref<64x80xi32, #tpu.memory_space<vmem>>, vector<1x16xi32>,
      %swap3A_316 = vector.shape_cast %swap3A_315 : vector<1x16xi32> to vector<16xi32>
      %swap3A_317 = vector.shape_cast %add3A_312 : vector<16xi32> to vector<1x16xi32>
      tpu.vector_store %arg7[%swap3A_313, %swap3A_314], %swap3A_317 {strides = array<i32>} : memref<64x80xi32, #tpu.memory_space<vmem>>, vector<1x16xi32>,
      %get3A_318 = arith.index_cast %add3A_263 : i32 to index
      %get3A_319 = arith.constant 64 : index
      %get3A_320 = tpu.vector_load %arg7[%get3A_318, %get3A_319] {strides = array<i32>} : memref<64x80xi32, #tpu.memory_space<vmem>>, vector<1x16xi32>,
      %get3A_321 = vector.shape_cast %get3A_320 : vector<1x16xi32> to vector<16xi32>
      %mul3A_322 = arith.constant 2 : i32
      %mul3A_323 = vector.broadcast %mul3A_322 : i32 to vector<16xi32>
      %mul3A_324 = arith.muli %get3A_321, %mul3A_323 : vector<16xi32>
      %add3A_325 = vector.broadcast %arg0 : i32 to vector<16xi32>
      %add3A_326 = arith.addi %mul3A_324, %add3A_325 : vector<16xi32>
      %swap3A_327 = arith.index_cast %add3A_263 : i32 to index
      %swap3A_328 = arith.constant 64 : index
      %swap3A_329 = tpu.vector_load %arg7[%swap3A_327, %swap3A_328] {strides = array<i32>} : memref<64x80xi32, #tpu.memory_space<vmem>>, vector<1x16xi32>,
      %swap3A_330 = vector.shape_cast %swap3A_329 : vector<1x16xi32> to vector<16xi32>
      %swap3A_331 = vector.shape_cast %add3A_326 : vector<16xi32> to vector<1x16xi32>
      tpu.vector_store %arg7[%swap3A_327, %swap3A_328], %swap3A_331 {strides = array<i32>} : memref<64x80xi32, #tpu.memory_space<vmem>>, vector<1x16xi32>,
    }
    %scan3A_131 = arith.constant 61 : i32
    %dma_start3A_132 = arith.constant 0 : i32
    %dma_start3A_133 = arith.constant 0 : i32
    %dma_start3A_134 = tpu.memref_slice %arg7[%dma_start3A_132, %dma_start3A_133] : memref<64x80xi32, #tpu.memory_space<vmem>> -> memref<1x80xi32, #tpu.memory_space<vmem>>
    %dma_start3A_135 = tpu.memref_squeeze %dma_start3A_134 : memref<1x80xi32, #tpu.memory_space<vmem>> -> memref<80xi32, #tpu.memory_space<vmem>>
    %dma_start3A_136 = arith.constant 0 : i32
    %dma_start3A_137 = arith.constant 0 : i32
    %dma_start3A_138 = tpu.memref_slice %arg2[%dma_start3A_136, %dma_start3A_137] : memref<20000x128xf32, #tpu.memory_space<hbm>> -> memref<20000x128xf32, #tpu.memory_space<hbm>>
    tpu.enqueue_indirect_dma source(%dma_start3A_138 : memref<20000x128xf32, #tpu.memory_space<hbm>>) target(%arg9 : memref<80x128xf32, #tpu.memory_space<vmem>>) offsets(%dma_start3A_135 : memref<80xi32, #tpu.memory_space<vmem>>) semaphore(%arg13 : memref<!tpu.dma_semaphore, #tpu.memory_space<semaphore_mem>>)
    %dma_start3A_139 = arith.constant 1 : i32
    %dma_start3A_140 = arith.constant 0 : i32
    %dma_start3A_141 = tpu.memref_slice %arg7[%dma_start3A_139, %dma_start3A_140] : memref<64x80xi32, #tpu.memory_space<vmem>> -> memref<1x80xi32, #tpu.memory_space<vmem>>
    %dma_start3A_142 = tpu.memref_squeeze %dma_start3A_141 : memref<1x80xi32, #tpu.memory_space<vmem>> -> memref<80xi32, #tpu.memory_space<vmem>>
    %dma_start3A_143 = arith.constant 0 : i32
    %dma_start3A_144 = arith.constant 0 : i32
    %dma_start3A_145 = tpu.memref_slice %arg2[%dma_start3A_143, %dma_start3A_144] : memref<20000x128xf32, #tpu.memory_space<hbm>> -> memref<20000x128xf32, #tpu.memory_space<hbm>>
    tpu.enqueue_indirect_dma source(%dma_start3A_145 : memref<20000x128xf32, #tpu.memory_space<hbm>>) target(%arg10 : memref<80x128xf32, #tpu.memory_space<vmem>>) offsets(%dma_start3A_142 : memref<80xi32, #tpu.memory_space<vmem>>) semaphore(%arg14 : memref<!tpu.dma_semaphore, #tpu.memory_space<semaphore_mem>>)
    %dma_wait3A_146 = arith.constant 0 : i32
    %dma_wait3A_147 = arith.constant 0 : i32
    %dma_wait3A_148 = tpu.memref_slice %arg7[%dma_wait3A_146, %dma_wait3A_147] : memref<64x80xi32, #tpu.memory_space<vmem>> -> memref<1x80xi32, #tpu.memory_space<vmem>>
    %dma_wait3A_149 = tpu.memref_squeeze %dma_wait3A_148 : memref<1x80xi32, #tpu.memory_space<vmem>> -> memref<80xi32, #tpu.memory_space<vmem>>
    %dma_wait3A_150 = arith.constant 0 : i32
    %dma_wait3A_151 = arith.constant 0 : i32
    %dma_wait3A_152 = tpu.memref_slice %arg2[%dma_wait3A_150, %dma_wait3A_151] : memref<20000x128xf32, #tpu.memory_space<hbm>> -> memref<20000x128xf32, #tpu.memory_space<hbm>>
    tpu.wait_indirect_dma semaphore(%arg13 : memref<!tpu.dma_semaphore, #tpu.memory_space<semaphore_mem>>) src(%dma_wait3A_152 : memref<20000x128xf32, #tpu.memory_space<hbm>>) dst(%arg9 : memref<80x128xf32, #tpu.memory_space<vmem>>)
    %dma_start3A_153 = arith.constant 0 : i32
    %dma_start3A_154 = arith.constant 0 : i32
    %dma_start3A_155 = tpu.memref_slice %arg8[%dma_start3A_153, %dma_start3A_154] : memref<64x80xi32, #tpu.memory_space<vmem>> -> memref<1x80xi32, #tpu.memory_space<vmem>>
    %dma_start3A_156 = tpu.memref_squeeze %dma_start3A_155 : memref<1x80xi32, #tpu.memory_space<vmem>> -> memref<80xi32, #tpu.memory_space<vmem>>
    %dma_start3A_157 = arith.constant 0 : i32
    %dma_start3A_158 = arith.constant 0 : i32
    %dma_start3A_159 = tpu.memref_slice %arg12[%dma_start3A_157, %dma_start3A_158] : memref<10000x128xf32, #tpu.memory_space<vmem_shared>> -> memref<10000x128xf32, #tpu.memory_space<vmem_shared>>
    tpu.enqueue_indirect_dma source(%arg9 : memref<80x128xf32, #tpu.memory_space<vmem>>) target(%dma_start3A_159 : memref<10000x128xf32, #tpu.memory_space<vmem_shared>>) offsets(%dma_start3A_156 : memref<80xi32, #tpu.memory_space<vmem>>) semaphore(%arg16 : memref<!tpu.dma_semaphore, #tpu.memory_space<semaphore_mem>>) {add = true}
    %dma_start3A_160 = arith.constant 2 : i32
    %dma_start3A_161 = arith.constant 0 : i32
    %dma_start3A_162 = tpu.memref_slice %arg7[%dma_start3A_160, %dma_start3A_161] : memref<64x80xi32, #tpu.memory_space<vmem>> -> memref<1x80xi32, #tpu.memory_space<vmem>>
    %dma_start3A_163 = tpu.memref_squeeze %dma_start3A_162 : memref<1x80xi32, #tpu.memory_space<vmem>> -> memref<80xi32, #tpu.memory_space<vmem>>
    %dma_start3A_164 = arith.constant 0 : i32
    %dma_start3A_165 = arith.constant 0 : i32
    %dma_start3A_166 = tpu.memref_slice %arg2[%dma_start3A_164, %dma_start3A_165] : memref<20000x128xf32, #tpu.memory_space<hbm>> -> memref<20000x128xf32, #tpu.memory_space<hbm>>
    tpu.enqueue_indirect_dma source(%dma_start3A_166 : memref<20000x128xf32, #tpu.memory_space<hbm>>) target(%arg11 : memref<80x128xf32, #tpu.memory_space<vmem>>) offsets(%dma_start3A_163 : memref<80xi32, #tpu.memory_space<vmem>>) semaphore(%arg15 : memref<!tpu.dma_semaphore, #tpu.memory_space<semaphore_mem>>)
    %scan3A_167 = arith.constant 0 : i32
    %scan3A_168 = arith.constant 19 : i32
    %scan3A_169 = arith.addi %scan3A_167, %scan3A_168 : i32
    %scan3A_170 = arith.constant 1 : i32
    scf.for %scan3A_260 = %scan3A_167 to %scan3A_169 step %scan3A_170  : i32 {
      %mul3A_261 = arith.constant 1 : i32
      %mul3A_262 = arith.muli %scan3A_260, %mul3A_261 : i32
      %add3A = arith.constant 0 : i32
      %add3A_263 = arith.addi %add3A, %mul3A_262 : i32
      %mul3A_264 = arith.constant 3 : i32
      %mul3A_265 = arith.muli %mul3A_264, %add3A_263 : i32
      %add3A_266 = arith.constant 1 : i32
      %add3A_267 = arith.addi %mul3A_265, %add3A_266 : i32
      %add3A_268 = arith.constant 0 : i32
      %add3A_269 = arith.addi %add3A_267, %add3A_268 : i32
      %dma_wait3A_270 = arith.constant 0 : i32
      %dma_wait3A_271 = tpu.memref_slice %arg7[%add3A_269, %dma_wait3A_270] : memref<64x80xi32, #tpu.memory_space<vmem>> -> memref<1x80xi32, #tpu.memory_space<vmem>>
      %dma_wait3A_272 = tpu.memref_squeeze %dma_wait3A_271 : memref<1x80xi32, #tpu.memory_space<vmem>> -> memref<80xi32, #tpu.memory_space<vmem>>
      %dma_wait3A_273 = arith.constant 0 : i32
      %dma_wait3A_274 = arith.constant 0 : i32
      %dma_wait3A_275 = tpu.memref_slice %arg2[%dma_wait3A_273, %dma_wait3A_274] : memref<20000x128xf32, #tpu.memory_space<hbm>> -> memref<20000x128xf32, #tpu.memory_space<hbm>>
      tpu.wait_indirect_dma semaphore(%arg14 : memref<!tpu.dma_semaphore, #tpu.memory_space<semaphore_mem>>) src(%dma_wait3A_275 : memref<20000x128xf32, #tpu.memory_space<hbm>>) dst(%arg10 : memref<80x128xf32, #tpu.memory_space<vmem>>)
      %dma_start3A_276 = arith.constant 0 : i32
      %dma_start3A_277 = tpu.memref_slice %arg8[%add3A_269, %dma_start3A_276] : memref<64x80xi32, #tpu.memory_space<vmem>> -> memref<1x80xi32, #tpu.memory_space<vmem>>
      %dma_start3A_278 = tpu.memref_squeeze %dma_start3A_277 : memref<1x80xi32, #tpu.memory_space<vmem>> -> memref<80xi32, #tpu.memory_space<vmem>>
      %dma_start3A_279 = arith.constant 0 : i32
      %dma_start3A_280 = arith.constant 0 : i32
      %dma_start3A_281 = tpu.memref_slice %arg12[%dma_start3A_279, %dma_start3A_280] : memref<10000x128xf32, #tpu.memory_space<vmem_shared>> -> memref<10000x128xf32, #tpu.memory_space<vmem_shared>>
      tpu.enqueue_indirect_dma source(%arg10 : memref<80x128xf32, #tpu.memory_space<vmem>>) target(%dma_start3A_281 : memref<10000x128xf32, #tpu.memory_space<vmem_shared>>) offsets(%dma_start3A_278 : memref<80xi32, #tpu.memory_space<vmem>>) semaphore(%arg17 : memref<!tpu.dma_semaphore, #tpu.memory_space<semaphore_mem>>) {add = true}
      %sub3A = arith.constant 1 : i32
      %sub3A_282 = arith.subi %add3A_269, %sub3A : i32
      %dma_wait3A_283 = arith.constant 0 : i32
      %dma_wait3A_284 = tpu.memref_slice %arg8[%sub3A_282, %dma_wait3A_283] : memref<64x80xi32, #tpu.memory_space<vmem>> -> memref<1x80xi32, #tpu.memory_space<vmem>>
      %dma_wait3A_285 = tpu.memref_squeeze %dma_wait3A_284 : memref<1x80xi32, #tpu.memory_space<vmem>> -> memref<80xi32, #tpu.memory_space<vmem>>
      %dma_wait3A_286 = arith.constant 0 : i32
      %dma_wait3A_287 = arith.constant 0 : i32
      %dma_wait3A_288 = tpu.memref_slice %arg12[%dma_wait3A_286, %dma_wait3A_287] : memref<10000x128xf32, #tpu.memory_space<vmem_shared>> -> memref<10000x128xf32, #tpu.memory_space<vmem_shared>>
      tpu.wait_indirect_dma semaphore(%arg16 : memref<!tpu.dma_semaphore, #tpu.memory_space<semaphore_mem>>) src(%arg9 : memref<80x128xf32, #tpu.memory_space<vmem>>) dst(%dma_wait3A_288 : memref<10000x128xf32, #tpu.memory_space<vmem_shared>>)
      %add3A_289 = arith.constant 2 : i32
      %add3A_290 = arith.addi %add3A_269, %add3A_289 : i32
      %dma_start3A_291 = arith.constant 0 : i32
      %dma_start3A_292 = tpu.memref_slice %arg7[%add3A_290, %dma_start3A_291] : memref<64x80xi32, #tpu.memory_space<vmem>> -> memref<1x80xi32, #tpu.memory_space<vmem>>
      %dma_start3A_293 = tpu.memref_squeeze %dma_start3A_292 : memref<1x80xi32, #tpu.memory_space<vmem>> -> memref<80xi32, #tpu.memory_space<vmem>>
      %dma_start3A_294 = arith.constant 0 : i32
      %dma_start3A_295 = arith.constant 0 : i32
      %dma_start3A_296 = tpu.memref_slice %arg2[%dma_start3A_294, %dma_start3A_295] : memref<20000x128xf32, #tpu.memory_space<hbm>> -> memref<20000x128xf32, #tpu.memory_space<hbm>>
      tpu.enqueue_indirect_dma source(%dma_start3A_296 : memref<20000x128xf32, #tpu.memory_space<hbm>>) target(%arg9 : memref<80x128xf32, #tpu.memory_space<vmem>>) offsets(%dma_start3A_293 : memref<80xi32, #tpu.memory_space<vmem>>) semaphore(%arg13 : memref<!tpu.dma_semaphore, #tpu.memory_space<semaphore_mem>>)
      %add3A_297 = arith.constant 1 : i32
      %add3A_298 = arith.addi %add3A_267, %add3A_297 : i32
      %dma_wait3A_299 = arith.constant 0 : i32
      %dma_wait3A_300 = tpu.memref_slice %arg7[%add3A_298, %dma_wait3A_299] : memref<64x80xi32, #tpu.memory_space<vmem>> -> memref<1x80xi32, #tpu.memory_space<vmem>>
      %dma_wait3A_301 = tpu.memref_squeeze %dma_wait3A_300 : memref<1x80xi32, #tpu.memory_space<vmem>> -> memref<80xi32, #tpu.memory_space<vmem>>
      %dma_wait3A_302 = arith.constant 0 : i32
      %dma_wait3A_303 = arith.constant 0 : i32
      %dma_wait3A_304 = tpu.memref_slice %arg2[%dma_wait3A_302, %dma_wait3A_303] : memref<20000x128xf32, #tpu.memory_space<hbm>> -> memref<20000x128xf32, #tpu.memory_space<hbm>>
      tpu.wait_indirect_dma semaphore(%arg15 : memref<!tpu.dma_semaphore, #tpu.memory_space<semaphore_mem>>) src(%dma_wait3A_304 : memref<20000x128xf32, #tpu.memory_space<hbm>>) dst(%arg11 : memref<80x128xf32, #tpu.memory_space<vmem>>)
      %dma_start3A_305 = arith.constant 0 : i32
      %dma_start3A_306 = tpu.memref_slice %arg8[%add3A_298, %dma_start3A_305] : memref<64x80xi32, #tpu.memory_space<vmem>> -> memref<1x80xi32, #tpu.memory_space<vmem>>
      %dma_start3A_307 = tpu.memref_squeeze %dma_start3A_306 : memref<1x80xi32, #tpu.memory_space<vmem>> -> memref<80xi32, #tpu.memory_space<vmem>>
      %dma_start3A_308 = arith.constant 0 : i32
      %dma_start3A_309 = arith.constant 0 : i32
      %dma_start3A_310 = tpu.memref_slice %arg12[%dma_start3A_308, %dma_start3A_309] : memref<10000x128xf32, #tpu.memory_space<vmem_shared>> -> memref<10000x128xf32, #tpu.memory_space<vmem_shared>>
      tpu.enqueue_indirect_dma source(%arg11 : memref<80x128xf32, #tpu.memory_space<vmem>>) target(%dma_start3A_310 : memref<10000x128xf32, #tpu.memory_space<vmem_shared>>) offsets(%dma_start3A_307 : memref<80xi32, #tpu.memory_space<vmem>>) semaphore(%arg18 : memref<!tpu.dma_semaphore, #tpu.memory_space<semaphore_mem>>) {add = true}
      %sub3A_311 = arith.constant 1 : i32
      %sub3A_312 = arith.subi %add3A_298, %sub3A_311 : i32
      %dma_wait3A_313 = arith.constant 0 : i32
      %dma_wait3A_314 = tpu.memref_slice %arg8[%sub3A_312, %dma_wait3A_313] : memref<64x80xi32, #tpu.memory_space<vmem>> -> memref<1x80xi32, #tpu.memory_space<vmem>>
      %dma_wait3A_315 = tpu.memref_squeeze %dma_wait3A_314 : memref<1x80xi32, #tpu.memory_space<vmem>> -> memref<80xi32, #tpu.memory_space<vmem>>
      %dma_wait3A_316 = arith.constant 0 : i32
      %dma_wait3A_317 = arith.constant 0 : i32
      %dma_wait3A_318 = tpu.memref_slice %arg12[%dma_wait3A_316, %dma_wait3A_317] : memref<10000x128xf32, #tpu.memory_space<vmem_shared>> -> memref<10000x128xf32, #tpu.memory_space<vmem_shared>>
      tpu.wait_indirect_dma semaphore(%arg17 : memref<!tpu.dma_semaphore, #tpu.memory_space<semaphore_mem>>) src(%arg10 : memref<80x128xf32, #tpu.memory_space<vmem>>) dst(%dma_wait3A_318 : memref<10000x128xf32, #tpu.memory_space<vmem_shared>>)
      %add3A_319 = arith.constant 2 : i32
      %add3A_320 = arith.addi %add3A_298, %add3A_319 : i32
      %dma_start3A_321 = arith.constant 0 : i32
      %dma_start3A_322 = tpu.memref_slice %arg7[%add3A_320, %dma_start3A_321] : memref<64x80xi32, #tpu.memory_space<vmem>> -> memref<1x80xi32, #tpu.memory_space<vmem>>
      %dma_start3A_323 = tpu.memref_squeeze %dma_start3A_322 : memref<1x80xi32, #tpu.memory_space<vmem>> -> memref<80xi32, #tpu.memory_space<vmem>>
      %dma_start3A_324 = arith.constant 0 : i32
      %dma_start3A_325 = arith.constant 0 : i32
      %dma_start3A_326 = tpu.memref_slice %arg2[%dma_start3A_324, %dma_start3A_325] : memref<20000x128xf32, #tpu.memory_space<hbm>> -> memref<20000x128xf32, #tpu.memory_space<hbm>>
      tpu.enqueue_indirect_dma source(%dma_start3A_326 : memref<20000x128xf32, #tpu.memory_space<hbm>>) target(%arg10 : memref<80x128xf32, #tpu.memory_space<vmem>>) offsets(%dma_start3A_323 : memref<80xi32, #tpu.memory_space<vmem>>) semaphore(%arg14 : memref<!tpu.dma_semaphore, #tpu.memory_space<semaphore_mem>>)
      %add3A_327 = arith.constant 2 : i32
      %add3A_328 = arith.addi %add3A_267, %add3A_327 : i32
      %dma_wait3A_329 = arith.constant 0 : i32
      %dma_wait3A_330 = tpu.memref_slice %arg7[%add3A_328, %dma_wait3A_329] : memref<64x80xi32, #tpu.memory_space<vmem>> -> memref<1x80xi32, #tpu.memory_space<vmem>>
      %dma_wait3A_331 = tpu.memref_squeeze %dma_wait3A_330 : memref<1x80xi32, #tpu.memory_space<vmem>> -> memref<80xi32, #tpu.memory_space<vmem>>
      %dma_wait3A_332 = arith.constant 0 : i32
      %dma_wait3A_333 = arith.constant 0 : i32
      %dma_wait3A_334 = tpu.memref_slice %arg2[%dma_wait3A_332, %dma_wait3A_333] : memref<20000x128xf32, #tpu.memory_space<hbm>> -> memref<20000x128xf32, #tpu.memory_space<hbm>>
      tpu.wait_indirect_dma semaphore(%arg13 : memref<!tpu.dma_semaphore, #tpu.memory_space<semaphore_mem>>) src(%dma_wait3A_334 : memref<20000x128xf32, #tpu.memory_space<hbm>>) dst(%arg9 : memref<80x128xf32, #tpu.memory_space<vmem>>)
      %dma_start3A_335 = arith.constant 0 : i32
      %dma_start3A_336 = tpu.memref_slice %arg8[%add3A_328, %dma_start3A_335] : memref<64x80xi32, #tpu.memory_space<vmem>> -> memref<1x80xi32, #tpu.memory_space<vmem>>
      %dma_start3A_337 = tpu.memref_squeeze %dma_start3A_336 : memref<1x80xi32, #tpu.memory_space<vmem>> -> memref<80xi32, #tpu.memory_space<vmem>>
      %dma_start3A_338 = arith.constant 0 : i32
      %dma_start3A_339 = arith.constant 0 : i32
      %dma_start3A_340 = tpu.memref_slice %arg12[%dma_start3A_338, %dma_start3A_339] : memref<10000x128xf32, #tpu.memory_space<vmem_shared>> -> memref<10000x128xf32, #tpu.memory_space<vmem_shared>>
      tpu.enqueue_indirect_dma source(%arg9 : memref<80x128xf32, #tpu.memory_space<vmem>>) target(%dma_start3A_340 : memref<10000x128xf32, #tpu.memory_space<vmem_shared>>) offsets(%dma_start3A_337 : memref<80xi32, #tpu.memory_space<vmem>>) semaphore(%arg16 : memref<!tpu.dma_semaphore, #tpu.memory_space<semaphore_mem>>) {add = true}
      %sub3A_341 = arith.constant 1 : i32
      %sub3A_342 = arith.subi %add3A_328, %sub3A_341 : i32
      %dma_wait3A_343 = arith.constant 0 : i32
      %dma_wait3A_344 = tpu.memref_slice %arg8[%sub3A_342, %dma_wait3A_343] : memref<64x80xi32, #tpu.memory_space<vmem>> -> memref<1x80xi32, #tpu.memory_space<vmem>>
      %dma_wait3A_345 = tpu.memref_squeeze %dma_wait3A_344 : memref<1x80xi32, #tpu.memory_space<vmem>> -> memref<80xi32, #tpu.memory_space<vmem>>
      %dma_wait3A_346 = arith.constant 0 : i32
      %dma_wait3A_347 = arith.constant 0 : i32
      %dma_wait3A_348 = tpu.memref_slice %arg12[%dma_wait3A_346, %dma_wait3A_347] : memref<10000x128xf32, #tpu.memory_space<vmem_shared>> -> memref<10000x128xf32, #tpu.memory_space<vmem_shared>>
      tpu.wait_indirect_dma semaphore(%arg18 : memref<!tpu.dma_semaphore, #tpu.memory_space<semaphore_mem>>) src(%arg11 : memref<80x128xf32, #tpu.memory_space<vmem>>) dst(%dma_wait3A_348 : memref<10000x128xf32, #tpu.memory_space<vmem_shared>>)
      %add3A_349 = arith.constant 2 : i32
      %add3A_350 = arith.addi %add3A_328, %add3A_349 : i32
      %dma_start3A_351 = arith.constant 0 : i32
      %dma_start3A_352 = tpu.memref_slice %arg7[%add3A_350, %dma_start3A_351] : memref<64x80xi32, #tpu.memory_space<vmem>> -> memref<1x80xi32, #tpu.memory_space<vmem>>
      %dma_start3A_353 = tpu.memref_squeeze %dma_start3A_352 : memref<1x80xi32, #tpu.memory_space<vmem>> -> memref<80xi32, #tpu.memory_space<vmem>>
      %dma_start3A_354 = arith.constant 0 : i32
      %dma_start3A_355 = arith.constant 0 : i32
      %dma_start3A_356 = tpu.memref_slice %arg2[%dma_start3A_354, %dma_start3A_355] : memref<20000x128xf32, #tpu.memory_space<hbm>> -> memref<20000x128xf32, #tpu.memory_space<hbm>>
      tpu.enqueue_indirect_dma source(%dma_start3A_356 : memref<20000x128xf32, #tpu.memory_space<hbm>>) target(%arg11 : memref<80x128xf32, #tpu.memory_space<vmem>>) offsets(%dma_start3A_353 : memref<80xi32, #tpu.memory_space<vmem>>) semaphore(%arg15 : memref<!tpu.dma_semaphore, #tpu.memory_space<semaphore_mem>>)
    }
    %scan3A_171 = arith.constant 19 : i32
    %dma_wait3A_172 = arith.constant 58 : i32
    %dma_wait3A_173 = arith.constant 0 : i32
    %dma_wait3A_174 = tpu.memref_slice %arg7[%dma_wait3A_172, %dma_wait3A_173] : memref<64x80xi32, #tpu.memory_space<vmem>> -> memref<1x80xi32, #tpu.memory_space<vmem>>
    %dma_wait3A_175 = tpu.memref_squeeze %dma_wait3A_174 : memref<1x80xi32, #tpu.memory_space<vmem>> -> memref<80xi32, #tpu.memory_space<vmem>>
    %dma_wait3A_176 = arith.constant 0 : i32
    %dma_wait3A_177 = arith.constant 0 : i32
    %dma_wait3A_178 = tpu.memref_slice %arg2[%dma_wait3A_176, %dma_wait3A_177] : memref<20000x128xf32, #tpu.memory_space<hbm>> -> memref<20000x128xf32, #tpu.memory_space<hbm>>
    tpu.wait_indirect_dma semaphore(%arg14 : memref<!tpu.dma_semaphore, #tpu.memory_space<semaphore_mem>>) src(%dma_wait3A_178 : memref<20000x128xf32, #tpu.memory_space<hbm>>) dst(%arg10 : memref<80x128xf32, #tpu.memory_space<vmem>>)
    %dma_start3A_179 = arith.constant 58 : i32
    %dma_start3A_180 = arith.constant 0 : i32
    %dma_start3A_181 = tpu.memref_slice %arg8[%dma_start3A_179, %dma_start3A_180] : memref<64x80xi32, #tpu.memory_space<vmem>> -> memref<1x80xi32, #tpu.memory_space<vmem>>
    %dma_start3A_182 = tpu.memref_squeeze %dma_start3A_181 : memref<1x80xi32, #tpu.memory_space<vmem>> -> memref<80xi32, #tpu.memory_space<vmem>>
    %dma_start3A_183 = arith.constant 0 : i32
    %dma_start3A_184 = arith.constant 0 : i32
    %dma_start3A_185 = tpu.memref_slice %arg12[%dma_start3A_183, %dma_start3A_184] : memref<10000x128xf32, #tpu.memory_space<vmem_shared>> -> memref<10000x128xf32, #tpu.memory_space<vmem_shared>>
    tpu.enqueue_indirect_dma source(%arg10 : memref<80x128xf32, #tpu.memory_space<vmem>>) target(%dma_start3A_185 : memref<10000x128xf32, #tpu.memory_space<vmem_shared>>) offsets(%dma_start3A_182 : memref<80xi32, #tpu.memory_space<vmem>>) semaphore(%arg17 : memref<!tpu.dma_semaphore, #tpu.memory_space<semaphore_mem>>) {add = true}
    %dma_wait3A_186 = arith.constant 57 : i32
    %dma_wait3A_187 = arith.constant 0 : i32
    %dma_wait3A_188 = tpu.memref_slice %arg8[%dma_wait3A_186, %dma_wait3A_187] : memref<64x80xi32, #tpu.memory_space<vmem>> -> memref<1x80xi32, #tpu.memory_space<vmem>>
    %dma_wait3A_189 = tpu.memref_squeeze %dma_wait3A_188 : memref<1x80xi32, #tpu.memory_space<vmem>> -> memref<80xi32, #tpu.memory_space<vmem>>
    %dma_wait3A_190 = arith.constant 0 : i32
    %dma_wait3A_191 = arith.constant 0 : i32
    %dma_wait3A_192 = tpu.memref_slice %arg12[%dma_wait3A_190, %dma_wait3A_191] : memref<10000x128xf32, #tpu.memory_space<vmem_shared>> -> memref<10000x128xf32, #tpu.memory_space<vmem_shared>>
    tpu.wait_indirect_dma semaphore(%arg16 : memref<!tpu.dma_semaphore, #tpu.memory_space<semaphore_mem>>) src(%arg9 : memref<80x128xf32, #tpu.memory_space<vmem>>) dst(%dma_wait3A_192 : memref<10000x128xf32, #tpu.memory_space<vmem_shared>>)
    %dma_start3A_193 = arith.constant 60 : i32
    %dma_start3A_194 = arith.constant 0 : i32
    %dma_start3A_195 = tpu.memref_slice %arg7[%dma_start3A_193, %dma_start3A_194] : memref<64x80xi32, #tpu.memory_space<vmem>> -> memref<1x80xi32, #tpu.memory_space<vmem>>
    %dma_start3A_196 = tpu.memref_squeeze %dma_start3A_195 : memref<1x80xi32, #tpu.memory_space<vmem>> -> memref<80xi32, #tpu.memory_space<vmem>>
    %dma_start3A_197 = arith.constant 0 : i32
    %dma_start3A_198 = arith.constant 0 : i32
    %dma_start3A_199 = tpu.memref_slice %arg2[%dma_start3A_197, %dma_start3A_198] : memref<20000x128xf32, #tpu.memory_space<hbm>> -> memref<20000x128xf32, #tpu.memory_space<hbm>>
    tpu.enqueue_indirect_dma source(%dma_start3A_199 : memref<20000x128xf32, #tpu.memory_space<hbm>>) target(%arg9 : memref<80x128xf32, #tpu.memory_space<vmem>>) offsets(%dma_start3A_196 : memref<80xi32, #tpu.memory_space<vmem>>) semaphore(%arg13 : memref<!tpu.dma_semaphore, #tpu.memory_space<semaphore_mem>>)
    %dma_wait3A_200 = arith.constant 59 : i32
    %dma_wait3A_201 = arith.constant 0 : i32
    %dma_wait3A_202 = tpu.memref_slice %arg7[%dma_wait3A_200, %dma_wait3A_201] : memref<64x80xi32, #tpu.memory_space<vmem>> -> memref<1x80xi32, #tpu.memory_space<vmem>>
    %dma_wait3A_203 = tpu.memref_squeeze %dma_wait3A_202 : memref<1x80xi32, #tpu.memory_space<vmem>> -> memref<80xi32, #tpu.memory_space<vmem>>
    %dma_wait3A_204 = arith.constant 0 : i32
    %dma_wait3A_205 = arith.constant 0 : i32
    %dma_wait3A_206 = tpu.memref_slice %arg2[%dma_wait3A_204, %dma_wait3A_205] : memref<20000x128xf32, #tpu.memory_space<hbm>> -> memref<20000x128xf32, #tpu.memory_space<hbm>>
    tpu.wait_indirect_dma semaphore(%arg15 : memref<!tpu.dma_semaphore, #tpu.memory_space<semaphore_mem>>) src(%dma_wait3A_206 : memref<20000x128xf32, #tpu.memory_space<hbm>>) dst(%arg11 : memref<80x128xf32, #tpu.memory_space<vmem>>)
    %dma_start3A_207 = arith.constant 59 : i32
    %dma_start3A_208 = arith.constant 0 : i32
    %dma_start3A_209 = tpu.memref_slice %arg8[%dma_start3A_207, %dma_start3A_208] : memref<64x80xi32, #tpu.memory_space<vmem>> -> memref<1x80xi32, #tpu.memory_space<vmem>>
    %dma_start3A_210 = tpu.memref_squeeze %dma_start3A_209 : memref<1x80xi32, #tpu.memory_space<vmem>> -> memref<80xi32, #tpu.memory_space<vmem>>
    %dma_start3A_211 = arith.constant 0 : i32
    %dma_start3A_212 = arith.constant 0 : i32
    %dma_start3A_213 = tpu.memref_slice %arg12[%dma_start3A_211, %dma_start3A_212] : memref<10000x128xf32, #tpu.memory_space<vmem_shared>> -> memref<10000x128xf32, #tpu.memory_space<vmem_shared>>
    tpu.enqueue_indirect_dma source(%arg11 : memref<80x128xf32, #tpu.memory_space<vmem>>) target(%dma_start3A_213 : memref<10000x128xf32, #tpu.memory_space<vmem_shared>>) offsets(%dma_start3A_210 : memref<80xi32, #tpu.memory_space<vmem>>) semaphore(%arg18 : memref<!tpu.dma_semaphore, #tpu.memory_space<semaphore_mem>>) {add = true}
    %dma_wait3A_214 = arith.constant 60 : i32
    %dma_wait3A_215 = arith.constant 0 : i32
    %dma_wait3A_216 = tpu.memref_slice %arg7[%dma_wait3A_214, %dma_wait3A_215] : memref<64x80xi32, #tpu.memory_space<vmem>> -> memref<1x80xi32, #tpu.memory_space<vmem>>
    %dma_wait3A_217 = tpu.memref_squeeze %dma_wait3A_216 : memref<1x80xi32, #tpu.memory_space<vmem>> -> memref<80xi32, #tpu.memory_space<vmem>>
    %dma_wait3A_218 = arith.constant 0 : i32
    %dma_wait3A_219 = arith.constant 0 : i32
    %dma_wait3A_220 = tpu.memref_slice %arg2[%dma_wait3A_218, %dma_wait3A_219] : memref<20000x128xf32, #tpu.memory_space<hbm>> -> memref<20000x128xf32, #tpu.memory_space<hbm>>
    tpu.wait_indirect_dma semaphore(%arg13 : memref<!tpu.dma_semaphore, #tpu.memory_space<semaphore_mem>>) src(%dma_wait3A_220 : memref<20000x128xf32, #tpu.memory_space<hbm>>) dst(%arg9 : memref<80x128xf32, #tpu.memory_space<vmem>>)
    %dma_start3A_221 = arith.constant 60 : i32
    %dma_start3A_222 = arith.constant 0 : i32
    %dma_start3A_223 = tpu.memref_slice %arg8[%dma_start3A_221, %dma_start3A_222] : memref<64x80xi32, #tpu.memory_space<vmem>> -> memref<1x80xi32, #tpu.memory_space<vmem>>
    %dma_start3A_224 = tpu.memref_squeeze %dma_start3A_223 : memref<1x80xi32, #tpu.memory_space<vmem>> -> memref<80xi32, #tpu.memory_space<vmem>>
    %dma_start3A_225 = arith.constant 0 : i32
    %dma_start3A_226 = arith.constant 0 : i32
    %dma_start3A_227 = tpu.memref_slice %arg12[%dma_start3A_225, %dma_start3A_226] : memref<10000x128xf32, #tpu.memory_space<vmem_shared>> -> memref<10000x128xf32, #tpu.memory_space<vmem_shared>>
    tpu.enqueue_indirect_dma source(%arg9 : memref<80x128xf32, #tpu.memory_space<vmem>>) target(%dma_start3A_227 : memref<10000x128xf32, #tpu.memory_space<vmem_shared>>) offsets(%dma_start3A_224 : memref<80xi32, #tpu.memory_space<vmem>>) semaphore(%arg16 : memref<!tpu.dma_semaphore, #tpu.memory_space<semaphore_mem>>) {add = true}
    %dma_wait3A_228 = arith.constant 58 : i32
    %dma_wait3A_229 = arith.constant 0 : i32
    %dma_wait3A_230 = tpu.memref_slice %arg8[%dma_wait3A_228, %dma_wait3A_229] : memref<64x80xi32, #tpu.memory_space<vmem>> -> memref<1x80xi32, #tpu.memory_space<vmem>>
    %dma_wait3A_231 = tpu.memref_squeeze %dma_wait3A_230 : memref<1x80xi32, #tpu.memory_space<vmem>> -> memref<80xi32, #tpu.memory_space<vmem>>
    %dma_wait3A_232 = arith.constant 0 : i32
    %dma_wait3A_233 = arith.constant 0 : i32
    %dma_wait3A_234 = tpu.memref_slice %arg12[%dma_wait3A_232, %dma_wait3A_233] : memref<10000x128xf32, #tpu.memory_space<vmem_shared>> -> memref<10000x128xf32, #tpu.memory_space<vmem_shared>>
    tpu.wait_indirect_dma semaphore(%arg17 : memref<!tpu.dma_semaphore, #tpu.memory_space<semaphore_mem>>) src(%arg10 : memref<80x128xf32, #tpu.memory_space<vmem>>) dst(%dma_wait3A_234 : memref<10000x128xf32, #tpu.memory_space<vmem_shared>>)
    %dma_wait3A_235 = arith.constant 59 : i32
    %dma_wait3A_236 = arith.constant 0 : i32
    %dma_wait3A_237 = tpu.memref_slice %arg8[%dma_wait3A_235, %dma_wait3A_236] : memref<64x80xi32, #tpu.memory_space<vmem>> -> memref<1x80xi32, #tpu.memory_space<vmem>>
    %dma_wait3A_238 = tpu.memref_squeeze %dma_wait3A_237 : memref<1x80xi32, #tpu.memory_space<vmem>> -> memref<80xi32, #tpu.memory_space<vmem>>
    %dma_wait3A_239 = arith.constant 0 : i32
    %dma_wait3A_240 = arith.constant 0 : i32
    %dma_wait3A_241 = tpu.memref_slice %arg12[%dma_wait3A_239, %dma_wait3A_240] : memref<10000x128xf32, #tpu.memory_space<vmem_shared>> -> memref<10000x128xf32, #tpu.memory_space<vmem_shared>>
    tpu.wait_indirect_dma semaphore(%arg18 : memref<!tpu.dma_semaphore, #tpu.memory_space<semaphore_mem>>) src(%arg11 : memref<80x128xf32, #tpu.memory_space<vmem>>) dst(%dma_wait3A_241 : memref<10000x128xf32, #tpu.memory_space<vmem_shared>>)
    %dma_wait3A_242 = arith.constant 60 : i32
    %dma_wait3A_243 = arith.constant 0 : i32
    %dma_wait3A_244 = tpu.memref_slice %arg8[%dma_wait3A_242, %dma_wait3A_243] : memref<64x80xi32, #tpu.memory_space<vmem>> -> memref<1x80xi32, #tpu.memory_space<vmem>>
    %dma_wait3A_245 = tpu.memref_squeeze %dma_wait3A_244 : memref<1x80xi32, #tpu.memory_space<vmem>> -> memref<80xi32, #tpu.memory_space<vmem>>
    %dma_wait3A_246 = arith.constant 0 : i32
    %dma_wait3A_247 = arith.constant 0 : i32
    %dma_wait3A_248 = tpu.memref_slice %arg12[%dma_wait3A_246, %dma_wait3A_247] : memref<10000x128xf32, #tpu.memory_space<vmem_shared>> -> memref<10000x128xf32, #tpu.memory_space<vmem_shared>>
    tpu.wait_indirect_dma semaphore(%arg16 : memref<!tpu.dma_semaphore, #tpu.memory_space<semaphore_mem>>) src(%arg9 : memref<80x128xf32, #tpu.memory_space<vmem>>) dst(%dma_wait3A_248 : memref<10000x128xf32, #tpu.memory_space<vmem_shared>>)
    %barrier3A_249 = arith.constant 0 : index
    tpu.barrier barrier_id(%barrier3A_249)
    %scan3A_250 = arith.constant 0 : i32
    %scan3A_251 = arith.constant 3 : i32
    %scan3A_252 = arith.addi %scan3A_250, %scan3A_251 : i32
    %scan3A_253 = arith.constant 1 : i32
    scf.for %scan3A_260 = %scan3A_250 to %scan3A_252 step %scan3A_253  : i32 {
      %mul3A_261 = arith.constant 1 : i32
      %mul3A_262 = arith.muli %scan3A_260, %mul3A_261 : i32
      %add3A = arith.constant 0 : i32
      %add3A_263 = arith.addi %add3A, %mul3A_262 : i32
      %mul3A_264 = arith.constant 208 : i32
      %mul3A_265 = arith.muli %add3A_263, %mul3A_264 : i32
      %add3A_266 = arith.addi %mul3A_0, %mul3A_265 : i32
      "tpu.region"() ({
        %run_scoped3A = tpu.sem_alloc : memref<!tpu.dma_semaphore, #tpu.memory_space<semaphore_mem>>
        %dma_start3A_267 = arith.constant 0 : i32
        %dma_start3A_268 = tpu.memref_slice %arg6[%arg0, %add3A_266, %dma_start3A_267] : memref<2x10000x128xf32, #tpu.memory_space<hbm>> -> memref<1x208x128xf32, #tpu.memory_space<hbm>>
        %dma_start3A_269 = tpu.memref_squeeze %dma_start3A_268 : memref<1x208x128xf32, #tpu.memory_space<hbm>> -> memref<208x128xf32, #tpu.memory_space<hbm>>
        %dma_start3A_270 = arith.constant 0 : i32
        %dma_start3A_271 = tpu.memref_slice %arg12[%add3A_266, %dma_start3A_270] : memref<10000x128xf32, #tpu.memory_space<vmem_shared>> -> memref<208x128xf32, #tpu.memory_space<vmem_shared>>
        tpu.enqueue_dma source(%dma_start3A_271 : memref<208x128xf32, #tpu.memory_space<vmem_shared>>) target(%dma_start3A_269 : memref<208x128xf32, #tpu.memory_space<hbm>>) target_semaphore(%run_scoped3A : memref<!tpu.dma_semaphore, #tpu.memory_space<semaphore_mem>>)
        %dma_wait3A_272 = arith.constant 0 : i32
        %dma_wait3A_273 = tpu.memref_slice %arg6[%arg0, %add3A_266, %dma_wait3A_272] : memref<2x10000x128xf32, #tpu.memory_space<hbm>> -> memref<1x208x128xf32, #tpu.memory_space<hbm>>
        %dma_wait3A_274 = tpu.memref_squeeze %dma_wait3A_273 : memref<1x208x128xf32, #tpu.memory_space<hbm>> -> memref<208x128xf32, #tpu.memory_space<hbm>>
        %dma_wait3A_275 = arith.constant 0 : i32
        %dma_wait3A_276 = tpu.memref_slice %arg12[%add3A_266, %dma_wait3A_275] : memref<10000x128xf32, #tpu.memory_space<vmem_shared>> -> memref<208x128xf32, #tpu.memory_space<vmem_shared>>
        tpu.wait_dma2 semaphore(%run_scoped3A : memref<!tpu.dma_semaphore, #tpu.memory_space<semaphore_mem>>) src(%dma_wait3A_276 : memref<208x128xf32, #tpu.memory_space<vmem_shared>>) dst(%dma_wait3A_274 : memref<208x128xf32, #tpu.memory_space<hbm>>)
        tpu.yield
      }) : () -> ()
    }
    %scan3A_254 = arith.constant 3 : i32
    %eq3A_255 = arith.constant 0 : i32
    %eq3A_256 = arith.cmpi eq, %arg1, %eq3A_255 : i32
    %convert_element_type3A_257 = arith.extui %eq3A_256 : i1 to i32
    %cond3A_258 = arith.constant 0 : i32
    %cond3A_259 = arith.cmpi ne, %convert_element_type3A_257, %cond3A_258 : i32
    scf.if %cond3A_259 {
      "tpu.region"() ({
        %run_scoped3A = tpu.sem_alloc : memref<!tpu.dma_semaphore, #tpu.memory_space<semaphore_mem>>
        %dma_start3A_260 = arith.constant 9984 : i32
        %dma_start3A_261 = arith.constant 0 : i32
        %dma_start3A_262 = tpu.memref_slice %arg6[%arg0, %dma_start3A_260, %dma_start3A_261] : memref<2x10000x128xf32, #tpu.memory_space<hbm>> -> memref<1x16x128xf32, #tpu.memory_space<hbm>>
        %dma_start3A_263 = tpu.memref_squeeze %dma_start3A_262 : memref<1x16x128xf32, #tpu.memory_space<hbm>> -> memref<16x128xf32, #tpu.memory_space<hbm>>
        %dma_start3A_264 = arith.constant 9984 : i32
        %dma_start3A_265 = arith.constant 0 : i32
        %dma_start3A_266 = tpu.memref_slice %arg12[%dma_start3A_264, %dma_start3A_265] : memref<10000x128xf32, #tpu.memory_space<vmem_shared>> -> memref<16x128xf32, #tpu.memory_space<vmem_shared>>
        tpu.enqueue_dma source(%dma_start3A_266 : memref<16x128xf32, #tpu.memory_space<vmem_shared>>) target(%dma_start3A_263 : memref<16x128xf32, #tpu.memory_space<hbm>>) target_semaphore(%run_scoped3A : memref<!tpu.dma_semaphore, #tpu.memory_space<semaphore_mem>>)
        %dma_wait3A_267 = arith.constant 9984 : i32
        %dma_wait3A_268 = arith.constant 0 : i32
        %dma_wait3A_269 = tpu.memref_slice %arg6[%arg0, %dma_wait3A_267, %dma_wait3A_268] : memref<2x10000x128xf32, #tpu.memory_space<hbm>> -> memref<1x16x128xf32, #tpu.memory_space<hbm>>
        %dma_wait3A_270 = tpu.memref_squeeze %dma_wait3A_269 : memref<1x16x128xf32, #tpu.memory_space<hbm>> -> memref<16x128xf32, #tpu.memory_space<hbm>>
        %dma_wait3A_271 = arith.constant 9984 : i32
        %dma_wait3A_272 = arith.constant 0 : i32
        %dma_wait3A_273 = tpu.memref_slice %arg12[%dma_wait3A_271, %dma_wait3A_272] : memref<10000x128xf32, #tpu.memory_space<vmem_shared>> -> memref<16x128xf32, #tpu.memory_space<vmem_shared>>
        tpu.wait_dma2 semaphore(%run_scoped3A : memref<!tpu.dma_semaphore, #tpu.memory_space<semaphore_mem>>) src(%dma_wait3A_273 : memref<16x128xf32, #tpu.memory_space<vmem_shared>>) dst(%dma_wait3A_270 : memref<16x128xf32, #tpu.memory_space<hbm>>)
        tpu.yield
      }) : () -> ()
    } else {
    }
    return
  }
}

module attributes {stable_mosaic.version = 14 : i64} {
  func.func @_tc_matmul_body(%arg0: i32, %arg1: memref<2000x256xf32, #tpu.memory_space<vmem>>, %arg2: memref<256x256xf32, #tpu.memory_space<vmem>>, %arg3: memref<2000x256xf32, #tpu.memory_space<vmem>>) attributes {dimension_semantics = [#tpu.dimension_semantics<arbitrary>], iteration_bounds = array<i64: 5>, scalar_prefetch = 0 : i64, scratch_operands = 0 : i64, tpu.core_type = #tpu.core_type<tc>, window_params = [{transform_indices = @transform_0, window_bounds = array<i64: 2000, 256>}, {pipeline_mode = #tpu.pipeline_mode<synchronous>, transform_indices = @transform_1, window_bounds = array<i64: 256, 256>}, {transform_indices = @transform_2, window_bounds = array<i64: 2000, 256>}]} {
    %get3A = arith.constant 0 : index
    %get3A_0 = arith.constant 0 : index
    %get3A_1 = vector.load %arg1[%get3A, %get3A_0] : memref<2000x256xf32, #tpu.memory_space<vmem>>, vector<2000x256xf32>
    %get3A_2 = arith.constant 0 : index
    %get3A_3 = arith.constant 0 : index
    %get3A_4 = vector.load %arg2[%get3A_2, %get3A_3] : memref<256x256xf32, #tpu.memory_space<vmem>>, vector<256x256xf32>
    %dot_general3A = arith.constant dense<0.000000e+00> : vector<2000x256xf32>
    %dot_general3A_5 = tpu.matmul %get3A_1, %get3A_4, %dot_general3A {dimension_numbers = #tpu.dot_dimension_numbers<[1], [0], [0], [1], [0, 0, 1, 1], [], []>, precision = #tpu.contract_precision<fp32>, transpose_lhs_hint = false} : vector<2000x256xf32>, vector<256x256xf32>, vector<2000x256xf32> -> vector<2000x256xf32>
    %swap3A = arith.constant 0 : index
    %swap3A_6 = arith.constant 0 : index
    %swap3A_7 = vector.load %arg3[%swap3A, %swap3A_6] : memref<2000x256xf32, #tpu.memory_space<vmem>>, vector<2000x256xf32>
    tpu.vector_store %arg3[%swap3A, %swap3A_6], %dot_general3A_5 {strides = array<i32>} : memref<2000x256xf32, #tpu.memory_space<vmem>>, vector<2000x256xf32>,
    return
  }
  func.func @transform_0(%arg0: i32) -> (i32, i32) {
    %c0_i32 = arith.constant 0 : i32
    %c0_i32_0 = arith.constant 0 : i32
    return %arg0, %c0_i32 : i32, i32
  }
  func.func @transform_1(%arg0: i32) -> (i32, i32) {
    %c0_i32 = arith.constant 0 : i32
    %c0_i32_0 = arith.constant 0 : i32
    %c0_i32_1 = arith.constant 0 : i32
    return %c0_i32, %c0_i32_0 : i32, i32
  }
  func.func @transform_2(%arg0: i32) -> (i32, i32) {
    %c0_i32 = arith.constant 0 : i32
    %c0_i32_0 = arith.constant 0 : i32
    return %arg0, %c0_i32 : i32, i32
  }
}

module attributes {stable_mosaic.version = 14 : i64} {
  func.func @_tc_layer_body(%arg0: i32, %arg1: memref<2x2000x128xf32, #tpu.memory_space<vmem>>, %arg2: memref<2x2000x128xf32, #tpu.memory_space<vmem>>, %arg3: memref<2000x256xf32, #tpu.memory_space<vmem>>, %arg4: memref<256x256xf32, #tpu.memory_space<vmem>>, %arg5: memref<1x256xf32, #tpu.memory_space<vmem>>, %arg6: memref<2000x256xf32, #tpu.memory_space<vmem>>) attributes {dimension_semantics = [#tpu.dimension_semantics<arbitrary>], iteration_bounds = array<i64: 5>, scalar_prefetch = 0 : i64, scratch_operands = 0 : i64, tpu.core_type = #tpu.core_type<tc>, window_params = [{transform_indices = @transform_0, window_bounds = array<i64: 2, 2000, 128>}, {transform_indices = @transform_1, window_bounds = array<i64: 2, 2000, 128>}, {transform_indices = @transform_2, window_bounds = array<i64: 2000, 256>}, {pipeline_mode = #tpu.pipeline_mode<synchronous>, transform_indices = @transform_3, window_bounds = array<i64: 256, 256>}, {pipeline_mode = #tpu.pipeline_mode<synchronous>, transform_indices = @transform_4, window_bounds = array<i64: 1, 256>}, {transform_indices = @transform_5, window_bounds = array<i64: 2000, 256>}]} {
    %get3A = arith.constant 0 : index
    %get3A_0 = arith.constant 0 : index
    %get3A_1 = arith.constant 0 : index
    %get3A_2 = vector.load %arg2[%get3A, %get3A_0, %get3A_1] : memref<2x2000x128xf32, #tpu.memory_space<vmem>>, vector<1x2000x1xf32>
    %get3A_3 = vector.shape_cast %get3A_2 : vector<1x2000x1xf32> to vector<2000x1xf32>
    %get3A_4 = arith.constant 1 : index
    %get3A_5 = arith.constant 0 : index
    %get3A_6 = arith.constant 0 : index
    %get3A_7 = vector.load %arg2[%get3A_4, %get3A_5, %get3A_6] : memref<2x2000x128xf32, #tpu.memory_space<vmem>>, vector<1x2000x1xf32>
    %get3A_8 = vector.shape_cast %get3A_7 : vector<1x2000x1xf32> to vector<2000x1xf32>
    %add3A = arith.addf %get3A_3, %get3A_8 : vector<2000x1xf32>
    %max3A = arith.constant 1.000000e+00 : f32
    %max3A_9 = vector.broadcast %max3A : f32 to vector<2000x1xf32>
    %max3A_10 = arith.maximumf %add3A, %max3A_9 : vector<2000x1xf32>
    %div3A = arith.constant 1.000000e+00 : f32
    %div3A_11 = vector.broadcast %div3A : f32 to vector<2000x1xf32>
    %div3A_12 = arith.divf %div3A_11, %max3A_10 : vector<2000x1xf32>
    %get3A_13 = arith.constant 0 : index
    %get3A_14 = arith.constant 0 : index
    %get3A_15 = arith.constant 0 : index
    %get3A_16 = vector.load %arg1[%get3A_13, %get3A_14, %get3A_15] : memref<2x2000x128xf32, #tpu.memory_space<vmem>>, vector<1x2000x128xf32>
    %get3A_17 = vector.shape_cast %get3A_16 : vector<1x2000x128xf32> to vector<2000x128xf32>
    %get3A_18 = arith.constant 1 : index
    %get3A_19 = arith.constant 0 : index
    %get3A_20 = arith.constant 0 : index
    %get3A_21 = vector.load %arg1[%get3A_18, %get3A_19, %get3A_20] : memref<2x2000x128xf32, #tpu.memory_space<vmem>>, vector<1x2000x128xf32>
    %get3A_22 = vector.shape_cast %get3A_21 : vector<1x2000x128xf32> to vector<2000x128xf32>
    %concatenate3A = tpu.concatenate %get3A_17, %get3A_22 in 1 : vector<2000x128xf32>, vector<2000x128xf32> -> vector<2000x256xf32>
    %mul3A = vector.broadcast %div3A_12 : vector<2000x1xf32> to vector<2000x256xf32>
    %mul3A_23 = arith.mulf %concatenate3A, %mul3A : vector<2000x256xf32>
    %get3A_24 = arith.constant 0 : index
    %get3A_25 = arith.constant 0 : index
    %get3A_26 = vector.load %arg4[%get3A_24, %get3A_25] : memref<256x256xf32, #tpu.memory_space<vmem>>, vector<256x256xf32>
    %dot_general3A = arith.constant dense<0.000000e+00> : vector<2000x256xf32>
    %dot_general3A_27 = tpu.matmul %mul3A_23, %get3A_26, %dot_general3A {dimension_numbers = #tpu.dot_dimension_numbers<[1], [0], [0], [1], [0, 0, 1, 1], [], []>, precision = #tpu.contract_precision<fp32>, transpose_lhs_hint = false} : vector<2000x256xf32>, vector<256x256xf32>, vector<2000x256xf32> -> vector<2000x256xf32>
    %get3A_28 = arith.constant 0 : index
    %get3A_29 = arith.constant 0 : index
    %get3A_30 = vector.load %arg3[%get3A_28, %get3A_29] : memref<2000x256xf32, #tpu.memory_space<vmem>>, vector<2000x256xf32>
    %add3A_31 = arith.addf %dot_general3A_27, %get3A_30 : vector<2000x256xf32>
    %get3A_32 = arith.constant 0 : index
    %get3A_33 = arith.constant 0 : index
    %get3A_34 = vector.load %arg5[%get3A_32, %get3A_33] : memref<1x256xf32, #tpu.memory_space<vmem>>, vector<1x256xf32>
    %add3A_35 = vector.broadcast %get3A_34 : vector<1x256xf32> to vector<2000x256xf32>
    %add3A_36 = arith.addf %add3A_31, %add3A_35 : vector<2000x256xf32>
    %max3A_37 = arith.constant 0.000000e+00 : f32
    %max3A_38 = vector.broadcast %max3A_37 : f32 to vector<2000x256xf32>
    %max3A_39 = arith.maximumf %add3A_36, %max3A_38 : vector<2000x256xf32>
    %swap3A = arith.constant 0 : index
    %swap3A_40 = arith.constant 0 : index
    %swap3A_41 = vector.load %arg6[%swap3A, %swap3A_40] : memref<2000x256xf32, #tpu.memory_space<vmem>>, vector<2000x256xf32>
    tpu.vector_store %arg6[%swap3A, %swap3A_40], %max3A_39 {strides = array<i32>} : memref<2000x256xf32, #tpu.memory_space<vmem>>, vector<2000x256xf32>,
    return
  }
  func.func @transform_0(%arg0: i32) -> (i32, i32, i32) {
    %c0_i32 = arith.constant 0 : i32
    %c0_i32_0 = arith.constant 0 : i32
    %c0_i32_1 = arith.constant 0 : i32
    return %c0_i32, %arg0, %c0_i32_0 : i32, i32, i32
  }
  func.func @transform_1(%arg0: i32) -> (i32, i32, i32) {
    %c0_i32 = arith.constant 0 : i32
    %c0_i32_0 = arith.constant 0 : i32
    %c0_i32_1 = arith.constant 0 : i32
    return %c0_i32, %arg0, %c0_i32_0 : i32, i32, i32
  }
  func.func @transform_2(%arg0: i32) -> (i32, i32) {
    %c0_i32 = arith.constant 0 : i32
    %c0_i32_0 = arith.constant 0 : i32
    return %arg0, %c0_i32 : i32, i32
  }
  func.func @transform_3(%arg0: i32) -> (i32, i32) {
    %c0_i32 = arith.constant 0 : i32
    %c0_i32_0 = arith.constant 0 : i32
    %c0_i32_1 = arith.constant 0 : i32
    return %c0_i32, %c0_i32_0 : i32, i32
  }
  func.func @transform_4(%arg0: i32) -> (i32, i32) {
    %c0_i32 = arith.constant 0 : i32
    %c0_i32_0 = arith.constant 0 : i32
    %c0_i32_1 = arith.constant 0 : i32
    return %c0_i32, %c0_i32_0 : i32, i32
  }
  func.func @transform_5(%arg0: i32) -> (i32, i32) {
    %c0_i32 = arith.constant 0 : i32
    %c0_i32_0 = arith.constant 0 : i32
    return %arg0, %c0_i32 : i32, i32
  }
}

module attributes {stable_mosaic.version = 14 : i64} {
  func.func @_tc_layer_body(%arg0: i32, %arg1: memref<2x2000x128xf32, #tpu.memory_space<vmem>>, %arg2: memref<2x2000x128xf32, #tpu.memory_space<vmem>>, %arg3: memref<2000x256xf32, #tpu.memory_space<vmem>>, %arg4: memref<256x256xf32, #tpu.memory_space<vmem>>, %arg5: memref<1x256xf32, #tpu.memory_space<vmem>>, %arg6: memref<2000x256xf32, #tpu.memory_space<vmem>>) attributes {dimension_semantics = [#tpu.dimension_semantics<arbitrary>], iteration_bounds = array<i64: 5>, scalar_prefetch = 0 : i64, scratch_operands = 0 : i64, tpu.core_type = #tpu.core_type<tc>, window_params = [{transform_indices = @transform_0, window_bounds = array<i64: 2, 2000, 128>}, {transform_indices = @transform_1, window_bounds = array<i64: 2, 2000, 128>}, {transform_indices = @transform_2, window_bounds = array<i64: 2000, 256>}, {pipeline_mode = #tpu.pipeline_mode<synchronous>, transform_indices = @transform_3, window_bounds = array<i64: 256, 256>}, {pipeline_mode = #tpu.pipeline_mode<synchronous>, transform_indices = @transform_4, window_bounds = array<i64: 1, 256>}, {transform_indices = @transform_5, window_bounds = array<i64: 2000, 256>}]} {
    %get3A = arith.constant 0 : index
    %get3A_0 = arith.constant 0 : index
    %get3A_1 = arith.constant 0 : index
    %get3A_2 = vector.load %arg2[%get3A, %get3A_0, %get3A_1] : memref<2x2000x128xf32, #tpu.memory_space<vmem>>, vector<1x2000x1xf32>
    %get3A_3 = vector.shape_cast %get3A_2 : vector<1x2000x1xf32> to vector<2000x1xf32>
    %get3A_4 = arith.constant 1 : index
    %get3A_5 = arith.constant 0 : index
    %get3A_6 = arith.constant 0 : index
    %get3A_7 = vector.load %arg2[%get3A_4, %get3A_5, %get3A_6] : memref<2x2000x128xf32, #tpu.memory_space<vmem>>, vector<1x2000x1xf32>
    %get3A_8 = vector.shape_cast %get3A_7 : vector<1x2000x1xf32> to vector<2000x1xf32>
    %add3A = arith.addf %get3A_3, %get3A_8 : vector<2000x1xf32>
    %max3A = arith.constant 1.000000e+00 : f32
    %max3A_9 = vector.broadcast %max3A : f32 to vector<2000x1xf32>
    %max3A_10 = arith.maximumf %add3A, %max3A_9 : vector<2000x1xf32>
    %div3A = arith.constant 1.000000e+00 : f32
    %div3A_11 = vector.broadcast %div3A : f32 to vector<2000x1xf32>
    %div3A_12 = arith.divf %div3A_11, %max3A_10 : vector<2000x1xf32>
    %get3A_13 = arith.constant 0 : index
    %get3A_14 = arith.constant 0 : index
    %get3A_15 = arith.constant 0 : index
    %get3A_16 = vector.load %arg1[%get3A_13, %get3A_14, %get3A_15] : memref<2x2000x128xf32, #tpu.memory_space<vmem>>, vector<1x2000x128xf32>
    %get3A_17 = vector.shape_cast %get3A_16 : vector<1x2000x128xf32> to vector<2000x128xf32>
    %get3A_18 = arith.constant 1 : index
    %get3A_19 = arith.constant 0 : index
    %get3A_20 = arith.constant 0 : index
    %get3A_21 = vector.load %arg1[%get3A_18, %get3A_19, %get3A_20] : memref<2x2000x128xf32, #tpu.memory_space<vmem>>, vector<1x2000x128xf32>
    %get3A_22 = vector.shape_cast %get3A_21 : vector<1x2000x128xf32> to vector<2000x128xf32>
    %concatenate3A = tpu.concatenate %get3A_17, %get3A_22 in 1 : vector<2000x128xf32>, vector<2000x128xf32> -> vector<2000x256xf32>
    %mul3A = vector.broadcast %div3A_12 : vector<2000x1xf32> to vector<2000x256xf32>
    %mul3A_23 = arith.mulf %concatenate3A, %mul3A : vector<2000x256xf32>
    %get3A_24 = arith.constant 0 : index
    %get3A_25 = arith.constant 0 : index
    %get3A_26 = vector.load %arg4[%get3A_24, %get3A_25] : memref<256x256xf32, #tpu.memory_space<vmem>>, vector<256x256xf32>
    %dot_general3A = arith.constant dense<0.000000e+00> : vector<2000x256xf32>
    %dot_general3A_27 = tpu.matmul %mul3A_23, %get3A_26, %dot_general3A {dimension_numbers = #tpu.dot_dimension_numbers<[1], [0], [0], [1], [0, 0, 1, 1], [], []>, precision = #tpu.contract_precision<fp32>, transpose_lhs_hint = false} : vector<2000x256xf32>, vector<256x256xf32>, vector<2000x256xf32> -> vector<2000x256xf32>
    %get3A_28 = arith.constant 0 : index
    %get3A_29 = arith.constant 0 : index
    %get3A_30 = vector.load %arg3[%get3A_28, %get3A_29] : memref<2000x256xf32, #tpu.memory_space<vmem>>, vector<2000x256xf32>
    %add3A_31 = arith.addf %dot_general3A_27, %get3A_30 : vector<2000x256xf32>
    %get3A_32 = arith.constant 0 : index
    %get3A_33 = arith.constant 0 : index
    %get3A_34 = vector.load %arg5[%get3A_32, %get3A_33] : memref<1x256xf32, #tpu.memory_space<vmem>>, vector<1x256xf32>
    %add3A_35 = vector.broadcast %get3A_34 : vector<1x256xf32> to vector<2000x256xf32>
    %add3A_36 = arith.addf %add3A_31, %add3A_35 : vector<2000x256xf32>
    %swap3A = arith.constant 0 : index
    %swap3A_37 = arith.constant 0 : index
    %swap3A_38 = vector.load %arg6[%swap3A, %swap3A_37] : memref<2000x256xf32, #tpu.memory_space<vmem>>, vector<2000x256xf32>
    tpu.vector_store %arg6[%swap3A, %swap3A_37], %add3A_36 {strides = array<i32>} : memref<2000x256xf32, #tpu.memory_space<vmem>>, vector<2000x256xf32>,
    return
  }
  func.func @transform_0(%arg0: i32) -> (i32, i32, i32) {
    %c0_i32 = arith.constant 0 : i32
    %c0_i32_0 = arith.constant 0 : i32
    %c0_i32_1 = arith.constant 0 : i32
    return %c0_i32, %arg0, %c0_i32_0 : i32, i32, i32
  }
  func.func @transform_1(%arg0: i32) -> (i32, i32, i32) {
    %c0_i32 = arith.constant 0 : i32
    %c0_i32_0 = arith.constant 0 : i32
    %c0_i32_1 = arith.constant 0 : i32
    return %c0_i32, %arg0, %c0_i32_0 : i32, i32, i32
  }
  func.func @transform_2(%arg0: i32) -> (i32, i32) {
    %c0_i32 = arith.constant 0 : i32
    %c0_i32_0 = arith.constant 0 : i32
    return %arg0, %c0_i32 : i32, i32
  }
  func.func @transform_3(%arg0: i32) -> (i32, i32) {
    %c0_i32 = arith.constant 0 : i32
    %c0_i32_0 = arith.constant 0 : i32
    %c0_i32_1 = arith.constant 0 : i32
    return %c0_i32, %c0_i32_0 : i32, i32
  }
  func.func @transform_4(%arg0: i32) -> (i32, i32) {
    %c0_i32 = arith.constant 0 : i32
    %c0_i32_0 = arith.constant 0 : i32
    %c0_i32_1 = arith.constant 0 : i32
    return %c0_i32, %c0_i32_0 : i32, i32
  }
  func.func @transform_5(%arg0: i32) -> (i32, i32) {
    %c0_i32 = arith.constant 0 : i32
    %c0_i32_0 = arith.constant 0 : i32
    return %arg0, %c0_i32 : i32, i32
  }
}

</mosaic_0001>

<sc_bundles>
// kernel: kernel.12.cloned.1.call-start
scs
__scs_entry_jumppad:
0x0: {  	(pc) =	sbr.rel $0x88, $3  }
0x1: {  	(tag) =	ssettag $0x0;
	lr =	simm.s32 $0x1  }
0x2: {  	[smem:$0x3F99] =	sst lr;
	_ =	strace $0xD0000000  }
0x3: {  	_ = 	snop  }
0x4: {  	_ = 	snop  }
0x5: {  	_ = 	snop  }
0x6: {  	_ = 	snop  }
0x7: {  	_ = 	snop  }
__scs_overlays_trampoline_lowered:
0x8: {  	[smem:$0x3FA8] =	sst s0  }
0x9: {  	[smem:$0x3FA9] =	sst s1  }
0xa: {  	[smem:$0x3FAA] =	sst s2  }
0xb: {  	[smem:$0x3FAB] =	sst s3  }
0xc: {  	[smem:$0x3FAC] =	sst s4  }
0xd: {  	[smem:$0x3FAD] =	sst s5  }
0xe: {  	[smem:$0x3FAE] =	sst s6  }
0xf: {  	[smem:$0x3FAF] =	sst s7  }
0x10: {  	[smem:$0x3FB0] =	sst s8  }
0x11: {  	[smem:$0x3FB1] =	sst s9;
	s0 =	simm.s32 @!p0 $0x0  }
0x12: {  	s1 =	sld [smem:$0x3F97];
	s0 =	simm.s32 @p0 $0x1  }
0x13: {  	[smem:$0x3FB2] =	sst s0;
	s0 =	simm.s32 @!p1 $0x0  }
0x14: {  	s2 =	sld [smem:$0x3F96];
	s0 =	simm.s32 @p1 $0x1  }
0x15: {  	[smem:$0x3FB3] =	sst s0;
	s0 =	simm.s32 @!p2 $0x0  }
0x16: {  	s3 =	sld [smem:$0x3FDB];
	s0 =	simm.s32 @p2 $0x1  }
0x17: {  	s4 =	simm.s32 $0x1BF5;
	[smem:$0x3FB5] =	sst s0  }
0x18: {  	s0 =	sld [smem:$0x3F98];
	_ =	swait.ge [sflag:s4], $0x0  }
0x19: {  	s7 =	sld [smem:$0x3F99]  }
0x1a: {  	s8 =	sadd.s32 $0xFFFFE003, lr  }
0x1b: {  	s9 =	sadd.s32 $0xFFFFFEF7, lr;
	s5 =	simm.s32 $0xFFFFFFFF;
	p2 =	slt.u32 s8, $0xFFFFF086  }
0x1c: {  	p1 =	slt.u32 s9, $0xF7A;
	s5 =	simm.s32 @!p2 $0x0  }
0x1d: {  	s5 =	simm.s32 @p1 $0x1;
	p0 =	seq.s32 s7, s2  }
0x1e: {  	s7 =	smul.u32 @!p0 $0xF7A, s2;
	p2 =	seq.s32 @!p0 s5, $0x0  }
0x1f: {  	s9 =	smul.u32 $0xF7A, s1;
	s8 =	simm.s32 @!p0 $0x1BF5;
	p2 =	por !p2, p0  }
0x20: {  	[sflag:s8] =	ssyncset.s32 @!p0 $0xFFFFF086;
	s6 =	sadd.s32 @!p0 s3, s7;
	s7 =	simm.s32 @!p0 $0x108  }
0x21: {  	s3 =	sadd.s32 s3, s9;
	s6 =	sadd.s32 @!p0 $0x88, s6;
	s7 =	simm.s32 @p2 $0x1082  }
0x22: {  	[simem:s7], [sflag:s8] =	dma.local @!p0 [hbm:s6], $0xF7A  }
0x23: {  	s9 =	sor.u32 $0xD0000000, s2;
	s6 =	simm.s32 $0x108;
	_ =	swait.ge @!p0 [sflag:s8], $0x0  }
0x24: {  	s3 =	sadd.s32 $0x88, s3;
	s6 =	simm.s32 @!p1 $0x1082;
	[sflag:s4] =	ssyncset.s32 $0xFFFFF086  }
0x25: {  	[simem:s6], [sflag:s4] =	dma.local [hbm:s3], $0xF7A  }
0x26: {  	[smem:$0x3F99] =	sst s1;
	(tag) =	ssettag s2;
	_ =	strace s9  }
0x27: {  	s1 =	sld [smem:$0x3FA9]  }
0x28: {  	s2 =	sld [smem:$0x3FAA]  }
0x29: {  	s4 =	sld [smem:$0x3FAC]  }
0x2a: {  	p0 =	seq.s32 s5, $0x0;
	s5 =	sld [smem:$0x3FAD]  }
0x2b: {  	s6 =	sld [smem:$0x3FAE]  }
0x2c: {  	s7 =	sld [smem:$0x3FAF]  }
0x2d: {  	s3 =	simm.s32 $0x108;
	s8 =	sld [smem:$0x3FB0]  }
0x2e: {  	s3 =	simm.s32 @!p0 $0x1082;
	s9 =	sld [smem:$0x3FB1]  }
0x2f: {  	lr =	sadd.s32 s0, s3;
	s0 =	sld [smem:$0x3FA8]  }
0x30: {  	s3 =	sld [smem:$0x3FAB]  }
0x31: {  	[smem:$0x3FB4] =	sst s10  }
0x32: {  	s10 =	sld [smem:$0x3FB2];
	_ =	sdelay $0x3  }
0x33: {  	p0 =	seq.s32 s10, $0x1;
	s10 =	sld [smem:$0x3FB4];
	_ =	sdelay $0x3  }
0x34: {  	[smem:$0x3FB4] =	sst s10  }
0x35: {  	s10 =	sld [smem:$0x3FB3];
	_ =	sdelay $0x3  }
0x36: {  	p1 =	seq.s32 s10, $0x1;
	s10 =	sld [smem:$0x3FB4];
	_ =	sdelay $0x3  }
0x37: {  	[smem:$0x3FB4] =	sst s10  }
0x38: {  	s10 =	sld [smem:$0x3FB5]  }
0x39: {  	_ = 	snop;
	(pc) =	sbr.ind lr, $3  }
0x3a: {  	_ = 	snop  }
0x3b: {  	_ = 	snop  }
0x3c: {  	p2 =	seq.s32 s10, $0x1;
	s10 =	sld [smem:$0x3FB4]  }
0x3d: {  	_ =	shalt  }
0x3e: {  	_ =	shalt  }
0x3f: {  	_ =	shalt  }
0x40: {  	_ =	shalt  }
0x41: {  	_ =	shalt  }
0x42: {  	_ =	shalt  }
0x43: {  	_ =	shalt  }
0x44: {  	_ =	shalt  }
0x45: {  	_ =	shalt  }
0x46: {  	_ =	shalt  }
0x47: {  	_ =	shalt  }
0x48: {  	_ =	shalt  }
0x49: {  	_ =	shalt  }
0x4a: {  	_ =	shalt  }
0x4b: {  	_ =	shalt  }
0x4c: {  	_ =	shalt  }
0x4d: {  	_ =	shalt  }
0x4e: {  	_ =	shalt  }
0x4f: {  	_ =	shalt  }
0x50: {  	_ =	shalt  }
0x51: {  	_ =	shalt  }
0x52: {  	_ =	shalt  }
0x53: {  	_ =	shalt  }
0x54: {  	_ =	shalt  }
0x55: {  	_ =	shalt  }
0x56: {  	_ =	shalt  }
0x57: {  	_ =	shalt  }
0x58: {  	_ =	shalt  }
0x59: {  	_ =	shalt  }
0x5a: {  	_ =	shalt  }
0x5b: {  	_ =	shalt  }
0x5c: {  	_ =	shalt  }
0x5d: {  	_ =	shalt  }
0x5e: {  	_ =	shalt  }
0x5f: {  	_ =	shalt  }
0x60: {  	_ =	shalt  }
0x61: {  	_ =	shalt  }
0x62: {  	_ =	shalt  }
0x63: {  	_ =	shalt  }
0x64: {  	_ =	shalt  }
0x65: {  	_ =	shalt  }
0x66: {  	_ =	shalt  }
0x67: {  	_ =	shalt  }
0x68: {  	_ =	shalt  }
0x69: {  	_ =	shalt  }
0x6a: {  	_ =	shalt  }
0x6b: {  	_ =	shalt  }
0x6c: {  	_ =	shalt  }
0x6d: {  	_ =	shalt  }
0x6e: {  	_ =	shalt  }
0x6f: {  	_ =	shalt  }
0x70: {  	_ =	shalt  }
0x71: {  	_ =	shalt  }
0x72: {  	_ =	shalt  }
0x73: {  	_ =	shalt  }
0x74: {  	_ =	shalt  }
0x75: {  	_ =	shalt  }
0x76: {  	_ =	shalt  }
0x77: {  	_ =	shalt  }
0x78: {  	_ =	shalt  }
0x79: {  	_ =	shalt  }
0x7a: {  	_ =	shalt  }
0x7b: {  	_ =	shalt  }
0x7c: {  	_ =	shalt  }
0x7d: {  	_ =	shalt  }
0x7e: {  	_ =	shalt  }
0x7f: {  	_ =	shalt  }
0x80: {  	_ =	shalt  }
0x81: {  	_ =	shalt  }
0x82: {  	_ =	shalt  }
0x83: {  	_ =	shalt  }
0x84: {  	_ =	shalt  }
0x85: {  	_ =	shalt  }
0x86: {  	_ =	shalt  }
0x87: {  	_ =	shalt  }
.Lfunc_end0:
.L_simem_size_0:
called_computation.1_lowered:
.L_overlay_start_0:
0x88: {  	s2 =	sld [smem:$0x3FD9]  }
0x89: {  	s3 =	sld [smem:$0x3FFE];
	_ =	sdelay $0x1  }
0x8a: {  	s1 =	srdreg.scid  }
0x8b: {  	s0 =	sand.u32 $0x1, s1  }
0x8c: {  	s17 =	sshll.u32 s0, $0xA;
	s2 =	sadd.s32 s3, s2  }
0x8d: {  	s2 =	sadd.s32 s2, s17  }
0x8e: {  	[smem:$0x3FC0] =	sst s2  }
0x8f: {  	_ = 	snop  }
0x90: {  	(tm) =	ssettm $0x1  }
0x91: {  	s18 =	sld [smem:$0x3FFB];
	_ =	sdelay $0x3  }
0x92: {  	_ =	strace s18  }
0x93: {  	s2 =	sld [smem:$0x3FFC];
	_ =	sdelay $0x3  }
0x94: {  	_ =	strace s2  }
0x95: {  	s2 =	sld [smem:$0x3FFD];
	_ =	sdelay $0x3  }
0x96: {  	_ =	strace s2  }
0x97: {  	_ =	strace $0x8FFFFFFF  }
0x98: {  	s19 =	sld [smem:$0x3FDB];
	_ =	sdelay $0x1  }
0x99: {  	s20 =	simm.s32 $_scs_section_size  }
0x9a: {  	s4 =	simm.s32 $_size__tile_overlayer_lowered;
	s5 =	simm.s32 $_tile_overlayer_lowered  }
0x9b: {  	s6 =	simm.s32 $0x1BFF;
	s21 =	sshll.u32 s5, $0x1;
	s3 =	sadd.s32 s20, s19  }
0x9c: {  	s22 =	simm.s32 $0x0;
	s4 =	sshll.u32 s4, $0x1;
	s5 =	sadd.s32 s21, s3  }
0x9d: {  	[timem:s22], [sflag:s6] =	dma.local [hbm:s5], s4  }
0x9e: {  	_ =	swait.ge [sflag:s6], s4  }
0x9f: {  	s4 =	ssub.s32 $0x0, s4;
	[sflag:s6] =	ssyncset.done $0x0  }
0xa0: {  	[sflag:s6] =	ssyncadd.s32 s4;
	_ =	sdelay $0x1  }
0xa1: {  	s23 =	simm.s32 $0x1B8B  }
0xa2: {  	_ =	swait.ge [sflag:s23], $0x1  }
0xa3: {  	[sflag:s23] =	ssyncset.done $0x0  }
0xa4: {  	[sflag:s23] =	ssyncadd.s32 $0xFFFFFFFF  }
0xa5: {  	s4 =	sld [smem:$0x0]  }
0xa6: {  	s5 =	sand.u32 $0xFFFFFFFE, s1  }
0xa7: {  	p0 =	sne.s32 s1, s5  }
0xa8: {  	s5 =	sshll.u32 @p0 s5, $0xE  }
0xa9: {  	s5 =	sadd.s32 @p0 $0x11B8D, s5;
	s6 =	sshll.u32 @p0 s4, $0x11  }
0xaa: {  	s5 =	sor.u32 @p0 s6, s5  }
0xab: {  	[sflag:s5] =	ssyncadd.remote.s32 @p0 $0x1;
	_ =	sdelay $0x1  }
0xac: {  	s5 =	simm.s32 @p0 $0x1B8D  }
0xad: {  	_ =	swait.eq @p0 [sflag:s5], $0x1  }
0xae: {  	[sflag:s5] =	ssyncadd.s32 @p0 $0xFFFFFFFF  }
0xaf: {  	s6 =	sshll.u32 @!p0 s1, $0xE  }
0xb0: {  	s6 =	sor.u32 @!p0 $0x4000, s6;
	s5 =	simm.s32 @!p0 $0x1B8D  }
0xb1: {  	s4 =	sshll.u32 @!p0 s4, $0x11;
	s6 =	sadd.s32 @!p0 $0x11B8D, s6;
	_ =	swait.eq @!p0 [sflag:s5], $0x1  }
0xb2: {  	s4 =	sor.u32 @!p0 s4, s6;
	[sflag:s5] =	ssyncadd.s32 @!p0 $0xFFFFFFFF  }
0xb3: {  	s25 =	simm.s32 $0x1B8E;
	s24 =	sld [smem:$0x3FFE];
	[sflag:s4] =	ssyncadd.remote.s32 @!p0 $0x1  }
0xb4: {  	s26 =	simm.s32 $execute0_lowered;
	[smem:$0x3FD2] =	sst s25  }
0xb5: {  	s5 =	sshll.u32 s26, $0x1;
	_ =	strace $0x80000049;
	[dreg:$0x1] =	wrdreg $0xFFFFFFFF  }
0xb6: {  	s28 =	simm.s32 $_size_execute0_lowered;
	s3 =	sadd.s32 s3, s5;
	[dreg:$0x0] =	wrdreg $0x0  }
0xb7: {  	s5 =	sshll.u32 s28, $0x1;
	[dreg:$0x2] =	wrdreg s3  }
0xb8: {  	[dreg:$0x3] =	wrdreg s5  }
0xb9: {  	[dreg:$0x4] =	wrdreg $0xC0  }
0xba: {  	_ =	task [dreg:s22], $0x5FFFF  }
0xbb: {  	[dreg:$0x1] =	wrdreg $0xFFFFFFFF  }
0xbc: {  	[dreg:$0x0] =	wrdreg $0x60  }
0xbd: {  	[dreg:$0x2] =	wrdreg s24  }
0xbe: {  	[dreg:$0x3] =	wrdreg $0x54000  }
0xbf: {  	[dreg:$0x4] =	wrdreg $0xA  }
0xc0: {  	_ =	task.clear_ibuf [dreg:s22], $0x5FFFF;
	_ =	strace $0x90000049  }
0xc1: {  	s29 =	simm.s32 $0xA;
	_ =	strace $0x8000004B  }
0xc2: {  	_ =	swait.ge [sflag:s29], $0x1  }
0xc3: {  	[sflag:s29] =	ssyncadd.s32 $0xFFFFFFFF  }
0xc4: {  	_ =	strace $0x9000004B  }
0xc5: {  	_ =	sfence  }
0xc6: {  	s30 =	sld [smem:$0x0];
	_ =	sdelay $0x2  }
0xc7: {  	s31 =	sshll.u32 s1, $0xD;
	s1 =	sshrl.u32 s1, $0x2  }
0xc8: {  	s4 =	sand.u32 $0x4000, s31;
	s1 =	sadd.s32 s1, s30  }
0xc9: {  	s0 =	sor.u32 s4, s0;
	s1 =	sshll.u32 s1, $0x11  }
0xca: {  	s0 =	sor.u32 s1, s0  }
0xcb: {  	s0 =	sadd.s32 $0x8F2B, s0  }
0xcc: {  	[sflag:s0] =	ssyncadd.remote.s32 $0x1  }
0xcd: {  	_ =	sfence.sel $0xFFFF  }
0xce: {  	[dreg:$0x0] =	wrdreg $0xFFFFFFFF;
	(pc) =	sbr.abs _section_cstart, $3  }
0xcf: {  	[dreg:$0x1] =	wrdreg $0xFFFFFFFF  }
0xd0: {  	_ =	task.clear_ibuf [dreg:s22], $0x2FFFF;
	_ =	strace $0x9FFFFFFF  }
0xd1: {  	(tm) =	ssettm $0x7FFFFFFF  }
tec
execute0_lowered:
.L_overlay_start_1:
0x0: {  	(tag) =	ssettag $0x1  }
0x1: {  	s4 =	rddreg [dreg:$0x0]  }
0x2: {  	s1 =	rddreg [dreg:$0x1]  }
0x3: {  	s0 =	rddreg [dreg:$0x2]  }
0x4: {  	s2 =	simm.s32 $0x0;
	s11 =	stileid.u32;
	s3 =	srdreg.scid  }
0x5: {  	s18 =	simm.s32 $0x80;
	s19 =	simm.s32 $0x100;
	s20 =	simm.s32 $0x1  }
0x6: {  	s21 =	simm.s32 $0x2;
	s22 =	simm.s32 $0x3;
	s23 =	simm.s32 $0x3D80  }
0x7: {  	s24 =	simm.s32 $0x3E00;
	[smem:$0x7FF] =	sst s2;
	s5 =	sshll.u32 s11, $0xB  }
0x8: {  	s6 =	sand.u32 $0x1, s3;
	s3 =	sadd.s32 $0x13000, s4;
	s28 =	smul.u32 $0x4E000, s11  }
0x9: {  	s10 =	sadd.s32 $0x72000, s4;
	s12 =	smul.u32 $0x13800, s11;
	s15 =	sadd.s32 $0x138000, s1  }
0xa: {  	p0 =	sne.s32 s11, $0x0;
	s11 =	sshll.u32 s11, $0x6;
	_ =	strace $0x8000004A  }
0xb: {  	s5 =	sadd.s32 s5, s4;
	s7 =	ssub.s32 $0x2, s6;
	s9 =	smul.u32 $0x138800, s6  }
0xc: {  	s25 =	sshll.u32 s6, $0xF;
	s11 =	sor.u32 $0x1C04, s11;
	s15 =	sshrl.u32 @!p0 s15, $0x3  }
0xd: {  	s8 =	sshrl.u32 s7, $0x1;
	s4 =	sadd.s32 s25, s5;
	s29 =	sshrl.u32 s28, $0x2  }
0xe: {  	s30 =	sadd.s32 $0x6800, s12;
	s13 =	sadd.s32 $0xD000, s12;
	s25 =	simm.s32 $0x0  }
0xf: {  	s7 =	ssub.s32 s7, s8;
	s26 =	sshrl.u32 s9, $0x3;
	s4 =	sadd.s32 $0x62000, s4  }
0x10: {  	s14 =	sadd.s32 s29, s1;
	s16 =	sadd.s32 s30, s1;
	s17 =	sadd.s32 s13, s1  }
0x11: {  	s31 =	sadd.s32 s9, s12;
	s8 =	sadd.s32 s9, s30;
	s9 =	sadd.s32 s9, s13  }
0x12: {  	s5 =	sadd.s32 s10, s26;
	s6 =	smax.u32 s7, $0x1;
	s7 =	sshrl.u32 s31, $0x3  }
0x13: {  	s8 =	sshrl.u32 s8, $0x3;
	s9 =	sshrl.u32 s9, $0x3;
	s12 =	sshrl.u32 s14, $0x3  }
0x14: {  	s13 =	sshrl.u32 s16, $0x3;
	s14 =	sshrl.u32 s17, $0x3;
	s16 =	simm.s32 $0x28  }
0x15: {  	s17 =	simm.s32 $0x4000;
	s5 =	sadd.s32 $0x27000, s5;
	s7 =	sadd.s32 s10, s7  }
0x16: {  	v0 =	vimm.f32 $1.000000000e+00;
	s8 =	sadd.s32 s10, s8;
	s9 =	sadd.s32 s10, s9;
	s10 =	simm.s32 $0x4  }
.LBB2_1:
0x17: {  	[tilespmem:s2], [sflag:$0x4] =	stream.linear.gather [hbm4b:s4+s2], $0x3E80, $0x38;
	[tilespmem:$0x18C80] =	vst v63  }
0x18: {  	_ =	swait.ge [sflag:s10], $0x3E80  }
0x19: {  	[sflag:s10] =	ssyncset.done $0x0  }
0x1a: {  	[sflag:s10] =	ssyncadd.s32 $0xFFFFC180  }
0x1b: {  	[spmem:s12], [sflag:s11] =	dma.local [hbm:s3], $0xD00  }
0x1c: {  	_ =	swait.ge [sflag:s10], $0xD00  }
0x1d: {  	[sflag:s10] =	ssyncset.done $0x0  }
0x1e: {  	[sflag:s10] =	ssyncadd.s32 $0xFFFFF300  }
0x1f: {  	[spmem:s13], [sflag:s11] =	dma.local [hbm:s3], $0xD00  }
0x20: {  	_ =	swait.ge [sflag:s10], $0xD00  }
0x21: {  	[sflag:s10] =	ssyncset.done $0x0  }
0x22: {  	[sflag:s10] =	ssyncadd.s32 $0xFFFFF300  }
0x23: {  	[spmem:s14], [sflag:s11] =	dma.local [hbm:s3], $0xD00  }
0x24: {  	_ =	swait.ge [sflag:s10], $0xD00  }
0x25: {  	[sflag:s10] =	ssyncset.done $0x0  }
0x26: {  	s26 =	simm.s32 @!p0 $0x1C04;
	[sflag:s10] =	ssyncadd.s32 $0xFFFFF300  }
0x27: {  	[spmem:s15], [sflag:s26] =	dma.local @!p0 [hbm:s3], $0x100  }
0x28: {  	s26 =	simm.s32 @!p0 $0x4  }
0x29: {  	_ =	swait.ge @!p0 [sflag:s26], $0x100  }
0x2a: {  	[sflag:s26] =	ssyncset.done @!p0 $0x0  }
0x2b: {  	s28 =	simm.s32 $0x200;
	[sflag:s26] =	ssyncadd.s32 @!p0 $0xFFFFFF00;
	s26 =	simm.s32 $0x0  }
.LBB2_2:
0x2c: {  	p1 =	sne.s32 s28, $0x4E00;
	[tilespmem:s26+$0x4070] =	vst v0  }
0x2d: {  	[tilespmem:s26+$0x4000] =	vst v0  }
0x2e: {  	[tilespmem:s26+$0x4010] =	vst v0  }
.Ltmp0:
0x2f: {  	[tilespmem:s26+$0x4020] =	vst v0;
	(pc) =	sbr.rel @p1 .LBB2_2-.Ltmp0, $4  }
0x30: {  	[tilespmem:s26+$0x4030] =	vst v0  }
0x31: {  	[tilespmem:s26+$0x4040] =	vst v0  }
0x32: {  	[tilespmem:s26+$0x4050] =	vst v0  }
0x33: {  	[tilespmem:s26+$0x4060] =	vst v0;
	s26 =	sshra.s32 s28, $0x2;
	s28 =	sadd.s32 $0x200, s28  }
0x34: {  	[tilespmem:s26+$0x4070] =	vst v0  }
0x35: {  	[tilespmem:s26+$0x4000] =	vst v0  }
0x36: {  	[tilespmem:s26+$0x4010] =	vst v0  }
0x37: {  	[tilespmem:s26+$0x4020] =	vst v0  }
0x38: {  	[tilespmem:s26+$0x4030] =	vst v0  }
0x39: {  	[tilespmem:s26+$0x4040] =	vst v0  }
0x3a: {  	[tilespmem:s26+$0x4050] =	vst v0  }
0x3b: {  	[tilespmem:s26+$0x4060] =	vst v0  }
0x3c: {  	[bflag:$0x0] =	sbarrier.arrive $0xFFFF  }
0x3d: {  	[spmem:s1] =	stream.indirect.scatter.add.f32 [tilespmem:s17], [sflag:$0x1], $0x80, s2, s16, $0xb8;
	[tilespmem:$0x18C80] =	vst v63  }
0x3e: {  	_ = 	snop  }
0x3f: {  	[spmem:s1] =	stream.indirect.scatter.add.f32 [tilespmem:s17], [sflag:$0x2], $0x80, s18, s16, $0xb8;
	[tilespmem:$0x18C80] =	vst v63  }
0x40: {  	_ = 	snop  }
0x41: {  	[spmem:s1] =	stream.indirect.scatter.add.f32 [tilespmem:s17], [sflag:$0x3], $0x80, s19, s16, $0xb8;
	[tilespmem:$0x18C80] =	vst v63  }
0x42: {  	_ =	swait.ge [sflag:s20], $0x1400  }
0x43: {  	[sflag:s20] =	ssyncset.done $0x0  }
0x44: {  	s30 =	simm.s32 $0x180;
	[sflag:s20] =	ssyncadd.s32 $0xFFFFEC00  }
0x45: {  	[spmem:s1] =	stream.indirect.scatter.add.f32 [tilespmem:s17], [sflag:$0x1], $0x80, s30, s16, $0xb8;
	[tilespmem:$0x18C80] =	vst v63  }
0x46: {  	_ =	swait.ge [sflag:s21], $0x1400  }
0x47: {  	[sflag:s21] =	ssyncset.done $0x0  }
0x48: {  	s31 =	simm.s32 $0x200;
	[sflag:s21] =	ssyncadd.s32 $0xFFFFEC00  }
0x49: {  	[spmem:s1] =	stream.indirect.scatter.add.f32 [tilespmem:s17], [sflag:$0x2], $0x80, s31, s16, $0xb8;
	[tilespmem:$0x18C80] =	vst v63  }
0x4a: {  	_ =	swait.ge [sflag:s22], $0x1400  }
0x4b: {  	[sflag:s22] =	ssyncset.done $0x0  }
0x4c: {  	s26 =	simm.s32 $0xFFFF1600;
	s28 =	simm.s32 $0x280;
	[sflag:s22] =	ssyncadd.s32 $0xFFFFEC00  }
.LBB2_4:
0x4d: {  	[spmem:s1] =	stream.indirect.scatter.add.f32 [tilespmem:s17], [sflag:$0x3], $0x80, s28, s16, $0xb8;
	[tilespmem:$0x18C80] =	vst v63  }
0x4e: {  	s28 =	smov.u32 s26  }
0x4f: {  	p1 =	sne.s32 s26, $0xFFFFFA00;
	s26 =	sadd.s32 $0x600, s26;
	_ =	swait.ge [sflag:s20], $0x1400  }
0x50: {  	s28 =	sshra.s32 s28, $0x2;
	[sflag:s20] =	ssyncset.done $0x0  }
0x51: {  	s29 =	sadd.s32 $0x3D80, s28;
	[sflag:s20] =	ssyncadd.s32 $0xFFFFEC00  }
0x52: {  	[spmem:s1] =	stream.indirect.scatter.add.f32 [tilespmem:s17], [sflag:$0x1], $0x80, s29, s16, $0xb8;
	[tilespmem:$0x18C80] =	vst v63  }
0x53: {  	_ =	swait.ge [sflag:s21], $0x1400  }
0x54: {  	[sflag:s21] =	ssyncset.done $0x0  }
.Ltmp1:
0x55: {  	s29 =	sadd.s32 $0x3E00, s28;
	[sflag:s21] =	ssyncadd.s32 $0xFFFFEC00;
	(pc) =	sbr.rel @p1 .LBB2_4-.Ltmp1, $4  }
0x56: {  	[spmem:s1] =	stream.indirect.scatter.add.f32 [tilespmem:s17], [sflag:$0x2], $0x80, s29, s16, $0xb8;
	[tilespmem:$0x18C80] =	vst v63  }
0x57: {  	_ =	swait.ge [sflag:s22], $0x1400  }
0x58: {  	[sflag:s22] =	ssyncset.done $0x0  }
0x59: {  	s28 =	sadd.s32 $0x3E80, s28;
	[sflag:s22] =	ssyncadd.s32 $0xFFFFEC00  }
0x5a: {  	[spmem:s1] =	stream.indirect.scatter.add.f32 [tilespmem:s17], [sflag:$0x3], $0x80, s28, s16, $0xb8;
	[tilespmem:$0x18C80] =	vst v63  }
0x5b: {  	_ =	swait.ge [sflag:s20], $0x1400  }
0x5c: {  	[sflag:s20] =	ssyncset.done $0x0  }
0x5d: {  	[sflag:s20] =	ssyncadd.s32 $0xFFFFEC00  }
0x5e: {  	[spmem:s1] =	stream.indirect.scatter.add.f32 [tilespmem:s17], [sflag:$0x1], $0x80, s23, s16, $0xb8;
	[tilespmem:$0x18C80] =	vst v63  }
0x5f: {  	_ =	swait.ge [sflag:s21], $0x1400  }
0x60: {  	[sflag:s21] =	ssyncset.done $0x0  }
0x61: {  	[sflag:s21] =	ssyncadd.s32 $0xFFFFEC00  }
0x62: {  	[spmem:s1] =	stream.indirect.scatter.add.f32 [tilespmem:s17], [sflag:$0x2], $0x80, s24, s16, $0xb8;
	[tilespmem:$0x18C80] =	vst v63  }
0x63: {  	_ =	swait.ge [sflag:s22], $0x1400  }
0x64: {  	[sflag:s22] =	ssyncset.done $0x0  }
0x65: {  	[sflag:s22] =	ssyncadd.s32 $0xFFFFEC00  }
0x66: {  	_ =	swait.ge [sflag:s20], $0x1400  }
0x67: {  	[sflag:s20] =	ssyncset.done $0x0  }
0x68: {  	[sflag:s20] =	ssyncadd.s32 $0xFFFFEC00  }
0x69: {  	_ =	swait.ge [sflag:s21], $0x1400  }
0x6a: {  	[sflag:s21] =	ssyncset.done $0x0  }
0x6b: {  	[sflag:s21] =	ssyncadd.s32 $0xFFFFEC00  }
0x6c: {  	[bflag:$0x0] =	sbarrier.arrive $0xFFFF  }
0x6d: {  	[hbm:s7], [sflag:s11] =	dma.local [spmem:s12], $0xD00  }
0x6e: {  	_ =	swait.ge [sflag:s10], $0xD00  }
0x6f: {  	[sflag:s10] =	ssyncset.done $0x0  }
0x70: {  	[sflag:s10] =	ssyncadd.s32 $0xFFFFF300  }
0x71: {  	[hbm:s8], [sflag:s11] =	dma.local [spmem:s13], $0xD00  }
0x72: {  	_ =	swait.ge [sflag:s10], $0xD00  }
0x73: {  	[sflag:s10] =	ssyncset.done $0x0  }
0x74: {  	[sflag:s10] =	ssyncadd.s32 $0xFFFFF300  }
0x75: {  	[hbm:s9], [sflag:s11] =	dma.local [spmem:s14], $0xD00  }
0x76: {  	_ =	swait.ge [sflag:s10], $0xD00  }
0x77: {  	s25 =	sadd.s32 $0x1, s25;
	[sflag:s10] =	ssyncset.done $0x0  }
0x78: {  	s26 =	simm.s32 @!p0 $0x1C04;
	p1 =	sne.s32 s25, s6;
	[sflag:s10] =	ssyncadd.s32 $0xFFFFF300  }
0x79: {  	[hbm:s5], [sflag:s26] =	dma.local @!p0 [spmem:s15], $0x100  }
.Ltmp2:
0x7a: {  	_ = 	snop;
	(pc) =	sbr.rel @p1 .LBB2_1-.Ltmp2, $4  }
0x7b: {  	s26 =	simm.s32 @!p0 $0x4  }
0x7c: {  	_ =	swait.ge @!p0 [sflag:s26], $0x100  }
0x7d: {  	[sflag:s26] =	ssyncset.done @!p0 $0x0  }
0x7e: {  	[sflag:s26] =	ssyncadd.s32 @!p0 $0xFFFFFF00  }
0x7f: {  	_ =	sfence.sel $0x180000  }
0x80: {  	[bflag:$0x0] =	sbarrier.arrive $0xFFFF  }
0x81: {  	_ =	strace $0x9000004A  }
0x82: {  	s0 =	sadd.s32 @!p0 $0x100000, s0;
	[bflag:$0x2] =	sbarrier.arrive $0xFFFF  }
0x83: {  	[sflag:s0] =	ssyncadd.tile.s32 @!p0 $0x1;
	_ =	shalt  }
.Lfunc_end2:
_tile_overlayer_lowered:
.L_overlay_start_2:
0x84: {  	(tag) =	ssettag $0x2  }
0x85: {  	s0 =	rddreg [dreg:$0x0];
	s2 =	stileid.u32  }
0x86: {  	s1 =	rddreg [dreg:$0x1];
	p0 =	sne.s32 s2, $0x0  }
0x87: {  	s3 =	rddreg [dreg:$0x2];
	[bflag:$0x3] =	sbarrier.arrive $0xFFFF;
	s2 =	simm.s32 @!p0 $0x1C04  }
0x88: {  	[timem:s3], [sflag:s2] =	dma.local @!p0 [hbm:s0], s1  }
0x89: {  	s0 =	simm.s32 @!p0 $0x4  }
0x8a: {  	_ =	swait.ge @!p0 [sflag:s0], s1  }
0x8b: {  	s1 =	ssub.s32 @!p0 $0x0, s1;
	[sflag:s0] =	ssyncset.done @!p0 $0x0  }
0x8c: {  	[sflag:s0] =	ssyncadd.s32 @!p0 s1  }
0x8d: {  	[bflag:$0x3] =	sbarrier.arrive $0xFFFF  }
0x8e: {  	_ =	shalt  }

// kernel: kernel.15.cloned.1.call-start
scs
__scs_entry_jumppad:
0x0: {  	(pc) =	sbr.rel $0x88, $3  }
0x1: {  	(tag) =	ssettag $0x0;
	lr =	simm.s32 $0x1  }
0x2: {  	[smem:$0x3F99] =	sst lr;
	_ =	strace $0xD0000000  }
0x3: {  	_ = 	snop  }
0x4: {  	_ = 	snop  }
0x5: {  	_ = 	snop  }
0x6: {  	_ = 	snop  }
0x7: {  	_ = 	snop  }
__scs_overlays_trampoline_lowered:
0x8: {  	[smem:$0x3FA8] =	sst s0  }
0x9: {  	[smem:$0x3FA9] =	sst s1  }
0xa: {  	[smem:$0x3FAA] =	sst s2  }
0xb: {  	[smem:$0x3FAB] =	sst s3  }
0xc: {  	[smem:$0x3FAC] =	sst s4  }
0xd: {  	[smem:$0x3FAD] =	sst s5  }
0xe: {  	[smem:$0x3FAE] =	sst s6  }
0xf: {  	[smem:$0x3FAF] =	sst s7  }
0x10: {  	[smem:$0x3FB0] =	sst s8  }
0x11: {  	[smem:$0x3FB1] =	sst s9;
	s0 =	simm.s32 @!p0 $0x0  }
0x12: {  	s1 =	sld [smem:$0x3F97];
	s0 =	simm.s32 @p0 $0x1  }
0x13: {  	[smem:$0x3FB2] =	sst s0;
	s0 =	simm.s32 @!p1 $0x0  }
0x14: {  	s2 =	sld [smem:$0x3F96];
	s0 =	simm.s32 @p1 $0x1  }
0x15: {  	[smem:$0x3FB3] =	sst s0;
	s0 =	simm.s32 @!p2 $0x0  }
0x16: {  	s3 =	sld [smem:$0x3FDB];
	s0 =	simm.s32 @p2 $0x1  }
0x17: {  	s4 =	simm.s32 $0x1BF5;
	[smem:$0x3FB5] =	sst s0  }
0x18: {  	s0 =	sld [smem:$0x3F98];
	_ =	swait.ge [sflag:s4], $0x0  }
0x19: {  	s7 =	sld [smem:$0x3F99]  }
0x1a: {  	s8 =	sadd.s32 $0xFFFFE003, lr  }
0x1b: {  	s9 =	sadd.s32 $0xFFFFFEF7, lr;
	s5 =	simm.s32 $0xFFFFFFFF;
	p2 =	slt.u32 s8, $0xFFFFF086  }
0x1c: {  	p1 =	slt.u32 s9, $0xF7A;
	s5 =	simm.s32 @!p2 $0x0  }
0x1d: {  	s5 =	simm.s32 @p1 $0x1;
	p0 =	seq.s32 s7, s2  }
0x1e: {  	s7 =	smul.u32 @!p0 $0xF7A, s2;
	p2 =	seq.s32 @!p0 s5, $0x0  }
0x1f: {  	s9 =	smul.u32 $0xF7A, s1;
	s8 =	simm.s32 @!p0 $0x1BF5;
	p2 =	por !p2, p0  }
0x20: {  	[sflag:s8] =	ssyncset.s32 @!p0 $0xFFFFF086;
	s6 =	sadd.s32 @!p0 s3, s7;
	s7 =	simm.s32 @!p0 $0x108  }
0x21: {  	s3 =	sadd.s32 s3, s9;
	s6 =	sadd.s32 @!p0 $0x88, s6;
	s7 =	simm.s32 @p2 $0x1082  }
0x22: {  	[simem:s7], [sflag:s8] =	dma.local @!p0 [hbm:s6], $0xF7A  }
0x23: {  	s9 =	sor.u32 $0xD0000000, s2;
	s6 =	simm.s32 $0x108;
	_ =	swait.ge @!p0 [sflag:s8], $0x0  }
0x24: {  	s3 =	sadd.s32 $0x88, s3;
	s6 =	simm.s32 @!p1 $0x1082;
	[sflag:s4] =	ssyncset.s32 $0xFFFFF086  }
0x25: {  	[simem:s6], [sflag:s4] =	dma.local [hbm:s3], $0xF7A  }
0x26: {  	[smem:$0x3F99] =	sst s1;
	(tag) =	ssettag s2;
	_ =	strace s9  }
0x27: {  	s1 =	sld [smem:$0x3FA9]  }
0x28: {  	s2 =	sld [smem:$0x3FAA]  }
0x29: {  	s4 =	sld [smem:$0x3FAC]  }
0x2a: {  	p0 =	seq.s32 s5, $0x0;
	s5 =	sld [smem:$0x3FAD]  }
0x2b: {  	s6 =	sld [smem:$0x3FAE]  }
0x2c: {  	s7 =	sld [smem:$0x3FAF]  }
0x2d: {  	s3 =	simm.s32 $0x108;
	s8 =	sld [smem:$0x3FB0]  }
0x2e: {  	s3 =	simm.s32 @!p0 $0x1082;
	s9 =	sld [smem:$0x3FB1]  }
0x2f: {  	lr =	sadd.s32 s0, s3;
	s0 =	sld [smem:$0x3FA8]  }
0x30: {  	s3 =	sld [smem:$0x3FAB]  }
0x31: {  	[smem:$0x3FB4] =	sst s10  }
0x32: {  	s10 =	sld [smem:$0x3FB2];
	_ =	sdelay $0x3  }
0x33: {  	p0 =	seq.s32 s10, $0x1;
	s10 =	sld [smem:$0x3FB4];
	_ =	sdelay $0x3  }
0x34: {  	[smem:$0x3FB4] =	sst s10  }
0x35: {  	s10 =	sld [smem:$0x3FB3];
	_ =	sdelay $0x3  }
0x36: {  	p1 =	seq.s32 s10, $0x1;
	s10 =	sld [smem:$0x3FB4];
	_ =	sdelay $0x3  }
0x37: {  	[smem:$0x3FB4] =	sst s10  }
0x38: {  	s10 =	sld [smem:$0x3FB5]  }
0x39: {  	_ = 	snop;
	(pc) =	sbr.ind lr, $3  }
0x3a: {  	_ = 	snop  }
0x3b: {  	_ = 	snop  }
0x3c: {  	p2 =	seq.s32 s10, $0x1;
	s10 =	sld [smem:$0x3FB4]  }
0x3d: {  	_ =	shalt  }
0x3e: {  	_ =	shalt  }
0x3f: {  	_ =	shalt  }
0x40: {  	_ =	shalt  }
0x41: {  	_ =	shalt  }
0x42: {  	_ =	shalt  }
0x43: {  	_ =	shalt  }
0x44: {  	_ =	shalt  }
0x45: {  	_ =	shalt  }
0x46: {  	_ =	shalt  }
0x47: {  	_ =	shalt  }
0x48: {  	_ =	shalt  }
0x49: {  	_ =	shalt  }
0x4a: {  	_ =	shalt  }
0x4b: {  	_ =	shalt  }
0x4c: {  	_ =	shalt  }
0x4d: {  	_ =	shalt  }
0x4e: {  	_ =	shalt  }
0x4f: {  	_ =	shalt  }
0x50: {  	_ =	shalt  }
0x51: {  	_ =	shalt  }
0x52: {  	_ =	shalt  }
0x53: {  	_ =	shalt  }
0x54: {  	_ =	shalt  }
0x55: {  	_ =	shalt  }
0x56: {  	_ =	shalt  }
0x57: {  	_ =	shalt  }
0x58: {  	_ =	shalt  }
0x59: {  	_ =	shalt  }
0x5a: {  	_ =	shalt  }
0x5b: {  	_ =	shalt  }
0x5c: {  	_ =	shalt  }
0x5d: {  	_ =	shalt  }
0x5e: {  	_ =	shalt  }
0x5f: {  	_ =	shalt  }
0x60: {  	_ =	shalt  }
0x61: {  	_ =	shalt  }
0x62: {  	_ =	shalt  }
0x63: {  	_ =	shalt  }
0x64: {  	_ =	shalt  }
0x65: {  	_ =	shalt  }
0x66: {  	_ =	shalt  }
0x67: {  	_ =	shalt  }
0x68: {  	_ =	shalt  }
0x69: {  	_ =	shalt  }
0x6a: {  	_ =	shalt  }
0x6b: {  	_ =	shalt  }
0x6c: {  	_ =	shalt  }
0x6d: {  	_ =	shalt  }
0x6e: {  	_ =	shalt  }
0x6f: {  	_ =	shalt  }
0x70: {  	_ =	shalt  }
0x71: {  	_ =	shalt  }
0x72: {  	_ =	shalt  }
0x73: {  	_ =	shalt  }
0x74: {  	_ =	shalt  }
0x75: {  	_ =	shalt  }
0x76: {  	_ =	shalt  }
0x77: {  	_ =	shalt  }
0x78: {  	_ =	shalt  }
0x79: {  	_ =	shalt  }
0x7a: {  	_ =	shalt  }
0x7b: {  	_ =	shalt  }
0x7c: {  	_ =	shalt  }
0x7d: {  	_ =	shalt  }
0x7e: {  	_ =	shalt  }
0x7f: {  	_ =	shalt  }
0x80: {  	_ =	shalt  }
0x81: {  	_ =	shalt  }
0x82: {  	_ =	shalt  }
0x83: {  	_ =	shalt  }
0x84: {  	_ =	shalt  }
0x85: {  	_ =	shalt  }
0x86: {  	_ =	shalt  }
0x87: {  	_ =	shalt  }
.Lfunc_end0:
.L_simem_size_0:
called_computation.2_lowered:
.L_overlay_start_0:
0x88: {  	s2 =	sld [smem:$0x3FD9]  }
0x89: {  	s3 =	sld [smem:$0x3FFE];
	_ =	sdelay $0x1  }
0x8a: {  	s1 =	srdreg.scid  }
0x8b: {  	s0 =	sand.u32 $0x1, s1  }
0x8c: {  	s17 =	sshll.u32 s0, $0xA;
	s2 =	sadd.s32 s3, s2  }
0x8d: {  	s2 =	sadd.s32 s2, s17  }
0x8e: {  	[smem:$0x3FC0] =	sst s2  }
0x8f: {  	_ = 	snop  }
0x90: {  	s2 =	sld [smem:$0x3FD0];
	(tm) =	ssettm $0x1  }
0x91: {  	s18 =	sld [smem:$0x3FFB];
	_ =	sdelay $0x3  }
0x92: {  	_ =	strace s18  }
0x93: {  	s3 =	sld [smem:$0x3FFC];
	_ =	sdelay $0x3  }
0x94: {  	_ =	strace s3  }
0x95: {  	s3 =	sld [smem:$0x3FFD];
	_ =	sdelay $0x3  }
0x96: {  	_ =	strace s3  }
0x97: {  	_ =	strace $0x8FFFFFFF  }
0x98: {  	s19 =	sld [smem:$0x3FDB];
	_ =	sdelay $0x1  }
0x99: {  	s4 =	simm.s32 $_scs_section_size  }
0x9a: {  	s5 =	simm.s32 $_size__tile_overlayer_lowered;
	s6 =	simm.s32 $_tile_overlayer_lowered  }
0x9b: {  	s22 =	simm.s32 $0x1BFF;
	s21 =	sshll.u32 s6, $0x1;
	s3 =	sadd.s32 s4, s19  }
0x9c: {  	s7 =	simm.s32 $0x0;
	s20 =	sshll.u32 s5, $0x1;
	s5 =	sadd.s32 s21, s3  }
0x9d: {  	[timem:s7], [sflag:s22] =	dma.local [hbm:s5], s20  }
0x9e: {  	_ =	swait.ge [sflag:s22], s20  }
0x9f: {  	s4 =	ssub.s32 $0x0, s20;
	[sflag:s22] =	ssyncset.done $0x0  }
0xa0: {  	[sflag:s22] =	ssyncadd.s32 s4;
	_ =	sdelay $0x1  }
0xa1: {  	s23 =	simm.s32 $0x1B8B  }
0xa2: {  	_ =	swait.ge [sflag:s23], $0x1  }
0xa3: {  	[sflag:s23] =	ssyncset.done $0x0  }
0xa4: {  	s25 =	simm.s32 $0x1B8E;
	s24 =	sld [smem:$0x3FFE];
	[sflag:s23] =	ssyncadd.s32 $0xFFFFFFFF  }
0xa5: {  	s26 =	simm.s32 $execute0_lowered;
	[smem:$0x3FD2] =	sst s25  }
0xa6: {  	s5 =	sshll.u32 s26, $0x1;
	_ =	strace $0x8000004C;
	[dreg:$0x1] =	wrdreg $0xFFFFFFFF  }
0xa7: {  	s28 =	simm.s32 $_size_execute0_lowered;
	s3 =	sadd.s32 s3, s5;
	[dreg:$0x0] =	wrdreg $0x0  }
0xa8: {  	s5 =	sshll.u32 s28, $0x1;
	[dreg:$0x2] =	wrdreg s3  }
0xa9: {  	[dreg:$0x3] =	wrdreg s5  }
0xaa: {  	[dreg:$0x4] =	wrdreg $0xC0  }
0xab: {  	_ =	task [dreg:s7], $0x5FFFF  }
0xac: {  	[dreg:$0x1] =	wrdreg $0xFFFFFFFF  }
0xad: {  	[dreg:$0x0] =	wrdreg $0x60  }
0xae: {  	[dreg:$0x2] =	wrdreg s2  }
0xaf: {  	[dreg:$0x3] =	wrdreg s24  }
0xb0: {  	[dreg:$0x4] =	wrdreg $0xB8000  }
0xb1: {  	[dreg:$0x5] =	wrdreg $0x9  }
0xb2: {  	_ =	task.clear_ibuf [dreg:s7], $0x6FFFF;
	_ =	strace $0x9000004C  }
0xb3: {  	s29 =	simm.s32 $0x9;
	_ =	strace $0x8000004E  }
0xb4: {  	_ =	swait.ge [sflag:s29], $0x1  }
0xb5: {  	[sflag:s29] =	ssyncadd.s32 $0xFFFFFFFF  }
0xb6: {  	_ =	strace $0x9000004E  }
0xb7: {  	_ =	sfence  }
0xb8: {  	s30 =	sld [smem:$0x0];
	_ =	sdelay $0x2  }
0xb9: {  	s31 =	sshll.u32 s1, $0xD;
	s1 =	sshrl.u32 s1, $0x2  }
0xba: {  	s3 =	sand.u32 $0x4000, s31;
	s1 =	sadd.s32 s1, s30  }
0xbb: {  	s0 =	sor.u32 s3, s0;
	s1 =	sshll.u32 s1, $0x11  }
0xbc: {  	s0 =	sor.u32 s1, s0  }
0xbd: {  	s0 =	sadd.s32 $0x8F2B, s0  }
0xbe: {  	[sflag:s0] =	ssyncadd.remote.s32 $0x1  }
0xbf: {  	_ =	sfence.sel $0xFFFF  }
0xc0: {  	[dreg:$0x0] =	wrdreg $0xFFFFFFFF;
	(pc) =	sbr.abs _section_cstart, $3  }
0xc1: {  	[dreg:$0x1] =	wrdreg $0xFFFFFFFF  }
0xc2: {  	_ =	task.clear_ibuf [dreg:s7], $0x2FFFF;
	_ =	strace $0x9FFFFFFF  }
0xc3: {  	(tm) =	ssettm $0x7FFFFFFF  }
tec
execute0_lowered:
.L_overlay_start_1:
0x0: {  	(tag) =	ssettag $0x1  }
0x1: {  	s1 =	rddreg [dreg:$0x0]  }
0x2: {  	s0 =	rddreg [dreg:$0x1]  }
0x3: {  	s2 =	rddreg [dreg:$0x2];
	s3 =	simm.s32 $0x0;
	s14 =	srdreg.scid  }
0x4: {  	s8 =	stileid.u32;
	s28 =	simm.s32 $0x9000;
	s29 =	simm.s32 $0x2  }
0x5: {  	s30 =	simm.s32 $0x4;
	s31 =	simm.s32 $0x3;
	[smem:$0x7FF] =	sst s3  }
0x6: {  	s6 =	sand.u32 $0x1, s14;
	s15 =	sadd.s32 $0x3000, s0;
	s7 =	sadd.s32 $0xB000, s0  }
0x7: {  	s4 =	sadd.s32 $0x13000, s0;
	s0 =	sadd.s32 $0x13E00, s0;
	s16 =	sshll.u32 s8, $0x6  }
0x8: {  	s10 =	sshll.u32 s8, $0xB;
	s12 =	sadd.s32 $0x138000, s2;
	s13 =	smul.u32 $0x4E000, s8  }
0x9: {  	s21 =	smul.u32 $0x13800, s8;
	p0 =	sne.s32 s8, $0x0;
	_ =	strace $0x8000004D  }
0xa: {  	s5 =	ssub.s32 $0x2, s6;
	s11 =	smul.u32 $0x138800, s6;
	[dreg:$0x4] =	wrdreg s12  }
0xb: {  	s17 =	sadd.s32 s15, s10;
	s18 =	sadd.s32 s7, s10;
	s10 =	sor.u32 $0x400, s10  }
0xc: {  	v0 =	vmov s6;
	s6 =	simm.s32 $0x0;
	s9 =	sshrl.u32 s5, $0x1;
	[dreg:$0x5] =	wrdreg s17  }
0xd: {  	[dreg:$0x6] =	wrdreg s18;
	s3 =	sadd.s32 s15, s10;
	s7 =	sadd.s32 s7, s10  }
0xe: {  	s23 =	sshrl.u32 s13, $0x2;
	s24 =	sadd.s32 $0x6800, s21;
	s25 =	sadd.s32 $0xD000, s21  }
0xf: {  	s9 =	ssub.s32 s5, s9;
	s5 =	sor.u32 $0x1C07, s16;
	[dreg:$0x7] =	wrdreg s3  }
0x10: {  	s19 =	sshrl.u32 s11, $0x3;
	[dreg:$0x8] =	wrdreg s7;
	s14 =	sadd.s32 s24, s2  }
0x11: {  	s15 =	sadd.s32 s25, s2;
	s26 =	sadd.s32 s11, s21;
	s7 =	sadd.s32 s11, s24  }
0x12: {  	s21 =	simm.s32 $0x50;
	s24 =	simm.s32 $0x6800;
	s20 =	sadd.s32 s0, s19  }
0x13: {  	s22 =	smax.u32 s9, $0x1;
	s9 =	sadd.s32 s11, s25;
	s7 =	sshrl.u32 s7, $0x3  }
0x14: {  	s19 =	simm.s32 $0x7;
	s25 =	simm.s32 $0x1;
	s3 =	sadd.s32 $0x27000, s20  }
0x15: {  	[dreg:$0xa] =	wrdreg s22;
	s9 =	sshrl.u32 s9, $0x3;
	s17 =	sadd.s32 s0, s7  }
0x16: {  	s20 =	simm.s32 $0x2000;
	s22 =	simm.s32 $0x4000;
	[dreg:$0x9] =	wrdreg s3  }
0x17: {  	s3 =	sadd.s32 s23, s2;
	s18 =	sadd.s32 s0, s9;
	s23 =	simm.s32 $0x80  }
0x18: {  	[dreg:$0xb] =	wrdreg s3;
	s3 =	sshrl.u32 s26, $0x3;
	s26 =	simm.s32 $0x100  }
0x19: {  	s16 =	sadd.s32 s0, s3;
	s0 =	simm.s32 $0x5;
	s3 =	simm.s32 $0x6  }
.LBB2_1:
0x1a: {  	s7 =	rddreg [dreg:$0xb]  }
0x1b: {  	s7 =	sshrl.u32 s7, $0x3  }
0x1c: {  	[spmem:s7], [sflag:s5] =	dma.local [hbm:s4], $0xD00  }
0x1d: {  	_ =	swait.ge [sflag:s19], $0xD00  }
0x1e: {  	[sflag:s19] =	ssyncset.done $0x0  }
0x1f: {  	s8 =	sshrl.u32 s14, $0x3;
	[sflag:s19] =	ssyncadd.s32 $0xFFFFF300  }
0x20: {  	[spmem:s8], [sflag:s5] =	dma.local [hbm:s4], $0xD00  }
0x21: {  	_ =	swait.ge [sflag:s19], $0xD00  }
0x22: {  	[sflag:s19] =	ssyncset.done $0x0  }
0x23: {  	s9 =	sshrl.u32 s15, $0x3;
	[sflag:s19] =	ssyncadd.s32 $0xFFFFF300  }
0x24: {  	[spmem:s9], [sflag:s5] =	dma.local [hbm:s4], $0xD00  }
0x25: {  	_ =	swait.ge [sflag:s19], $0xD00  }
0x26: {  	[sflag:s19] =	ssyncset.done $0x0;
	s10 =	rddreg [dreg:$0x4]  }
0x27: {  	s11 =	simm.s32 @!p0 $0x1C07;
	[sflag:s19] =	ssyncadd.s32 $0xFFFFF300;
	s10 =	sshrl.u32 @!p0 s10, $0x3  }
0x28: {  	[spmem:s10], [sflag:s11] =	dma.local @!p0 [hbm:s4], $0x100  }
0x29: {  	s11 =	simm.s32 @!p0 $0x7  }
0x2a: {  	_ =	swait.ge @!p0 [sflag:s11], $0x100  }
0x2b: {  	[sflag:s11] =	ssyncset.done @!p0 $0x0  }
0x2c: {  	[sflag:s11] =	ssyncadd.s32 @!p0 $0xFFFFFF00  }
0x2d: {  	[bflag:$0x0] =	sbarrier.arrive $0xFFFF  }
0x2e: {  	s11 =	simm.s32 $0x0;
	s12 =	rddreg [dreg:$0x5]  }
0x2f: {  	[tilespmem:s11], [sflag:$0x7] =	stream.linear.gather [hbm4b:s12+s11], $0x2000, $0x38;
	[tilespmem:$0x1F080] =	vst v63  }
0x30: {  	_ =	swait.ge [sflag:s19], $0x2000  }
0x31: {  	[sflag:s19] =	ssyncset.done $0x0  }
0x32: {  	s13 =	rddreg [dreg:$0x6];
	[sflag:s19] =	ssyncadd.s32 $0xFFFFE000  }
0x33: {  	[tilespmem:s20], [sflag:$0x7] =	stream.linear.gather [hbm4b:s13+s11], $0x2000, $0x38;
	[tilespmem:$0x1F080] =	vst v63  }
0x34: {  	_ =	swait.ge [sflag:s19], $0x2000  }
0x35: {  	[sflag:s19] =	ssyncset.done $0x0  }
0x36: {  	s11 =	simm.s32 $0x0;
	[sflag:s19] =	ssyncadd.s32 $0xFFFFE000  }
0x37: {  	v3 =	vld [tilespmem:s11+$0x0]  }
0x38: {  	v4 =	vld [tilespmem:s11+$0x10]  }
0x39: {  	v2 =	vld [tilespmem:s11+$0x20]  }
0x3a: {  	s12 =	simm.s32 $0x200;
	v1 =	vld [tilespmem:s11+$0x30]  }
.LBB2_2:
0x3b: {  	p1 =	sne.s32 s12, $0x7E00;
	v5 =	vld [tilespmem:s11+$0x40]  }
0x3c: {  	v3 =	vshll.u32 v3, $0x1  }
0x3d: {  	v3 =	vor.u32 v0, v3;
	v4 =	vshll.u32 v4, $0x1  }
.Ltmp0:
0x3e: {  	s13 =	sshra.s32 s12, $0x2;
	[tilespmem:s11+$0x0] =	vst v3;
	v4 =	vor.u32 v0, v4;
	v2 =	vshll.u32 v2, $0x1;
	(pc) =	sbr.rel @p1 .LBB2_2-.Ltmp0, $4  }
0x3f: {  	v3 =	vld [tilespmem:s13+$0x0];
	[tilespmem:s11+$0x10] =	vst v4;
	v2 =	vor.u32 v0, v2;
	v1 =	vshll.u32 v1, $0x1  }
0x40: {  	v4 =	vld [tilespmem:s13+$0x10];
	[tilespmem:s11+$0x20] =	vst v2;
	v1 =	vor.u32 v0, v1;
	v5 =	vshll.u32 v5, $0x1  }
0x41: {  	v2 =	vld [tilespmem:s13+$0x20];
	[tilespmem:s11+$0x30] =	vst v1;
	v5 =	vor.u32 v0, v5  }
0x42: {  	s12 =	sadd.s32 $0x200, s12;
	v1 =	vld [tilespmem:s13+$0x30];
	[tilespmem:s11+$0x40] =	vst v5;
	s11 =	smov.u32 s13  }
0x43: {  	v5 =	vld [tilespmem:s11+$0x40]  }
0x44: {  	v3 =	vshll.u32 v3, $0x1  }
0x45: {  	v3 =	vor.u32 v0, v3;
	v4 =	vshll.u32 v4, $0x1  }
0x46: {  	[tilespmem:s11+$0x0] =	vst v3;
	v3 =	vor.u32 v0, v4;
	v2 =	vshll.u32 v2, $0x1  }
0x47: {  	[tilespmem:s11+$0x10] =	vst v3;
	v2 =	vor.u32 v0, v2;
	v1 =	vshll.u32 v1, $0x1  }
0x48: {  	[tilespmem:s11+$0x20] =	vst v2;
	v1 =	vor.u32 v0, v1;
	v2 =	vshll.u32 v5, $0x1  }
0x49: {  	[tilespmem:s11+$0x30] =	vst v1;
	v1 =	vor.u32 v0, v2  }
0x4a: {  	s12 =	simm.s32 $0x0;
	[tilespmem:s11+$0x40] =	vst v1  }
0x4b: {  	[tilespmem:s22], [sflag:$0x1] =	stream.indirect.gather [hbm4b:s1+s21], $0x80, s12, s21, $0xb8;
	[tilespmem:$0x1F080] =	vst v63  }
0x4c: {  	_ = 	snop  }
0x4d: {  	[tilespmem:s24], [sflag:$0x2] =	stream.indirect.gather [hbm4b:s1+s21], $0x80, s23, s21, $0xb8;
	[tilespmem:$0x1F080] =	vst v63  }
0x4e: {  	_ =	swait.ge [sflag:s25], $0x2800  }
0x4f: {  	[sflag:s25] =	ssyncset.done $0x0  }
0x50: {  	[sflag:s25] =	ssyncadd.s32 $0xFFFFD800  }
0x51: {  	[spmem:s2] =	stream.indirect.scatter.add.f32 [tilespmem:s22], [sflag:$0x4], $0x80, s20, s21, $0xb8;
	[tilespmem:$0x1F080] =	vst v63  }
0x52: {  	_ = 	snop  }
0x53: {  	[tilespmem:s28], [sflag:$0x3] =	stream.indirect.gather [hbm4b:s1+s21], $0x80, s26, s21, $0xb8;
	[tilespmem:$0x1F080] =	vst v63  }
0x54: {  	_ =	swait.ge [sflag:s29], $0x2800  }
0x55: {  	[sflag:s29] =	ssyncset.done $0x0  }
0x56: {  	s13 =	simm.s32 $0x2080;
	[sflag:s29] =	ssyncadd.s32 $0xFFFFD800  }
0x57: {  	[spmem:s2] =	stream.indirect.scatter.add.f32 [tilespmem:s24], [sflag:$0x5], $0x80, s13, s21, $0xb8;
	[tilespmem:$0x1F080] =	vst v63  }
0x58: {  	_ =	swait.ge [sflag:s30], $0x2800  }
0x59: {  	[sflag:s30] =	ssyncset.done $0x0  }
0x5a: {  	s12 =	simm.s32 $0x180;
	[sflag:s30] =	ssyncadd.s32 $0xFFFFD800  }
0x5b: {  	[tilespmem:s22], [sflag:$0x1] =	stream.indirect.gather [hbm4b:s1+s21], $0x80, s12, s21, $0xb8;
	[tilespmem:$0x1F080] =	vst v63  }
0x5c: {  	_ =	swait.ge [sflag:s31], $0x2800  }
0x5d: {  	[sflag:s31] =	ssyncset.done $0x0  }
0x5e: {  	s13 =	simm.s32 $0x2100;
	[sflag:s31] =	ssyncadd.s32 $0xFFFFD800  }
0x5f: {  	[spmem:s2] =	stream.indirect.scatter.add.f32 [tilespmem:s28], [sflag:$0x6], $0x80, s13, s21, $0xb8;
	[tilespmem:$0x1F080] =	vst v63  }
0x60: {  	_ =	swait.ge [sflag:s0], $0x2800  }
0x61: {  	[sflag:s0] =	ssyncset.done $0x0  }
0x62: {  	s12 =	simm.s32 $0x200;
	[sflag:s0] =	ssyncadd.s32 $0xFFFFD800  }
0x63: {  	[tilespmem:s24], [sflag:$0x2] =	stream.indirect.gather [hbm4b:s1+s21], $0x80, s12, s21, $0xb8;
	[tilespmem:$0x1F080] =	vst v63  }
0x64: {  	_ =	swait.ge [sflag:s25], $0x2800  }
0x65: {  	[sflag:s25] =	ssyncset.done $0x0  }
0x66: {  	s13 =	simm.s32 $0x2180;
	[sflag:s25] =	ssyncadd.s32 $0xFFFFD800  }
0x67: {  	[spmem:s2] =	stream.indirect.scatter.add.f32 [tilespmem:s22], [sflag:$0x4], $0x80, s13, s21, $0xb8;
	[tilespmem:$0x1F080] =	vst v63  }
0x68: {  	_ =	swait.ge [sflag:s3], $0x2800  }
0x69: {  	[sflag:s3] =	ssyncset.done $0x0  }
0x6a: {  	s11 =	simm.s32 $0x600;
	s12 =	simm.s32 $0x280;
	[sflag:s3] =	ssyncadd.s32 $0xFFFFD800  }
.LBB2_4:
0x6b: {  	[tilespmem:s28], [sflag:$0x3] =	stream.indirect.gather [hbm4b:s1+s21], $0x80, s12, s21, $0xb8;
	[tilespmem:$0x1F080] =	vst v63  }
0x6c: {  	s12 =	smov.u32 s11  }
0x6d: {  	p1 =	sne.s32 s11, $0x7200;
	s11 =	sadd.s32 $0x600, s11;
	_ =	swait.ge [sflag:s29], $0x2800  }
0x6e: {  	s12 =	sshra.s32 s12, $0x2;
	[sflag:s29] =	ssyncset.done $0x0  }
0x6f: {  	s13 =	sadd.s32 $0x2080, s12;
	[sflag:s29] =	ssyncadd.s32 $0xFFFFD800  }
0x70: {  	[spmem:s2] =	stream.indirect.scatter.add.f32 [tilespmem:s24], [sflag:$0x5], $0x80, s13, s21, $0xb8;
	[tilespmem:$0x1F080] =	vst v63  }
0x71: {  	_ =	swait.ge [sflag:s30], $0x2800  }
0x72: {  	[sflag:s30] =	ssyncset.done $0x0  }
0x73: {  	s13 =	sadd.s32 $0x180, s12;
	[sflag:s30] =	ssyncadd.s32 $0xFFFFD800  }
0x74: {  	[tilespmem:s22], [sflag:$0x1] =	stream.indirect.gather [hbm4b:s1+s21], $0x80, s13, s21, $0xb8;
	[tilespmem:$0x1F080] =	vst v63  }
0x75: {  	_ =	swait.ge [sflag:s31], $0x2800  }
0x76: {  	[sflag:s31] =	ssyncset.done $0x0  }
0x77: {  	s13 =	sadd.s32 $0x2100, s12;
	[sflag:s31] =	ssyncadd.s32 $0xFFFFD800  }
0x78: {  	[spmem:s2] =	stream.indirect.scatter.add.f32 [tilespmem:s28], [sflag:$0x6], $0x80, s13, s21, $0xb8;
	[tilespmem:$0x1F080] =	vst v63  }
0x79: {  	_ =	swait.ge [sflag:s0], $0x2800  }
0x7a: {  	[sflag:s0] =	ssyncset.done $0x0  }
0x7b: {  	s13 =	sadd.s32 $0x200, s12;
	[sflag:s0] =	ssyncadd.s32 $0xFFFFD800  }
0x7c: {  	[tilespmem:s24], [sflag:$0x2] =	stream.indirect.gather [hbm4b:s1+s21], $0x80, s13, s21, $0xb8;
	[tilespmem:$0x1F080] =	vst v63  }
0x7d: {  	_ =	swait.ge [sflag:s25], $0x2800  }
0x7e: {  	[sflag:s25] =	ssyncset.done $0x0  }
.Ltmp1:
0x7f: {  	s13 =	sadd.s32 $0x2180, s12;
	[sflag:s25] =	ssyncadd.s32 $0xFFFFD800;
	(pc) =	sbr.rel @p1 .LBB2_4-.Ltmp1, $4  }
0x80: {  	[spmem:s2] =	stream.indirect.scatter.add.f32 [tilespmem:s22], [sflag:$0x4], $0x80, s13, s21, $0xb8;
	[tilespmem:$0x1F080] =	vst v63  }
0x81: {  	_ =	swait.ge [sflag:s3], $0x2800  }
0x82: {  	[sflag:s3] =	ssyncset.done $0x0  }
0x83: {  	s12 =	sadd.s32 $0x280, s12;
	[sflag:s3] =	ssyncadd.s32 $0xFFFFD800  }
0x84: {  	[tilespmem:s28], [sflag:$0x3] =	stream.indirect.gather [hbm4b:s1+s21], $0x80, s12, s21, $0xb8;
	[tilespmem:$0x1F080] =	vst v63  }
0x85: {  	_ =	swait.ge [sflag:s29], $0x2800  }
0x86: {  	[sflag:s29] =	ssyncset.done $0x0  }
0x87: {  	s11 =	simm.s32 $0x3E80;
	[sflag:s29] =	ssyncadd.s32 $0xFFFFD800  }
0x88: {  	[spmem:s2] =	stream.indirect.scatter.add.f32 [tilespmem:s24], [sflag:$0x5], $0x80, s11, s21, $0xb8;
	[tilespmem:$0x1F080] =	vst v63  }
0x89: {  	_ =	swait.ge [sflag:s30], $0x2800  }
0x8a: {  	[sflag:s30] =	ssyncset.done $0x0  }
0x8b: {  	s12 =	simm.s32 $0x1F80;
	[sflag:s30] =	ssyncadd.s32 $0xFFFFD800  }
0x8c: {  	[tilespmem:s22], [sflag:$0x1] =	stream.indirect.gather [hbm4b:s1+s21], $0x80, s12, s21, $0xb8;
	[tilespmem:$0x1F080] =	vst v63  }
0x8d: {  	_ =	swait.ge [sflag:s31], $0x2800  }
0x8e: {  	[sflag:s31] =	ssyncset.done $0x0  }
0x8f: {  	s13 =	simm.s32 $0x3F00;
	[sflag:s31] =	ssyncadd.s32 $0xFFFFD800  }
0x90: {  	[spmem:s2] =	stream.indirect.scatter.add.f32 [tilespmem:s28], [sflag:$0x6], $0x80, s13, s21, $0xb8;
	[tilespmem:$0x1F080] =	vst v63  }
0x91: {  	_ =	swait.ge [sflag:s25], $0x2800  }
0x92: {  	[sflag:s25] =	ssyncset.done $0x0  }
0x93: {  	s12 =	simm.s32 $0x3F80;
	[sflag:s25] =	ssyncadd.s32 $0xFFFFD800  }
0x94: {  	[spmem:s2] =	stream.indirect.scatter.add.f32 [tilespmem:s22], [sflag:$0x4], $0x80, s12, s21, $0xb8;
	[tilespmem:$0x1F080] =	vst v63  }
0x95: {  	_ =	swait.ge [sflag:s0], $0x2800  }
0x96: {  	[sflag:s0] =	ssyncset.done $0x0  }
0x97: {  	[sflag:s0] =	ssyncadd.s32 $0xFFFFD800  }
0x98: {  	_ =	swait.ge [sflag:s3], $0x2800  }
0x99: {  	[sflag:s3] =	ssyncset.done $0x0  }
0x9a: {  	[sflag:s3] =	ssyncadd.s32 $0xFFFFD800  }
0x9b: {  	_ =	swait.ge [sflag:s30], $0x2800  }
0x9c: {  	[sflag:s30] =	ssyncset.done $0x0  }
0x9d: {  	s11 =	simm.s32 $0x0;
	s13 =	rddreg [dreg:$0x7];
	[sflag:s30] =	ssyncadd.s32 $0xFFFFD800  }
0x9e: {  	[tilespmem:s11], [sflag:$0x7] =	stream.linear.gather [hbm4b:s13+s11], $0x1E80, $0x38;
	[tilespmem:$0x1F080] =	vst v63  }
0x9f: {  	_ =	swait.ge [sflag:s19], $0x1E80  }
0xa0: {  	[sflag:s19] =	ssyncset.done $0x0  }
0xa1: {  	s13 =	rddreg [dreg:$0x8];
	[sflag:s19] =	ssyncadd.s32 $0xFFFFE180  }
0xa2: {  	[tilespmem:s20], [sflag:$0x7] =	stream.linear.gather [hbm4b:s13+s11], $0x1E80, $0x38;
	[tilespmem:$0x1F080] =	vst v63  }
0xa3: {  	_ =	swait.ge [sflag:s19], $0x1E80  }
0xa4: {  	[sflag:s19] =	ssyncset.done $0x0  }
0xa5: {  	s11 =	simm.s32 $0x0;
	[sflag:s19] =	ssyncadd.s32 $0xFFFFE180  }
0xa6: {  	v3 =	vld [tilespmem:s11+$0x0]  }
0xa7: {  	v4 =	vld [tilespmem:s11+$0x10]  }
0xa8: {  	v2 =	vld [tilespmem:s11+$0x20]  }
0xa9: {  	s12 =	simm.s32 $0x200;
	v1 =	vld [tilespmem:s11+$0x30]  }
.LBB2_6:
0xaa: {  	p1 =	sne.s32 s12, $0x7800;
	v5 =	vld [tilespmem:s11+$0x40]  }
0xab: {  	v3 =	vshll.u32 v3, $0x1  }
0xac: {  	v3 =	vor.u32 v0, v3;
	v4 =	vshll.u32 v4, $0x1  }
.Ltmp2:
0xad: {  	s13 =	sshra.s32 s12, $0x2;
	[tilespmem:s11+$0x0] =	vst v3;
	v4 =	vor.u32 v0, v4;
	v2 =	vshll.u32 v2, $0x1;
	(pc) =	sbr.rel @p1 .LBB2_6-.Ltmp2, $4  }
0xae: {  	v3 =	vld [tilespmem:s13+$0x0];
	[tilespmem:s11+$0x10] =	vst v4;
	v2 =	vor.u32 v0, v2;
	v1 =	vshll.u32 v1, $0x1  }
0xaf: {  	v4 =	vld [tilespmem:s13+$0x10];
	[tilespmem:s11+$0x20] =	vst v2;
	v1 =	vor.u32 v0, v1;
	v5 =	vshll.u32 v5, $0x1  }
0xb0: {  	v2 =	vld [tilespmem:s13+$0x20];
	[tilespmem:s11+$0x30] =	vst v1;
	v5 =	vor.u32 v0, v5  }
0xb1: {  	s12 =	sadd.s32 $0x200, s12;
	v1 =	vld [tilespmem:s13+$0x30];
	[tilespmem:s11+$0x40] =	vst v5;
	s11 =	smov.u32 s13  }
0xb2: {  	v5 =	vld [tilespmem:s11+$0x40]  }
0xb3: {  	v3 =	vshll.u32 v3, $0x1  }
0xb4: {  	v3 =	vor.u32 v0, v3;
	v4 =	vshll.u32 v4, $0x1  }
0xb5: {  	[tilespmem:s11+$0x0] =	vst v3;
	v3 =	vor.u32 v0, v4;
	v2 =	vshll.u32 v2, $0x1  }
0xb6: {  	[tilespmem:s11+$0x10] =	vst v3;
	v2 =	vor.u32 v0, v2;
	v1 =	vshll.u32 v1, $0x1  }
0xb7: {  	[tilespmem:s11+$0x20] =	vst v2;
	v1 =	vor.u32 v0, v1;
	v2 =	vshll.u32 v5, $0x1  }
0xb8: {  	[tilespmem:s11+$0x30] =	vst v1;
	v1 =	vor.u32 v0, v2  }
0xb9: {  	s12 =	simm.s32 $0x0;
	[tilespmem:s11+$0x40] =	vst v1  }
0xba: {  	[tilespmem:s22], [sflag:$0x1] =	stream.indirect.gather [hbm4b:s1+s21], $0x80, s12, s21, $0xb8;
	[tilespmem:$0x1F080] =	vst v63  }
0xbb: {  	_ = 	snop  }
0xbc: {  	[tilespmem:s24], [sflag:$0x2] =	stream.indirect.gather [hbm4b:s1+s21], $0x80, s23, s21, $0xb8;
	[tilespmem:$0x1F080] =	vst v63  }
0xbd: {  	_ =	swait.ge [sflag:s25], $0x2800  }
0xbe: {  	[sflag:s25] =	ssyncset.done $0x0  }
0xbf: {  	[sflag:s25] =	ssyncadd.s32 $0xFFFFD800  }
0xc0: {  	[spmem:s2] =	stream.indirect.scatter.add.f32 [tilespmem:s22], [sflag:$0x4], $0x80, s20, s21, $0xb8;
	[tilespmem:$0x1F080] =	vst v63  }
0xc1: {  	_ = 	snop  }
0xc2: {  	[tilespmem:s28], [sflag:$0x3] =	stream.indirect.gather [hbm4b:s1+s21], $0x80, s26, s21, $0xb8;
	[tilespmem:$0x1F080] =	vst v63  }
0xc3: {  	_ =	swait.ge [sflag:s29], $0x2800  }
0xc4: {  	[sflag:s29] =	ssyncset.done $0x0  }
0xc5: {  	s13 =	simm.s32 $0x2080;
	[sflag:s29] =	ssyncadd.s32 $0xFFFFD800  }
0xc6: {  	[spmem:s2] =	stream.indirect.scatter.add.f32 [tilespmem:s24], [sflag:$0x5], $0x80, s13, s21, $0xb8;
	[tilespmem:$0x1F080] =	vst v63  }
0xc7: {  	_ =	swait.ge [sflag:s30], $0x2800  }
0xc8: {  	[sflag:s30] =	ssyncset.done $0x0  }
0xc9: {  	s12 =	simm.s32 $0x180;
	[sflag:s30] =	ssyncadd.s32 $0xFFFFD800  }
0xca: {  	[tilespmem:s22], [sflag:$0x1] =	stream.indirect.gather [hbm4b:s1+s21], $0x80, s12, s21, $0xb8;
	[tilespmem:$0x1F080] =	vst v63  }
0xcb: {  	_ =	swait.ge [sflag:s31], $0x2800  }
0xcc: {  	[sflag:s31] =	ssyncset.done $0x0  }
0xcd: {  	s13 =	simm.s32 $0x2100;
	[sflag:s31] =	ssyncadd.s32 $0xFFFFD800  }
0xce: {  	[spmem:s2] =	stream.indirect.scatter.add.f32 [tilespmem:s28], [sflag:$0x6], $0x80, s13, s21, $0xb8;
	[tilespmem:$0x1F080] =	vst v63  }
0xcf: {  	_ =	swait.ge [sflag:s0], $0x2800  }
0xd0: {  	[sflag:s0] =	ssyncset.done $0x0  }
0xd1: {  	s12 =	simm.s32 $0x200;
	[sflag:s0] =	ssyncadd.s32 $0xFFFFD800  }
0xd2: {  	[tilespmem:s24], [sflag:$0x2] =	stream.indirect.gather [hbm4b:s1+s21], $0x80, s12, s21, $0xb8;
	[tilespmem:$0x1F080] =	vst v63  }
0xd3: {  	_ =	swait.ge [sflag:s25], $0x2800  }
0xd4: {  	[sflag:s25] =	ssyncset.done $0x0  }
0xd5: {  	s13 =	simm.s32 $0x2180;
	[sflag:s25] =	ssyncadd.s32 $0xFFFFD800  }
0xd6: {  	[spmem:s2] =	stream.indirect.scatter.add.f32 [tilespmem:s22], [sflag:$0x4], $0x80, s13, s21, $0xb8;
	[tilespmem:$0x1F080] =	vst v63  }
0xd7: {  	_ =	swait.ge [sflag:s3], $0x2800  }
0xd8: {  	[sflag:s3] =	ssyncset.done $0x0  }
0xd9: {  	s11 =	simm.s32 $0x600;
	s12 =	simm.s32 $0x280;
	[sflag:s3] =	ssyncadd.s32 $0xFFFFD800  }
.LBB2_8:
0xda: {  	[tilespmem:s28], [sflag:$0x3] =	stream.indirect.gather [hbm4b:s1+s21], $0x80, s12, s21, $0xb8;
	[tilespmem:$0x1F080] =	vst v63  }
0xdb: {  	s12 =	smov.u32 s11  }
0xdc: {  	p1 =	sne.s32 s11, $0x6C00;
	s11 =	sadd.s32 $0x600, s11;
	_ =	swait.ge [sflag:s29], $0x2800  }
0xdd: {  	s12 =	sshra.s32 s12, $0x2;
	[sflag:s29] =	ssyncset.done $0x0  }
0xde: {  	s13 =	sadd.s32 $0x2080, s12;
	[sflag:s29] =	ssyncadd.s32 $0xFFFFD800  }
0xdf: {  	[spmem:s2] =	stream.indirect.scatter.add.f32 [tilespmem:s24], [sflag:$0x5], $0x80, s13, s21, $0xb8;
	[tilespmem:$0x1F080] =	vst v63  }
0xe0: {  	_ =	swait.ge [sflag:s30], $0x2800  }
0xe1: {  	[sflag:s30] =	ssyncset.done $0x0  }
0xe2: {  	s13 =	sadd.s32 $0x180, s12;
	[sflag:s30] =	ssyncadd.s32 $0xFFFFD800  }
0xe3: {  	[tilespmem:s22], [sflag:$0x1] =	stream.indirect.gather [hbm4b:s1+s21], $0x80, s13, s21, $0xb8;
	[tilespmem:$0x1F080] =	vst v63  }
0xe4: {  	_ =	swait.ge [sflag:s31], $0x2800  }
0xe5: {  	[sflag:s31] =	ssyncset.done $0x0  }
0xe6: {  	s13 =	sadd.s32 $0x2100, s12;
	[sflag:s31] =	ssyncadd.s32 $0xFFFFD800  }
0xe7: {  	[spmem:s2] =	stream.indirect.scatter.add.f32 [tilespmem:s28], [sflag:$0x6], $0x80, s13, s21, $0xb8;
	[tilespmem:$0x1F080] =	vst v63  }
0xe8: {  	_ =	swait.ge [sflag:s0], $0x2800  }
0xe9: {  	[sflag:s0] =	ssyncset.done $0x0  }
0xea: {  	s13 =	sadd.s32 $0x200, s12;
	[sflag:s0] =	ssyncadd.s32 $0xFFFFD800  }
0xeb: {  	[tilespmem:s24], [sflag:$0x2] =	stream.indirect.gather [hbm4b:s1+s21], $0x80, s13, s21, $0xb8;
	[tilespmem:$0x1F080] =	vst v63  }
0xec: {  	_ =	swait.ge [sflag:s25], $0x2800  }
0xed: {  	[sflag:s25] =	ssyncset.done $0x0  }
.Ltmp3:
0xee: {  	s13 =	sadd.s32 $0x2180, s12;
	[sflag:s25] =	ssyncadd.s32 $0xFFFFD800;
	(pc) =	sbr.rel @p1 .LBB2_8-.Ltmp3, $4  }
0xef: {  	[spmem:s2] =	stream.indirect.scatter.add.f32 [tilespmem:s22], [sflag:$0x4], $0x80, s13, s21, $0xb8;
	[tilespmem:$0x1F080] =	vst v63  }
0xf0: {  	_ =	swait.ge [sflag:s3], $0x2800  }
0xf1: {  	[sflag:s3] =	ssyncset.done $0x0  }
0xf2: {  	s12 =	sadd.s32 $0x280, s12;
	[sflag:s3] =	ssyncadd.s32 $0xFFFFD800  }
0xf3: {  	[tilespmem:s28], [sflag:$0x3] =	stream.indirect.gather [hbm4b:s1+s21], $0x80, s12, s21, $0xb8;
	[tilespmem:$0x1F080] =	vst v63  }
0xf4: {  	_ =	swait.ge [sflag:s29], $0x2800  }
0xf5: {  	[sflag:s29] =	ssyncset.done $0x0  }
0xf6: {  	s11 =	simm.s32 $0x3D00;
	[sflag:s29] =	ssyncadd.s32 $0xFFFFD800  }
0xf7: {  	[spmem:s2] =	stream.indirect.scatter.add.f32 [tilespmem:s24], [sflag:$0x5], $0x80, s11, s21, $0xb8;
	[tilespmem:$0x1F080] =	vst v63  }
0xf8: {  	_ =	swait.ge [sflag:s30], $0x2800  }
0xf9: {  	[sflag:s30] =	ssyncset.done $0x0  }
0xfa: {  	s12 =	simm.s32 $0x1E00;
	[sflag:s30] =	ssyncadd.s32 $0xFFFFD800  }
0xfb: {  	[tilespmem:s22], [sflag:$0x1] =	stream.indirect.gather [hbm4b:s1+s21], $0x80, s12, s21, $0xb8;
	[tilespmem:$0x1F080] =	vst v63  }
0xfc: {  	_ =	swait.ge [sflag:s31], $0x2800  }
0xfd: {  	[sflag:s31] =	ssyncset.done $0x0  }
0xfe: {  	s13 =	simm.s32 $0x3D80;
	[sflag:s31] =	ssyncadd.s32 $0xFFFFD800  }
0xff: {  	[spmem:s2] =	stream.indirect.scatter.add.f32 [tilespmem:s28], [sflag:$0x6], $0x80, s13, s21, $0xb8;
	[tilespmem:$0x1F080] =	vst v63  }
0x100: {  	_ =	swait.ge [sflag:s25], $0x2800  }
0x101: {  	[sflag:s25] =	ssyncset.done $0x0  }
0x102: {  	s12 =	simm.s32 $0x3E00;
	[sflag:s25] =	ssyncadd.s32 $0xFFFFD800  }
0x103: {  	[spmem:s2] =	stream.indirect.scatter.add.f32 [tilespmem:s22], [sflag:$0x4], $0x80, s12, s21, $0xb8;
	[tilespmem:$0x1F080] =	vst v63  }
0x104: {  	_ =	swait.ge [sflag:s0], $0x2800  }
0x105: {  	[sflag:s0] =	ssyncset.done $0x0  }
0x106: {  	[sflag:s0] =	ssyncadd.s32 $0xFFFFD800  }
0x107: {  	_ =	swait.ge [sflag:s3], $0x2800  }
0x108: {  	[sflag:s3] =	ssyncset.done $0x0  }
0x109: {  	[sflag:s3] =	ssyncadd.s32 $0xFFFFD800  }
0x10a: {  	_ =	swait.ge [sflag:s30], $0x2800  }
0x10b: {  	[sflag:s30] =	ssyncset.done $0x0  }
0x10c: {  	[sflag:s30] =	ssyncadd.s32 $0xFFFFD800  }
0x10d: {  	[bflag:$0x0] =	sbarrier.arrive $0xFFFF  }
0x10e: {  	[hbm:s16], [sflag:s5] =	dma.local [spmem:s7], $0xD00  }
0x10f: {  	_ =	swait.ge [sflag:s19], $0xD00  }
0x110: {  	[sflag:s19] =	ssyncset.done $0x0  }
0x111: {  	[sflag:s19] =	ssyncadd.s32 $0xFFFFF300  }
0x112: {  	[hbm:s17], [sflag:s5] =	dma.local [spmem:s8], $0xD00  }
0x113: {  	_ =	swait.ge [sflag:s19], $0xD00  }
0x114: {  	[sflag:s19] =	ssyncset.done $0x0  }
0x115: {  	[sflag:s19] =	ssyncadd.s32 $0xFFFFF300  }
0x116: {  	[hbm:s18], [sflag:s5] =	dma.local [spmem:s9], $0xD00  }
0x117: {  	_ =	swait.ge [sflag:s19], $0xD00  }
0x118: {  	[sflag:s19] =	ssyncset.done $0x0  }
0x119: {  	s7 =	simm.s32 @!p0 $0x1C07;
	s8 =	rddreg [dreg:$0x9];
	[sflag:s19] =	ssyncadd.s32 $0xFFFFF300  }
0x11a: {  	[hbm:s8], [sflag:s7] =	dma.local @!p0 [spmem:s10], $0x100  }
0x11b: {  	s7 =	simm.s32 @!p0 $0x7  }
0x11c: {  	_ =	swait.ge @!p0 [sflag:s7], $0x100  }
0x11d: {  	s6 =	sadd.s32 $0x1, s6;
	s13 =	rddreg [dreg:$0xa]  }
0x11e: {  	p1 =	sne.s32 s6, s13  }
.Ltmp4:
0x11f: {  	_ = 	snop;
	(pc) =	sbr.rel @p1 .LBB2_1-.Ltmp4, $3  }
0x120: {  	_ =	sdelay $0x1  }
0x121: {  	[sflag:s7] =	ssyncset.done @!p0 $0x0  }
0x122: {  	[sflag:s7] =	ssyncadd.s32 @!p0 $0xFFFFFF00  }
0x123: {  	_ =	sfence.sel $0x180000  }
0x124: {  	[bflag:$0x0] =	sbarrier.arrive $0xFFFF  }
0x125: {  	_ =	strace $0x9000004D  }
0x126: {  	[bflag:$0x2] =	sbarrier.arrive $0xFFFF  }
0x127: {  	s0 =	rddreg [dreg:$0x3]  }
0x128: {  	s0 =	sadd.s32 @!p0 $0x100000, s0  }
0x129: {  	[sflag:s0] =	ssyncadd.tile.s32 @!p0 $0x1;
	_ =	shalt  }
.Lfunc_end2:
_tile_overlayer_lowered:
.L_overlay_start_2:
0x12a: {  	(tag) =	ssettag $0x2  }
0x12b: {  	s0 =	rddreg [dreg:$0x0];
	s2 =	stileid.u32  }
0x12c: {  	s1 =	rddreg [dreg:$0x1];
	p0 =	sne.s32 s2, $0x0  }
0x12d: {  	s3 =	rddreg [dreg:$0x2];
	[bflag:$0x3] =	sbarrier.arrive $0xFFFF;
	s2 =	simm.s32 @!p0 $0x1C07  }
0x12e: {  	[timem:s3], [sflag:s2] =	dma.local @!p0 [hbm:s0], s1  }
0x12f: {  	s0 =	simm.s32 @!p0 $0x7  }
0x130: {  	_ =	swait.ge @!p0 [sflag:s0], s1  }
0x131: {  	s1 =	ssub.s32 @!p0 $0x0, s1;
	[sflag:s0] =	ssyncset.done @!p0 $0x0  }
0x132: {  	[sflag:s0] =	ssyncadd.s32 @!p0 s1  }
0x133: {  	[bflag:$0x3] =	sbarrier.arrive $0xFFFF  }
0x134: {  	_ =	shalt  }

// kernel: kernel.9.cloned.1.call-start
scs
__scs_entry_jumppad:
0x0: {  	(pc) =	sbr.rel $0x88, $3  }
0x1: {  	(tag) =	ssettag $0x0;
	lr =	simm.s32 $0x1  }
0x2: {  	[smem:$0x3F99] =	sst lr;
	_ =	strace $0xD0000000  }
0x3: {  	_ = 	snop  }
0x4: {  	_ = 	snop  }
0x5: {  	_ = 	snop  }
0x6: {  	_ = 	snop  }
0x7: {  	_ = 	snop  }
__scs_overlays_trampoline_lowered:
0x8: {  	[smem:$0x3FA8] =	sst s0  }
0x9: {  	[smem:$0x3FA9] =	sst s1  }
0xa: {  	[smem:$0x3FAA] =	sst s2  }
0xb: {  	[smem:$0x3FAB] =	sst s3  }
0xc: {  	[smem:$0x3FAC] =	sst s4  }
0xd: {  	[smem:$0x3FAD] =	sst s5  }
0xe: {  	[smem:$0x3FAE] =	sst s6  }
0xf: {  	[smem:$0x3FAF] =	sst s7  }
0x10: {  	[smem:$0x3FB0] =	sst s8  }
0x11: {  	[smem:$0x3FB1] =	sst s9;
	s0 =	simm.s32 @!p0 $0x0  }
0x12: {  	s1 =	sld [smem:$0x3F97];
	s0 =	simm.s32 @p0 $0x1  }
0x13: {  	[smem:$0x3FB2] =	sst s0;
	s0 =	simm.s32 @!p1 $0x0  }
0x14: {  	s2 =	sld [smem:$0x3F96];
	s0 =	simm.s32 @p1 $0x1  }
0x15: {  	[smem:$0x3FB3] =	sst s0;
	s0 =	simm.s32 @!p2 $0x0  }
0x16: {  	s3 =	sld [smem:$0x3FDB];
	s0 =	simm.s32 @p2 $0x1  }
0x17: {  	s4 =	simm.s32 $0x1BF5;
	[smem:$0x3FB5] =	sst s0  }
0x18: {  	s0 =	sld [smem:$0x3F98];
	_ =	swait.ge [sflag:s4], $0x0  }
0x19: {  	s7 =	sld [smem:$0x3F99]  }
0x1a: {  	s8 =	sadd.s32 $0xFFFFE003, lr  }
0x1b: {  	s9 =	sadd.s32 $0xFFFFFEF7, lr;
	s5 =	simm.s32 $0xFFFFFFFF;
	p2 =	slt.u32 s8, $0xFFFFF086  }
0x1c: {  	p1 =	slt.u32 s9, $0xF7A;
	s5 =	simm.s32 @!p2 $0x0  }
0x1d: {  	s5 =	simm.s32 @p1 $0x1;
	p0 =	seq.s32 s7, s2  }
0x1e: {  	s7 =	smul.u32 @!p0 $0xF7A, s2;
	p2 =	seq.s32 @!p0 s5, $0x0  }
0x1f: {  	s9 =	smul.u32 $0xF7A, s1;
	s8 =	simm.s32 @!p0 $0x1BF5;
	p2 =	por !p2, p0  }
0x20: {  	[sflag:s8] =	ssyncset.s32 @!p0 $0xFFFFF086;
	s6 =	sadd.s32 @!p0 s3, s7;
	s7 =	simm.s32 @!p0 $0x108  }
0x21: {  	s3 =	sadd.s32 s3, s9;
	s6 =	sadd.s32 @!p0 $0x88, s6;
	s7 =	simm.s32 @p2 $0x1082  }
0x22: {  	[simem:s7], [sflag:s8] =	dma.local @!p0 [hbm:s6], $0xF7A  }
0x23: {  	s9 =	sor.u32 $0xD0000000, s2;
	s6 =	simm.s32 $0x108;
	_ =	swait.ge @!p0 [sflag:s8], $0x0  }
0x24: {  	s3 =	sadd.s32 $0x88, s3;
	s6 =	simm.s32 @!p1 $0x1082;
	[sflag:s4] =	ssyncset.s32 $0xFFFFF086  }
0x25: {  	[simem:s6], [sflag:s4] =	dma.local [hbm:s3], $0xF7A  }
0x26: {  	[smem:$0x3F99] =	sst s1;
	(tag) =	ssettag s2;
	_ =	strace s9  }
0x27: {  	s1 =	sld [smem:$0x3FA9]  }
0x28: {  	s2 =	sld [smem:$0x3FAA]  }
0x29: {  	s4 =	sld [smem:$0x3FAC]  }
0x2a: {  	p0 =	seq.s32 s5, $0x0;
	s5 =	sld [smem:$0x3FAD]  }
0x2b: {  	s6 =	sld [smem:$0x3FAE]  }
0x2c: {  	s7 =	sld [smem:$0x3FAF]  }
0x2d: {  	s3 =	simm.s32 $0x108;
	s8 =	sld [smem:$0x3FB0]  }
0x2e: {  	s3 =	simm.s32 @!p0 $0x1082;
	s9 =	sld [smem:$0x3FB1]  }
0x2f: {  	lr =	sadd.s32 s0, s3;
	s0 =	sld [smem:$0x3FA8]  }
0x30: {  	s3 =	sld [smem:$0x3FAB]  }
0x31: {  	[smem:$0x3FB4] =	sst s10  }
0x32: {  	s10 =	sld [smem:$0x3FB2];
	_ =	sdelay $0x3  }
0x33: {  	p0 =	seq.s32 s10, $0x1;
	s10 =	sld [smem:$0x3FB4];
	_ =	sdelay $0x3  }
0x34: {  	[smem:$0x3FB4] =	sst s10  }
0x35: {  	s10 =	sld [smem:$0x3FB3];
	_ =	sdelay $0x3  }
0x36: {  	p1 =	seq.s32 s10, $0x1;
	s10 =	sld [smem:$0x3FB4];
	_ =	sdelay $0x3  }
0x37: {  	[smem:$0x3FB4] =	sst s10  }
0x38: {  	s10 =	sld [smem:$0x3FB5]  }
0x39: {  	_ = 	snop;
	(pc) =	sbr.ind lr, $3  }
0x3a: {  	_ = 	snop  }
0x3b: {  	_ = 	snop  }
0x3c: {  	p2 =	seq.s32 s10, $0x1;
	s10 =	sld [smem:$0x3FB4]  }
0x3d: {  	_ =	shalt  }
0x3e: {  	_ =	shalt  }
0x3f: {  	_ =	shalt  }
0x40: {  	_ =	shalt  }
0x41: {  	_ =	shalt  }
0x42: {  	_ =	shalt  }
0x43: {  	_ =	shalt  }
0x44: {  	_ =	shalt  }
0x45: {  	_ =	shalt  }
0x46: {  	_ =	shalt  }
0x47: {  	_ =	shalt  }
0x48: {  	_ =	shalt  }
0x49: {  	_ =	shalt  }
0x4a: {  	_ =	shalt  }
0x4b: {  	_ =	shalt  }
0x4c: {  	_ =	shalt  }
0x4d: {  	_ =	shalt  }
0x4e: {  	_ =	shalt  }
0x4f: {  	_ =	shalt  }
0x50: {  	_ =	shalt  }
0x51: {  	_ =	shalt  }
0x52: {  	_ =	shalt  }
0x53: {  	_ =	shalt  }
0x54: {  	_ =	shalt  }
0x55: {  	_ =	shalt  }
0x56: {  	_ =	shalt  }
0x57: {  	_ =	shalt  }
0x58: {  	_ =	shalt  }
0x59: {  	_ =	shalt  }
0x5a: {  	_ =	shalt  }
0x5b: {  	_ =	shalt  }
0x5c: {  	_ =	shalt  }
0x5d: {  	_ =	shalt  }
0x5e: {  	_ =	shalt  }
0x5f: {  	_ =	shalt  }
0x60: {  	_ =	shalt  }
0x61: {  	_ =	shalt  }
0x62: {  	_ =	shalt  }
0x63: {  	_ =	shalt  }
0x64: {  	_ =	shalt  }
0x65: {  	_ =	shalt  }
0x66: {  	_ =	shalt  }
0x67: {  	_ =	shalt  }
0x68: {  	_ =	shalt  }
0x69: {  	_ =	shalt  }
0x6a: {  	_ =	shalt  }
0x6b: {  	_ =	shalt  }
0x6c: {  	_ =	shalt  }
0x6d: {  	_ =	shalt  }
0x6e: {  	_ =	shalt  }
0x6f: {  	_ =	shalt  }
0x70: {  	_ =	shalt  }
0x71: {  	_ =	shalt  }
0x72: {  	_ =	shalt  }
0x73: {  	_ =	shalt  }
0x74: {  	_ =	shalt  }
0x75: {  	_ =	shalt  }
0x76: {  	_ =	shalt  }
0x77: {  	_ =	shalt  }
0x78: {  	_ =	shalt  }
0x79: {  	_ =	shalt  }
0x7a: {  	_ =	shalt  }
0x7b: {  	_ =	shalt  }
0x7c: {  	_ =	shalt  }
0x7d: {  	_ =	shalt  }
0x7e: {  	_ =	shalt  }
0x7f: {  	_ =	shalt  }
0x80: {  	_ =	shalt  }
0x81: {  	_ =	shalt  }
0x82: {  	_ =	shalt  }
0x83: {  	_ =	shalt  }
0x84: {  	_ =	shalt  }
0x85: {  	_ =	shalt  }
0x86: {  	_ =	shalt  }
0x87: {  	_ =	shalt  }
.Lfunc_end0:
.L_simem_size_0:
called_computation_lowered:
.L_overlay_start_0:
0x88: {  	s2 =	sld [smem:$0x3FD9]  }
0x89: {  	s3 =	sld [smem:$0x3FFE];
	_ =	sdelay $0x1  }
0x8a: {  	s1 =	srdreg.scid  }
0x8b: {  	s0 =	sand.u32 $0x1, s1  }
0x8c: {  	s17 =	sshll.u32 s0, $0xA;
	s2 =	sadd.s32 s3, s2  }
0x8d: {  	s2 =	sadd.s32 s2, s17  }
0x8e: {  	[smem:$0x3FC0] =	sst s2  }
0x8f: {  	_ = 	snop  }
0x90: {  	s2 =	sld [smem:$0x3FD0];
	(tm) =	ssettm $0x1  }
0x91: {  	s18 =	sld [smem:$0x3FFB];
	_ =	sdelay $0x3  }
0x92: {  	_ =	strace s18  }
0x93: {  	s3 =	sld [smem:$0x3FFC];
	_ =	sdelay $0x3  }
0x94: {  	_ =	strace s3  }
0x95: {  	s3 =	sld [smem:$0x3FFD];
	_ =	sdelay $0x3  }
0x96: {  	_ =	strace s3  }
0x97: {  	_ =	strace $0x8FFFFFFF  }
0x98: {  	s19 =	sld [smem:$0x3FDB];
	_ =	sdelay $0x1  }
0x99: {  	s4 =	simm.s32 $_scs_section_size  }
0x9a: {  	s5 =	simm.s32 $_size__tile_overlayer_lowered;
	s6 =	simm.s32 $_tile_overlayer_lowered  }
0x9b: {  	s22 =	simm.s32 $0x1BFF;
	s21 =	sshll.u32 s6, $0x1;
	s3 =	sadd.s32 s4, s19  }
0x9c: {  	s7 =	simm.s32 $0x0;
	s20 =	sshll.u32 s5, $0x1;
	s5 =	sadd.s32 s21, s3  }
0x9d: {  	[timem:s7], [sflag:s22] =	dma.local [hbm:s5], s20  }
0x9e: {  	_ =	swait.ge [sflag:s22], s20  }
0x9f: {  	s4 =	ssub.s32 $0x0, s20;
	[sflag:s22] =	ssyncset.done $0x0  }
0xa0: {  	[sflag:s22] =	ssyncadd.s32 s4;
	_ =	sdelay $0x1  }
0xa1: {  	s23 =	simm.s32 $0x1B8B  }
0xa2: {  	_ =	swait.ge [sflag:s23], $0x1  }
0xa3: {  	[sflag:s23] =	ssyncset.done $0x0  }
0xa4: {  	s25 =	simm.s32 $0x1B8E;
	s24 =	sld [smem:$0x3FFE];
	[sflag:s23] =	ssyncadd.s32 $0xFFFFFFFF  }
0xa5: {  	s26 =	simm.s32 $execute0_lowered;
	[smem:$0x3FD2] =	sst s25  }
0xa6: {  	s5 =	sshll.u32 s26, $0x1;
	_ =	strace $0x80000046;
	[dreg:$0x1] =	wrdreg $0xFFFFFFFF  }
0xa7: {  	s28 =	simm.s32 $_size_execute0_lowered;
	s3 =	sadd.s32 s3, s5;
	[dreg:$0x0] =	wrdreg $0x0  }
0xa8: {  	s5 =	sshll.u32 s28, $0x1;
	[dreg:$0x2] =	wrdreg s3  }
0xa9: {  	[dreg:$0x3] =	wrdreg s5  }
0xaa: {  	[dreg:$0x4] =	wrdreg $0xC0  }
0xab: {  	_ =	task [dreg:s7], $0x5FFFF  }
0xac: {  	[dreg:$0x1] =	wrdreg $0xFFFFFFFF  }
0xad: {  	[dreg:$0x0] =	wrdreg $0x60  }
0xae: {  	[dreg:$0x2] =	wrdreg s2  }
0xaf: {  	[dreg:$0x3] =	wrdreg s24  }
0xb0: {  	[dreg:$0x4] =	wrdreg $0xB8000  }
0xb1: {  	[dreg:$0x5] =	wrdreg $0x9  }
0xb2: {  	_ =	task.clear_ibuf [dreg:s7], $0x6FFFF;
	_ =	strace $0x90000046  }
0xb3: {  	s29 =	simm.s32 $0x9;
	_ =	strace $0x80000048  }
0xb4: {  	_ =	swait.ge [sflag:s29], $0x1  }
0xb5: {  	[sflag:s29] =	ssyncadd.s32 $0xFFFFFFFF  }
0xb6: {  	_ =	strace $0x90000048  }
0xb7: {  	_ =	sfence  }
0xb8: {  	s30 =	sld [smem:$0x0];
	_ =	sdelay $0x2  }
0xb9: {  	s31 =	sshll.u32 s1, $0xD;
	s1 =	sshrl.u32 s1, $0x2  }
0xba: {  	s3 =	sand.u32 $0x4000, s31;
	s1 =	sadd.s32 s1, s30  }
0xbb: {  	s0 =	sor.u32 s3, s0;
	s1 =	sshll.u32 s1, $0x11  }
0xbc: {  	s0 =	sor.u32 s1, s0  }
0xbd: {  	s0 =	sadd.s32 $0x8F2B, s0  }
0xbe: {  	[sflag:s0] =	ssyncadd.remote.s32 $0x1  }
0xbf: {  	_ =	sfence.sel $0xFFFF  }
0xc0: {  	[dreg:$0x0] =	wrdreg $0xFFFFFFFF;
	(pc) =	sbr.abs _section_cstart, $3  }
0xc1: {  	[dreg:$0x1] =	wrdreg $0xFFFFFFFF  }
0xc2: {  	_ =	task.clear_ibuf [dreg:s7], $0x2FFFF;
	_ =	strace $0x9FFFFFFF  }
0xc3: {  	(tm) =	ssettm $0x7FFFFFFF  }
tec
execute0_lowered:
.L_overlay_start_1:
0x0: {  	(tag) =	ssettag $0x1  }
0x1: {  	s1 =	rddreg [dreg:$0x0]  }
0x2: {  	s0 =	rddreg [dreg:$0x1]  }
0x3: {  	s2 =	rddreg [dreg:$0x2];
	s3 =	simm.s32 $0x0;
	s14 =	srdreg.scid  }
0x4: {  	s8 =	stileid.u32;
	s28 =	simm.s32 $0x9000;
	s29 =	simm.s32 $0x2  }
0x5: {  	s30 =	simm.s32 $0x4;
	s31 =	simm.s32 $0x3;
	[smem:$0x7FF] =	sst s3  }
0x6: {  	s6 =	sand.u32 $0x1, s14;
	s15 =	sadd.s32 $0x3000, s0;
	s7 =	sadd.s32 $0xB000, s0  }
0x7: {  	s4 =	sadd.s32 $0x13000, s0;
	s0 =	sadd.s32 $0x13E00, s0;
	s16 =	sshll.u32 s8, $0x6  }
0x8: {  	s10 =	sshll.u32 s8, $0xB;
	s12 =	sadd.s32 $0x138000, s2;
	s13 =	smul.u32 $0x4E000, s8  }
0x9: {  	s21 =	smul.u32 $0x13800, s8;
	p0 =	sne.s32 s8, $0x0;
	_ =	strace $0x80000047  }
0xa: {  	s5 =	ssub.s32 $0x2, s6;
	s11 =	smul.u32 $0x138800, s6;
	[dreg:$0x4] =	wrdreg s12  }
0xb: {  	s17 =	sadd.s32 s15, s10;
	s18 =	sadd.s32 s7, s10;
	s10 =	sor.u32 $0x400, s10  }
0xc: {  	v0 =	vmov s6;
	s6 =	simm.s32 $0x0;
	s9 =	sshrl.u32 s5, $0x1;
	[dreg:$0x5] =	wrdreg s17  }
0xd: {  	[dreg:$0x6] =	wrdreg s18;
	s3 =	sadd.s32 s15, s10;
	s7 =	sadd.s32 s7, s10  }
0xe: {  	s23 =	sshrl.u32 s13, $0x2;
	s24 =	sadd.s32 $0x6800, s21;
	s25 =	sadd.s32 $0xD000, s21  }
0xf: {  	s9 =	ssub.s32 s5, s9;
	s5 =	sor.u32 $0x1C07, s16;
	[dreg:$0x7] =	wrdreg s3  }
0x10: {  	s19 =	sshrl.u32 s11, $0x3;
	[dreg:$0x8] =	wrdreg s7;
	s14 =	sadd.s32 s24, s2  }
0x11: {  	s15 =	sadd.s32 s25, s2;
	s26 =	sadd.s32 s11, s21;
	s7 =	sadd.s32 s11, s24  }
0x12: {  	s21 =	simm.s32 $0x50;
	s24 =	simm.s32 $0x6800;
	s20 =	sadd.s32 s0, s19  }
0x13: {  	s22 =	smax.u32 s9, $0x1;
	s9 =	sadd.s32 s11, s25;
	s7 =	sshrl.u32 s7, $0x3  }
0x14: {  	s19 =	simm.s32 $0x7;
	s25 =	simm.s32 $0x1;
	s3 =	sadd.s32 $0x27000, s20  }
0x15: {  	[dreg:$0xa] =	wrdreg s22;
	s9 =	sshrl.u32 s9, $0x3;
	s17 =	sadd.s32 s0, s7  }
0x16: {  	s20 =	simm.s32 $0x2000;
	s22 =	simm.s32 $0x4000;
	[dreg:$0x9] =	wrdreg s3  }
0x17: {  	s3 =	sadd.s32 s23, s2;
	s18 =	sadd.s32 s0, s9;
	s23 =	simm.s32 $0x80  }
0x18: {  	[dreg:$0xb] =	wrdreg s3;
	s3 =	sshrl.u32 s26, $0x3;
	s26 =	simm.s32 $0x100  }
0x19: {  	s16 =	sadd.s32 s0, s3;
	s0 =	simm.s32 $0x5;
	s3 =	simm.s32 $0x6  }
.LBB2_1:
0x1a: {  	s7 =	rddreg [dreg:$0xb]  }
0x1b: {  	s7 =	sshrl.u32 s7, $0x3  }
0x1c: {  	[spmem:s7], [sflag:s5] =	dma.local [hbm:s4], $0xD00  }
0x1d: {  	_ =	swait.ge [sflag:s19], $0xD00  }
0x1e: {  	[sflag:s19] =	ssyncset.done $0x0  }
0x1f: {  	s8 =	sshrl.u32 s14, $0x3;
	[sflag:s19] =	ssyncadd.s32 $0xFFFFF300  }
0x20: {  	[spmem:s8], [sflag:s5] =	dma.local [hbm:s4], $0xD00  }
0x21: {  	_ =	swait.ge [sflag:s19], $0xD00  }
0x22: {  	[sflag:s19] =	ssyncset.done $0x0  }
0x23: {  	s9 =	sshrl.u32 s15, $0x3;
	[sflag:s19] =	ssyncadd.s32 $0xFFFFF300  }
0x24: {  	[spmem:s9], [sflag:s5] =	dma.local [hbm:s4], $0xD00  }
0x25: {  	_ =	swait.ge [sflag:s19], $0xD00  }
0x26: {  	[sflag:s19] =	ssyncset.done $0x0;
	s10 =	rddreg [dreg:$0x4]  }
0x27: {  	s11 =	simm.s32 @!p0 $0x1C07;
	[sflag:s19] =	ssyncadd.s32 $0xFFFFF300;
	s10 =	sshrl.u32 @!p0 s10, $0x3  }
0x28: {  	[spmem:s10], [sflag:s11] =	dma.local @!p0 [hbm:s4], $0x100  }
0x29: {  	s11 =	simm.s32 @!p0 $0x7  }
0x2a: {  	_ =	swait.ge @!p0 [sflag:s11], $0x100  }
0x2b: {  	[sflag:s11] =	ssyncset.done @!p0 $0x0  }
0x2c: {  	[sflag:s11] =	ssyncadd.s32 @!p0 $0xFFFFFF00  }
0x2d: {  	[bflag:$0x0] =	sbarrier.arrive $0xFFFF  }
0x2e: {  	s11 =	simm.s32 $0x0;
	s12 =	rddreg [dreg:$0x5]  }
0x2f: {  	[tilespmem:s11], [sflag:$0x7] =	stream.linear.gather [hbm4b:s12+s11], $0x2000, $0x38;
	[tilespmem:$0x1F080] =	vst v63  }
0x30: {  	_ =	swait.ge [sflag:s19], $0x2000  }
0x31: {  	[sflag:s19] =	ssyncset.done $0x0  }
0x32: {  	s13 =	rddreg [dreg:$0x6];
	[sflag:s19] =	ssyncadd.s32 $0xFFFFE000  }
0x33: {  	[tilespmem:s20], [sflag:$0x7] =	stream.linear.gather [hbm4b:s13+s11], $0x2000, $0x38;
	[tilespmem:$0x1F080] =	vst v63  }
0x34: {  	_ =	swait.ge [sflag:s19], $0x2000  }
0x35: {  	[sflag:s19] =	ssyncset.done $0x0  }
0x36: {  	s11 =	simm.s32 $0x0;
	[sflag:s19] =	ssyncadd.s32 $0xFFFFE000  }
0x37: {  	v3 =	vld [tilespmem:s11+$0x0]  }
0x38: {  	v4 =	vld [tilespmem:s11+$0x10]  }
0x39: {  	v2 =	vld [tilespmem:s11+$0x20]  }
0x3a: {  	s12 =	simm.s32 $0x200;
	v1 =	vld [tilespmem:s11+$0x30]  }
.LBB2_2:
0x3b: {  	p1 =	sne.s32 s12, $0x7E00;
	v5 =	vld [tilespmem:s11+$0x40]  }
0x3c: {  	v3 =	vshll.u32 v3, $0x1  }
0x3d: {  	v3 =	vor.u32 v0, v3;
	v4 =	vshll.u32 v4, $0x1  }
.Ltmp0:
0x3e: {  	s13 =	sshra.s32 s12, $0x2;
	[tilespmem:s11+$0x0] =	vst v3;
	v4 =	vor.u32 v0, v4;
	v2 =	vshll.u32 v2, $0x1;
	(pc) =	sbr.rel @p1 .LBB2_2-.Ltmp0, $4  }
0x3f: {  	v3 =	vld [tilespmem:s13+$0x0];
	[tilespmem:s11+$0x10] =	vst v4;
	v2 =	vor.u32 v0, v2;
	v1 =	vshll.u32 v1, $0x1  }
0x40: {  	v4 =	vld [tilespmem:s13+$0x10];
	[tilespmem:s11+$0x20] =	vst v2;
	v1 =	vor.u32 v0, v1;
	v5 =	vshll.u32 v5, $0x1  }
0x41: {  	v2 =	vld [tilespmem:s13+$0x20];
	[tilespmem:s11+$0x30] =	vst v1;
	v5 =	vor.u32 v0, v5  }
0x42: {  	s12 =	sadd.s32 $0x200, s12;
	v1 =	vld [tilespmem:s13+$0x30];
	[tilespmem:s11+$0x40] =	vst v5;
	s11 =	smov.u32 s13  }
0x43: {  	v5 =	vld [tilespmem:s11+$0x40]  }
0x44: {  	v3 =	vshll.u32 v3, $0x1  }
0x45: {  	v3 =	vor.u32 v0, v3;
	v4 =	vshll.u32 v4, $0x1  }
0x46: {  	[tilespmem:s11+$0x0] =	vst v3;
	v3 =	vor.u32 v0, v4;
	v2 =	vshll.u32 v2, $0x1  }
0x47: {  	[tilespmem:s11+$0x10] =	vst v3;
	v2 =	vor.u32 v0, v2;
	v1 =	vshll.u32 v1, $0x1  }
0x48: {  	[tilespmem:s11+$0x20] =	vst v2;
	v1 =	vor.u32 v0, v1;
	v2 =	vshll.u32 v5, $0x1  }
0x49: {  	[tilespmem:s11+$0x30] =	vst v1;
	v1 =	vor.u32 v0, v2  }
0x4a: {  	s12 =	simm.s32 $0x0;
	[tilespmem:s11+$0x40] =	vst v1  }
0x4b: {  	[tilespmem:s22], [sflag:$0x1] =	stream.indirect.gather [hbm4b:s1+s21], $0x80, s12, s21, $0xb8;
	[tilespmem:$0x1F080] =	vst v63  }
0x4c: {  	_ = 	snop  }
0x4d: {  	[tilespmem:s24], [sflag:$0x2] =	stream.indirect.gather [hbm4b:s1+s21], $0x80, s23, s21, $0xb8;
	[tilespmem:$0x1F080] =	vst v63  }
0x4e: {  	_ =	swait.ge [sflag:s25], $0x2800  }
0x4f: {  	[sflag:s25] =	ssyncset.done $0x0  }
0x50: {  	[sflag:s25] =	ssyncadd.s32 $0xFFFFD800  }
0x51: {  	[spmem:s2] =	stream.indirect.scatter.add.f32 [tilespmem:s22], [sflag:$0x4], $0x80, s20, s21, $0xb8;
	[tilespmem:$0x1F080] =	vst v63  }
0x52: {  	_ = 	snop  }
0x53: {  	[tilespmem:s28], [sflag:$0x3] =	stream.indirect.gather [hbm4b:s1+s21], $0x80, s26, s21, $0xb8;
	[tilespmem:$0x1F080] =	vst v63  }
0x54: {  	_ =	swait.ge [sflag:s29], $0x2800  }
0x55: {  	[sflag:s29] =	ssyncset.done $0x0  }
0x56: {  	s13 =	simm.s32 $0x2080;
	[sflag:s29] =	ssyncadd.s32 $0xFFFFD800  }
0x57: {  	[spmem:s2] =	stream.indirect.scatter.add.f32 [tilespmem:s24], [sflag:$0x5], $0x80, s13, s21, $0xb8;
	[tilespmem:$0x1F080] =	vst v63  }
0x58: {  	_ =	swait.ge [sflag:s30], $0x2800  }
0x59: {  	[sflag:s30] =	ssyncset.done $0x0  }
0x5a: {  	s12 =	simm.s32 $0x180;
	[sflag:s30] =	ssyncadd.s32 $0xFFFFD800  }
0x5b: {  	[tilespmem:s22], [sflag:$0x1] =	stream.indirect.gather [hbm4b:s1+s21], $0x80, s12, s21, $0xb8;
	[tilespmem:$0x1F080] =	vst v63  }
0x5c: {  	_ =	swait.ge [sflag:s31], $0x2800  }
0x5d: {  	[sflag:s31] =	ssyncset.done $0x0  }
0x5e: {  	s13 =	simm.s32 $0x2100;
	[sflag:s31] =	ssyncadd.s32 $0xFFFFD800  }
0x5f: {  	[spmem:s2] =	stream.indirect.scatter.add.f32 [tilespmem:s28], [sflag:$0x6], $0x80, s13, s21, $0xb8;
	[tilespmem:$0x1F080] =	vst v63  }
0x60: {  	_ =	swait.ge [sflag:s0], $0x2800  }
0x61: {  	[sflag:s0] =	ssyncset.done $0x0  }
0x62: {  	s12 =	simm.s32 $0x200;
	[sflag:s0] =	ssyncadd.s32 $0xFFFFD800  }
0x63: {  	[tilespmem:s24], [sflag:$0x2] =	stream.indirect.gather [hbm4b:s1+s21], $0x80, s12, s21, $0xb8;
	[tilespmem:$0x1F080] =	vst v63  }
0x64: {  	_ =	swait.ge [sflag:s25], $0x2800  }
0x65: {  	[sflag:s25] =	ssyncset.done $0x0  }
0x66: {  	s13 =	simm.s32 $0x2180;
	[sflag:s25] =	ssyncadd.s32 $0xFFFFD800  }
0x67: {  	[spmem:s2] =	stream.indirect.scatter.add.f32 [tilespmem:s22], [sflag:$0x4], $0x80, s13, s21, $0xb8;
	[tilespmem:$0x1F080] =	vst v63  }
0x68: {  	_ =	swait.ge [sflag:s3], $0x2800  }
0x69: {  	[sflag:s3] =	ssyncset.done $0x0  }
0x6a: {  	s11 =	simm.s32 $0x600;
	s12 =	simm.s32 $0x280;
	[sflag:s3] =	ssyncadd.s32 $0xFFFFD800  }
.LBB2_4:
0x6b: {  	[tilespmem:s28], [sflag:$0x3] =	stream.indirect.gather [hbm4b:s1+s21], $0x80, s12, s21, $0xb8;
	[tilespmem:$0x1F080] =	vst v63  }
0x6c: {  	s12 =	smov.u32 s11  }
0x6d: {  	p1 =	sne.s32 s11, $0x7200;
	s11 =	sadd.s32 $0x600, s11;
	_ =	swait.ge [sflag:s29], $0x2800  }
0x6e: {  	s12 =	sshra.s32 s12, $0x2;
	[sflag:s29] =	ssyncset.done $0x0  }
0x6f: {  	s13 =	sadd.s32 $0x2080, s12;
	[sflag:s29] =	ssyncadd.s32 $0xFFFFD800  }
0x70: {  	[spmem:s2] =	stream.indirect.scatter.add.f32 [tilespmem:s24], [sflag:$0x5], $0x80, s13, s21, $0xb8;
	[tilespmem:$0x1F080] =	vst v63  }
0x71: {  	_ =	swait.ge [sflag:s30], $0x2800  }
0x72: {  	[sflag:s30] =	ssyncset.done $0x0  }
0x73: {  	s13 =	sadd.s32 $0x180, s12;
	[sflag:s30] =	ssyncadd.s32 $0xFFFFD800  }
0x74: {  	[tilespmem:s22], [sflag:$0x1] =	stream.indirect.gather [hbm4b:s1+s21], $0x80, s13, s21, $0xb8;
	[tilespmem:$0x1F080] =	vst v63  }
0x75: {  	_ =	swait.ge [sflag:s31], $0x2800  }
0x76: {  	[sflag:s31] =	ssyncset.done $0x0  }
0x77: {  	s13 =	sadd.s32 $0x2100, s12;
	[sflag:s31] =	ssyncadd.s32 $0xFFFFD800  }
0x78: {  	[spmem:s2] =	stream.indirect.scatter.add.f32 [tilespmem:s28], [sflag:$0x6], $0x80, s13, s21, $0xb8;
	[tilespmem:$0x1F080] =	vst v63  }
0x79: {  	_ =	swait.ge [sflag:s0], $0x2800  }
0x7a: {  	[sflag:s0] =	ssyncset.done $0x0  }
0x7b: {  	s13 =	sadd.s32 $0x200, s12;
	[sflag:s0] =	ssyncadd.s32 $0xFFFFD800  }
0x7c: {  	[tilespmem:s24], [sflag:$0x2] =	stream.indirect.gather [hbm4b:s1+s21], $0x80, s13, s21, $0xb8;
	[tilespmem:$0x1F080] =	vst v63  }
0x7d: {  	_ =	swait.ge [sflag:s25], $0x2800  }
0x7e: {  	[sflag:s25] =	ssyncset.done $0x0  }
.Ltmp1:
0x7f: {  	s13 =	sadd.s32 $0x2180, s12;
	[sflag:s25] =	ssyncadd.s32 $0xFFFFD800;
	(pc) =	sbr.rel @p1 .LBB2_4-.Ltmp1, $4  }
0x80: {  	[spmem:s2] =	stream.indirect.scatter.add.f32 [tilespmem:s22], [sflag:$0x4], $0x80, s13, s21, $0xb8;
	[tilespmem:$0x1F080] =	vst v63  }
0x81: {  	_ =	swait.ge [sflag:s3], $0x2800  }
0x82: {  	[sflag:s3] =	ssyncset.done $0x0  }
0x83: {  	s12 =	sadd.s32 $0x280, s12;
	[sflag:s3] =	ssyncadd.s32 $0xFFFFD800  }
0x84: {  	[tilespmem:s28], [sflag:$0x3] =	stream.indirect.gather [hbm4b:s1+s21], $0x80, s12, s21, $0xb8;
	[tilespmem:$0x1F080] =	vst v63  }
0x85: {  	_ =	swait.ge [sflag:s29], $0x2800  }
0x86: {  	[sflag:s29] =	ssyncset.done $0x0  }
0x87: {  	s11 =	simm.s32 $0x3E80;
	[sflag:s29] =	ssyncadd.s32 $0xFFFFD800  }
0x88: {  	[spmem:s2] =	stream.indirect.scatter.add.f32 [tilespmem:s24], [sflag:$0x5], $0x80, s11, s21, $0xb8;
	[tilespmem:$0x1F080] =	vst v63  }
0x89: {  	_ =	swait.ge [sflag:s30], $0x2800  }
0x8a: {  	[sflag:s30] =	ssyncset.done $0x0  }
0x8b: {  	s12 =	simm.s32 $0x1F80;
	[sflag:s30] =	ssyncadd.s32 $0xFFFFD800  }
0x8c: {  	[tilespmem:s22], [sflag:$0x1] =	stream.indirect.gather [hbm4b:s1+s21], $0x80, s12, s21, $0xb8;
	[tilespmem:$0x1F080] =	vst v63  }
0x8d: {  	_ =	swait.ge [sflag:s31], $0x2800  }
0x8e: {  	[sflag:s31] =	ssyncset.done $0x0  }
0x8f: {  	s13 =	simm.s32 $0x3F00;
	[sflag:s31] =	ssyncadd.s32 $0xFFFFD800  }
0x90: {  	[spmem:s2] =	stream.indirect.scatter.add.f32 [tilespmem:s28], [sflag:$0x6], $0x80, s13, s21, $0xb8;
	[tilespmem:$0x1F080] =	vst v63  }
0x91: {  	_ =	swait.ge [sflag:s25], $0x2800  }
0x92: {  	[sflag:s25] =	ssyncset.done $0x0  }
0x93: {  	s12 =	simm.s32 $0x3F80;
	[sflag:s25] =	ssyncadd.s32 $0xFFFFD800  }
0x94: {  	[spmem:s2] =	stream.indirect.scatter.add.f32 [tilespmem:s22], [sflag:$0x4], $0x80, s12, s21, $0xb8;
	[tilespmem:$0x1F080] =	vst v63  }
0x95: {  	_ =	swait.ge [sflag:s0], $0x2800  }
0x96: {  	[sflag:s0] =	ssyncset.done $0x0  }
0x97: {  	[sflag:s0] =	ssyncadd.s32 $0xFFFFD800  }
0x98: {  	_ =	swait.ge [sflag:s3], $0x2800  }
0x99: {  	[sflag:s3] =	ssyncset.done $0x0  }
0x9a: {  	[sflag:s3] =	ssyncadd.s32 $0xFFFFD800  }
0x9b: {  	_ =	swait.ge [sflag:s30], $0x2800  }
0x9c: {  	[sflag:s30] =	ssyncset.done $0x0  }
0x9d: {  	s11 =	simm.s32 $0x0;
	s13 =	rddreg [dreg:$0x7];
	[sflag:s30] =	ssyncadd.s32 $0xFFFFD800  }
0x9e: {  	[tilespmem:s11], [sflag:$0x7] =	stream.linear.gather [hbm4b:s13+s11], $0x1E80, $0x38;
	[tilespmem:$0x1F080] =	vst v63  }
0x9f: {  	_ =	swait.ge [sflag:s19], $0x1E80  }
0xa0: {  	[sflag:s19] =	ssyncset.done $0x0  }
0xa1: {  	s13 =	rddreg [dreg:$0x8];
	[sflag:s19] =	ssyncadd.s32 $0xFFFFE180  }
0xa2: {  	[tilespmem:s20], [sflag:$0x7] =	stream.linear.gather [hbm4b:s13+s11], $0x1E80, $0x38;
	[tilespmem:$0x1F080] =	vst v63  }
0xa3: {  	_ =	swait.ge [sflag:s19], $0x1E80  }
0xa4: {  	[sflag:s19] =	ssyncset.done $0x0  }
0xa5: {  	s11 =	simm.s32 $0x0;
	[sflag:s19] =	ssyncadd.s32 $0xFFFFE180  }
0xa6: {  	v3 =	vld [tilespmem:s11+$0x0]  }
0xa7: {  	v4 =	vld [tilespmem:s11+$0x10]  }
0xa8: {  	v2 =	vld [tilespmem:s11+$0x20]  }
0xa9: {  	s12 =	simm.s32 $0x200;
	v1 =	vld [tilespmem:s11+$0x30]  }
.LBB2_6:
0xaa: {  	p1 =	sne.s32 s12, $0x7800;
	v5 =	vld [tilespmem:s11+$0x40]  }
0xab: {  	v3 =	vshll.u32 v3, $0x1  }
0xac: {  	v3 =	vor.u32 v0, v3;
	v4 =	vshll.u32 v4, $0x1  }
.Ltmp2:
0xad: {  	s13 =	sshra.s32 s12, $0x2;
	[tilespmem:s11+$0x0] =	vst v3;
	v4 =	vor.u32 v0, v4;
	v2 =	vshll.u32 v2, $0x1;
	(pc) =	sbr.rel @p1 .LBB2_6-.Ltmp2, $4  }
0xae: {  	v3 =	vld [tilespmem:s13+$0x0];
	[tilespmem:s11+$0x10] =	vst v4;
	v2 =	vor.u32 v0, v2;
	v1 =	vshll.u32 v1, $0x1  }
0xaf: {  	v4 =	vld [tilespmem:s13+$0x10];
	[tilespmem:s11+$0x20] =	vst v2;
	v1 =	vor.u32 v0, v1;
	v5 =	vshll.u32 v5, $0x1  }
0xb0: {  	v2 =	vld [tilespmem:s13+$0x20];
	[tilespmem:s11+$0x30] =	vst v1;
	v5 =	vor.u32 v0, v5  }
0xb1: {  	s12 =	sadd.s32 $0x200, s12;
	v1 =	vld [tilespmem:s13+$0x30];
	[tilespmem:s11+$0x40] =	vst v5;
	s11 =	smov.u32 s13  }
0xb2: {  	v5 =	vld [tilespmem:s11+$0x40]  }
0xb3: {  	v3 =	vshll.u32 v3, $0x1  }
0xb4: {  	v3 =	vor.u32 v0, v3;
	v4 =	vshll.u32 v4, $0x1  }
0xb5: {  	[tilespmem:s11+$0x0] =	vst v3;
	v3 =	vor.u32 v0, v4;
	v2 =	vshll.u32 v2, $0x1  }
0xb6: {  	[tilespmem:s11+$0x10] =	vst v3;
	v2 =	vor.u32 v0, v2;
	v1 =	vshll.u32 v1, $0x1  }
0xb7: {  	[tilespmem:s11+$0x20] =	vst v2;
	v1 =	vor.u32 v0, v1;
	v2 =	vshll.u32 v5, $0x1  }
0xb8: {  	[tilespmem:s11+$0x30] =	vst v1;
	v1 =	vor.u32 v0, v2  }
0xb9: {  	s12 =	simm.s32 $0x0;
	[tilespmem:s11+$0x40] =	vst v1  }
0xba: {  	[tilespmem:s22], [sflag:$0x1] =	stream.indirect.gather [hbm4b:s1+s21], $0x80, s12, s21, $0xb8;
	[tilespmem:$0x1F080] =	vst v63  }
0xbb: {  	_ = 	snop  }
0xbc: {  	[tilespmem:s24], [sflag:$0x2] =	stream.indirect.gather [hbm4b:s1+s21], $0x80, s23, s21, $0xb8;
	[tilespmem:$0x1F080] =	vst v63  }
0xbd: {  	_ =	swait.ge [sflag:s25], $0x2800  }
0xbe: {  	[sflag:s25] =	ssyncset.done $0x0  }
0xbf: {  	[sflag:s25] =	ssyncadd.s32 $0xFFFFD800  }
0xc0: {  	[spmem:s2] =	stream.indirect.scatter.add.f32 [tilespmem:s22], [sflag:$0x4], $0x80, s20, s21, $0xb8;
	[tilespmem:$0x1F080] =	vst v63  }
0xc1: {  	_ = 	snop  }
0xc2: {  	[tilespmem:s28], [sflag:$0x3] =	stream.indirect.gather [hbm4b:s1+s21], $0x80, s26, s21, $0xb8;
	[tilespmem:$0x1F080] =	vst v63  }
0xc3: {  	_ =	swait.ge [sflag:s29], $0x2800  }
0xc4: {  	[sflag:s29] =	ssyncset.done $0x0  }
0xc5: {  	s13 =	simm.s32 $0x2080;
	[sflag:s29] =	ssyncadd.s32 $0xFFFFD800  }
0xc6: {  	[spmem:s2] =	stream.indirect.scatter.add.f32 [tilespmem:s24], [sflag:$0x5], $0x80, s13, s21, $0xb8;
	[tilespmem:$0x1F080] =	vst v63  }
0xc7: {  	_ =	swait.ge [sflag:s30], $0x2800  }
0xc8: {  	[sflag:s30] =	ssyncset.done $0x0  }
0xc9: {  	s12 =	simm.s32 $0x180;
	[sflag:s30] =	ssyncadd.s32 $0xFFFFD800  }
0xca: {  	[tilespmem:s22], [sflag:$0x1] =	stream.indirect.gather [hbm4b:s1+s21], $0x80, s12, s21, $0xb8;
	[tilespmem:$0x1F080] =	vst v63  }
0xcb: {  	_ =	swait.ge [sflag:s31], $0x2800  }
0xcc: {  	[sflag:s31] =	ssyncset.done $0x0  }
0xcd: {  	s13 =	simm.s32 $0x2100;
	[sflag:s31] =	ssyncadd.s32 $0xFFFFD800  }
0xce: {  	[spmem:s2] =	stream.indirect.scatter.add.f32 [tilespmem:s28], [sflag:$0x6], $0x80, s13, s21, $0xb8;
	[tilespmem:$0x1F080] =	vst v63  }
0xcf: {  	_ =	swait.ge [sflag:s0], $0x2800  }
0xd0: {  	[sflag:s0] =	ssyncset.done $0x0  }
0xd1: {  	s12 =	simm.s32 $0x200;
	[sflag:s0] =	ssyncadd.s32 $0xFFFFD800  }
0xd2: {  	[tilespmem:s24], [sflag:$0x2] =	stream.indirect.gather [hbm4b:s1+s21], $0x80, s12, s21, $0xb8;
	[tilespmem:$0x1F080] =	vst v63  }
0xd3: {  	_ =	swait.ge [sflag:s25], $0x2800  }
0xd4: {  	[sflag:s25] =	ssyncset.done $0x0  }
0xd5: {  	s13 =	simm.s32 $0x2180;
	[sflag:s25] =	ssyncadd.s32 $0xFFFFD800  }
0xd6: {  	[spmem:s2] =	stream.indirect.scatter.add.f32 [tilespmem:s22], [sflag:$0x4], $0x80, s13, s21, $0xb8;
	[tilespmem:$0x1F080] =	vst v63  }
0xd7: {  	_ =	swait.ge [sflag:s3], $0x2800  }
0xd8: {  	[sflag:s3] =	ssyncset.done $0x0  }
0xd9: {  	s11 =	simm.s32 $0x600;
	s12 =	simm.s32 $0x280;
	[sflag:s3] =	ssyncadd.s32 $0xFFFFD800  }
.LBB2_8:
0xda: {  	[tilespmem:s28], [sflag:$0x3] =	stream.indirect.gather [hbm4b:s1+s21], $0x80, s12, s21, $0xb8;
	[tilespmem:$0x1F080] =	vst v63  }
0xdb: {  	s12 =	smov.u32 s11  }
0xdc: {  	p1 =	sne.s32 s11, $0x6C00;
	s11 =	sadd.s32 $0x600, s11;
	_ =	swait.ge [sflag:s29], $0x2800  }
0xdd: {  	s12 =	sshra.s32 s12, $0x2;
	[sflag:s29] =	ssyncset.done $0x0  }
0xde: {  	s13 =	sadd.s32 $0x2080, s12;
	[sflag:s29] =	ssyncadd.s32 $0xFFFFD800  }
0xdf: {  	[spmem:s2] =	stream.indirect.scatter.add.f32 [tilespmem:s24], [sflag:$0x5], $0x80, s13, s21, $0xb8;
	[tilespmem:$0x1F080] =	vst v63  }
0xe0: {  	_ =	swait.ge [sflag:s30], $0x2800  }
0xe1: {  	[sflag:s30] =	ssyncset.done $0x0  }
0xe2: {  	s13 =	sadd.s32 $0x180, s12;
	[sflag:s30] =	ssyncadd.s32 $0xFFFFD800  }
0xe3: {  	[tilespmem:s22], [sflag:$0x1] =	stream.indirect.gather [hbm4b:s1+s21], $0x80, s13, s21, $0xb8;
	[tilespmem:$0x1F080] =	vst v63  }
0xe4: {  	_ =	swait.ge [sflag:s31], $0x2800  }
0xe5: {  	[sflag:s31] =	ssyncset.done $0x0  }
0xe6: {  	s13 =	sadd.s32 $0x2100, s12;
	[sflag:s31] =	ssyncadd.s32 $0xFFFFD800  }
0xe7: {  	[spmem:s2] =	stream.indirect.scatter.add.f32 [tilespmem:s28], [sflag:$0x6], $0x80, s13, s21, $0xb8;
	[tilespmem:$0x1F080] =	vst v63  }
0xe8: {  	_ =	swait.ge [sflag:s0], $0x2800  }
0xe9: {  	[sflag:s0] =	ssyncset.done $0x0  }
0xea: {  	s13 =	sadd.s32 $0x200, s12;
	[sflag:s0] =	ssyncadd.s32 $0xFFFFD800  }
0xeb: {  	[tilespmem:s24], [sflag:$0x2] =	stream.indirect.gather [hbm4b:s1+s21], $0x80, s13, s21, $0xb8;
	[tilespmem:$0x1F080] =	vst v63  }
0xec: {  	_ =	swait.ge [sflag:s25], $0x2800  }
0xed: {  	[sflag:s25] =	ssyncset.done $0x0  }
.Ltmp3:
0xee: {  	s13 =	sadd.s32 $0x2180, s12;
	[sflag:s25] =	ssyncadd.s32 $0xFFFFD800;
	(pc) =	sbr.rel @p1 .LBB2_8-.Ltmp3, $4  }
0xef: {  	[spmem:s2] =	stream.indirect.scatter.add.f32 [tilespmem:s22], [sflag:$0x4], $0x80, s13, s21, $0xb8;
	[tilespmem:$0x1F080] =	vst v63  }
0xf0: {  	_ =	swait.ge [sflag:s3], $0x2800  }
0xf1: {  	[sflag:s3] =	ssyncset.done $0x0  }
0xf2: {  	s12 =	sadd.s32 $0x280, s12;
	[sflag:s3] =	ssyncadd.s32 $0xFFFFD800  }
0xf3: {  	[tilespmem:s28], [sflag:$0x3] =	stream.indirect.gather [hbm4b:s1+s21], $0x80, s12, s21, $0xb8;
	[tilespmem:$0x1F080] =	vst v63  }
0xf4: {  	_ =	swait.ge [sflag:s29], $0x2800  }
0xf5: {  	[sflag:s29] =	ssyncset.done $0x0  }
0xf6: {  	s11 =	simm.s32 $0x3D00;
	[sflag:s29] =	ssyncadd.s32 $0xFFFFD800  }
0xf7: {  	[spmem:s2] =	stream.indirect.scatter.add.f32 [tilespmem:s24], [sflag:$0x5], $0x80, s11, s21, $0xb8;
	[tilespmem:$0x1F080] =	vst v63  }
0xf8: {  	_ =	swait.ge [sflag:s30], $0x2800  }
0xf9: {  	[sflag:s30] =	ssyncset.done $0x0  }
0xfa: {  	s12 =	simm.s32 $0x1E00;
	[sflag:s30] =	ssyncadd.s32 $0xFFFFD800  }
0xfb: {  	[tilespmem:s22], [sflag:$0x1] =	stream.indirect.gather [hbm4b:s1+s21], $0x80, s12, s21, $0xb8;
	[tilespmem:$0x1F080] =	vst v63  }
0xfc: {  	_ =	swait.ge [sflag:s31], $0x2800  }
0xfd: {  	[sflag:s31] =	ssyncset.done $0x0  }
0xfe: {  	s13 =	simm.s32 $0x3D80;
	[sflag:s31] =	ssyncadd.s32 $0xFFFFD800  }
0xff: {  	[spmem:s2] =	stream.indirect.scatter.add.f32 [tilespmem:s28], [sflag:$0x6], $0x80, s13, s21, $0xb8;
	[tilespmem:$0x1F080] =	vst v63  }
0x100: {  	_ =	swait.ge [sflag:s25], $0x2800  }
0x101: {  	[sflag:s25] =	ssyncset.done $0x0  }
0x102: {  	s12 =	simm.s32 $0x3E00;
	[sflag:s25] =	ssyncadd.s32 $0xFFFFD800  }
0x103: {  	[spmem:s2] =	stream.indirect.scatter.add.f32 [tilespmem:s22], [sflag:$0x4], $0x80, s12, s21, $0xb8;
	[tilespmem:$0x1F080] =	vst v63  }
0x104: {  	_ =	swait.ge [sflag:s0], $0x2800  }
0x105: {  	[sflag:s0] =	ssyncset.done $0x0  }
0x106: {  	[sflag:s0] =	ssyncadd.s32 $0xFFFFD800  }
0x107: {  	_ =	swait.ge [sflag:s3], $0x2800  }
0x108: {  	[sflag:s3] =	ssyncset.done $0x0  }
0x109: {  	[sflag:s3] =	ssyncadd.s32 $0xFFFFD800  }
0x10a: {  	_ =	swait.ge [sflag:s30], $0x2800  }
0x10b: {  	[sflag:s30] =	ssyncset.done $0x0  }
0x10c: {  	[sflag:s30] =	ssyncadd.s32 $0xFFFFD800  }
0x10d: {  	[bflag:$0x0] =	sbarrier.arrive $0xFFFF  }
0x10e: {  	[hbm:s16], [sflag:s5] =	dma.local [spmem:s7], $0xD00  }
0x10f: {  	_ =	swait.ge [sflag:s19], $0xD00  }
0x110: {  	[sflag:s19] =	ssyncset.done $0x0  }
0x111: {  	[sflag:s19] =	ssyncadd.s32 $0xFFFFF300  }
0x112: {  	[hbm:s17], [sflag:s5] =	dma.local [spmem:s8], $0xD00  }
0x113: {  	_ =	swait.ge [sflag:s19], $0xD00  }
0x114: {  	[sflag:s19] =	ssyncset.done $0x0  }
0x115: {  	[sflag:s19] =	ssyncadd.s32 $0xFFFFF300  }
0x116: {  	[hbm:s18], [sflag:s5] =	dma.local [spmem:s9], $0xD00  }
0x117: {  	_ =	swait.ge [sflag:s19], $0xD00  }
0x118: {  	[sflag:s19] =	ssyncset.done $0x0  }
0x119: {  	s7 =	simm.s32 @!p0 $0x1C07;
	s8 =	rddreg [dreg:$0x9];
	[sflag:s19] =	ssyncadd.s32 $0xFFFFF300  }
0x11a: {  	[hbm:s8], [sflag:s7] =	dma.local @!p0 [spmem:s10], $0x100  }
0x11b: {  	s7 =	simm.s32 @!p0 $0x7  }
0x11c: {  	_ =	swait.ge @!p0 [sflag:s7], $0x100  }
0x11d: {  	s6 =	sadd.s32 $0x1, s6;
	s13 =	rddreg [dreg:$0xa]  }
0x11e: {  	p1 =	sne.s32 s6, s13  }
.Ltmp4:
0x11f: {  	_ = 	snop;
	(pc) =	sbr.rel @p1 .LBB2_1-.Ltmp4, $3  }
0x120: {  	_ =	sdelay $0x1  }
0x121: {  	[sflag:s7] =	ssyncset.done @!p0 $0x0  }
0x122: {  	[sflag:s7] =	ssyncadd.s32 @!p0 $0xFFFFFF00  }
0x123: {  	_ =	sfence.sel $0x180000  }
0x124: {  	[bflag:$0x0] =	sbarrier.arrive $0xFFFF  }
0x125: {  	_ =	strace $0x90000047  }
0x126: {  	[bflag:$0x2] =	sbarrier.arrive $0xFFFF  }
0x127: {  	s0 =	rddreg [dreg:$0x3]  }
0x128: {  	s0 =	sadd.s32 @!p0 $0x100000, s0  }
0x129: {  	[sflag:s0] =	ssyncadd.tile.s32 @!p0 $0x1;
	_ =	shalt  }
.Lfunc_end2:
_tile_overlayer_lowered:
.L_overlay_start_2:
0x12a: {  	(tag) =	ssettag $0x2  }
0x12b: {  	s0 =	rddreg [dreg:$0x0];
	s2 =	stileid.u32  }
0x12c: {  	s1 =	rddreg [dreg:$0x1];
	p0 =	sne.s32 s2, $0x0  }
0x12d: {  	s3 =	rddreg [dreg:$0x2];
	[bflag:$0x3] =	sbarrier.arrive $0xFFFF;
	s2 =	simm.s32 @!p0 $0x1C07  }
0x12e: {  	[timem:s3], [sflag:s2] =	dma.local @!p0 [hbm:s0], s1  }
0x12f: {  	s0 =	simm.s32 @!p0 $0x7  }
0x130: {  	_ =	swait.ge @!p0 [sflag:s0], s1  }
0x131: {  	s1 =	ssub.s32 @!p0 $0x0, s1;
	[sflag:s0] =	ssyncset.done @!p0 $0x0  }
0x132: {  	[sflag:s0] =	ssyncadd.s32 @!p0 s1  }
0x133: {  	[bflag:$0x3] =	sbarrier.arrive $0xFFFF  }
0x134: {  	_ =	shalt  }

</sc_bundles>
